<compile_context>
chip_gen: v7x
topology: tpu7x:2x2x1
jax: 0.10.2.dev20260603
libtpu: 0.0.44.dev20260713+nightly
codegen_flags: <defaults>
</compile_context>

<pallas_src>
import functools

import jax
import jax.numpy as jnp
from jax import lax
from jax.experimental import pallas as pl
from jax.experimental.pallas import tpu as pltpu
from jax.experimental.pallas import tpu_sc as plsc

N = 10000
E = 320000
D = 128
U = 1000
NC = 2
NS = 16
NW = NC * NS
EPW = E // NW
K = 100
NCH = EPW // K
NP = 10240
EPP = 10240
SREG = 10256
N2 = 1024

_mesh = plsc.VectorSubcoreMesh(core_axis_name="c", subcore_axis_name="s")


def _pos_body(d_ref, pos_ref, cnt_ref):
    w = pl.program_id(0)
    sidw = lax.rem(w, NS)
    m = (d_ref[0] < U).astype(jnp.float32)
    r1 = lax.broadcasted_iota(jnp.int32, (128, 128), 0)
    c1 = lax.broadcasted_iota(jnp.int32, (128, 128), 1)
    ut = (r1 <= c1).astype(jnp.float32)
    incl = jnp.dot(m, ut, preferred_element_type=jnp.float32)
    rowtot = incl[:, 127:128]
    r2 = lax.broadcasted_iota(jnp.int32, (80, 80), 0)
    c2 = lax.broadcasted_iota(jnp.int32, (80, 80), 1)
    lst = (c2 < r2).astype(jnp.float32)
    rowbase = jnp.dot(lst, rowtot, preferred_element_type=jnp.float32)
    excl = rowbase + incl - m
    sbase = (sidw * SREG).astype(jnp.float32)
    dump = sbase + float(EPP)
    posf = jnp.where(m > 0, excl + sbase, dump)
    pos_ref[0] = posf.astype(jnp.int32)
    total = jnp.sum(m)
    cnt_ref[...] = jnp.full((1, 8, 128), total).astype(jnp.int32)


@functools.partial(
    pl.kernel,
    out_type=(
        jax.ShapeDtypeStruct((NC, N), jnp.float32),
        jax.ShapeDtypeStruct((NC, NS * SREG), jnp.int32),
        jax.ShapeDtypeStruct((NC, NS * SREG), jnp.int32),
    ),
    mesh=_mesh,
    scratch_types=[
        pltpu.VMEM((NCH, K), jnp.int32),
        pltpu.VMEM((EPP // 128, 128), jnp.int32),
        pltpu.VMEM((EPP // 128, 128), jnp.int32),
        pltpu.VMEM((EPP // 128, 128), jnp.int32),
        pltpu.VMEM((8, 128), jnp.int32),
        pltpu.VMEM((1, 128), jnp.int32),
        pltpu.VMEM((128,), jnp.int32),
        pltpu.VMEM((128,), jnp.int32),
        pltpu.VMEM((112,), jnp.float32),
        pltpu.VMEM((2000,), jnp.float32),
        pltpu.VMEM_SHARED((N,), jnp.float32),
        pltpu.VMEM_SHARED((NS * SREG,), jnp.int32),
        pltpu.VMEM_SHARED((NS * SREG,), jnp.int32),
    ],
)
def _prep_kernel(dst1_hbm, srcv_hbm, dstv_hbm, pos_hbm, cnt_hbm,
                 deg_hbm, csrc_hbm, cdst_hbm,
                 idx_v, sv_v, dv_v, pos_v, cnt_v, iw_v, ssent_v, dsent_v,
                 ones_v, zb_v, acc_sh, cbs_sh, cbd_sh):
    cid = lax.axis_index("c")
    sid = lax.axis_index("s")
    pltpu.sync_copy(dst1_hbm.at[cid, sid], idx_v)
    pltpu.sync_copy(srcv_hbm.at[cid, sid], sv_v)
    pltpu.sync_copy(dstv_hbm.at[cid, sid], dv_v)
    pltpu.sync_copy(pos_hbm.at[cid, sid], pos_v)
    pltpu.sync_copy(cnt_hbm.at[cid, sid], cnt_v)

    for i in range(112 // 16):
        ones_v[pl.ds(i * 16, 16)] = jnp.ones((16,), jnp.float32)
    for i in range(128 // 16):
        ssent_v[pl.ds(i * 16, 16)] = jnp.full((16,), N, jnp.int32)
        dsent_v[pl.ds(i * 16, 16)] = jnp.full((16,), U, jnp.int32)

    @pl.when(sid == 0)
    def _():
        z = jnp.zeros((16,), jnp.float32)

        @pl.loop(0, 125)
        def _(r):
            zb_v[pl.ds(r * 16, 16)] = z

        for i in range(5):
            pltpu.sync_copy(zb_v, acc_sh.at[pl.ds(i * 2000, 2000)])

    @pl.loop(0, EPP // 128)
    def _(j):
        pltpu.sync_copy(sv_v.at[j], cbs_sh.at[pos_v.at[j]])
        pltpu.sync_copy(dv_v.at[j], cbd_sh.at[pos_v.at[j]])

    cnt = cnt_v[0, pl.ds(0, 16)][0]
    base = sid * SREG + cnt
    for kk in range(128 // 16):
        iw_v[0, pl.ds(kk * 16, 16)] = (
            lax.iota(jnp.int32, 16) + (base + kk * 16))
    pltpu.sync_copy(ssent_v, cbs_sh.at[iw_v.at[0]])
    pltpu.sync_copy(dsent_v, cbd_sh.at[iw_v.at[0]])

    plsc.subcore_barrier()

    @pl.when(sid == 1)
    def _():
        pltpu.sync_copy(cbs_sh, csrc_hbm.at[cid])

    @pl.when(sid == 2)
    def _():
        pltpu.sync_copy(cbd_sh, cdst_hbm.at[cid])

    @pl.loop(0, NCH)
    def _(j):
        pltpu.sync_copy(ones_v.at[pl.ds(0, K)], acc_sh.at[idx_v.at[j]],
                        add=True)

    plsc.subcore_barrier()

    @pl.when(sid == 0)
    def _():
        pltpu.sync_copy(acc_sh, deg_hbm.at[cid])


@functools.partial(
    pl.kernel,
    out_type=jax.ShapeDtypeStruct((NC, NP, D), jnp.float32),
    mesh=_mesh,
    scratch_types=[
        pltpu.VMEM((52, K), jnp.int32),
        pltpu.VMEM((52, K), jnp.int32),
        pltpu.VMEM((2, K, D), jnp.float32),
        pltpu.VMEM_SHARED((NP, D), jnp.float32),
        pltpu.SemaphoreType.DMA,
        pltpu.SemaphoreType.DMA,
    ],
)
def _edge_kernel(y_hbm, src_hbm, dst_hbm, out_hbm, sidx_v, didx_v, buf_v,
                 acc_sh, sem0, sem1):
    cid = lax.axis_index("c")
    sid = lax.axis_index("s")
    sems = (sem0, sem1)

    z = jnp.zeros((16,), jnp.float32)

    @pl.loop(0, 16)
    def _(r):
        for c in range(D // 16):
            buf_v[0, r, pl.ds(c * 16, 16)] = z

    @pl.loop(sid, NP // 16, step=NS)
    def _(i):
        pltpu.sync_copy(buf_v.at[0, pl.ds(0, 16)], acc_sh.at[pl.ds(i * 16, 16)])

    plsc.subcore_barrier()

    def issue(j, b):
        pltpu.async_copy(y_hbm.at[sidx_v.at[j]], buf_v.at[b], sems[b])

    def wait_data(b):
        pltpu.make_async_copy(y_hbm.at[sidx_v.at[0]], buf_v.at[b],
                              sems[b]).wait()

    for off, hc in ((0, 48), (48, 52)):
        pltpu.sync_copy(src_hbm.at[cid, sid, pl.ds(off, hc)],
                        sidx_v.at[pl.ds(0, hc)])
        pltpu.sync_copy(dst_hbm.at[cid, sid, pl.ds(off, hc)],
                        didx_v.at[pl.ds(0, hc)])
        issue(0, 0)
        issue(1, 1)

        @pl.loop(0, hc - 2, step=2)
        def _(j):
            for b in range(2):
                wait_data(b)
                pltpu.sync_copy(buf_v.at[b], acc_sh.at[didx_v.at[j + b]],
                                add=True)
                issue(j + b + 2, b)

        for b in range(2):
            wait_data(b)
            pltpu.sync_copy(buf_v.at[b], acc_sh.at[didx_v.at[hc - 2 + b]],
                            add=True)

    plsc.subcore_barrier()

    @pl.loop(sid, NP // 16, step=NS)
    def _(i):
        pltpu.sync_copy(acc_sh.at[pl.ds(i * 16, 16)],
                        out_hbm.at[cid, pl.ds(i * 16, 16)])


@functools.partial(
    pl.kernel,
    out_type=jax.ShapeDtypeStruct((NC, N2, D), jnp.float32),
    mesh=_mesh,
    scratch_types=[
        pltpu.VMEM((NCH, K), jnp.int32),
        pltpu.VMEM((NCH, K), jnp.int32),
        pltpu.VMEM((8, 128), jnp.int32),
        pltpu.VMEM((2, K, D), jnp.float32),
        pltpu.VMEM_SHARED((N2, D), jnp.float32),
        pltpu.SemaphoreType.DMA,
        pltpu.SemaphoreType.DMA,
    ],
)
def _edge2_kernel(y_hbm, src_hbm, dst_hbm, cnt_hbm, out_hbm, sidx_v, didx_v,
                  cnt_v, buf_v, acc_sh, sem0, sem1):
    cid = lax.axis_index("c")
    sid = lax.axis_index("s")
    sems = (sem0, sem1)
    pltpu.sync_copy(cnt_hbm.at[cid, sid], cnt_v)
    cnt = cnt_v[0, pl.ds(0, 16)][0]
    ncw = (cnt + (K - 1)) // K
    pltpu.sync_copy(src_hbm.at[cid, sid, pl.ds(0, 16)],
                    sidx_v.at[pl.ds(0, 16)])
    pltpu.sync_copy(dst_hbm.at[cid, sid, pl.ds(0, 16)],
                    didx_v.at[pl.ds(0, 16)])

    @pl.when(ncw > 16)
    def _():
        pltpu.sync_copy(src_hbm.at[cid, sid, pl.ds(16, NCH - 16)],
                        sidx_v.at[pl.ds(16, NCH - 16)])
        pltpu.sync_copy(dst_hbm.at[cid, sid, pl.ds(16, NCH - 16)],
                        didx_v.at[pl.ds(16, NCH - 16)])

    z = jnp.zeros((16,), jnp.float32)

    @pl.loop(0, 16)
    def _(r):
        for c in range(D // 16):
            buf_v[0, r, pl.ds(c * 16, 16)] = z

    @pl.loop(sid, N2 // 16, step=NS)
    def _(i):
        pltpu.sync_copy(buf_v.at[0, pl.ds(0, 16)], acc_sh.at[pl.ds(i * 16, 16)])

    plsc.subcore_barrier()

    def issue(j, b):
        pltpu.async_copy(y_hbm.at[sidx_v.at[j]], buf_v.at[b], sems[b])

    def wait_data(b):
        pltpu.make_async_copy(y_hbm.at[sidx_v.at[0]], buf_v.at[b],
                              sems[b]).wait()

    @pl.when(0 < ncw)
    def _():
        issue(0, 0)

    @pl.when(1 < ncw)
    def _():
        issue(1, 1)

    @pl.loop(0, (ncw + 1) // 2)
    def _(t):
        j0 = 2 * t
        for b in range(2):
            j = j0 + b

            @pl.when(j < ncw)
            def _():
                wait_data(b)
                pltpu.sync_copy(buf_v.at[b], acc_sh.at[didx_v.at[j]],
                                add=True)

                @pl.when(j + 2 < ncw)
                def _():
                    issue(j + 2, b)

    plsc.subcore_barrier()

    @pl.loop(sid, N2 // 16, step=NS)
    def _(i):
        pltpu.sync_copy(acc_sh.at[pl.ds(i * 16, 16)],
                        out_hbm.at[cid, pl.ds(i * 16, 16)])


def _mm_body(x_ref, w_ref, y_ref):
    y_ref[...] = jnp.dot(x_ref[...], w_ref[...],
                         preferred_element_type=jnp.float32)


def _scale_body(xw_ref, d0_ref, d1_ref, y_ref):
    dis = lax.rsqrt(d0_ref[...] + d1_ref[...] + 1.0)
    y_ref[...] = xw_ref[...] * dis


def _mid_body(p0_ref, p1_ref, y_ref, d0_ref, d1_ref, b_ref, w_ref, out_ref):
    dis = lax.rsqrt(d0_ref[...] + d1_ref[...] + 1.0)
    t = dis * (p0_ref[...] + p1_ref[...] + y_ref[...]) + b_ref[...]
    h = jnp.where(t > 0, t, jnp.exp(t) - 1.0)
    hw = jnp.dot(h, w_ref[...], preferred_element_type=jnp.float32)
    out_ref[...] = hw * dis


def _final_body(q0_ref, q1_ref, y_ref, d0_ref, d1_ref, b_ref, out_ref):
    dis = lax.rsqrt(d0_ref[...] + d1_ref[...] + 1.0)
    t = dis * (q0_ref[...] + q1_ref[...] + y_ref[...]) + b_ref[...]
    out_ref[...] = jnp.where(t > 0, t, jnp.exp(t) - 1.0)


def kernel(x, edge_index, W1, b1, W2, b2):
    ei = edge_index.astype(jnp.int32)
    src = ei[0]
    dst = ei[1]
    src1 = src.reshape(NC, NS, NCH, K)
    dst1 = dst.reshape(NC, NS, NCH, K)

    srcp = jnp.concatenate(
        [src.reshape(NW, EPW), jnp.full((NW, EPP - EPW), N, jnp.int32)],
        axis=1)
    dstp = jnp.concatenate(
        [dst.reshape(NW, EPW), jnp.full((NW, EPP - EPW), U, jnp.int32)],
        axis=1)
    src4 = srcp.reshape(NW, EPP // 128, 128)
    dst4 = dstp.reshape(NW, EPP // 128, 128)

    xp = jnp.concatenate([x, jnp.zeros((NP - N, D), x.dtype)], axis=0)
    R = 320
    grid = NP // R
    row_spec = pl.BlockSpec((R, D), lambda i: (i, 0))
    full_spec = pl.BlockSpec((D, D), lambda i: (0, 0))
    xw1 = pl.pallas_call(
        _mm_body,
        grid=(grid,),
        in_specs=[row_spec, full_spec],
        out_specs=row_spec,
        out_shape=jax.ShapeDtypeStruct((NP, D), jnp.float32),
    )(xp, W1)

    pos4, counts = pl.pallas_call(
        _pos_body,
        grid=(NW,),
        in_specs=[pl.BlockSpec((1, EPP // 128, 128), lambda i: (i, 0, 0))],
        out_specs=[pl.BlockSpec((1, EPP // 128, 128), lambda i: (i, 0, 0)),
                   pl.BlockSpec((1, 8, 128), lambda i: (i, 0, 0))],
        out_shape=[jax.ShapeDtypeStruct((NW, EPP // 128, 128), jnp.int32),
                   jax.ShapeDtypeStruct((NW, 8, 128), jnp.int32)],
    )(dst4)

    cnts = counts.reshape(NC, NS, 8, 128)
    deg_p, csrc, cdst = _prep_kernel(
        dst1, src4.reshape(NC, NS, EPP // 128, 128),
        dst4.reshape(NC, NS, EPP // 128, 128),
        pos4.reshape(NC, NS, EPP // 128, 128), cnts)

    degpad = jnp.zeros((NC, NP - N), jnp.float32)
    degp = jnp.concatenate([deg_p, degpad], axis=1)
    d0 = degp[0].reshape(NP, 1)
    d1 = degp[1].reshape(NP, 1)

    dcol_spec = pl.BlockSpec((R, 1), lambda i: (i, 0))
    bias_spec = pl.BlockSpec((1, D), lambda i: (0, 0))

    y1 = pl.pallas_call(
        _scale_body,
        grid=(grid,),
        in_specs=[row_spec, dcol_spec, dcol_spec],
        out_specs=row_spec,
        out_shape=jax.ShapeDtypeStruct((NP, D), jnp.float32),
    )(xw1, d0, d1)

    p = _edge_kernel(y1, src1, dst1)

    y2 = pl.pallas_call(
        _mid_body,
        grid=(grid,),
        in_specs=[row_spec, row_spec, row_spec, dcol_spec, dcol_spec,
                  bias_spec, full_spec],
        out_specs=row_spec,
        out_shape=jax.ShapeDtypeStruct((NP, D), jnp.float32),
    )(p[0], p[1], y1, d0, d1, b1.reshape(1, D), W2)

    csrc2 = csrc.reshape(NC, NS, SREG)[:, :, :EPW].reshape(NC, NS, NCH, K)
    cdst2 = cdst.reshape(NC, NS, SREG)[:, :, :EPW].reshape(NC, NS, NCH, K)
    q = _edge2_kernel(y2, csrc2, cdst2, cnts)

    RT = 128
    top_spec = pl.BlockSpec((RT, D), lambda i: (i, 0))
    top_dcol = pl.BlockSpec((RT, 1), lambda i: (i, 0))
    top_bias = pl.BlockSpec((1, D), lambda i: (0, 0))
    out_top = pl.pallas_call(
        _final_body,
        grid=(N2 // RT,),
        in_specs=[top_spec, top_spec, top_spec, top_dcol, top_dcol, top_bias],
        out_specs=top_spec,
        out_shape=jax.ShapeDtypeStruct((N2, D), jnp.float32),
    )(q[0], q[1], y2[:N2], d0[:N2], d1[:N2], b2.reshape(1, D))

    return jnp.concatenate([out_top[:U], x[U:]], axis=0)

# --- scband reference (transcript-rebuilt; emitter-appended) ---
"""Pipeline reference for scband-gcnlink-predictor-22703197127227 (READ-ONLY COPY).

The authoritative reference and input builder live on the scoring server;
editing this copy changes nothing except your own understanding.
"""

import jax, jax.numpy as jnp
import numpy as np

NUM_NODES = 10000
NUM_EDGES = 320000
D_IN = 128
D_OUT = 128
NUM_USERS = 1000


def gcn_conv(x, edge_index, W, b, num_nodes):
    # torch_geometric GCNConv with add_self_loops=True, normalize=True (eval mode)
    src = edge_index[0]
    dst = edge_index[1]
    loop = jnp.arange(num_nodes, dtype=edge_index.dtype)
    src = jnp.concatenate([src, loop], axis=0)
    dst = jnp.concatenate([dst, loop], axis=0)
    deg = jnp.zeros((num_nodes,), dtype=x.dtype).at[dst].add(1.0)
    deg_inv_sqrt = jnp.where(deg > 0, 1.0 / jnp.sqrt(deg), 0.0)
    norm = deg_inv_sqrt[src] * deg_inv_sqrt[dst]
    xw = x @ W
    msg = jnp.take(xw, src, axis=0) * norm[:, None]
    out = jnp.zeros((num_nodes, W.shape[1]), dtype=x.dtype).at[dst].add(msg)
    return out + b


def setup_inputs(seed: int = 0) -> dict:
    key = jax.random.key(seed)
    k1, k2, k3, k4 = jax.random.split(key, 4)
    x = jax.random.normal(k1, (NUM_NODES, D_IN), dtype=jnp.float32)
    edge_index = jax.random.randint(k2, (2, NUM_EDGES), 0, NUM_NODES, dtype=jnp.int64)
    # GCNConv params (glorot-style init approximated with scaled normal)
    W1 = jax.random.normal(k3, (D_IN, D_OUT), dtype=jnp.float32) * (1.0 / np.sqrt(D_IN))
    b1 = jnp.zeros((D_OUT,), dtype=jnp.float32)
    W2 = jax.random.normal(k4, (D_OUT, D_OUT), dtype=jnp.float32) * (1.0 / np.sqrt(D_OUT))
    b2 = jnp.zeros((D_OUT,), dtype=jnp.float32)
    return {"x": x, "edge_index": edge_index, "W1": W1, "b1": b1, "W2": W2, "b2": b2}


def reference(x, edge_index, W1, b1, W2, b2):
    # eval mode: dropout is identity
    user_embedding = x[:NUM_USERS]
    movie_features = jax.lax.stop_gradient(x[NUM_USERS:])
    h = jnp.concatenate([user_embedding, movie_features], axis=0)
    h = gcn_conv(h, edge_index, W1, b1, NUM_NODES)
    h = jax.nn.elu(h)
    h = gcn_conv(h, edge_index, W2, b2, NUM_NODES)
    h = jax.nn.elu(h)
    h = h.at[NUM_USERS:].set(movie_features)
    return h

if __name__ == "__main__":
    import jax
    _d = setup_inputs()
    print(jax.jit(kernel)(*tuple(_d.values())))

</pallas_src>

<mosaic_0001>
#map = affine_map<(d0, d1) -> (0, 0, 0, 0)>
#map1 = affine_map<(d0, d1) -> (0, 0)>
module attributes {stable_mosaic.version = 14 : i64} {
  func.func @_prep_kernel(%arg0: i32, %arg1: i32, %arg2: memref<2x16x100x100xi32, #tpu.memory_space<hbm>>, %arg3: memref<2x16x80x128xi32, #tpu.memory_space<hbm>>, %arg4: memref<2x16x80x128xi32, #tpu.memory_space<hbm>>, %arg5: memref<2x16x80x128xi32, #tpu.memory_space<hbm>>, %arg6: memref<2x16x8x128xi32, #tpu.memory_space<hbm>>, %arg7: memref<2x10000xf32, #tpu.memory_space<hbm>>, %arg8: memref<2x164096xi32, #tpu.memory_space<hbm>>, %arg9: memref<2x164096xi32, #tpu.memory_space<hbm>>, %arg10: memref<100x100xi32, #tpu.memory_space<vmem>>, %arg11: memref<80x128xi32, #tpu.memory_space<vmem>>, %arg12: memref<80x128xi32, #tpu.memory_space<vmem>>, %arg13: memref<80x128xi32, #tpu.memory_space<vmem>>, %arg14: memref<8x128xi32, #tpu.memory_space<vmem>>, %arg15: memref<1x128xi32, #tpu.memory_space<vmem>>, %arg16: memref<128xi32, #tpu.memory_space<vmem>>, %arg17: memref<128xi32, #tpu.memory_space<vmem>>, %arg18: memref<112xf32, #tpu.memory_space<vmem>>, %arg19: memref<2000xf32, #tpu.memory_space<vmem>>, %arg20: memref<10000xf32, #tpu.memory_space<vmem_shared>>, %arg21: memref<164096xi32, #tpu.memory_space<vmem_shared>>, %arg22: memref<164096xi32, #tpu.memory_space<vmem_shared>>) attributes {dimension_semantics = [#tpu.dimension_semantics<core_parallel>, #tpu.dimension_semantics<subcore_parallel>], iteration_bounds = array<i64: 2, 16>, scalar_prefetch = 0 : i64, scratch_operands = 13 : i64, tpu.core_type = #tpu.core_type<sc_vector_subcore>, window_params = [{transform_indices = #map}, {transform_indices = #map}, {transform_indices = #map}, {transform_indices = #map}, {transform_indices = #map}, {transform_indices = #map1}, {transform_indices = #map1}, {transform_indices = #map1}]} {
    "tpu.region"() ({
      %run_scoped3A_256 = tpu.sem_alloc : memref<!tpu.dma_semaphore, #tpu.memory_space<semaphore_mem>>
      %dma_start3A = arith.constant 0 : i32
      %dma_start3A_257 = arith.constant 0 : i32
      %dma_start3A_258 = tpu.memref_slice %arg2[%arg0, %arg1, %dma_start3A, %dma_start3A_257] : memref<2x16x100x100xi32, #tpu.memory_space<hbm>> -> memref<1x1x100x100xi32, #tpu.memory_space<hbm>>
      %dma_start3A_259 = tpu.memref_squeeze %dma_start3A_258 : memref<1x1x100x100xi32, #tpu.memory_space<hbm>> -> memref<100x100xi32, #tpu.memory_space<hbm>>
      %dma_start3A_260 = arith.constant 0 : i32
      %dma_start3A_261 = arith.constant 0 : i32
      %dma_start3A_262 = tpu.memref_slice %arg2[%arg0, %arg1, %dma_start3A_260, %dma_start3A_261] : memref<2x16x100x100xi32, #tpu.memory_space<hbm>> -> memref<1x1x100x100xi32, #tpu.memory_space<hbm>>
      %dma_start3A_263 = tpu.memref_squeeze %dma_start3A_262 : memref<1x1x100x100xi32, #tpu.memory_space<hbm>> -> memref<100x100xi32, #tpu.memory_space<hbm>>
      tpu.enqueue_dma source(%dma_start3A_263 : memref<100x100xi32, #tpu.memory_space<hbm>>) target(%arg10 : memref<100x100xi32, #tpu.memory_space<vmem>>) target_semaphore(%run_scoped3A_256 : memref<!tpu.dma_semaphore, #tpu.memory_space<semaphore_mem>>)
      %dma_wait3A = arith.constant 0 : i32
      %dma_wait3A_264 = arith.constant 0 : i32
      %dma_wait3A_265 = tpu.memref_slice %arg2[%arg0, %arg1, %dma_wait3A, %dma_wait3A_264] : memref<2x16x100x100xi32, #tpu.memory_space<hbm>> -> memref<1x1x100x100xi32, #tpu.memory_space<hbm>>
      %dma_wait3A_266 = tpu.memref_squeeze %dma_wait3A_265 : memref<1x1x100x100xi32, #tpu.memory_space<hbm>> -> memref<100x100xi32, #tpu.memory_space<hbm>>
      %dma_wait3A_267 = arith.constant 0 : i32
      %dma_wait3A_268 = arith.constant 0 : i32
      %dma_wait3A_269 = tpu.memref_slice %arg2[%arg0, %arg1, %dma_wait3A_267, %dma_wait3A_268] : memref<2x16x100x100xi32, #tpu.memory_space<hbm>> -> memref<1x1x100x100xi32, #tpu.memory_space<hbm>>
      %dma_wait3A_270 = tpu.memref_squeeze %dma_wait3A_269 : memref<1x1x100x100xi32, #tpu.memory_space<hbm>> -> memref<100x100xi32, #tpu.memory_space<hbm>>
      tpu.wait_dma2 semaphore(%run_scoped3A_256 : memref<!tpu.dma_semaphore, #tpu.memory_space<semaphore_mem>>) src(%dma_wait3A_270 : memref<100x100xi32, #tpu.memory_space<hbm>>) dst(%arg10 : memref<100x100xi32, #tpu.memory_space<vmem>>)
      tpu.yield
    }) : () -> ()
    "tpu.region"() ({
      %run_scoped3A_256 = tpu.sem_alloc : memref<!tpu.dma_semaphore, #tpu.memory_space<semaphore_mem>>
      %dma_start3A = arith.constant 0 : i32
      %dma_start3A_257 = arith.constant 0 : i32
      %dma_start3A_258 = tpu.memref_slice %arg3[%arg0, %arg1, %dma_start3A, %dma_start3A_257] : memref<2x16x80x128xi32, #tpu.memory_space<hbm>> -> memref<1x1x80x128xi32, #tpu.memory_space<hbm>>
      %dma_start3A_259 = tpu.memref_squeeze %dma_start3A_258 : memref<1x1x80x128xi32, #tpu.memory_space<hbm>> -> memref<80x128xi32, #tpu.memory_space<hbm>>
      %dma_start3A_260 = arith.constant 0 : i32
      %dma_start3A_261 = arith.constant 0 : i32
      %dma_start3A_262 = tpu.memref_slice %arg3[%arg0, %arg1, %dma_start3A_260, %dma_start3A_261] : memref<2x16x80x128xi32, #tpu.memory_space<hbm>> -> memref<1x1x80x128xi32, #tpu.memory_space<hbm>>
      %dma_start3A_263 = tpu.memref_squeeze %dma_start3A_262 : memref<1x1x80x128xi32, #tpu.memory_space<hbm>> -> memref<80x128xi32, #tpu.memory_space<hbm>>
      tpu.enqueue_dma source(%dma_start3A_263 : memref<80x128xi32, #tpu.memory_space<hbm>>) target(%arg11 : memref<80x128xi32, #tpu.memory_space<vmem>>) target_semaphore(%run_scoped3A_256 : memref<!tpu.dma_semaphore, #tpu.memory_space<semaphore_mem>>)
      %dma_wait3A = arith.constant 0 : i32
      %dma_wait3A_264 = arith.constant 0 : i32
      %dma_wait3A_265 = tpu.memref_slice %arg3[%arg0, %arg1, %dma_wait3A, %dma_wait3A_264] : memref<2x16x80x128xi32, #tpu.memory_space<hbm>> -> memref<1x1x80x128xi32, #tpu.memory_space<hbm>>
      %dma_wait3A_266 = tpu.memref_squeeze %dma_wait3A_265 : memref<1x1x80x128xi32, #tpu.memory_space<hbm>> -> memref<80x128xi32, #tpu.memory_space<hbm>>
      %dma_wait3A_267 = arith.constant 0 : i32
      %dma_wait3A_268 = arith.constant 0 : i32
      %dma_wait3A_269 = tpu.memref_slice %arg3[%arg0, %arg1, %dma_wait3A_267, %dma_wait3A_268] : memref<2x16x80x128xi32, #tpu.memory_space<hbm>> -> memref<1x1x80x128xi32, #tpu.memory_space<hbm>>
      %dma_wait3A_270 = tpu.memref_squeeze %dma_wait3A_269 : memref<1x1x80x128xi32, #tpu.memory_space<hbm>> -> memref<80x128xi32, #tpu.memory_space<hbm>>
      tpu.wait_dma2 semaphore(%run_scoped3A_256 : memref<!tpu.dma_semaphore, #tpu.memory_space<semaphore_mem>>) src(%dma_wait3A_270 : memref<80x128xi32, #tpu.memory_space<hbm>>) dst(%arg11 : memref<80x128xi32, #tpu.memory_space<vmem>>)
      tpu.yield
    }) : () -> ()
    "tpu.region"() ({
      %run_scoped3A_256 = tpu.sem_alloc : memref<!tpu.dma_semaphore, #tpu.memory_space<semaphore_mem>>
      %dma_start3A = arith.constant 0 : i32
      %dma_start3A_257 = arith.constant 0 : i32
      %dma_start3A_258 = tpu.memref_slice %arg4[%arg0, %arg1, %dma_start3A, %dma_start3A_257] : memref<2x16x80x128xi32, #tpu.memory_space<hbm>> -> memref<1x1x80x128xi32, #tpu.memory_space<hbm>>
      %dma_start3A_259 = tpu.memref_squeeze %dma_start3A_258 : memref<1x1x80x128xi32, #tpu.memory_space<hbm>> -> memref<80x128xi32, #tpu.memory_space<hbm>>
      %dma_start3A_260 = arith.constant 0 : i32
      %dma_start3A_261 = arith.constant 0 : i32
      %dma_start3A_262 = tpu.memref_slice %arg4[%arg0, %arg1, %dma_start3A_260, %dma_start3A_261] : memref<2x16x80x128xi32, #tpu.memory_space<hbm>> -> memref<1x1x80x128xi32, #tpu.memory_space<hbm>>
      %dma_start3A_263 = tpu.memref_squeeze %dma_start3A_262 : memref<1x1x80x128xi32, #tpu.memory_space<hbm>> -> memref<80x128xi32, #tpu.memory_space<hbm>>
      tpu.enqueue_dma source(%dma_start3A_263 : memref<80x128xi32, #tpu.memory_space<hbm>>) target(%arg12 : memref<80x128xi32, #tpu.memory_space<vmem>>) target_semaphore(%run_scoped3A_256 : memref<!tpu.dma_semaphore, #tpu.memory_space<semaphore_mem>>)
      %dma_wait3A = arith.constant 0 : i32
      %dma_wait3A_264 = arith.constant 0 : i32
      %dma_wait3A_265 = tpu.memref_slice %arg4[%arg0, %arg1, %dma_wait3A, %dma_wait3A_264] : memref<2x16x80x128xi32, #tpu.memory_space<hbm>> -> memref<1x1x80x128xi32, #tpu.memory_space<hbm>>
      %dma_wait3A_266 = tpu.memref_squeeze %dma_wait3A_265 : memref<1x1x80x128xi32, #tpu.memory_space<hbm>> -> memref<80x128xi32, #tpu.memory_space<hbm>>
      %dma_wait3A_267 = arith.constant 0 : i32
      %dma_wait3A_268 = arith.constant 0 : i32
      %dma_wait3A_269 = tpu.memref_slice %arg4[%arg0, %arg1, %dma_wait3A_267, %dma_wait3A_268] : memref<2x16x80x128xi32, #tpu.memory_space<hbm>> -> memref<1x1x80x128xi32, #tpu.memory_space<hbm>>
      %dma_wait3A_270 = tpu.memref_squeeze %dma_wait3A_269 : memref<1x1x80x128xi32, #tpu.memory_space<hbm>> -> memref<80x128xi32, #tpu.memory_space<hbm>>
      tpu.wait_dma2 semaphore(%run_scoped3A_256 : memref<!tpu.dma_semaphore, #tpu.memory_space<semaphore_mem>>) src(%dma_wait3A_270 : memref<80x128xi32, #tpu.memory_space<hbm>>) dst(%arg12 : memref<80x128xi32, #tpu.memory_space<vmem>>)
      tpu.yield
    }) : () -> ()
    "tpu.region"() ({
      %run_scoped3A_256 = tpu.sem_alloc : memref<!tpu.dma_semaphore, #tpu.memory_space<semaphore_mem>>
      %dma_start3A = arith.constant 0 : i32
      %dma_start3A_257 = arith.constant 0 : i32
      %dma_start3A_258 = tpu.memref_slice %arg5[%arg0, %arg1, %dma_start3A, %dma_start3A_257] : memref<2x16x80x128xi32, #tpu.memory_space<hbm>> -> memref<1x1x80x128xi32, #tpu.memory_space<hbm>>
      %dma_start3A_259 = tpu.memref_squeeze %dma_start3A_258 : memref<1x1x80x128xi32, #tpu.memory_space<hbm>> -> memref<80x128xi32, #tpu.memory_space<hbm>>
      %dma_start3A_260 = arith.constant 0 : i32
      %dma_start3A_261 = arith.constant 0 : i32
      %dma_start3A_262 = tpu.memref_slice %arg5[%arg0, %arg1, %dma_start3A_260, %dma_start3A_261] : memref<2x16x80x128xi32, #tpu.memory_space<hbm>> -> memref<1x1x80x128xi32, #tpu.memory_space<hbm>>
      %dma_start3A_263 = tpu.memref_squeeze %dma_start3A_262 : memref<1x1x80x128xi32, #tpu.memory_space<hbm>> -> memref<80x128xi32, #tpu.memory_space<hbm>>
      tpu.enqueue_dma source(%dma_start3A_263 : memref<80x128xi32, #tpu.memory_space<hbm>>) target(%arg13 : memref<80x128xi32, #tpu.memory_space<vmem>>) target_semaphore(%run_scoped3A_256 : memref<!tpu.dma_semaphore, #tpu.memory_space<semaphore_mem>>)
      %dma_wait3A = arith.constant 0 : i32
      %dma_wait3A_264 = arith.constant 0 : i32
      %dma_wait3A_265 = tpu.memref_slice %arg5[%arg0, %arg1, %dma_wait3A, %dma_wait3A_264] : memref<2x16x80x128xi32, #tpu.memory_space<hbm>> -> memref<1x1x80x128xi32, #tpu.memory_space<hbm>>
      %dma_wait3A_266 = tpu.memref_squeeze %dma_wait3A_265 : memref<1x1x80x128xi32, #tpu.memory_space<hbm>> -> memref<80x128xi32, #tpu.memory_space<hbm>>
      %dma_wait3A_267 = arith.constant 0 : i32
      %dma_wait3A_268 = arith.constant 0 : i32
      %dma_wait3A_269 = tpu.memref_slice %arg5[%arg0, %arg1, %dma_wait3A_267, %dma_wait3A_268] : memref<2x16x80x128xi32, #tpu.memory_space<hbm>> -> memref<1x1x80x128xi32, #tpu.memory_space<hbm>>
      %dma_wait3A_270 = tpu.memref_squeeze %dma_wait3A_269 : memref<1x1x80x128xi32, #tpu.memory_space<hbm>> -> memref<80x128xi32, #tpu.memory_space<hbm>>
      tpu.wait_dma2 semaphore(%run_scoped3A_256 : memref<!tpu.dma_semaphore, #tpu.memory_space<semaphore_mem>>) src(%dma_wait3A_270 : memref<80x128xi32, #tpu.memory_space<hbm>>) dst(%arg13 : memref<80x128xi32, #tpu.memory_space<vmem>>)
      tpu.yield
    }) : () -> ()
    "tpu.region"() ({
      %run_scoped3A_256 = tpu.sem_alloc : memref<!tpu.dma_semaphore, #tpu.memory_space<semaphore_mem>>
      %dma_start3A = arith.constant 0 : i32
      %dma_start3A_257 = arith.constant 0 : i32
      %dma_start3A_258 = tpu.memref_slice %arg6[%arg0, %arg1, %dma_start3A, %dma_start3A_257] : memref<2x16x8x128xi32, #tpu.memory_space<hbm>> -> memref<1x1x8x128xi32, #tpu.memory_space<hbm>>
      %dma_start3A_259 = tpu.memref_squeeze %dma_start3A_258 : memref<1x1x8x128xi32, #tpu.memory_space<hbm>> -> memref<8x128xi32, #tpu.memory_space<hbm>>
      %dma_start3A_260 = arith.constant 0 : i32
      %dma_start3A_261 = arith.constant 0 : i32
      %dma_start3A_262 = tpu.memref_slice %arg6[%arg0, %arg1, %dma_start3A_260, %dma_start3A_261] : memref<2x16x8x128xi32, #tpu.memory_space<hbm>> -> memref<1x1x8x128xi32, #tpu.memory_space<hbm>>
      %dma_start3A_263 = tpu.memref_squeeze %dma_start3A_262 : memref<1x1x8x128xi32, #tpu.memory_space<hbm>> -> memref<8x128xi32, #tpu.memory_space<hbm>>
      tpu.enqueue_dma source(%dma_start3A_263 : memref<8x128xi32, #tpu.memory_space<hbm>>) target(%arg14 : memref<8x128xi32, #tpu.memory_space<vmem>>) target_semaphore(%run_scoped3A_256 : memref<!tpu.dma_semaphore, #tpu.memory_space<semaphore_mem>>)
      %dma_wait3A = arith.constant 0 : i32
      %dma_wait3A_264 = arith.constant 0 : i32
      %dma_wait3A_265 = tpu.memref_slice %arg6[%arg0, %arg1, %dma_wait3A, %dma_wait3A_264] : memref<2x16x8x128xi32, #tpu.memory_space<hbm>> -> memref<1x1x8x128xi32, #tpu.memory_space<hbm>>
      %dma_wait3A_266 = tpu.memref_squeeze %dma_wait3A_265 : memref<1x1x8x128xi32, #tpu.memory_space<hbm>> -> memref<8x128xi32, #tpu.memory_space<hbm>>
      %dma_wait3A_267 = arith.constant 0 : i32
      %dma_wait3A_268 = arith.constant 0 : i32
      %dma_wait3A_269 = tpu.memref_slice %arg6[%arg0, %arg1, %dma_wait3A_267, %dma_wait3A_268] : memref<2x16x8x128xi32, #tpu.memory_space<hbm>> -> memref<1x1x8x128xi32, #tpu.memory_space<hbm>>
      %dma_wait3A_270 = tpu.memref_squeeze %dma_wait3A_269 : memref<1x1x8x128xi32, #tpu.memory_space<hbm>> -> memref<8x128xi32, #tpu.memory_space<hbm>>
      tpu.wait_dma2 semaphore(%run_scoped3A_256 : memref<!tpu.dma_semaphore, #tpu.memory_space<semaphore_mem>>) src(%dma_wait3A_270 : memref<8x128xi32, #tpu.memory_space<hbm>>) dst(%arg14 : memref<8x128xi32, #tpu.memory_space<vmem>>)
      tpu.yield
    }) : () -> ()
    %broadcast_in_dim3A = arith.constant 1.000000e+00 : f32
    %broadcast_in_dim3A_0 = vector.broadcast %broadcast_in_dim3A : f32 to vector<16xf32>
    %swap3A = arith.constant 0 : index
    %swap3A_1 = tpu.vector_load %arg18[%swap3A] {strides = array<i32>} : memref<112xf32, #tpu.memory_space<vmem>>, vector<16xf32>,
    %swap3A_2 = vector.shape_cast %swap3A_1 : vector<16xf32> to vector<16xf32>
    %swap3A_3 = vector.shape_cast %broadcast_in_dim3A_0 : vector<16xf32> to vector<16xf32>
    tpu.vector_store %arg18[%swap3A], %swap3A_3 {strides = array<i32>} : memref<112xf32, #tpu.memory_space<vmem>>, vector<16xf32>,
    %broadcast_in_dim3A_4 = arith.constant 1.000000e+00 : f32
    %broadcast_in_dim3A_5 = vector.broadcast %broadcast_in_dim3A_4 : f32 to vector<16xf32>
    %swap3A_6 = arith.constant 16 : index
    %swap3A_7 = tpu.vector_load %arg18[%swap3A_6] {strides = array<i32>} : memref<112xf32, #tpu.memory_space<vmem>>, vector<16xf32>,
    %swap3A_8 = vector.shape_cast %swap3A_7 : vector<16xf32> to vector<16xf32>
    %swap3A_9 = vector.shape_cast %broadcast_in_dim3A_5 : vector<16xf32> to vector<16xf32>
    tpu.vector_store %arg18[%swap3A_6], %swap3A_9 {strides = array<i32>} : memref<112xf32, #tpu.memory_space<vmem>>, vector<16xf32>,
    %broadcast_in_dim3A_10 = arith.constant 1.000000e+00 : f32
    %broadcast_in_dim3A_11 = vector.broadcast %broadcast_in_dim3A_10 : f32 to vector<16xf32>
    %swap3A_12 = arith.constant 32 : index
    %swap3A_13 = tpu.vector_load %arg18[%swap3A_12] {strides = array<i32>} : memref<112xf32, #tpu.memory_space<vmem>>, vector<16xf32>,
    %swap3A_14 = vector.shape_cast %swap3A_13 : vector<16xf32> to vector<16xf32>
    %swap3A_15 = vector.shape_cast %broadcast_in_dim3A_11 : vector<16xf32> to vector<16xf32>
    tpu.vector_store %arg18[%swap3A_12], %swap3A_15 {strides = array<i32>} : memref<112xf32, #tpu.memory_space<vmem>>, vector<16xf32>,
    %broadcast_in_dim3A_16 = arith.constant 1.000000e+00 : f32
    %broadcast_in_dim3A_17 = vector.broadcast %broadcast_in_dim3A_16 : f32 to vector<16xf32>
    %swap3A_18 = arith.constant 48 : index
    %swap3A_19 = tpu.vector_load %arg18[%swap3A_18] {strides = array<i32>} : memref<112xf32, #tpu.memory_space<vmem>>, vector<16xf32>,
    %swap3A_20 = vector.shape_cast %swap3A_19 : vector<16xf32> to vector<16xf32>
    %swap3A_21 = vector.shape_cast %broadcast_in_dim3A_17 : vector<16xf32> to vector<16xf32>
    tpu.vector_store %arg18[%swap3A_18], %swap3A_21 {strides = array<i32>} : memref<112xf32, #tpu.memory_space<vmem>>, vector<16xf32>,
    %broadcast_in_dim3A_22 = arith.constant 1.000000e+00 : f32
    %broadcast_in_dim3A_23 = vector.broadcast %broadcast_in_dim3A_22 : f32 to vector<16xf32>
    %swap3A_24 = arith.constant 64 : index
    %swap3A_25 = tpu.vector_load %arg18[%swap3A_24] {strides = array<i32>} : memref<112xf32, #tpu.memory_space<vmem>>, vector<16xf32>,
    %swap3A_26 = vector.shape_cast %swap3A_25 : vector<16xf32> to vector<16xf32>
    %swap3A_27 = vector.shape_cast %broadcast_in_dim3A_23 : vector<16xf32> to vector<16xf32>
    tpu.vector_store %arg18[%swap3A_24], %swap3A_27 {strides = array<i32>} : memref<112xf32, #tpu.memory_space<vmem>>, vector<16xf32>,
    %broadcast_in_dim3A_28 = arith.constant 1.000000e+00 : f32
    %broadcast_in_dim3A_29 = vector.broadcast %broadcast_in_dim3A_28 : f32 to vector<16xf32>
    %swap3A_30 = arith.constant 80 : index
    %swap3A_31 = tpu.vector_load %arg18[%swap3A_30] {strides = array<i32>} : memref<112xf32, #tpu.memory_space<vmem>>, vector<16xf32>,
    %swap3A_32 = vector.shape_cast %swap3A_31 : vector<16xf32> to vector<16xf32>
    %swap3A_33 = vector.shape_cast %broadcast_in_dim3A_29 : vector<16xf32> to vector<16xf32>
    tpu.vector_store %arg18[%swap3A_30], %swap3A_33 {strides = array<i32>} : memref<112xf32, #tpu.memory_space<vmem>>, vector<16xf32>,
    %broadcast_in_dim3A_34 = arith.constant 1.000000e+00 : f32
    %broadcast_in_dim3A_35 = vector.broadcast %broadcast_in_dim3A_34 : f32 to vector<16xf32>
    %swap3A_36 = arith.constant 96 : index
    %swap3A_37 = tpu.vector_load %arg18[%swap3A_36] {strides = array<i32>} : memref<112xf32, #tpu.memory_space<vmem>>, vector<16xf32>,
    %swap3A_38 = vector.shape_cast %swap3A_37 : vector<16xf32> to vector<16xf32>
    %swap3A_39 = vector.shape_cast %broadcast_in_dim3A_35 : vector<16xf32> to vector<16xf32>
    tpu.vector_store %arg18[%swap3A_36], %swap3A_39 {strides = array<i32>} : memref<112xf32, #tpu.memory_space<vmem>>, vector<16xf32>,
    %broadcast_in_dim3A_40 = arith.constant 10000 : i32
    %broadcast_in_dim3A_41 = vector.broadcast %broadcast_in_dim3A_40 : i32 to vector<16xi32>
    %swap3A_42 = arith.constant 0 : index
    %swap3A_43 = tpu.vector_load %arg16[%swap3A_42] {strides = array<i32>} : memref<128xi32, #tpu.memory_space<vmem>>, vector<16xi32>,
    %swap3A_44 = vector.shape_cast %swap3A_43 : vector<16xi32> to vector<16xi32>
    %swap3A_45 = vector.shape_cast %broadcast_in_dim3A_41 : vector<16xi32> to vector<16xi32>
    tpu.vector_store %arg16[%swap3A_42], %swap3A_45 {strides = array<i32>} : memref<128xi32, #tpu.memory_space<vmem>>, vector<16xi32>,
    %broadcast_in_dim3A_46 = arith.constant 1000 : i32
    %broadcast_in_dim3A_47 = vector.broadcast %broadcast_in_dim3A_46 : i32 to vector<16xi32>
    %swap3A_48 = arith.constant 0 : index
    %swap3A_49 = tpu.vector_load %arg17[%swap3A_48] {strides = array<i32>} : memref<128xi32, #tpu.memory_space<vmem>>, vector<16xi32>,
    %swap3A_50 = vector.shape_cast %swap3A_49 : vector<16xi32> to vector<16xi32>
    %swap3A_51 = vector.shape_cast %broadcast_in_dim3A_47 : vector<16xi32> to vector<16xi32>
    tpu.vector_store %arg17[%swap3A_48], %swap3A_51 {strides = array<i32>} : memref<128xi32, #tpu.memory_space<vmem>>, vector<16xi32>,
    %broadcast_in_dim3A_52 = arith.constant 10000 : i32
    %broadcast_in_dim3A_53 = vector.broadcast %broadcast_in_dim3A_52 : i32 to vector<16xi32>
    %swap3A_54 = arith.constant 16 : index
    %swap3A_55 = tpu.vector_load %arg16[%swap3A_54] {strides = array<i32>} : memref<128xi32, #tpu.memory_space<vmem>>, vector<16xi32>,
    %swap3A_56 = vector.shape_cast %swap3A_55 : vector<16xi32> to vector<16xi32>
    %swap3A_57 = vector.shape_cast %broadcast_in_dim3A_53 : vector<16xi32> to vector<16xi32>
    tpu.vector_store %arg16[%swap3A_54], %swap3A_57 {strides = array<i32>} : memref<128xi32, #tpu.memory_space<vmem>>, vector<16xi32>,
    %broadcast_in_dim3A_58 = arith.constant 1000 : i32
    %broadcast_in_dim3A_59 = vector.broadcast %broadcast_in_dim3A_58 : i32 to vector<16xi32>
    %swap3A_60 = arith.constant 16 : index
    %swap3A_61 = tpu.vector_load %arg17[%swap3A_60] {strides = array<i32>} : memref<128xi32, #tpu.memory_space<vmem>>, vector<16xi32>,
    %swap3A_62 = vector.shape_cast %swap3A_61 : vector<16xi32> to vector<16xi32>
    %swap3A_63 = vector.shape_cast %broadcast_in_dim3A_59 : vector<16xi32> to vector<16xi32>
    tpu.vector_store %arg17[%swap3A_60], %swap3A_63 {strides = array<i32>} : memref<128xi32, #tpu.memory_space<vmem>>, vector<16xi32>,
    %broadcast_in_dim3A_64 = arith.constant 10000 : i32
    %broadcast_in_dim3A_65 = vector.broadcast %broadcast_in_dim3A_64 : i32 to vector<16xi32>
    %swap3A_66 = arith.constant 32 : index
    %swap3A_67 = tpu.vector_load %arg16[%swap3A_66] {strides = array<i32>} : memref<128xi32, #tpu.memory_space<vmem>>, vector<16xi32>,
    %swap3A_68 = vector.shape_cast %swap3A_67 : vector<16xi32> to vector<16xi32>
    %swap3A_69 = vector.shape_cast %broadcast_in_dim3A_65 : vector<16xi32> to vector<16xi32>
    tpu.vector_store %arg16[%swap3A_66], %swap3A_69 {strides = array<i32>} : memref<128xi32, #tpu.memory_space<vmem>>, vector<16xi32>,
    %broadcast_in_dim3A_70 = arith.constant 1000 : i32
    %broadcast_in_dim3A_71 = vector.broadcast %broadcast_in_dim3A_70 : i32 to vector<16xi32>
    %swap3A_72 = arith.constant 32 : index
    %swap3A_73 = tpu.vector_load %arg17[%swap3A_72] {strides = array<i32>} : memref<128xi32, #tpu.memory_space<vmem>>, vector<16xi32>,
    %swap3A_74 = vector.shape_cast %swap3A_73 : vector<16xi32> to vector<16xi32>
    %swap3A_75 = vector.shape_cast %broadcast_in_dim3A_71 : vector<16xi32> to vector<16xi32>
    tpu.vector_store %arg17[%swap3A_72], %swap3A_75 {strides = array<i32>} : memref<128xi32, #tpu.memory_space<vmem>>, vector<16xi32>,
    %broadcast_in_dim3A_76 = arith.constant 10000 : i32
    %broadcast_in_dim3A_77 = vector.broadcast %broadcast_in_dim3A_76 : i32 to vector<16xi32>
    %swap3A_78 = arith.constant 48 : index
    %swap3A_79 = tpu.vector_load %arg16[%swap3A_78] {strides = array<i32>} : memref<128xi32, #tpu.memory_space<vmem>>, vector<16xi32>,
    %swap3A_80 = vector.shape_cast %swap3A_79 : vector<16xi32> to vector<16xi32>
    %swap3A_81 = vector.shape_cast %broadcast_in_dim3A_77 : vector<16xi32> to vector<16xi32>
    tpu.vector_store %arg16[%swap3A_78], %swap3A_81 {strides = array<i32>} : memref<128xi32, #tpu.memory_space<vmem>>, vector<16xi32>,
    %broadcast_in_dim3A_82 = arith.constant 1000 : i32
    %broadcast_in_dim3A_83 = vector.broadcast %broadcast_in_dim3A_82 : i32 to vector<16xi32>
    %swap3A_84 = arith.constant 48 : index
    %swap3A_85 = tpu.vector_load %arg17[%swap3A_84] {strides = array<i32>} : memref<128xi32, #tpu.memory_space<vmem>>, vector<16xi32>,
    %swap3A_86 = vector.shape_cast %swap3A_85 : vector<16xi32> to vector<16xi32>
    %swap3A_87 = vector.shape_cast %broadcast_in_dim3A_83 : vector<16xi32> to vector<16xi32>
    tpu.vector_store %arg17[%swap3A_84], %swap3A_87 {strides = array<i32>} : memref<128xi32, #tpu.memory_space<vmem>>, vector<16xi32>,
    %broadcast_in_dim3A_88 = arith.constant 10000 : i32
    %broadcast_in_dim3A_89 = vector.broadcast %broadcast_in_dim3A_88 : i32 to vector<16xi32>
    %swap3A_90 = arith.constant 64 : index
    %swap3A_91 = tpu.vector_load %arg16[%swap3A_90] {strides = array<i32>} : memref<128xi32, #tpu.memory_space<vmem>>, vector<16xi32>,
    %swap3A_92 = vector.shape_cast %swap3A_91 : vector<16xi32> to vector<16xi32>
    %swap3A_93 = vector.shape_cast %broadcast_in_dim3A_89 : vector<16xi32> to vector<16xi32>
    tpu.vector_store %arg16[%swap3A_90], %swap3A_93 {strides = array<i32>} : memref<128xi32, #tpu.memory_space<vmem>>, vector<16xi32>,
    %broadcast_in_dim3A_94 = arith.constant 1000 : i32
    %broadcast_in_dim3A_95 = vector.broadcast %broadcast_in_dim3A_94 : i32 to vector<16xi32>
    %swap3A_96 = arith.constant 64 : index
    %swap3A_97 = tpu.vector_load %arg17[%swap3A_96] {strides = array<i32>} : memref<128xi32, #tpu.memory_space<vmem>>, vector<16xi32>,
    %swap3A_98 = vector.shape_cast %swap3A_97 : vector<16xi32> to vector<16xi32>
    %swap3A_99 = vector.shape_cast %broadcast_in_dim3A_95 : vector<16xi32> to vector<16xi32>
    tpu.vector_store %arg17[%swap3A_96], %swap3A_99 {strides = array<i32>} : memref<128xi32, #tpu.memory_space<vmem>>, vector<16xi32>,
    %broadcast_in_dim3A_100 = arith.constant 10000 : i32
    %broadcast_in_dim3A_101 = vector.broadcast %broadcast_in_dim3A_100 : i32 to vector<16xi32>
    %swap3A_102 = arith.constant 80 : index
    %swap3A_103 = tpu.vector_load %arg16[%swap3A_102] {strides = array<i32>} : memref<128xi32, #tpu.memory_space<vmem>>, vector<16xi32>,
    %swap3A_104 = vector.shape_cast %swap3A_103 : vector<16xi32> to vector<16xi32>
    %swap3A_105 = vector.shape_cast %broadcast_in_dim3A_101 : vector<16xi32> to vector<16xi32>
    tpu.vector_store %arg16[%swap3A_102], %swap3A_105 {strides = array<i32>} : memref<128xi32, #tpu.memory_space<vmem>>, vector<16xi32>,
    %broadcast_in_dim3A_106 = arith.constant 1000 : i32
    %broadcast_in_dim3A_107 = vector.broadcast %broadcast_in_dim3A_106 : i32 to vector<16xi32>
    %swap3A_108 = arith.constant 80 : index
    %swap3A_109 = tpu.vector_load %arg17[%swap3A_108] {strides = array<i32>} : memref<128xi32, #tpu.memory_space<vmem>>, vector<16xi32>,
    %swap3A_110 = vector.shape_cast %swap3A_109 : vector<16xi32> to vector<16xi32>
    %swap3A_111 = vector.shape_cast %broadcast_in_dim3A_107 : vector<16xi32> to vector<16xi32>
    tpu.vector_store %arg17[%swap3A_108], %swap3A_111 {strides = array<i32>} : memref<128xi32, #tpu.memory_space<vmem>>, vector<16xi32>,
    %broadcast_in_dim3A_112 = arith.constant 10000 : i32
    %broadcast_in_dim3A_113 = vector.broadcast %broadcast_in_dim3A_112 : i32 to vector<16xi32>
    %swap3A_114 = arith.constant 96 : index
    %swap3A_115 = tpu.vector_load %arg16[%swap3A_114] {strides = array<i32>} : memref<128xi32, #tpu.memory_space<vmem>>, vector<16xi32>,
    %swap3A_116 = vector.shape_cast %swap3A_115 : vector<16xi32> to vector<16xi32>
    %swap3A_117 = vector.shape_cast %broadcast_in_dim3A_113 : vector<16xi32> to vector<16xi32>
    tpu.vector_store %arg16[%swap3A_114], %swap3A_117 {strides = array<i32>} : memref<128xi32, #tpu.memory_space<vmem>>, vector<16xi32>,
    %broadcast_in_dim3A_118 = arith.constant 1000 : i32
    %broadcast_in_dim3A_119 = vector.broadcast %broadcast_in_dim3A_118 : i32 to vector<16xi32>
    %swap3A_120 = arith.constant 96 : index
    %swap3A_121 = tpu.vector_load %arg17[%swap3A_120] {strides = array<i32>} : memref<128xi32, #tpu.memory_space<vmem>>, vector<16xi32>,
    %swap3A_122 = vector.shape_cast %swap3A_121 : vector<16xi32> to vector<16xi32>
    %swap3A_123 = vector.shape_cast %broadcast_in_dim3A_119 : vector<16xi32> to vector<16xi32>
    tpu.vector_store %arg17[%swap3A_120], %swap3A_123 {strides = array<i32>} : memref<128xi32, #tpu.memory_space<vmem>>, vector<16xi32>,
    %broadcast_in_dim3A_124 = arith.constant 10000 : i32
    %broadcast_in_dim3A_125 = vector.broadcast %broadcast_in_dim3A_124 : i32 to vector<16xi32>
    %swap3A_126 = arith.constant 112 : index
    %swap3A_127 = tpu.vector_load %arg16[%swap3A_126] {strides = array<i32>} : memref<128xi32, #tpu.memory_space<vmem>>, vector<16xi32>,
    %swap3A_128 = vector.shape_cast %swap3A_127 : vector<16xi32> to vector<16xi32>
    %swap3A_129 = vector.shape_cast %broadcast_in_dim3A_125 : vector<16xi32> to vector<16xi32>
    tpu.vector_store %arg16[%swap3A_126], %swap3A_129 {strides = array<i32>} : memref<128xi32, #tpu.memory_space<vmem>>, vector<16xi32>,
    %broadcast_in_dim3A_130 = arith.constant 1000 : i32
    %broadcast_in_dim3A_131 = vector.broadcast %broadcast_in_dim3A_130 : i32 to vector<16xi32>
    %swap3A_132 = arith.constant 112 : index
    %swap3A_133 = tpu.vector_load %arg17[%swap3A_132] {strides = array<i32>} : memref<128xi32, #tpu.memory_space<vmem>>, vector<16xi32>,
    %swap3A_134 = vector.shape_cast %swap3A_133 : vector<16xi32> to vector<16xi32>
    %swap3A_135 = vector.shape_cast %broadcast_in_dim3A_131 : vector<16xi32> to vector<16xi32>
    tpu.vector_store %arg17[%swap3A_132], %swap3A_135 {strides = array<i32>} : memref<128xi32, #tpu.memory_space<vmem>>, vector<16xi32>,
    %eq3A = arith.constant 0 : i32
    %eq3A_136 = arith.cmpi eq, %arg1, %eq3A : i32
    %convert_element_type3A = arith.extui %eq3A_136 : i1 to i32
    %cond3A = arith.constant 0 : i32
    %cond3A_137 = arith.cmpi ne, %convert_element_type3A, %cond3A : i32
    scf.if %cond3A_137 {
      %broadcast_in_dim3A_256 = arith.constant 0.000000e+00 : f32
      %broadcast_in_dim3A_257 = vector.broadcast %broadcast_in_dim3A_256 : f32 to vector<16xf32>
      %scan3A_258 = arith.constant 0 : i32
      %scan3A_259 = arith.constant 125 : i32
      %scan3A_260 = arith.addi %scan3A_258, %scan3A_259 : i32
      %scan3A_261 = arith.constant 1 : i32
      scf.for %scan3A_263 = %scan3A_258 to %scan3A_260 step %scan3A_261  : i32 {
        %mul3A_264 = arith.constant 1 : i32
        %mul3A_265 = arith.muli %scan3A_263, %mul3A_264 : i32
        %add3A_266 = arith.constant 0 : i32
        %add3A_267 = arith.addi %add3A_266, %mul3A_265 : i32
        %mul3A_268 = arith.constant 16 : i32
        %mul3A_269 = arith.muli %add3A_267, %mul3A_268 : i32
        %swap3A_270 = arith.index_cast %mul3A_269 : i32 to index
        %swap3A_271 = tpu.vector_load %arg19[%swap3A_270] {strides = array<i32>} : memref<2000xf32, #tpu.memory_space<vmem>>, vector<16xf32>,
        %swap3A_272 = vector.shape_cast %swap3A_271 : vector<16xf32> to vector<16xf32>
        %swap3A_273 = vector.shape_cast %broadcast_in_dim3A_257 : vector<16xf32> to vector<16xf32>
        tpu.vector_store %arg19[%swap3A_270], %swap3A_273 {strides = array<i32>} : memref<2000xf32, #tpu.memory_space<vmem>>, vector<16xf32>,
      }
      %scan3A_262 = arith.constant 125 : i32
      "tpu.region"() ({
        %run_scoped3A_263 = tpu.sem_alloc : memref<!tpu.dma_semaphore, #tpu.memory_space<semaphore_mem>>
        %dma_start3A = arith.constant 0 : i32
        %dma_start3A_264 = tpu.memref_slice %arg20[%dma_start3A] : memref<10000xf32, #tpu.memory_space<vmem_shared>> -> memref<2000xf32, #tpu.memory_space<vmem_shared>>
        %dma_start3A_265 = arith.constant 0 : i32
        %dma_start3A_266 = tpu.memref_slice %arg20[%dma_start3A_265] : memref<10000xf32, #tpu.memory_space<vmem_shared>> -> memref<2000xf32, #tpu.memory_space<vmem_shared>>
        tpu.enqueue_dma source(%arg19 : memref<2000xf32, #tpu.memory_space<vmem>>) target(%dma_start3A_266 : memref<2000xf32, #tpu.memory_space<vmem_shared>>) target_semaphore(%run_scoped3A_263 : memref<!tpu.dma_semaphore, #tpu.memory_space<semaphore_mem>>)
        %dma_wait3A = arith.constant 0 : i32
        %dma_wait3A_267 = tpu.memref_slice %arg20[%dma_wait3A] : memref<10000xf32, #tpu.memory_space<vmem_shared>> -> memref<2000xf32, #tpu.memory_space<vmem_shared>>
        %dma_wait3A_268 = arith.constant 0 : i32
        %dma_wait3A_269 = tpu.memref_slice %arg20[%dma_wait3A_268] : memref<10000xf32, #tpu.memory_space<vmem_shared>> -> memref<2000xf32, #tpu.memory_space<vmem_shared>>
        tpu.wait_dma2 semaphore(%run_scoped3A_263 : memref<!tpu.dma_semaphore, #tpu.memory_space<semaphore_mem>>) src(%arg19 : memref<2000xf32, #tpu.memory_space<vmem>>) dst(%dma_wait3A_269 : memref<2000xf32, #tpu.memory_space<vmem_shared>>)
        tpu.yield
      }) : () -> ()
      "tpu.region"() ({
        %run_scoped3A_263 = tpu.sem_alloc : memref<!tpu.dma_semaphore, #tpu.memory_space<semaphore_mem>>
        %dma_start3A = arith.constant 2000 : i32
        %dma_start3A_264 = tpu.memref_slice %arg20[%dma_start3A] : memref<10000xf32, #tpu.memory_space<vmem_shared>> -> memref<2000xf32, #tpu.memory_space<vmem_shared>>
        %dma_start3A_265 = arith.constant 2000 : i32
        %dma_start3A_266 = tpu.memref_slice %arg20[%dma_start3A_265] : memref<10000xf32, #tpu.memory_space<vmem_shared>> -> memref<2000xf32, #tpu.memory_space<vmem_shared>>
        tpu.enqueue_dma source(%arg19 : memref<2000xf32, #tpu.memory_space<vmem>>) target(%dma_start3A_266 : memref<2000xf32, #tpu.memory_space<vmem_shared>>) target_semaphore(%run_scoped3A_263 : memref<!tpu.dma_semaphore, #tpu.memory_space<semaphore_mem>>)
        %dma_wait3A = arith.constant 2000 : i32
        %dma_wait3A_267 = tpu.memref_slice %arg20[%dma_wait3A] : memref<10000xf32, #tpu.memory_space<vmem_shared>> -> memref<2000xf32, #tpu.memory_space<vmem_shared>>
        %dma_wait3A_268 = arith.constant 2000 : i32
        %dma_wait3A_269 = tpu.memref_slice %arg20[%dma_wait3A_268] : memref<10000xf32, #tpu.memory_space<vmem_shared>> -> memref<2000xf32, #tpu.memory_space<vmem_shared>>
        tpu.wait_dma2 semaphore(%run_scoped3A_263 : memref<!tpu.dma_semaphore, #tpu.memory_space<semaphore_mem>>) src(%arg19 : memref<2000xf32, #tpu.memory_space<vmem>>) dst(%dma_wait3A_269 : memref<2000xf32, #tpu.memory_space<vmem_shared>>)
        tpu.yield
      }) : () -> ()
      "tpu.region"() ({
        %run_scoped3A_263 = tpu.sem_alloc : memref<!tpu.dma_semaphore, #tpu.memory_space<semaphore_mem>>
        %dma_start3A = arith.constant 4000 : i32
        %dma_start3A_264 = tpu.memref_slice %arg20[%dma_start3A] : memref<10000xf32, #tpu.memory_space<vmem_shared>> -> memref<2000xf32, #tpu.memory_space<vmem_shared>>
        %dma_start3A_265 = arith.constant 4000 : i32
        %dma_start3A_266 = tpu.memref_slice %arg20[%dma_start3A_265] : memref<10000xf32, #tpu.memory_space<vmem_shared>> -> memref<2000xf32, #tpu.memory_space<vmem_shared>>
        tpu.enqueue_dma source(%arg19 : memref<2000xf32, #tpu.memory_space<vmem>>) target(%dma_start3A_266 : memref<2000xf32, #tpu.memory_space<vmem_shared>>) target_semaphore(%run_scoped3A_263 : memref<!tpu.dma_semaphore, #tpu.memory_space<semaphore_mem>>)
        %dma_wait3A = arith.constant 4000 : i32
        %dma_wait3A_267 = tpu.memref_slice %arg20[%dma_wait3A] : memref<10000xf32, #tpu.memory_space<vmem_shared>> -> memref<2000xf32, #tpu.memory_space<vmem_shared>>
        %dma_wait3A_268 = arith.constant 4000 : i32
        %dma_wait3A_269 = tpu.memref_slice %arg20[%dma_wait3A_268] : memref<10000xf32, #tpu.memory_space<vmem_shared>> -> memref<2000xf32, #tpu.memory_space<vmem_shared>>
        tpu.wait_dma2 semaphore(%run_scoped3A_263 : memref<!tpu.dma_semaphore, #tpu.memory_space<semaphore_mem>>) src(%arg19 : memref<2000xf32, #tpu.memory_space<vmem>>) dst(%dma_wait3A_269 : memref<2000xf32, #tpu.memory_space<vmem_shared>>)
        tpu.yield
      }) : () -> ()
      "tpu.region"() ({
        %run_scoped3A_263 = tpu.sem_alloc : memref<!tpu.dma_semaphore, #tpu.memory_space<semaphore_mem>>
        %dma_start3A = arith.constant 6000 : i32
        %dma_start3A_264 = tpu.memref_slice %arg20[%dma_start3A] : memref<10000xf32, #tpu.memory_space<vmem_shared>> -> memref<2000xf32, #tpu.memory_space<vmem_shared>>
        %dma_start3A_265 = arith.constant 6000 : i32
        %dma_start3A_266 = tpu.memref_slice %arg20[%dma_start3A_265] : memref<10000xf32, #tpu.memory_space<vmem_shared>> -> memref<2000xf32, #tpu.memory_space<vmem_shared>>
        tpu.enqueue_dma source(%arg19 : memref<2000xf32, #tpu.memory_space<vmem>>) target(%dma_start3A_266 : memref<2000xf32, #tpu.memory_space<vmem_shared>>) target_semaphore(%run_scoped3A_263 : memref<!tpu.dma_semaphore, #tpu.memory_space<semaphore_mem>>)
        %dma_wait3A = arith.constant 6000 : i32
        %dma_wait3A_267 = tpu.memref_slice %arg20[%dma_wait3A] : memref<10000xf32, #tpu.memory_space<vmem_shared>> -> memref<2000xf32, #tpu.memory_space<vmem_shared>>
        %dma_wait3A_268 = arith.constant 6000 : i32
        %dma_wait3A_269 = tpu.memref_slice %arg20[%dma_wait3A_268] : memref<10000xf32, #tpu.memory_space<vmem_shared>> -> memref<2000xf32, #tpu.memory_space<vmem_shared>>
        tpu.wait_dma2 semaphore(%run_scoped3A_263 : memref<!tpu.dma_semaphore, #tpu.memory_space<semaphore_mem>>) src(%arg19 : memref<2000xf32, #tpu.memory_space<vmem>>) dst(%dma_wait3A_269 : memref<2000xf32, #tpu.memory_space<vmem_shared>>)
        tpu.yield
      }) : () -> ()
      "tpu.region"() ({
        %run_scoped3A_263 = tpu.sem_alloc : memref<!tpu.dma_semaphore, #tpu.memory_space<semaphore_mem>>
        %dma_start3A = arith.constant 8000 : i32
        %dma_start3A_264 = tpu.memref_slice %arg20[%dma_start3A] : memref<10000xf32, #tpu.memory_space<vmem_shared>> -> memref<2000xf32, #tpu.memory_space<vmem_shared>>
        %dma_start3A_265 = arith.constant 8000 : i32
        %dma_start3A_266 = tpu.memref_slice %arg20[%dma_start3A_265] : memref<10000xf32, #tpu.memory_space<vmem_shared>> -> memref<2000xf32, #tpu.memory_space<vmem_shared>>
        tpu.enqueue_dma source(%arg19 : memref<2000xf32, #tpu.memory_space<vmem>>) target(%dma_start3A_266 : memref<2000xf32, #tpu.memory_space<vmem_shared>>) target_semaphore(%run_scoped3A_263 : memref<!tpu.dma_semaphore, #tpu.memory_space<semaphore_mem>>)
        %dma_wait3A = arith.constant 8000 : i32
        %dma_wait3A_267 = tpu.memref_slice %arg20[%dma_wait3A] : memref<10000xf32, #tpu.memory_space<vmem_shared>> -> memref<2000xf32, #tpu.memory_space<vmem_shared>>
        %dma_wait3A_268 = arith.constant 8000 : i32
        %dma_wait3A_269 = tpu.memref_slice %arg20[%dma_wait3A_268] : memref<10000xf32, #tpu.memory_space<vmem_shared>> -> memref<2000xf32, #tpu.memory_space<vmem_shared>>
        tpu.wait_dma2 semaphore(%run_scoped3A_263 : memref<!tpu.dma_semaphore, #tpu.memory_space<semaphore_mem>>) src(%arg19 : memref<2000xf32, #tpu.memory_space<vmem>>) dst(%dma_wait3A_269 : memref<2000xf32, #tpu.memory_space<vmem_shared>>)
        tpu.yield
      }) : () -> ()
    } else {
    }
    %scan3A = arith.constant 0 : i32
    %scan3A_138 = arith.constant 80 : i32
    %scan3A_139 = arith.addi %scan3A, %scan3A_138 : i32
    %scan3A_140 = arith.constant 1 : i32
    scf.for %scan3A_256 = %scan3A to %scan3A_139 step %scan3A_140  : i32 {
      %mul3A_257 = arith.constant 1 : i32
      %mul3A_258 = arith.muli %scan3A_256, %mul3A_257 : i32
      %add3A_259 = arith.constant 0 : i32
      %add3A_260 = arith.addi %add3A_259, %mul3A_258 : i32
      "tpu.region"() ({
        %run_scoped3A_261 = tpu.sem_alloc : memref<!tpu.dma_semaphore, #tpu.memory_space<semaphore_mem>>
        %dma_start3A = arith.constant 0 : i32
        %dma_start3A_262 = tpu.memref_slice %arg11[%add3A_260, %dma_start3A] : memref<80x128xi32, #tpu.memory_space<vmem>> -> memref<1x128xi32, #tpu.memory_space<vmem>>
        %dma_start3A_263 = tpu.memref_squeeze %dma_start3A_262 : memref<1x128xi32, #tpu.memory_space<vmem>> -> memref<128xi32, #tpu.memory_space<vmem>>
        %dma_start3A_264 = arith.constant 0 : i32
        %dma_start3A_265 = tpu.memref_slice %arg13[%add3A_260, %dma_start3A_264] : memref<80x128xi32, #tpu.memory_space<vmem>> -> memref<1x128xi32, #tpu.memory_space<vmem>>
        %dma_start3A_266 = tpu.memref_squeeze %dma_start3A_265 : memref<1x128xi32, #tpu.memory_space<vmem>> -> memref<128xi32, #tpu.memory_space<vmem>>
        %dma_start3A_267 = arith.constant 0 : i32
        %dma_start3A_268 = tpu.memref_slice %arg21[%dma_start3A_267] : memref<164096xi32, #tpu.memory_space<vmem_shared>> -> memref<164096xi32, #tpu.memory_space<vmem_shared>>
        tpu.enqueue_indirect_dma source(%dma_start3A_263 : memref<128xi32, #tpu.memory_space<vmem>>) target(%dma_start3A_268 : memref<164096xi32, #tpu.memory_space<vmem_shared>>) offsets(%dma_start3A_266 : memref<128xi32, #tpu.memory_space<vmem>>) semaphore(%run_scoped3A_261 : memref<!tpu.dma_semaphore, #tpu.memory_space<semaphore_mem>>)
        %dma_wait3A = arith.constant 0 : i32
        %dma_wait3A_269 = tpu.memref_slice %arg11[%add3A_260, %dma_wait3A] : memref<80x128xi32, #tpu.memory_space<vmem>> -> memref<1x128xi32, #tpu.memory_space<vmem>>
        %dma_wait3A_270 = tpu.memref_squeeze %dma_wait3A_269 : memref<1x128xi32, #tpu.memory_space<vmem>> -> memref<128xi32, #tpu.memory_space<vmem>>
        %dma_wait3A_271 = arith.constant 0 : i32
        %dma_wait3A_272 = tpu.memref_slice %arg13[%add3A_260, %dma_wait3A_271] : memref<80x128xi32, #tpu.memory_space<vmem>> -> memref<1x128xi32, #tpu.memory_space<vmem>>
        %dma_wait3A_273 = tpu.memref_squeeze %dma_wait3A_272 : memref<1x128xi32, #tpu.memory_space<vmem>> -> memref<128xi32, #tpu.memory_space<vmem>>
        %dma_wait3A_274 = arith.constant 0 : i32
        %dma_wait3A_275 = tpu.memref_slice %arg21[%dma_wait3A_274] : memref<164096xi32, #tpu.memory_space<vmem_shared>> -> memref<164096xi32, #tpu.memory_space<vmem_shared>>
        tpu.wait_indirect_dma semaphore(%run_scoped3A_261 : memref<!tpu.dma_semaphore, #tpu.memory_space<semaphore_mem>>) src(%dma_wait3A_270 : memref<128xi32, #tpu.memory_space<vmem>>) dst(%dma_wait3A_275 : memref<164096xi32, #tpu.memory_space<vmem_shared>>)
        tpu.yield
      }) : () -> ()
      "tpu.region"() ({
        %run_scoped3A_261 = tpu.sem_alloc : memref<!tpu.dma_semaphore, #tpu.memory_space<semaphore_mem>>
        %dma_start3A = arith.constant 0 : i32
        %dma_start3A_262 = tpu.memref_slice %arg12[%add3A_260, %dma_start3A] : memref<80x128xi32, #tpu.memory_space<vmem>> -> memref<1x128xi32, #tpu.memory_space<vmem>>
        %dma_start3A_263 = tpu.memref_squeeze %dma_start3A_262 : memref<1x128xi32, #tpu.memory_space<vmem>> -> memref<128xi32, #tpu.memory_space<vmem>>
        %dma_start3A_264 = arith.constant 0 : i32
        %dma_start3A_265 = tpu.memref_slice %arg13[%add3A_260, %dma_start3A_264] : memref<80x128xi32, #tpu.memory_space<vmem>> -> memref<1x128xi32, #tpu.memory_space<vmem>>
        %dma_start3A_266 = tpu.memref_squeeze %dma_start3A_265 : memref<1x128xi32, #tpu.memory_space<vmem>> -> memref<128xi32, #tpu.memory_space<vmem>>
        %dma_start3A_267 = arith.constant 0 : i32
        %dma_start3A_268 = tpu.memref_slice %arg22[%dma_start3A_267] : memref<164096xi32, #tpu.memory_space<vmem_shared>> -> memref<164096xi32, #tpu.memory_space<vmem_shared>>
        tpu.enqueue_indirect_dma source(%dma_start3A_263 : memref<128xi32, #tpu.memory_space<vmem>>) target(%dma_start3A_268 : memref<164096xi32, #tpu.memory_space<vmem_shared>>) offsets(%dma_start3A_266 : memref<128xi32, #tpu.memory_space<vmem>>) semaphore(%run_scoped3A_261 : memref<!tpu.dma_semaphore, #tpu.memory_space<semaphore_mem>>)
        %dma_wait3A = arith.constant 0 : i32
        %dma_wait3A_269 = tpu.memref_slice %arg12[%add3A_260, %dma_wait3A] : memref<80x128xi32, #tpu.memory_space<vmem>> -> memref<1x128xi32, #tpu.memory_space<vmem>>
        %dma_wait3A_270 = tpu.memref_squeeze %dma_wait3A_269 : memref<1x128xi32, #tpu.memory_space<vmem>> -> memref<128xi32, #tpu.memory_space<vmem>>
        %dma_wait3A_271 = arith.constant 0 : i32
        %dma_wait3A_272 = tpu.memref_slice %arg13[%add3A_260, %dma_wait3A_271] : memref<80x128xi32, #tpu.memory_space<vmem>> -> memref<1x128xi32, #tpu.memory_space<vmem>>
        %dma_wait3A_273 = tpu.memref_squeeze %dma_wait3A_272 : memref<1x128xi32, #tpu.memory_space<vmem>> -> memref<128xi32, #tpu.memory_space<vmem>>
        %dma_wait3A_274 = arith.constant 0 : i32
        %dma_wait3A_275 = tpu.memref_slice %arg22[%dma_wait3A_274] : memref<164096xi32, #tpu.memory_space<vmem_shared>> -> memref<164096xi32, #tpu.memory_space<vmem_shared>>
        tpu.wait_indirect_dma semaphore(%run_scoped3A_261 : memref<!tpu.dma_semaphore, #tpu.memory_space<semaphore_mem>>) src(%dma_wait3A_270 : memref<128xi32, #tpu.memory_space<vmem>>) dst(%dma_wait3A_275 : memref<164096xi32, #tpu.memory_space<vmem_shared>>)
        tpu.yield
      }) : () -> ()
    }
    %scan3A_141 = arith.constant 80 : i32
    %get3A = arith.constant 0 : i32
    %get3A_142 = arith.index_cast %get3A : i32 to index
    %get3A_143 = arith.constant 0 : index
    %get3A_144 = tpu.vector_load %arg14[%get3A_142, %get3A_143] {strides = array<i32>} : memref<8x128xi32, #tpu.memory_space<vmem>>, vector<1x16xi32>,
    %get3A_145 = vector.shape_cast %get3A_144 : vector<1x16xi32> to vector<16xi32>
    %slice3A = vector.extract_strided_slice %get3A_145 {offsets = [0], sizes = [1], strides = [1]} : vector<16xi32> to vector<1xi32>
    %squeeze3A = vector.extract %slice3A[0] : i32 from vector<1xi32>
    %mul3A = arith.constant 10256 : i32
    %mul3A_146 = arith.muli %arg1, %mul3A : i32
    %add3A = arith.addi %mul3A_146, %squeeze3A : i32
    %iota3A = tpu.iota {dimensions = array<i32: 0>} : vector<16xi32>
    %add3A_147 = arith.constant 0 : i32
    %add3A_148 = arith.addi %add3A, %add3A_147 : i32
    %add3A_149 = vector.broadcast %add3A_148 : i32 to vector<16xi32>
    %add3A_150 = arith.addi %iota3A, %add3A_149 : vector<16xi32>
    %swap3A_151 = arith.constant 0 : i32
    %swap3A_152 = arith.index_cast %swap3A_151 : i32 to index
    %swap3A_153 = arith.constant 0 : index
    %swap3A_154 = tpu.vector_load %arg15[%swap3A_152, %swap3A_153] {strides = array<i32>} : memref<1x128xi32, #tpu.memory_space<vmem>>, vector<1x16xi32>,
    %swap3A_155 = vector.shape_cast %swap3A_154 : vector<1x16xi32> to vector<16xi32>
    %swap3A_156 = vector.shape_cast %add3A_150 : vector<16xi32> to vector<1x16xi32>
    tpu.vector_store %arg15[%swap3A_152, %swap3A_153], %swap3A_156 {strides = array<i32>} : memref<1x128xi32, #tpu.memory_space<vmem>>, vector<1x16xi32>,
    %iota3A_157 = tpu.iota {dimensions = array<i32: 0>} : vector<16xi32>
    %add3A_158 = arith.constant 16 : i32
    %add3A_159 = arith.addi %add3A, %add3A_158 : i32
    %add3A_160 = vector.broadcast %add3A_159 : i32 to vector<16xi32>
    %add3A_161 = arith.addi %iota3A_157, %add3A_160 : vector<16xi32>
    %swap3A_162 = arith.constant 0 : i32
    %swap3A_163 = arith.index_cast %swap3A_162 : i32 to index
    %swap3A_164 = arith.constant 16 : index
    %swap3A_165 = tpu.vector_load %arg15[%swap3A_163, %swap3A_164] {strides = array<i32>} : memref<1x128xi32, #tpu.memory_space<vmem>>, vector<1x16xi32>,
    %swap3A_166 = vector.shape_cast %swap3A_165 : vector<1x16xi32> to vector<16xi32>
    %swap3A_167 = vector.shape_cast %add3A_161 : vector<16xi32> to vector<1x16xi32>
    tpu.vector_store %arg15[%swap3A_163, %swap3A_164], %swap3A_167 {strides = array<i32>} : memref<1x128xi32, #tpu.memory_space<vmem>>, vector<1x16xi32>,
    %iota3A_168 = tpu.iota {dimensions = array<i32: 0>} : vector<16xi32>
    %add3A_169 = arith.constant 32 : i32
    %add3A_170 = arith.addi %add3A, %add3A_169 : i32
    %add3A_171 = vector.broadcast %add3A_170 : i32 to vector<16xi32>
    %add3A_172 = arith.addi %iota3A_168, %add3A_171 : vector<16xi32>
    %swap3A_173 = arith.constant 0 : i32
    %swap3A_174 = arith.index_cast %swap3A_173 : i32 to index
    %swap3A_175 = arith.constant 32 : index
    %swap3A_176 = tpu.vector_load %arg15[%swap3A_174, %swap3A_175] {strides = array<i32>} : memref<1x128xi32, #tpu.memory_space<vmem>>, vector<1x16xi32>,
    %swap3A_177 = vector.shape_cast %swap3A_176 : vector<1x16xi32> to vector<16xi32>
    %swap3A_178 = vector.shape_cast %add3A_172 : vector<16xi32> to vector<1x16xi32>
    tpu.vector_store %arg15[%swap3A_174, %swap3A_175], %swap3A_178 {strides = array<i32>} : memref<1x128xi32, #tpu.memory_space<vmem>>, vector<1x16xi32>,
    %iota3A_179 = tpu.iota {dimensions = array<i32: 0>} : vector<16xi32>
    %add3A_180 = arith.constant 48 : i32
    %add3A_181 = arith.addi %add3A, %add3A_180 : i32
    %add3A_182 = vector.broadcast %add3A_181 : i32 to vector<16xi32>
    %add3A_183 = arith.addi %iota3A_179, %add3A_182 : vector<16xi32>
    %swap3A_184 = arith.constant 0 : i32
    %swap3A_185 = arith.index_cast %swap3A_184 : i32 to index
    %swap3A_186 = arith.constant 48 : index
    %swap3A_187 = tpu.vector_load %arg15[%swap3A_185, %swap3A_186] {strides = array<i32>} : memref<1x128xi32, #tpu.memory_space<vmem>>, vector<1x16xi32>,
    %swap3A_188 = vector.shape_cast %swap3A_187 : vector<1x16xi32> to vector<16xi32>
    %swap3A_189 = vector.shape_cast %add3A_183 : vector<16xi32> to vector<1x16xi32>
    tpu.vector_store %arg15[%swap3A_185, %swap3A_186], %swap3A_189 {strides = array<i32>} : memref<1x128xi32, #tpu.memory_space<vmem>>, vector<1x16xi32>,
    %iota3A_190 = tpu.iota {dimensions = array<i32: 0>} : vector<16xi32>
    %add3A_191 = arith.constant 64 : i32
    %add3A_192 = arith.addi %add3A, %add3A_191 : i32
    %add3A_193 = vector.broadcast %add3A_192 : i32 to vector<16xi32>
    %add3A_194 = arith.addi %iota3A_190, %add3A_193 : vector<16xi32>
    %swap3A_195 = arith.constant 0 : i32
    %swap3A_196 = arith.index_cast %swap3A_195 : i32 to index
    %swap3A_197 = arith.constant 64 : index
    %swap3A_198 = tpu.vector_load %arg15[%swap3A_196, %swap3A_197] {strides = array<i32>} : memref<1x128xi32, #tpu.memory_space<vmem>>, vector<1x16xi32>,
    %swap3A_199 = vector.shape_cast %swap3A_198 : vector<1x16xi32> to vector<16xi32>
    %swap3A_200 = vector.shape_cast %add3A_194 : vector<16xi32> to vector<1x16xi32>
    tpu.vector_store %arg15[%swap3A_196, %swap3A_197], %swap3A_200 {strides = array<i32>} : memref<1x128xi32, #tpu.memory_space<vmem>>, vector<1x16xi32>,
    %iota3A_201 = tpu.iota {dimensions = array<i32: 0>} : vector<16xi32>
    %add3A_202 = arith.constant 80 : i32
    %add3A_203 = arith.addi %add3A, %add3A_202 : i32
    %add3A_204 = vector.broadcast %add3A_203 : i32 to vector<16xi32>
    %add3A_205 = arith.addi %iota3A_201, %add3A_204 : vector<16xi32>
    %swap3A_206 = arith.constant 0 : i32
    %swap3A_207 = arith.index_cast %swap3A_206 : i32 to index
    %swap3A_208 = arith.constant 80 : index
    %swap3A_209 = tpu.vector_load %arg15[%swap3A_207, %swap3A_208] {strides = array<i32>} : memref<1x128xi32, #tpu.memory_space<vmem>>, vector<1x16xi32>,
    %swap3A_210 = vector.shape_cast %swap3A_209 : vector<1x16xi32> to vector<16xi32>
    %swap3A_211 = vector.shape_cast %add3A_205 : vector<16xi32> to vector<1x16xi32>
    tpu.vector_store %arg15[%swap3A_207, %swap3A_208], %swap3A_211 {strides = array<i32>} : memref<1x128xi32, #tpu.memory_space<vmem>>, vector<1x16xi32>,
    %iota3A_212 = tpu.iota {dimensions = array<i32: 0>} : vector<16xi32>
    %add3A_213 = arith.constant 96 : i32
    %add3A_214 = arith.addi %add3A, %add3A_213 : i32
    %add3A_215 = vector.broadcast %add3A_214 : i32 to vector<16xi32>
    %add3A_216 = arith.addi %iota3A_212, %add3A_215 : vector<16xi32>
    %swap3A_217 = arith.constant 0 : i32
    %swap3A_218 = arith.index_cast %swap3A_217 : i32 to index
    %swap3A_219 = arith.constant 96 : index
    %swap3A_220 = tpu.vector_load %arg15[%swap3A_218, %swap3A_219] {strides = array<i32>} : memref<1x128xi32, #tpu.memory_space<vmem>>, vector<1x16xi32>,
    %swap3A_221 = vector.shape_cast %swap3A_220 : vector<1x16xi32> to vector<16xi32>
    %swap3A_222 = vector.shape_cast %add3A_216 : vector<16xi32> to vector<1x16xi32>
    tpu.vector_store %arg15[%swap3A_218, %swap3A_219], %swap3A_222 {strides = array<i32>} : memref<1x128xi32, #tpu.memory_space<vmem>>, vector<1x16xi32>,
    %iota3A_223 = tpu.iota {dimensions = array<i32: 0>} : vector<16xi32>
    %add3A_224 = arith.constant 112 : i32
    %add3A_225 = arith.addi %add3A, %add3A_224 : i32
    %add3A_226 = vector.broadcast %add3A_225 : i32 to vector<16xi32>
    %add3A_227 = arith.addi %iota3A_223, %add3A_226 : vector<16xi32>
    %swap3A_228 = arith.constant 0 : i32
    %swap3A_229 = arith.index_cast %swap3A_228 : i32 to index
    %swap3A_230 = arith.constant 112 : index
    %swap3A_231 = tpu.vector_load %arg15[%swap3A_229, %swap3A_230] {strides = array<i32>} : memref<1x128xi32, #tpu.memory_space<vmem>>, vector<1x16xi32>,
    %swap3A_232 = vector.shape_cast %swap3A_231 : vector<1x16xi32> to vector<16xi32>
    %swap3A_233 = vector.shape_cast %add3A_227 : vector<16xi32> to vector<1x16xi32>
    tpu.vector_store %arg15[%swap3A_229, %swap3A_230], %swap3A_233 {strides = array<i32>} : memref<1x128xi32, #tpu.memory_space<vmem>>, vector<1x16xi32>,
    %run_scoped3A = arith.constant 0 : i32
    "tpu.region"() ({
      %run_scoped3A_256 = tpu.sem_alloc : memref<!tpu.dma_semaphore, #tpu.memory_space<semaphore_mem>>
      %dma_start3A = arith.constant 0 : i32
      %dma_start3A_257 = tpu.memref_slice %arg15[%run_scoped3A, %dma_start3A] : memref<1x128xi32, #tpu.memory_space<vmem>> -> memref<1x128xi32, #tpu.memory_space<vmem>>
      %dma_start3A_258 = tpu.memref_squeeze %dma_start3A_257 : memref<1x128xi32, #tpu.memory_space<vmem>> -> memref<128xi32, #tpu.memory_space<vmem>>
      %dma_start3A_259 = arith.constant 0 : i32
      %dma_start3A_260 = tpu.memref_slice %arg21[%dma_start3A_259] : memref<164096xi32, #tpu.memory_space<vmem_shared>> -> memref<164096xi32, #tpu.memory_space<vmem_shared>>
      tpu.enqueue_indirect_dma source(%arg16 : memref<128xi32, #tpu.memory_space<vmem>>) target(%dma_start3A_260 : memref<164096xi32, #tpu.memory_space<vmem_shared>>) offsets(%dma_start3A_258 : memref<128xi32, #tpu.memory_space<vmem>>) semaphore(%run_scoped3A_256 : memref<!tpu.dma_semaphore, #tpu.memory_space<semaphore_mem>>)
      %dma_wait3A = arith.constant 0 : i32
      %dma_wait3A_261 = tpu.memref_slice %arg15[%run_scoped3A, %dma_wait3A] : memref<1x128xi32, #tpu.memory_space<vmem>> -> memref<1x128xi32, #tpu.memory_space<vmem>>
      %dma_wait3A_262 = tpu.memref_squeeze %dma_wait3A_261 : memref<1x128xi32, #tpu.memory_space<vmem>> -> memref<128xi32, #tpu.memory_space<vmem>>
      %dma_wait3A_263 = arith.constant 0 : i32
      %dma_wait3A_264 = tpu.memref_slice %arg21[%dma_wait3A_263] : memref<164096xi32, #tpu.memory_space<vmem_shared>> -> memref<164096xi32, #tpu.memory_space<vmem_shared>>
      tpu.wait_indirect_dma semaphore(%run_scoped3A_256 : memref<!tpu.dma_semaphore, #tpu.memory_space<semaphore_mem>>) src(%arg16 : memref<128xi32, #tpu.memory_space<vmem>>) dst(%dma_wait3A_264 : memref<164096xi32, #tpu.memory_space<vmem_shared>>)
      tpu.yield
    }) : () -> ()
    %run_scoped3A_234 = arith.constant 0 : i32
    "tpu.region"() ({
      %run_scoped3A_256 = tpu.sem_alloc : memref<!tpu.dma_semaphore, #tpu.memory_space<semaphore_mem>>
      %dma_start3A = arith.constant 0 : i32
      %dma_start3A_257 = tpu.memref_slice %arg15[%run_scoped3A_234, %dma_start3A] : memref<1x128xi32, #tpu.memory_space<vmem>> -> memref<1x128xi32, #tpu.memory_space<vmem>>
      %dma_start3A_258 = tpu.memref_squeeze %dma_start3A_257 : memref<1x128xi32, #tpu.memory_space<vmem>> -> memref<128xi32, #tpu.memory_space<vmem>>
      %dma_start3A_259 = arith.constant 0 : i32
      %dma_start3A_260 = tpu.memref_slice %arg22[%dma_start3A_259] : memref<164096xi32, #tpu.memory_space<vmem_shared>> -> memref<164096xi32, #tpu.memory_space<vmem_shared>>
      tpu.enqueue_indirect_dma source(%arg17 : memref<128xi32, #tpu.memory_space<vmem>>) target(%dma_start3A_260 : memref<164096xi32, #tpu.memory_space<vmem_shared>>) offsets(%dma_start3A_258 : memref<128xi32, #tpu.memory_space<vmem>>) semaphore(%run_scoped3A_256 : memref<!tpu.dma_semaphore, #tpu.memory_space<semaphore_mem>>)
      %dma_wait3A = arith.constant 0 : i32
      %dma_wait3A_261 = tpu.memref_slice %arg15[%run_scoped3A_234, %dma_wait3A] : memref<1x128xi32, #tpu.memory_space<vmem>> -> memref<1x128xi32, #tpu.memory_space<vmem>>
      %dma_wait3A_262 = tpu.memref_squeeze %dma_wait3A_261 : memref<1x128xi32, #tpu.memory_space<vmem>> -> memref<128xi32, #tpu.memory_space<vmem>>
      %dma_wait3A_263 = arith.constant 0 : i32
      %dma_wait3A_264 = tpu.memref_slice %arg22[%dma_wait3A_263] : memref<164096xi32, #tpu.memory_space<vmem_shared>> -> memref<164096xi32, #tpu.memory_space<vmem_shared>>
      tpu.wait_indirect_dma semaphore(%run_scoped3A_256 : memref<!tpu.dma_semaphore, #tpu.memory_space<semaphore_mem>>) src(%arg17 : memref<128xi32, #tpu.memory_space<vmem>>) dst(%dma_wait3A_264 : memref<164096xi32, #tpu.memory_space<vmem_shared>>)
      tpu.yield
    }) : () -> ()
    %barrier3A = arith.constant 0 : index
    tpu.barrier barrier_id(%barrier3A)
    %eq3A_235 = arith.constant 1 : i32
    %eq3A_236 = arith.cmpi eq, %arg1, %eq3A_235 : i32
    %convert_element_type3A_237 = arith.extui %eq3A_236 : i1 to i32
    %cond3A_238 = arith.constant 0 : i32
    %cond3A_239 = arith.cmpi ne, %convert_element_type3A_237, %cond3A_238 : i32
    scf.if %cond3A_239 {
      "tpu.region"() ({
        %run_scoped3A_256 = tpu.sem_alloc : memref<!tpu.dma_semaphore, #tpu.memory_space<semaphore_mem>>
        %dma_start3A = arith.constant 0 : i32
        %dma_start3A_257 = tpu.memref_slice %arg8[%arg0, %dma_start3A] : memref<2x164096xi32, #tpu.memory_space<hbm>> -> memref<1x164096xi32, #tpu.memory_space<hbm>>
        %dma_start3A_258 = tpu.memref_squeeze %dma_start3A_257 : memref<1x164096xi32, #tpu.memory_space<hbm>> -> memref<164096xi32, #tpu.memory_space<hbm>>
        tpu.enqueue_dma source(%arg21 : memref<164096xi32, #tpu.memory_space<vmem_shared>>) target(%dma_start3A_258 : memref<164096xi32, #tpu.memory_space<hbm>>) target_semaphore(%run_scoped3A_256 : memref<!tpu.dma_semaphore, #tpu.memory_space<semaphore_mem>>)
        %dma_wait3A = arith.constant 0 : i32
        %dma_wait3A_259 = tpu.memref_slice %arg8[%arg0, %dma_wait3A] : memref<2x164096xi32, #tpu.memory_space<hbm>> -> memref<1x164096xi32, #tpu.memory_space<hbm>>
        %dma_wait3A_260 = tpu.memref_squeeze %dma_wait3A_259 : memref<1x164096xi32, #tpu.memory_space<hbm>> -> memref<164096xi32, #tpu.memory_space<hbm>>
        tpu.wait_dma2 semaphore(%run_scoped3A_256 : memref<!tpu.dma_semaphore, #tpu.memory_space<semaphore_mem>>) src(%arg21 : memref<164096xi32, #tpu.memory_space<vmem_shared>>) dst(%dma_wait3A_260 : memref<164096xi32, #tpu.memory_space<hbm>>)
        tpu.yield
      }) : () -> ()
    } else {
    }
    %eq3A_240 = arith.constant 2 : i32
    %eq3A_241 = arith.cmpi eq, %arg1, %eq3A_240 : i32
    %convert_element_type3A_242 = arith.extui %eq3A_241 : i1 to i32
    %cond3A_243 = arith.constant 0 : i32
    %cond3A_244 = arith.cmpi ne, %convert_element_type3A_242, %cond3A_243 : i32
    scf.if %cond3A_244 {
      "tpu.region"() ({
        %run_scoped3A_256 = tpu.sem_alloc : memref<!tpu.dma_semaphore, #tpu.memory_space<semaphore_mem>>
        %dma_start3A = arith.constant 0 : i32
        %dma_start3A_257 = tpu.memref_slice %arg9[%arg0, %dma_start3A] : memref<2x164096xi32, #tpu.memory_space<hbm>> -> memref<1x164096xi32, #tpu.memory_space<hbm>>
        %dma_start3A_258 = tpu.memref_squeeze %dma_start3A_257 : memref<1x164096xi32, #tpu.memory_space<hbm>> -> memref<164096xi32, #tpu.memory_space<hbm>>
        tpu.enqueue_dma source(%arg22 : memref<164096xi32, #tpu.memory_space<vmem_shared>>) target(%dma_start3A_258 : memref<164096xi32, #tpu.memory_space<hbm>>) target_semaphore(%run_scoped3A_256 : memref<!tpu.dma_semaphore, #tpu.memory_space<semaphore_mem>>)
        %dma_wait3A = arith.constant 0 : i32
        %dma_wait3A_259 = tpu.memref_slice %arg9[%arg0, %dma_wait3A] : memref<2x164096xi32, #tpu.memory_space<hbm>> -> memref<1x164096xi32, #tpu.memory_space<hbm>>
        %dma_wait3A_260 = tpu.memref_squeeze %dma_wait3A_259 : memref<1x164096xi32, #tpu.memory_space<hbm>> -> memref<164096xi32, #tpu.memory_space<hbm>>
        tpu.wait_dma2 semaphore(%run_scoped3A_256 : memref<!tpu.dma_semaphore, #tpu.memory_space<semaphore_mem>>) src(%arg22 : memref<164096xi32, #tpu.memory_space<vmem_shared>>) dst(%dma_wait3A_260 : memref<164096xi32, #tpu.memory_space<hbm>>)
        tpu.yield
      }) : () -> ()
    } else {
    }
    %scan3A_245 = arith.constant 0 : i32
    %scan3A_246 = arith.constant 100 : i32
    %scan3A_247 = arith.addi %scan3A_245, %scan3A_246 : i32
    %scan3A_248 = arith.constant 1 : i32
    scf.for %scan3A_256 = %scan3A_245 to %scan3A_247 step %scan3A_248  : i32 {
      %mul3A_257 = arith.constant 1 : i32
      %mul3A_258 = arith.muli %scan3A_256, %mul3A_257 : i32
      %add3A_259 = arith.constant 0 : i32
      %add3A_260 = arith.addi %add3A_259, %mul3A_258 : i32
      "tpu.region"() ({
        %run_scoped3A_261 = tpu.sem_alloc : memref<!tpu.dma_semaphore, #tpu.memory_space<semaphore_mem>>
        %dma_start3A = arith.constant 0 : i32
        %dma_start3A_262 = tpu.memref_slice %arg18[%dma_start3A] : memref<112xf32, #tpu.memory_space<vmem>> -> memref<100xf32, #tpu.memory_space<vmem>>
        %dma_start3A_263 = arith.constant 0 : i32
        %dma_start3A_264 = tpu.memref_slice %arg10[%add3A_260, %dma_start3A_263] : memref<100x100xi32, #tpu.memory_space<vmem>> -> memref<1x100xi32, #tpu.memory_space<vmem>>
        %dma_start3A_265 = tpu.memref_squeeze %dma_start3A_264 : memref<1x100xi32, #tpu.memory_space<vmem>> -> memref<100xi32, #tpu.memory_space<vmem>>
        %dma_start3A_266 = arith.constant 0 : i32
        %dma_start3A_267 = tpu.memref_slice %arg20[%dma_start3A_266] : memref<10000xf32, #tpu.memory_space<vmem_shared>> -> memref<10000xf32, #tpu.memory_space<vmem_shared>>
        tpu.enqueue_indirect_dma source(%dma_start3A_262 : memref<100xf32, #tpu.memory_space<vmem>>) target(%dma_start3A_267 : memref<10000xf32, #tpu.memory_space<vmem_shared>>) offsets(%dma_start3A_265 : memref<100xi32, #tpu.memory_space<vmem>>) semaphore(%run_scoped3A_261 : memref<!tpu.dma_semaphore, #tpu.memory_space<semaphore_mem>>) {add = true}
        %dma_wait3A = arith.constant 0 : i32
        %dma_wait3A_268 = tpu.memref_slice %arg18[%dma_wait3A] : memref<112xf32, #tpu.memory_space<vmem>> -> memref<100xf32, #tpu.memory_space<vmem>>
        %dma_wait3A_269 = arith.constant 0 : i32
        %dma_wait3A_270 = tpu.memref_slice %arg10[%add3A_260, %dma_wait3A_269] : memref<100x100xi32, #tpu.memory_space<vmem>> -> memref<1x100xi32, #tpu.memory_space<vmem>>
        %dma_wait3A_271 = tpu.memref_squeeze %dma_wait3A_270 : memref<1x100xi32, #tpu.memory_space<vmem>> -> memref<100xi32, #tpu.memory_space<vmem>>
        %dma_wait3A_272 = arith.constant 0 : i32
        %dma_wait3A_273 = tpu.memref_slice %arg20[%dma_wait3A_272] : memref<10000xf32, #tpu.memory_space<vmem_shared>> -> memref<10000xf32, #tpu.memory_space<vmem_shared>>
        tpu.wait_indirect_dma semaphore(%run_scoped3A_261 : memref<!tpu.dma_semaphore, #tpu.memory_space<semaphore_mem>>) src(%dma_wait3A_268 : memref<100xf32, #tpu.memory_space<vmem>>) dst(%dma_wait3A_273 : memref<10000xf32, #tpu.memory_space<vmem_shared>>)
        tpu.yield
      }) : () -> ()
    }
    %scan3A_249 = arith.constant 100 : i32
    %barrier3A_250 = arith.constant 0 : index
    tpu.barrier barrier_id(%barrier3A_250)
    %eq3A_251 = arith.constant 0 : i32
    %eq3A_252 = arith.cmpi eq, %arg1, %eq3A_251 : i32
    %convert_element_type3A_253 = arith.extui %eq3A_252 : i1 to i32
    %cond3A_254 = arith.constant 0 : i32
    %cond3A_255 = arith.cmpi ne, %convert_element_type3A_253, %cond3A_254 : i32
    scf.if %cond3A_255 {
      "tpu.region"() ({
        %run_scoped3A_256 = tpu.sem_alloc : memref<!tpu.dma_semaphore, #tpu.memory_space<semaphore_mem>>
        %dma_start3A = arith.constant 0 : i32
        %dma_start3A_257 = tpu.memref_slice %arg7[%arg0, %dma_start3A] : memref<2x10000xf32, #tpu.memory_space<hbm>> -> memref<1x10000xf32, #tpu.memory_space<hbm>>
        %dma_start3A_258 = tpu.memref_squeeze %dma_start3A_257 : memref<1x10000xf32, #tpu.memory_space<hbm>> -> memref<10000xf32, #tpu.memory_space<hbm>>
        tpu.enqueue_dma source(%arg20 : memref<10000xf32, #tpu.memory_space<vmem_shared>>) target(%dma_start3A_258 : memref<10000xf32, #tpu.memory_space<hbm>>) target_semaphore(%run_scoped3A_256 : memref<!tpu.dma_semaphore, #tpu.memory_space<semaphore_mem>>)
        %dma_wait3A = arith.constant 0 : i32
        %dma_wait3A_259 = tpu.memref_slice %arg7[%arg0, %dma_wait3A] : memref<2x10000xf32, #tpu.memory_space<hbm>> -> memref<1x10000xf32, #tpu.memory_space<hbm>>
        %dma_wait3A_260 = tpu.memref_squeeze %dma_wait3A_259 : memref<1x10000xf32, #tpu.memory_space<hbm>> -> memref<10000xf32, #tpu.memory_space<hbm>>
        tpu.wait_dma2 semaphore(%run_scoped3A_256 : memref<!tpu.dma_semaphore, #tpu.memory_space<semaphore_mem>>) src(%arg20 : memref<10000xf32, #tpu.memory_space<vmem_shared>>) dst(%dma_wait3A_260 : memref<10000xf32, #tpu.memory_space<hbm>>)
        tpu.yield
      }) : () -> ()
    } else {
    }
    return
  }
}

#map = affine_map<(d0, d1) -> (0, 0)>
#map1 = affine_map<(d0, d1) -> (0, 0, 0, 0)>
#map2 = affine_map<(d0, d1) -> (0, 0, 0)>
module attributes {stable_mosaic.version = 14 : i64} {
  func.func @_edge_kernel(%arg0: i32, %arg1: i32, %arg2: memref<10240x128xf32, #tpu.memory_space<hbm>>, %arg3: memref<2x16x100x100xi32, #tpu.memory_space<hbm>>, %arg4: memref<2x16x100x100xi32, #tpu.memory_space<hbm>>, %arg5: memref<2x10240x128xf32, #tpu.memory_space<hbm>>, %arg6: memref<52x100xi32, #tpu.memory_space<vmem>>, %arg7: memref<52x100xi32, #tpu.memory_space<vmem>>, %arg8: memref<2x100x128xf32, #tpu.memory_space<vmem>>, %arg9: memref<10240x128xf32, #tpu.memory_space<vmem_shared>>, %arg10: memref<!tpu.dma_semaphore, #tpu.memory_space<semaphore_mem>>, %arg11: memref<!tpu.dma_semaphore, #tpu.memory_space<semaphore_mem>>) attributes {dimension_semantics = [#tpu.dimension_semantics<core_parallel>, #tpu.dimension_semantics<subcore_parallel>], iteration_bounds = array<i64: 2, 16>, scalar_prefetch = 0 : i64, scratch_operands = 6 : i64, tpu.core_type = #tpu.core_type<sc_vector_subcore>, window_params = [{transform_indices = #map}, {transform_indices = #map1}, {transform_indices = #map1}, {transform_indices = #map2}]} {
    %broadcast_in_dim3A = arith.constant 0.000000e+00 : f32
    %broadcast_in_dim3A_0 = vector.broadcast %broadcast_in_dim3A : f32 to vector<16xf32>
    %scan3A = arith.constant 0 : i32
    %scan3A_1 = arith.constant 16 : i32
    %scan3A_2 = arith.addi %scan3A, %scan3A_1 : i32
    %scan3A_3 = arith.constant 1 : i32
    scf.for %scan3A_149 = %scan3A to %scan3A_2 step %scan3A_3  : i32 {
      %mul3A = arith.constant 1 : i32
      %mul3A_150 = arith.muli %scan3A_149, %mul3A : i32
      %add3A_151 = arith.constant 0 : i32
      %add3A_152 = arith.addi %add3A_151, %mul3A_150 : i32
      %swap3A = arith.constant 0 : i32
      %swap3A_153 = arith.index_cast %swap3A : i32 to index
      %swap3A_154 = arith.index_cast %add3A_152 : i32 to index
      %swap3A_155 = arith.constant 0 : index
      %swap3A_156 = tpu.vector_load %arg8[%swap3A_153, %swap3A_154, %swap3A_155] {strides = array<i32>} : memref<2x100x128xf32, #tpu.memory_space<vmem>>, vector<1x1x16xf32>,
      %swap3A_157 = vector.shape_cast %swap3A_156 : vector<1x1x16xf32> to vector<16xf32>
      %swap3A_158 = vector.shape_cast %broadcast_in_dim3A_0 : vector<16xf32> to vector<1x1x16xf32>
      tpu.vector_store %arg8[%swap3A_153, %swap3A_154, %swap3A_155], %swap3A_158 {strides = array<i32>} : memref<2x100x128xf32, #tpu.memory_space<vmem>>, vector<1x1x16xf32>,
      %swap3A_159 = arith.constant 0 : i32
      %swap3A_160 = arith.index_cast %swap3A_159 : i32 to index
      %swap3A_161 = arith.index_cast %add3A_152 : i32 to index
      %swap3A_162 = arith.constant 16 : index
      %swap3A_163 = tpu.vector_load %arg8[%swap3A_160, %swap3A_161, %swap3A_162] {strides = array<i32>} : memref<2x100x128xf32, #tpu.memory_space<vmem>>, vector<1x1x16xf32>,
      %swap3A_164 = vector.shape_cast %swap3A_163 : vector<1x1x16xf32> to vector<16xf32>
      %swap3A_165 = vector.shape_cast %broadcast_in_dim3A_0 : vector<16xf32> to vector<1x1x16xf32>
      tpu.vector_store %arg8[%swap3A_160, %swap3A_161, %swap3A_162], %swap3A_165 {strides = array<i32>} : memref<2x100x128xf32, #tpu.memory_space<vmem>>, vector<1x1x16xf32>,
      %swap3A_166 = arith.constant 0 : i32
      %swap3A_167 = arith.index_cast %swap3A_166 : i32 to index
      %swap3A_168 = arith.index_cast %add3A_152 : i32 to index
      %swap3A_169 = arith.constant 32 : index
      %swap3A_170 = tpu.vector_load %arg8[%swap3A_167, %swap3A_168, %swap3A_169] {strides = array<i32>} : memref<2x100x128xf32, #tpu.memory_space<vmem>>, vector<1x1x16xf32>,
      %swap3A_171 = vector.shape_cast %swap3A_170 : vector<1x1x16xf32> to vector<16xf32>
      %swap3A_172 = vector.shape_cast %broadcast_in_dim3A_0 : vector<16xf32> to vector<1x1x16xf32>
      tpu.vector_store %arg8[%swap3A_167, %swap3A_168, %swap3A_169], %swap3A_172 {strides = array<i32>} : memref<2x100x128xf32, #tpu.memory_space<vmem>>, vector<1x1x16xf32>,
      %swap3A_173 = arith.constant 0 : i32
      %swap3A_174 = arith.index_cast %swap3A_173 : i32 to index
      %swap3A_175 = arith.index_cast %add3A_152 : i32 to index
      %swap3A_176 = arith.constant 48 : index
      %swap3A_177 = tpu.vector_load %arg8[%swap3A_174, %swap3A_175, %swap3A_176] {strides = array<i32>} : memref<2x100x128xf32, #tpu.memory_space<vmem>>, vector<1x1x16xf32>,
      %swap3A_178 = vector.shape_cast %swap3A_177 : vector<1x1x16xf32> to vector<16xf32>
      %swap3A_179 = vector.shape_cast %broadcast_in_dim3A_0 : vector<16xf32> to vector<1x1x16xf32>
      tpu.vector_store %arg8[%swap3A_174, %swap3A_175, %swap3A_176], %swap3A_179 {strides = array<i32>} : memref<2x100x128xf32, #tpu.memory_space<vmem>>, vector<1x1x16xf32>,
      %swap3A_180 = arith.constant 0 : i32
      %swap3A_181 = arith.index_cast %swap3A_180 : i32 to index
      %swap3A_182 = arith.index_cast %add3A_152 : i32 to index
      %swap3A_183 = arith.constant 64 : index
      %swap3A_184 = tpu.vector_load %arg8[%swap3A_181, %swap3A_182, %swap3A_183] {strides = array<i32>} : memref<2x100x128xf32, #tpu.memory_space<vmem>>, vector<1x1x16xf32>,
      %swap3A_185 = vector.shape_cast %swap3A_184 : vector<1x1x16xf32> to vector<16xf32>
      %swap3A_186 = vector.shape_cast %broadcast_in_dim3A_0 : vector<16xf32> to vector<1x1x16xf32>
      tpu.vector_store %arg8[%swap3A_181, %swap3A_182, %swap3A_183], %swap3A_186 {strides = array<i32>} : memref<2x100x128xf32, #tpu.memory_space<vmem>>, vector<1x1x16xf32>,
      %swap3A_187 = arith.constant 0 : i32
      %swap3A_188 = arith.index_cast %swap3A_187 : i32 to index
      %swap3A_189 = arith.index_cast %add3A_152 : i32 to index
      %swap3A_190 = arith.constant 80 : index
      %swap3A_191 = tpu.vector_load %arg8[%swap3A_188, %swap3A_189, %swap3A_190] {strides = array<i32>} : memref<2x100x128xf32, #tpu.memory_space<vmem>>, vector<1x1x16xf32>,
      %swap3A_192 = vector.shape_cast %swap3A_191 : vector<1x1x16xf32> to vector<16xf32>
      %swap3A_193 = vector.shape_cast %broadcast_in_dim3A_0 : vector<16xf32> to vector<1x1x16xf32>
      tpu.vector_store %arg8[%swap3A_188, %swap3A_189, %swap3A_190], %swap3A_193 {strides = array<i32>} : memref<2x100x128xf32, #tpu.memory_space<vmem>>, vector<1x1x16xf32>,
      %swap3A_194 = arith.constant 0 : i32
      %swap3A_195 = arith.index_cast %swap3A_194 : i32 to index
      %swap3A_196 = arith.index_cast %add3A_152 : i32 to index
      %swap3A_197 = arith.constant 96 : index
      %swap3A_198 = tpu.vector_load %arg8[%swap3A_195, %swap3A_196, %swap3A_197] {strides = array<i32>} : memref<2x100x128xf32, #tpu.memory_space<vmem>>, vector<1x1x16xf32>,
      %swap3A_199 = vector.shape_cast %swap3A_198 : vector<1x1x16xf32> to vector<16xf32>
      %swap3A_200 = vector.shape_cast %broadcast_in_dim3A_0 : vector<16xf32> to vector<1x1x16xf32>
      tpu.vector_store %arg8[%swap3A_195, %swap3A_196, %swap3A_197], %swap3A_200 {strides = array<i32>} : memref<2x100x128xf32, #tpu.memory_space<vmem>>, vector<1x1x16xf32>,
      %swap3A_201 = arith.constant 0 : i32
      %swap3A_202 = arith.index_cast %swap3A_201 : i32 to index
      %swap3A_203 = arith.index_cast %add3A_152 : i32 to index
      %swap3A_204 = arith.constant 112 : index
      %swap3A_205 = tpu.vector_load %arg8[%swap3A_202, %swap3A_203, %swap3A_204] {strides = array<i32>} : memref<2x100x128xf32, #tpu.memory_space<vmem>>, vector<1x1x16xf32>,
      %swap3A_206 = vector.shape_cast %swap3A_205 : vector<1x1x16xf32> to vector<16xf32>
      %swap3A_207 = vector.shape_cast %broadcast_in_dim3A_0 : vector<16xf32> to vector<1x1x16xf32>
      tpu.vector_store %arg8[%swap3A_202, %swap3A_203, %swap3A_204], %swap3A_207 {strides = array<i32>} : memref<2x100x128xf32, #tpu.memory_space<vmem>>, vector<1x1x16xf32>,
    }
    %scan3A_4 = arith.constant 16 : i32
    %sub3A = arith.constant 640 : i32
    %sub3A_5 = arith.subi %sub3A, %arg1 : i32
    %sub3A_6 = arith.constant 16 : i32
    %sub3A_7 = arith.constant 1 : i32
    %sub3A_8 = arith.subi %sub3A_6, %sub3A_7 : i32
    %add3A = arith.addi %sub3A_5, %sub3A_8 : i32
    %div3A = arith.constant 16 : i32
    %div3A_9 = arith.divsi %add3A, %div3A : i32
    %while3A = arith.constant 16 : i32
    %while3A_10 = arith.constant 0 : i32
    %while3A_11 = arith.subi %div3A_9, %while3A_10 : i32
    %while3A_12 = arith.addi %while3A_10, %while3A_11 : i32
    %while3A_13 = arith.constant 1 : i32
    %while3A_14 = arith.divsi %while3A_11, %while3A_13 : i32
    %while3A_15 = arith.muli %while3A_14, %while3A_13 : i32
    %while3A_16 = arith.addi %while3A_10, %while3A_15 : i32
    %while3A_17 = arith.constant 1 : i32
    scf.for %while3A_149 = %while3A_10 to %while3A_16 step %while3A_17  : i32 {
      %mul3A = arith.muli %while3A_149, %while3A : i32
      %add3A_150 = arith.addi %arg1, %mul3A : i32
      %mul3A_151 = arith.constant 16 : i32
      %mul3A_152 = arith.muli %add3A_150, %mul3A_151 : i32
      %run_scoped3A_153 = arith.constant 0 : i32
      "tpu.region"() ({
        %run_scoped3A_154 = tpu.sem_alloc : memref<!tpu.dma_semaphore, #tpu.memory_space<semaphore_mem>>
        %dma_start3A_155 = arith.constant 0 : i32
        %dma_start3A_156 = arith.constant 0 : i32
        %dma_start3A_157 = tpu.memref_slice %arg8[%run_scoped3A_153, %dma_start3A_155, %dma_start3A_156] : memref<2x100x128xf32, #tpu.memory_space<vmem>> -> memref<1x16x128xf32, #tpu.memory_space<vmem>>
        %dma_start3A_158 = tpu.memref_squeeze %dma_start3A_157 : memref<1x16x128xf32, #tpu.memory_space<vmem>> -> memref<16x128xf32, #tpu.memory_space<vmem>>
        %dma_start3A_159 = arith.constant 0 : i32
        %dma_start3A_160 = tpu.memref_slice %arg9[%mul3A_152, %dma_start3A_159] : memref<10240x128xf32, #tpu.memory_space<vmem_shared>> -> memref<16x128xf32, #tpu.memory_space<vmem_shared>>
        %dma_start3A_161 = arith.constant 0 : i32
        %dma_start3A_162 = tpu.memref_slice %arg9[%mul3A_152, %dma_start3A_161] : memref<10240x128xf32, #tpu.memory_space<vmem_shared>> -> memref<16x128xf32, #tpu.memory_space<vmem_shared>>
        %dma_start3A_163 = arith.constant 0 : i32
        %dma_start3A_164 = arith.constant 0 : i32
        %dma_start3A_165 = tpu.memref_slice %arg8[%run_scoped3A_153, %dma_start3A_163, %dma_start3A_164] : memref<2x100x128xf32, #tpu.memory_space<vmem>> -> memref<1x16x128xf32, #tpu.memory_space<vmem>>
        %dma_start3A_166 = tpu.memref_squeeze %dma_start3A_165 : memref<1x16x128xf32, #tpu.memory_space<vmem>> -> memref<16x128xf32, #tpu.memory_space<vmem>>
        tpu.enqueue_dma source(%dma_start3A_166 : memref<16x128xf32, #tpu.memory_space<vmem>>) target(%dma_start3A_162 : memref<16x128xf32, #tpu.memory_space<vmem_shared>>) target_semaphore(%run_scoped3A_154 : memref<!tpu.dma_semaphore, #tpu.memory_space<semaphore_mem>>)
        %dma_wait3A_167 = arith.constant 0 : i32
        %dma_wait3A_168 = arith.constant 0 : i32
        %dma_wait3A_169 = tpu.memref_slice %arg8[%run_scoped3A_153, %dma_wait3A_167, %dma_wait3A_168] : memref<2x100x128xf32, #tpu.memory_space<vmem>> -> memref<1x16x128xf32, #tpu.memory_space<vmem>>
        %dma_wait3A_170 = tpu.memref_squeeze %dma_wait3A_169 : memref<1x16x128xf32, #tpu.memory_space<vmem>> -> memref<16x128xf32, #tpu.memory_space<vmem>>
        %dma_wait3A_171 = arith.constant 0 : i32
        %dma_wait3A_172 = tpu.memref_slice %arg9[%mul3A_152, %dma_wait3A_171] : memref<10240x128xf32, #tpu.memory_space<vmem_shared>> -> memref<16x128xf32, #tpu.memory_space<vmem_shared>>
        %dma_wait3A_173 = arith.constant 0 : i32
        %dma_wait3A_174 = tpu.memref_slice %arg9[%mul3A_152, %dma_wait3A_173] : memref<10240x128xf32, #tpu.memory_space<vmem_shared>> -> memref<16x128xf32, #tpu.memory_space<vmem_shared>>
        %dma_wait3A_175 = arith.constant 0 : i32
        %dma_wait3A_176 = arith.constant 0 : i32
        %dma_wait3A_177 = tpu.memref_slice %arg8[%run_scoped3A_153, %dma_wait3A_175, %dma_wait3A_176] : memref<2x100x128xf32, #tpu.memory_space<vmem>> -> memref<1x16x128xf32, #tpu.memory_space<vmem>>
        %dma_wait3A_178 = tpu.memref_squeeze %dma_wait3A_177 : memref<1x16x128xf32, #tpu.memory_space<vmem>> -> memref<16x128xf32, #tpu.memory_space<vmem>>
        tpu.wait_dma2 semaphore(%run_scoped3A_154 : memref<!tpu.dma_semaphore, #tpu.memory_space<semaphore_mem>>) src(%dma_wait3A_178 : memref<16x128xf32, #tpu.memory_space<vmem>>) dst(%dma_wait3A_174 : memref<16x128xf32, #tpu.memory_space<vmem_shared>>)
        tpu.yield
      }) : () -> ()
    }
    %while3A_18 = arith.constant 1 : i32
    scf.for %while3A_149 = %while3A_16 to %while3A_12 step %while3A_18  : i32 {
      %mul3A = arith.muli %while3A_149, %while3A : i32
      %add3A_150 = arith.addi %arg1, %mul3A : i32
      %mul3A_151 = arith.constant 16 : i32
      %mul3A_152 = arith.muli %add3A_150, %mul3A_151 : i32
      %run_scoped3A_153 = arith.constant 0 : i32
      "tpu.region"() ({
        %run_scoped3A_154 = tpu.sem_alloc : memref<!tpu.dma_semaphore, #tpu.memory_space<semaphore_mem>>
        %dma_start3A_155 = arith.constant 0 : i32
        %dma_start3A_156 = arith.constant 0 : i32
        %dma_start3A_157 = tpu.memref_slice %arg8[%run_scoped3A_153, %dma_start3A_155, %dma_start3A_156] : memref<2x100x128xf32, #tpu.memory_space<vmem>> -> memref<1x16x128xf32, #tpu.memory_space<vmem>>
        %dma_start3A_158 = tpu.memref_squeeze %dma_start3A_157 : memref<1x16x128xf32, #tpu.memory_space<vmem>> -> memref<16x128xf32, #tpu.memory_space<vmem>>
        %dma_start3A_159 = arith.constant 0 : i32
        %dma_start3A_160 = tpu.memref_slice %arg9[%mul3A_152, %dma_start3A_159] : memref<10240x128xf32, #tpu.memory_space<vmem_shared>> -> memref<16x128xf32, #tpu.memory_space<vmem_shared>>
        %dma_start3A_161 = arith.constant 0 : i32
        %dma_start3A_162 = tpu.memref_slice %arg9[%mul3A_152, %dma_start3A_161] : memref<10240x128xf32, #tpu.memory_space<vmem_shared>> -> memref<16x128xf32, #tpu.memory_space<vmem_shared>>
        %dma_start3A_163 = arith.constant 0 : i32
        %dma_start3A_164 = arith.constant 0 : i32
        %dma_start3A_165 = tpu.memref_slice %arg8[%run_scoped3A_153, %dma_start3A_163, %dma_start3A_164] : memref<2x100x128xf32, #tpu.memory_space<vmem>> -> memref<1x16x128xf32, #tpu.memory_space<vmem>>
        %dma_start3A_166 = tpu.memref_squeeze %dma_start3A_165 : memref<1x16x128xf32, #tpu.memory_space<vmem>> -> memref<16x128xf32, #tpu.memory_space<vmem>>
        tpu.enqueue_dma source(%dma_start3A_166 : memref<16x128xf32, #tpu.memory_space<vmem>>) target(%dma_start3A_162 : memref<16x128xf32, #tpu.memory_space<vmem_shared>>) target_semaphore(%run_scoped3A_154 : memref<!tpu.dma_semaphore, #tpu.memory_space<semaphore_mem>>)
        %dma_wait3A_167 = arith.constant 0 : i32
        %dma_wait3A_168 = arith.constant 0 : i32
        %dma_wait3A_169 = tpu.memref_slice %arg8[%run_scoped3A_153, %dma_wait3A_167, %dma_wait3A_168] : memref<2x100x128xf32, #tpu.memory_space<vmem>> -> memref<1x16x128xf32, #tpu.memory_space<vmem>>
        %dma_wait3A_170 = tpu.memref_squeeze %dma_wait3A_169 : memref<1x16x128xf32, #tpu.memory_space<vmem>> -> memref<16x128xf32, #tpu.memory_space<vmem>>
        %dma_wait3A_171 = arith.constant 0 : i32
        %dma_wait3A_172 = tpu.memref_slice %arg9[%mul3A_152, %dma_wait3A_171] : memref<10240x128xf32, #tpu.memory_space<vmem_shared>> -> memref<16x128xf32, #tpu.memory_space<vmem_shared>>
        %dma_wait3A_173 = arith.constant 0 : i32
        %dma_wait3A_174 = tpu.memref_slice %arg9[%mul3A_152, %dma_wait3A_173] : memref<10240x128xf32, #tpu.memory_space<vmem_shared>> -> memref<16x128xf32, #tpu.memory_space<vmem_shared>>
        %dma_wait3A_175 = arith.constant 0 : i32
        %dma_wait3A_176 = arith.constant 0 : i32
        %dma_wait3A_177 = tpu.memref_slice %arg8[%run_scoped3A_153, %dma_wait3A_175, %dma_wait3A_176] : memref<2x100x128xf32, #tpu.memory_space<vmem>> -> memref<1x16x128xf32, #tpu.memory_space<vmem>>
        %dma_wait3A_178 = tpu.memref_squeeze %dma_wait3A_177 : memref<1x16x128xf32, #tpu.memory_space<vmem>> -> memref<16x128xf32, #tpu.memory_space<vmem>>
        tpu.wait_dma2 semaphore(%run_scoped3A_154 : memref<!tpu.dma_semaphore, #tpu.memory_space<semaphore_mem>>) src(%dma_wait3A_178 : memref<16x128xf32, #tpu.memory_space<vmem>>) dst(%dma_wait3A_174 : memref<16x128xf32, #tpu.memory_space<vmem_shared>>)
        tpu.yield
      }) : () -> ()
    }
    %barrier3A = arith.constant 0 : index
    tpu.barrier barrier_id(%barrier3A)
    "tpu.region"() ({
      %run_scoped3A_149 = tpu.sem_alloc : memref<!tpu.dma_semaphore, #tpu.memory_space<semaphore_mem>>
      %dma_start3A_150 = arith.constant 0 : i32
      %dma_start3A_151 = arith.constant 0 : i32
      %dma_start3A_152 = tpu.memref_slice %arg6[%dma_start3A_150, %dma_start3A_151] : memref<52x100xi32, #tpu.memory_space<vmem>> -> memref<48x100xi32, #tpu.memory_space<vmem>>
      %dma_start3A_153 = arith.constant 0 : i32
      %dma_start3A_154 = arith.constant 0 : i32
      %dma_start3A_155 = tpu.memref_slice %arg3[%arg0, %arg1, %dma_start3A_153, %dma_start3A_154] : memref<2x16x100x100xi32, #tpu.memory_space<hbm>> -> memref<1x1x48x100xi32, #tpu.memory_space<hbm>>
      %dma_start3A_156 = tpu.memref_squeeze %dma_start3A_155 : memref<1x1x48x100xi32, #tpu.memory_space<hbm>> -> memref<48x100xi32, #tpu.memory_space<hbm>>
      %dma_start3A_157 = arith.constant 0 : i32
      %dma_start3A_158 = arith.constant 0 : i32
      %dma_start3A_159 = tpu.memref_slice %arg6[%dma_start3A_157, %dma_start3A_158] : memref<52x100xi32, #tpu.memory_space<vmem>> -> memref<48x100xi32, #tpu.memory_space<vmem>>
      %dma_start3A_160 = arith.constant 0 : i32
      %dma_start3A_161 = arith.constant 0 : i32
      %dma_start3A_162 = tpu.memref_slice %arg3[%arg0, %arg1, %dma_start3A_160, %dma_start3A_161] : memref<2x16x100x100xi32, #tpu.memory_space<hbm>> -> memref<1x1x48x100xi32, #tpu.memory_space<hbm>>
      %dma_start3A_163 = tpu.memref_squeeze %dma_start3A_162 : memref<1x1x48x100xi32, #tpu.memory_space<hbm>> -> memref<48x100xi32, #tpu.memory_space<hbm>>
      tpu.enqueue_dma source(%dma_start3A_163 : memref<48x100xi32, #tpu.memory_space<hbm>>) target(%dma_start3A_159 : memref<48x100xi32, #tpu.memory_space<vmem>>) target_semaphore(%run_scoped3A_149 : memref<!tpu.dma_semaphore, #tpu.memory_space<semaphore_mem>>)
      %dma_wait3A_164 = arith.constant 0 : i32
      %dma_wait3A_165 = arith.constant 0 : i32
      %dma_wait3A_166 = tpu.memref_slice %arg6[%dma_wait3A_164, %dma_wait3A_165] : memref<52x100xi32, #tpu.memory_space<vmem>> -> memref<48x100xi32, #tpu.memory_space<vmem>>
      %dma_wait3A_167 = arith.constant 0 : i32
      %dma_wait3A_168 = arith.constant 0 : i32
      %dma_wait3A_169 = tpu.memref_slice %arg3[%arg0, %arg1, %dma_wait3A_167, %dma_wait3A_168] : memref<2x16x100x100xi32, #tpu.memory_space<hbm>> -> memref<1x1x48x100xi32, #tpu.memory_space<hbm>>
      %dma_wait3A_170 = tpu.memref_squeeze %dma_wait3A_169 : memref<1x1x48x100xi32, #tpu.memory_space<hbm>> -> memref<48x100xi32, #tpu.memory_space<hbm>>
      %dma_wait3A_171 = arith.constant 0 : i32
      %dma_wait3A_172 = arith.constant 0 : i32
      %dma_wait3A_173 = tpu.memref_slice %arg6[%dma_wait3A_171, %dma_wait3A_172] : memref<52x100xi32, #tpu.memory_space<vmem>> -> memref<48x100xi32, #tpu.memory_space<vmem>>
      %dma_wait3A_174 = arith.constant 0 : i32
      %dma_wait3A_175 = arith.constant 0 : i32
      %dma_wait3A_176 = tpu.memref_slice %arg3[%arg0, %arg1, %dma_wait3A_174, %dma_wait3A_175] : memref<2x16x100x100xi32, #tpu.memory_space<hbm>> -> memref<1x1x48x100xi32, #tpu.memory_space<hbm>>
      %dma_wait3A_177 = tpu.memref_squeeze %dma_wait3A_176 : memref<1x1x48x100xi32, #tpu.memory_space<hbm>> -> memref<48x100xi32, #tpu.memory_space<hbm>>
      tpu.wait_dma2 semaphore(%run_scoped3A_149 : memref<!tpu.dma_semaphore, #tpu.memory_space<semaphore_mem>>) src(%dma_wait3A_177 : memref<48x100xi32, #tpu.memory_space<hbm>>) dst(%dma_wait3A_173 : memref<48x100xi32, #tpu.memory_space<vmem>>)
      tpu.yield
    }) : () -> ()
    "tpu.region"() ({
      %run_scoped3A_149 = tpu.sem_alloc : memref<!tpu.dma_semaphore, #tpu.memory_space<semaphore_mem>>
      %dma_start3A_150 = arith.constant 0 : i32
      %dma_start3A_151 = arith.constant 0 : i32
      %dma_start3A_152 = tpu.memref_slice %arg7[%dma_start3A_150, %dma_start3A_151] : memref<52x100xi32, #tpu.memory_space<vmem>> -> memref<48x100xi32, #tpu.memory_space<vmem>>
      %dma_start3A_153 = arith.constant 0 : i32
      %dma_start3A_154 = arith.constant 0 : i32
      %dma_start3A_155 = tpu.memref_slice %arg4[%arg0, %arg1, %dma_start3A_153, %dma_start3A_154] : memref<2x16x100x100xi32, #tpu.memory_space<hbm>> -> memref<1x1x48x100xi32, #tpu.memory_space<hbm>>
      %dma_start3A_156 = tpu.memref_squeeze %dma_start3A_155 : memref<1x1x48x100xi32, #tpu.memory_space<hbm>> -> memref<48x100xi32, #tpu.memory_space<hbm>>
      %dma_start3A_157 = arith.constant 0 : i32
      %dma_start3A_158 = arith.constant 0 : i32
      %dma_start3A_159 = tpu.memref_slice %arg7[%dma_start3A_157, %dma_start3A_158] : memref<52x100xi32, #tpu.memory_space<vmem>> -> memref<48x100xi32, #tpu.memory_space<vmem>>
      %dma_start3A_160 = arith.constant 0 : i32
      %dma_start3A_161 = arith.constant 0 : i32
      %dma_start3A_162 = tpu.memref_slice %arg4[%arg0, %arg1, %dma_start3A_160, %dma_start3A_161] : memref<2x16x100x100xi32, #tpu.memory_space<hbm>> -> memref<1x1x48x100xi32, #tpu.memory_space<hbm>>
      %dma_start3A_163 = tpu.memref_squeeze %dma_start3A_162 : memref<1x1x48x100xi32, #tpu.memory_space<hbm>> -> memref<48x100xi32, #tpu.memory_space<hbm>>
      tpu.enqueue_dma source(%dma_start3A_163 : memref<48x100xi32, #tpu.memory_space<hbm>>) target(%dma_start3A_159 : memref<48x100xi32, #tpu.memory_space<vmem>>) target_semaphore(%run_scoped3A_149 : memref<!tpu.dma_semaphore, #tpu.memory_space<semaphore_mem>>)
      %dma_wait3A_164 = arith.constant 0 : i32
      %dma_wait3A_165 = arith.constant 0 : i32
      %dma_wait3A_166 = tpu.memref_slice %arg7[%dma_wait3A_164, %dma_wait3A_165] : memref<52x100xi32, #tpu.memory_space<vmem>> -> memref<48x100xi32, #tpu.memory_space<vmem>>
      %dma_wait3A_167 = arith.constant 0 : i32
      %dma_wait3A_168 = arith.constant 0 : i32
      %dma_wait3A_169 = tpu.memref_slice %arg4[%arg0, %arg1, %dma_wait3A_167, %dma_wait3A_168] : memref<2x16x100x100xi32, #tpu.memory_space<hbm>> -> memref<1x1x48x100xi32, #tpu.memory_space<hbm>>
      %dma_wait3A_170 = tpu.memref_squeeze %dma_wait3A_169 : memref<1x1x48x100xi32, #tpu.memory_space<hbm>> -> memref<48x100xi32, #tpu.memory_space<hbm>>
      %dma_wait3A_171 = arith.constant 0 : i32
      %dma_wait3A_172 = arith.constant 0 : i32
      %dma_wait3A_173 = tpu.memref_slice %arg7[%dma_wait3A_171, %dma_wait3A_172] : memref<52x100xi32, #tpu.memory_space<vmem>> -> memref<48x100xi32, #tpu.memory_space<vmem>>
      %dma_wait3A_174 = arith.constant 0 : i32
      %dma_wait3A_175 = arith.constant 0 : i32
      %dma_wait3A_176 = tpu.memref_slice %arg4[%arg0, %arg1, %dma_wait3A_174, %dma_wait3A_175] : memref<2x16x100x100xi32, #tpu.memory_space<hbm>> -> memref<1x1x48x100xi32, #tpu.memory_space<hbm>>
      %dma_wait3A_177 = tpu.memref_squeeze %dma_wait3A_176 : memref<1x1x48x100xi32, #tpu.memory_space<hbm>> -> memref<48x100xi32, #tpu.memory_space<hbm>>
      tpu.wait_dma2 semaphore(%run_scoped3A_149 : memref<!tpu.dma_semaphore, #tpu.memory_space<semaphore_mem>>) src(%dma_wait3A_177 : memref<48x100xi32, #tpu.memory_space<hbm>>) dst(%dma_wait3A_173 : memref<48x100xi32, #tpu.memory_space<vmem>>)
      tpu.yield
    }) : () -> ()
    %dma_start3A = arith.constant 0 : i32
    %dma_start3A_19 = arith.constant 0 : i32
    %dma_start3A_20 = arith.constant 0 : i32
    %dma_start3A_21 = arith.constant 0 : i32
    %dma_start3A_22 = tpu.memref_slice %arg8[%dma_start3A_19, %dma_start3A_20, %dma_start3A_21] : memref<2x100x128xf32, #tpu.memory_space<vmem>> -> memref<1x100x128xf32, #tpu.memory_space<vmem>>
    %dma_start3A_23 = tpu.memref_squeeze %dma_start3A_22 : memref<1x100x128xf32, #tpu.memory_space<vmem>> -> memref<100x128xf32, #tpu.memory_space<vmem>>
    %dma_start3A_24 = arith.constant 0 : i32
    %dma_start3A_25 = tpu.memref_slice %arg6[%dma_start3A, %dma_start3A_24] : memref<52x100xi32, #tpu.memory_space<vmem>> -> memref<1x100xi32, #tpu.memory_space<vmem>>
    %dma_start3A_26 = tpu.memref_squeeze %dma_start3A_25 : memref<1x100xi32, #tpu.memory_space<vmem>> -> memref<100xi32, #tpu.memory_space<vmem>>
    %dma_start3A_27 = arith.constant 0 : i32
    %dma_start3A_28 = arith.constant 0 : i32
    %dma_start3A_29 = tpu.memref_slice %arg2[%dma_start3A_27, %dma_start3A_28] : memref<10240x128xf32, #tpu.memory_space<hbm>> -> memref<10240x128xf32, #tpu.memory_space<hbm>>
    tpu.enqueue_indirect_dma source(%dma_start3A_29 : memref<10240x128xf32, #tpu.memory_space<hbm>>) target(%dma_start3A_23 : memref<100x128xf32, #tpu.memory_space<vmem>>) offsets(%dma_start3A_26 : memref<100xi32, #tpu.memory_space<vmem>>) semaphore(%arg10 : memref<!tpu.dma_semaphore, #tpu.memory_space<semaphore_mem>>)
    %dma_start3A_30 = arith.constant 1 : i32
    %dma_start3A_31 = arith.constant 1 : i32
    %dma_start3A_32 = arith.constant 0 : i32
    %dma_start3A_33 = arith.constant 0 : i32
    %dma_start3A_34 = tpu.memref_slice %arg8[%dma_start3A_31, %dma_start3A_32, %dma_start3A_33] : memref<2x100x128xf32, #tpu.memory_space<vmem>> -> memref<1x100x128xf32, #tpu.memory_space<vmem>>
    %dma_start3A_35 = tpu.memref_squeeze %dma_start3A_34 : memref<1x100x128xf32, #tpu.memory_space<vmem>> -> memref<100x128xf32, #tpu.memory_space<vmem>>
    %dma_start3A_36 = arith.constant 0 : i32
    %dma_start3A_37 = tpu.memref_slice %arg6[%dma_start3A_30, %dma_start3A_36] : memref<52x100xi32, #tpu.memory_space<vmem>> -> memref<1x100xi32, #tpu.memory_space<vmem>>
    %dma_start3A_38 = tpu.memref_squeeze %dma_start3A_37 : memref<1x100xi32, #tpu.memory_space<vmem>> -> memref<100xi32, #tpu.memory_space<vmem>>
    %dma_start3A_39 = arith.constant 0 : i32
    %dma_start3A_40 = arith.constant 0 : i32
    %dma_start3A_41 = tpu.memref_slice %arg2[%dma_start3A_39, %dma_start3A_40] : memref<10240x128xf32, #tpu.memory_space<hbm>> -> memref<10240x128xf32, #tpu.memory_space<hbm>>
    tpu.enqueue_indirect_dma source(%dma_start3A_41 : memref<10240x128xf32, #tpu.memory_space<hbm>>) target(%dma_start3A_35 : memref<100x128xf32, #tpu.memory_space<vmem>>) offsets(%dma_start3A_38 : memref<100xi32, #tpu.memory_space<vmem>>) semaphore(%arg11 : memref<!tpu.dma_semaphore, #tpu.memory_space<semaphore_mem>>)
    %scan3A_42 = arith.constant 0 : i32
    %scan3A_43 = arith.constant 23 : i32
    %scan3A_44 = arith.addi %scan3A_42, %scan3A_43 : i32
    %scan3A_45 = arith.constant 1 : i32
    scf.for %scan3A_149 = %scan3A_42 to %scan3A_44 step %scan3A_45  : i32 {
      %mul3A = arith.constant 2 : i32
      %mul3A_150 = arith.muli %scan3A_149, %mul3A : i32
      %add3A_151 = arith.constant 0 : i32
      %add3A_152 = arith.addi %add3A_151, %mul3A_150 : i32
      %dma_wait3A_153 = arith.constant 0 : i32
      %dma_wait3A_154 = arith.constant 0 : i32
      %dma_wait3A_155 = arith.constant 0 : i32
      %dma_wait3A_156 = arith.constant 0 : i32
      %dma_wait3A_157 = tpu.memref_slice %arg8[%dma_wait3A_154, %dma_wait3A_155, %dma_wait3A_156] : memref<2x100x128xf32, #tpu.memory_space<vmem>> -> memref<1x100x128xf32, #tpu.memory_space<vmem>>
      %dma_wait3A_158 = tpu.memref_squeeze %dma_wait3A_157 : memref<1x100x128xf32, #tpu.memory_space<vmem>> -> memref<100x128xf32, #tpu.memory_space<vmem>>
      %dma_wait3A_159 = arith.constant 0 : i32
      %dma_wait3A_160 = tpu.memref_slice %arg6[%dma_wait3A_153, %dma_wait3A_159] : memref<52x100xi32, #tpu.memory_space<vmem>> -> memref<1x100xi32, #tpu.memory_space<vmem>>
      %dma_wait3A_161 = tpu.memref_squeeze %dma_wait3A_160 : memref<1x100xi32, #tpu.memory_space<vmem>> -> memref<100xi32, #tpu.memory_space<vmem>>
      %dma_wait3A_162 = arith.constant 0 : i32
      %dma_wait3A_163 = arith.constant 0 : i32
      %dma_wait3A_164 = tpu.memref_slice %arg2[%dma_wait3A_162, %dma_wait3A_163] : memref<10240x128xf32, #tpu.memory_space<hbm>> -> memref<10240x128xf32, #tpu.memory_space<hbm>>
      tpu.wait_indirect_dma semaphore(%arg10 : memref<!tpu.dma_semaphore, #tpu.memory_space<semaphore_mem>>) src(%dma_wait3A_164 : memref<10240x128xf32, #tpu.memory_space<hbm>>) dst(%dma_wait3A_158 : memref<100x128xf32, #tpu.memory_space<vmem>>)
      %add3A_165 = arith.constant 0 : i32
      %add3A_166 = arith.addi %add3A_152, %add3A_165 : i32
      %run_scoped3A_167 = arith.constant 0 : i32
      "tpu.region"() ({
        %run_scoped3A_213 = tpu.sem_alloc : memref<!tpu.dma_semaphore, #tpu.memory_space<semaphore_mem>>
        %dma_start3A_214 = arith.constant 0 : i32
        %dma_start3A_215 = arith.constant 0 : i32
        %dma_start3A_216 = tpu.memref_slice %arg8[%run_scoped3A_167, %dma_start3A_214, %dma_start3A_215] : memref<2x100x128xf32, #tpu.memory_space<vmem>> -> memref<1x100x128xf32, #tpu.memory_space<vmem>>
        %dma_start3A_217 = tpu.memref_squeeze %dma_start3A_216 : memref<1x100x128xf32, #tpu.memory_space<vmem>> -> memref<100x128xf32, #tpu.memory_space<vmem>>
        %dma_start3A_218 = arith.constant 0 : i32
        %dma_start3A_219 = tpu.memref_slice %arg7[%add3A_166, %dma_start3A_218] : memref<52x100xi32, #tpu.memory_space<vmem>> -> memref<1x100xi32, #tpu.memory_space<vmem>>
        %dma_start3A_220 = tpu.memref_squeeze %dma_start3A_219 : memref<1x100xi32, #tpu.memory_space<vmem>> -> memref<100xi32, #tpu.memory_space<vmem>>
        %dma_start3A_221 = arith.constant 0 : i32
        %dma_start3A_222 = arith.constant 0 : i32
        %dma_start3A_223 = tpu.memref_slice %arg9[%dma_start3A_221, %dma_start3A_222] : memref<10240x128xf32, #tpu.memory_space<vmem_shared>> -> memref<10240x128xf32, #tpu.memory_space<vmem_shared>>
        tpu.enqueue_indirect_dma source(%dma_start3A_217 : memref<100x128xf32, #tpu.memory_space<vmem>>) target(%dma_start3A_223 : memref<10240x128xf32, #tpu.memory_space<vmem_shared>>) offsets(%dma_start3A_220 : memref<100xi32, #tpu.memory_space<vmem>>) semaphore(%run_scoped3A_213 : memref<!tpu.dma_semaphore, #tpu.memory_space<semaphore_mem>>) {add = true}
        %dma_wait3A_224 = arith.constant 0 : i32
        %dma_wait3A_225 = arith.constant 0 : i32
        %dma_wait3A_226 = tpu.memref_slice %arg8[%run_scoped3A_167, %dma_wait3A_224, %dma_wait3A_225] : memref<2x100x128xf32, #tpu.memory_space<vmem>> -> memref<1x100x128xf32, #tpu.memory_space<vmem>>
        %dma_wait3A_227 = tpu.memref_squeeze %dma_wait3A_226 : memref<1x100x128xf32, #tpu.memory_space<vmem>> -> memref<100x128xf32, #tpu.memory_space<vmem>>
        %dma_wait3A_228 = arith.constant 0 : i32
        %dma_wait3A_229 = tpu.memref_slice %arg7[%add3A_166, %dma_wait3A_228] : memref<52x100xi32, #tpu.memory_space<vmem>> -> memref<1x100xi32, #tpu.memory_space<vmem>>
        %dma_wait3A_230 = tpu.memref_squeeze %dma_wait3A_229 : memref<1x100xi32, #tpu.memory_space<vmem>> -> memref<100xi32, #tpu.memory_space<vmem>>
        %dma_wait3A_231 = arith.constant 0 : i32
        %dma_wait3A_232 = arith.constant 0 : i32
        %dma_wait3A_233 = tpu.memref_slice %arg9[%dma_wait3A_231, %dma_wait3A_232] : memref<10240x128xf32, #tpu.memory_space<vmem_shared>> -> memref<10240x128xf32, #tpu.memory_space<vmem_shared>>
        tpu.wait_indirect_dma semaphore(%run_scoped3A_213 : memref<!tpu.dma_semaphore, #tpu.memory_space<semaphore_mem>>) src(%dma_wait3A_227 : memref<100x128xf32, #tpu.memory_space<vmem>>) dst(%dma_wait3A_233 : memref<10240x128xf32, #tpu.memory_space<vmem_shared>>)
        tpu.yield
      }) : () -> ()
      %add3A_168 = arith.constant 0 : i32
      %add3A_169 = arith.addi %add3A_152, %add3A_168 : i32
      %add3A_170 = arith.constant 2 : i32
      %add3A_171 = arith.addi %add3A_169, %add3A_170 : i32
      %dma_start3A_172 = arith.constant 0 : i32
      %dma_start3A_173 = arith.constant 0 : i32
      %dma_start3A_174 = arith.constant 0 : i32
      %dma_start3A_175 = tpu.memref_slice %arg8[%dma_start3A_172, %dma_start3A_173, %dma_start3A_174] : memref<2x100x128xf32, #tpu.memory_space<vmem>> -> memref<1x100x128xf32, #tpu.memory_space<vmem>>
      %dma_start3A_176 = tpu.memref_squeeze %dma_start3A_175 : memref<1x100x128xf32, #tpu.memory_space<vmem>> -> memref<100x128xf32, #tpu.memory_space<vmem>>
      %dma_start3A_177 = arith.constant 0 : i32
      %dma_start3A_178 = tpu.memref_slice %arg6[%add3A_171, %dma_start3A_177] : memref<52x100xi32, #tpu.memory_space<vmem>> -> memref<1x100xi32, #tpu.memory_space<vmem>>
      %dma_start3A_179 = tpu.memref_squeeze %dma_start3A_178 : memref<1x100xi32, #tpu.memory_space<vmem>> -> memref<100xi32, #tpu.memory_space<vmem>>
      %dma_start3A_180 = arith.constant 0 : i32
      %dma_start3A_181 = arith.constant 0 : i32
      %dma_start3A_182 = tpu.memref_slice %arg2[%dma_start3A_180, %dma_start3A_181] : memref<10240x128xf32, #tpu.memory_space<hbm>> -> memref<10240x128xf32, #tpu.memory_space<hbm>>
      tpu.enqueue_indirect_dma source(%dma_start3A_182 : memref<10240x128xf32, #tpu.memory_space<hbm>>) target(%dma_start3A_176 : memref<100x128xf32, #tpu.memory_space<vmem>>) offsets(%dma_start3A_179 : memref<100xi32, #tpu.memory_space<vmem>>) semaphore(%arg10 : memref<!tpu.dma_semaphore, #tpu.memory_space<semaphore_mem>>)
      %dma_wait3A_183 = arith.constant 0 : i32
      %dma_wait3A_184 = arith.constant 1 : i32
      %dma_wait3A_185 = arith.constant 0 : i32
      %dma_wait3A_186 = arith.constant 0 : i32
      %dma_wait3A_187 = tpu.memref_slice %arg8[%dma_wait3A_184, %dma_wait3A_185, %dma_wait3A_186] : memref<2x100x128xf32, #tpu.memory_space<vmem>> -> memref<1x100x128xf32, #tpu.memory_space<vmem>>
      %dma_wait3A_188 = tpu.memref_squeeze %dma_wait3A_187 : memref<1x100x128xf32, #tpu.memory_space<vmem>> -> memref<100x128xf32, #tpu.memory_space<vmem>>
      %dma_wait3A_189 = arith.constant 0 : i32
      %dma_wait3A_190 = tpu.memref_slice %arg6[%dma_wait3A_183, %dma_wait3A_189] : memref<52x100xi32, #tpu.memory_space<vmem>> -> memref<1x100xi32, #tpu.memory_space<vmem>>
      %dma_wait3A_191 = tpu.memref_squeeze %dma_wait3A_190 : memref<1x100xi32, #tpu.memory_space<vmem>> -> memref<100xi32, #tpu.memory_space<vmem>>
      %dma_wait3A_192 = arith.constant 0 : i32
      %dma_wait3A_193 = arith.constant 0 : i32
      %dma_wait3A_194 = tpu.memref_slice %arg2[%dma_wait3A_192, %dma_wait3A_193] : memref<10240x128xf32, #tpu.memory_space<hbm>> -> memref<10240x128xf32, #tpu.memory_space<hbm>>
      tpu.wait_indirect_dma semaphore(%arg11 : memref<!tpu.dma_semaphore, #tpu.memory_space<semaphore_mem>>) src(%dma_wait3A_194 : memref<10240x128xf32, #tpu.memory_space<hbm>>) dst(%dma_wait3A_188 : memref<100x128xf32, #tpu.memory_space<vmem>>)
      %add3A_195 = arith.constant 1 : i32
      %add3A_196 = arith.addi %add3A_152, %add3A_195 : i32
      %run_scoped3A_197 = arith.constant 1 : i32
      "tpu.region"() ({
        %run_scoped3A_213 = tpu.sem_alloc : memref<!tpu.dma_semaphore, #tpu.memory_space<semaphore_mem>>
        %dma_start3A_214 = arith.constant 0 : i32
        %dma_start3A_215 = arith.constant 0 : i32
        %dma_start3A_216 = tpu.memref_slice %arg8[%run_scoped3A_197, %dma_start3A_214, %dma_start3A_215] : memref<2x100x128xf32, #tpu.memory_space<vmem>> -> memref<1x100x128xf32, #tpu.memory_space<vmem>>
        %dma_start3A_217 = tpu.memref_squeeze %dma_start3A_216 : memref<1x100x128xf32, #tpu.memory_space<vmem>> -> memref<100x128xf32, #tpu.memory_space<vmem>>
        %dma_start3A_218 = arith.constant 0 : i32
        %dma_start3A_219 = tpu.memref_slice %arg7[%add3A_196, %dma_start3A_218] : memref<52x100xi32, #tpu.memory_space<vmem>> -> memref<1x100xi32, #tpu.memory_space<vmem>>
        %dma_start3A_220 = tpu.memref_squeeze %dma_start3A_219 : memref<1x100xi32, #tpu.memory_space<vmem>> -> memref<100xi32, #tpu.memory_space<vmem>>
        %dma_start3A_221 = arith.constant 0 : i32
        %dma_start3A_222 = arith.constant 0 : i32
        %dma_start3A_223 = tpu.memref_slice %arg9[%dma_start3A_221, %dma_start3A_222] : memref<10240x128xf32, #tpu.memory_space<vmem_shared>> -> memref<10240x128xf32, #tpu.memory_space<vmem_shared>>
        tpu.enqueue_indirect_dma source(%dma_start3A_217 : memref<100x128xf32, #tpu.memory_space<vmem>>) target(%dma_start3A_223 : memref<10240x128xf32, #tpu.memory_space<vmem_shared>>) offsets(%dma_start3A_220 : memref<100xi32, #tpu.memory_space<vmem>>) semaphore(%run_scoped3A_213 : memref<!tpu.dma_semaphore, #tpu.memory_space<semaphore_mem>>) {add = true}
        %dma_wait3A_224 = arith.constant 0 : i32
        %dma_wait3A_225 = arith.constant 0 : i32
        %dma_wait3A_226 = tpu.memref_slice %arg8[%run_scoped3A_197, %dma_wait3A_224, %dma_wait3A_225] : memref<2x100x128xf32, #tpu.memory_space<vmem>> -> memref<1x100x128xf32, #tpu.memory_space<vmem>>
        %dma_wait3A_227 = tpu.memref_squeeze %dma_wait3A_226 : memref<1x100x128xf32, #tpu.memory_space<vmem>> -> memref<100x128xf32, #tpu.memory_space<vmem>>
        %dma_wait3A_228 = arith.constant 0 : i32
        %dma_wait3A_229 = tpu.memref_slice %arg7[%add3A_196, %dma_wait3A_228] : memref<52x100xi32, #tpu.memory_space<vmem>> -> memref<1x100xi32, #tpu.memory_space<vmem>>
        %dma_wait3A_230 = tpu.memref_squeeze %dma_wait3A_229 : memref<1x100xi32, #tpu.memory_space<vmem>> -> memref<100xi32, #tpu.memory_space<vmem>>
        %dma_wait3A_231 = arith.constant 0 : i32
        %dma_wait3A_232 = arith.constant 0 : i32
        %dma_wait3A_233 = tpu.memref_slice %arg9[%dma_wait3A_231, %dma_wait3A_232] : memref<10240x128xf32, #tpu.memory_space<vmem_shared>> -> memref<10240x128xf32, #tpu.memory_space<vmem_shared>>
        tpu.wait_indirect_dma semaphore(%run_scoped3A_213 : memref<!tpu.dma_semaphore, #tpu.memory_space<semaphore_mem>>) src(%dma_wait3A_227 : memref<100x128xf32, #tpu.memory_space<vmem>>) dst(%dma_wait3A_233 : memref<10240x128xf32, #tpu.memory_space<vmem_shared>>)
        tpu.yield
      }) : () -> ()
      %add3A_198 = arith.constant 1 : i32
      %add3A_199 = arith.addi %add3A_152, %add3A_198 : i32
      %add3A_200 = arith.constant 2 : i32
      %add3A_201 = arith.addi %add3A_199, %add3A_200 : i32
      %dma_start3A_202 = arith.constant 1 : i32
      %dma_start3A_203 = arith.constant 0 : i32
      %dma_start3A_204 = arith.constant 0 : i32
      %dma_start3A_205 = tpu.memref_slice %arg8[%dma_start3A_202, %dma_start3A_203, %dma_start3A_204] : memref<2x100x128xf32, #tpu.memory_space<vmem>> -> memref<1x100x128xf32, #tpu.memory_space<vmem>>
      %dma_start3A_206 = tpu.memref_squeeze %dma_start3A_205 : memref<1x100x128xf32, #tpu.memory_space<vmem>> -> memref<100x128xf32, #tpu.memory_space<vmem>>
      %dma_start3A_207 = arith.constant 0 : i32
      %dma_start3A_208 = tpu.memref_slice %arg6[%add3A_201, %dma_start3A_207] : memref<52x100xi32, #tpu.memory_space<vmem>> -> memref<1x100xi32, #tpu.memory_space<vmem>>
      %dma_start3A_209 = tpu.memref_squeeze %dma_start3A_208 : memref<1x100xi32, #tpu.memory_space<vmem>> -> memref<100xi32, #tpu.memory_space<vmem>>
      %dma_start3A_210 = arith.constant 0 : i32
      %dma_start3A_211 = arith.constant 0 : i32
      %dma_start3A_212 = tpu.memref_slice %arg2[%dma_start3A_210, %dma_start3A_211] : memref<10240x128xf32, #tpu.memory_space<hbm>> -> memref<10240x128xf32, #tpu.memory_space<hbm>>
      tpu.enqueue_indirect_dma source(%dma_start3A_212 : memref<10240x128xf32, #tpu.memory_space<hbm>>) target(%dma_start3A_206 : memref<100x128xf32, #tpu.memory_space<vmem>>) offsets(%dma_start3A_209 : memref<100xi32, #tpu.memory_space<vmem>>) semaphore(%arg11 : memref<!tpu.dma_semaphore, #tpu.memory_space<semaphore_mem>>)
    }
    %scan3A_46 = arith.constant 23 : i32
    %dma_wait3A = arith.constant 0 : i32
    %dma_wait3A_47 = arith.constant 0 : i32
    %dma_wait3A_48 = arith.constant 0 : i32
    %dma_wait3A_49 = arith.constant 0 : i32
    %dma_wait3A_50 = tpu.memref_slice %arg8[%dma_wait3A_47, %dma_wait3A_48, %dma_wait3A_49] : memref<2x100x128xf32, #tpu.memory_space<vmem>> -> memref<1x100x128xf32, #tpu.memory_space<vmem>>
    %dma_wait3A_51 = tpu.memref_squeeze %dma_wait3A_50 : memref<1x100x128xf32, #tpu.memory_space<vmem>> -> memref<100x128xf32, #tpu.memory_space<vmem>>
    %dma_wait3A_52 = arith.constant 0 : i32
    %dma_wait3A_53 = tpu.memref_slice %arg6[%dma_wait3A, %dma_wait3A_52] : memref<52x100xi32, #tpu.memory_space<vmem>> -> memref<1x100xi32, #tpu.memory_space<vmem>>
    %dma_wait3A_54 = tpu.memref_squeeze %dma_wait3A_53 : memref<1x100xi32, #tpu.memory_space<vmem>> -> memref<100xi32, #tpu.memory_space<vmem>>
    %dma_wait3A_55 = arith.constant 0 : i32
    %dma_wait3A_56 = arith.constant 0 : i32
    %dma_wait3A_57 = tpu.memref_slice %arg2[%dma_wait3A_55, %dma_wait3A_56] : memref<10240x128xf32, #tpu.memory_space<hbm>> -> memref<10240x128xf32, #tpu.memory_space<hbm>>
    tpu.wait_indirect_dma semaphore(%arg10 : memref<!tpu.dma_semaphore, #tpu.memory_space<semaphore_mem>>) src(%dma_wait3A_57 : memref<10240x128xf32, #tpu.memory_space<hbm>>) dst(%dma_wait3A_51 : memref<100x128xf32, #tpu.memory_space<vmem>>)
    %run_scoped3A = arith.constant 0 : i32
    %run_scoped3A_58 = arith.constant 46 : i32
    "tpu.region"() ({
      %run_scoped3A_149 = tpu.sem_alloc : memref<!tpu.dma_semaphore, #tpu.memory_space<semaphore_mem>>
      %dma_start3A_150 = arith.constant 0 : i32
      %dma_start3A_151 = arith.constant 0 : i32
      %dma_start3A_152 = tpu.memref_slice %arg8[%run_scoped3A, %dma_start3A_150, %dma_start3A_151] : memref<2x100x128xf32, #tpu.memory_space<vmem>> -> memref<1x100x128xf32, #tpu.memory_space<vmem>>
      %dma_start3A_153 = tpu.memref_squeeze %dma_start3A_152 : memref<1x100x128xf32, #tpu.memory_space<vmem>> -> memref<100x128xf32, #tpu.memory_space<vmem>>
      %dma_start3A_154 = arith.constant 0 : i32
      %dma_start3A_155 = tpu.memref_slice %arg7[%run_scoped3A_58, %dma_start3A_154] : memref<52x100xi32, #tpu.memory_space<vmem>> -> memref<1x100xi32, #tpu.memory_space<vmem>>
      %dma_start3A_156 = tpu.memref_squeeze %dma_start3A_155 : memref<1x100xi32, #tpu.memory_space<vmem>> -> memref<100xi32, #tpu.memory_space<vmem>>
      %dma_start3A_157 = arith.constant 0 : i32
      %dma_start3A_158 = arith.constant 0 : i32
      %dma_start3A_159 = tpu.memref_slice %arg9[%dma_start3A_157, %dma_start3A_158] : memref<10240x128xf32, #tpu.memory_space<vmem_shared>> -> memref<10240x128xf32, #tpu.memory_space<vmem_shared>>
      tpu.enqueue_indirect_dma source(%dma_start3A_153 : memref<100x128xf32, #tpu.memory_space<vmem>>) target(%dma_start3A_159 : memref<10240x128xf32, #tpu.memory_space<vmem_shared>>) offsets(%dma_start3A_156 : memref<100xi32, #tpu.memory_space<vmem>>) semaphore(%run_scoped3A_149 : memref<!tpu.dma_semaphore, #tpu.memory_space<semaphore_mem>>) {add = true}
      %dma_wait3A_160 = arith.constant 0 : i32
      %dma_wait3A_161 = arith.constant 0 : i32
      %dma_wait3A_162 = tpu.memref_slice %arg8[%run_scoped3A, %dma_wait3A_160, %dma_wait3A_161] : memref<2x100x128xf32, #tpu.memory_space<vmem>> -> memref<1x100x128xf32, #tpu.memory_space<vmem>>
      %dma_wait3A_163 = tpu.memref_squeeze %dma_wait3A_162 : memref<1x100x128xf32, #tpu.memory_space<vmem>> -> memref<100x128xf32, #tpu.memory_space<vmem>>
      %dma_wait3A_164 = arith.constant 0 : i32
      %dma_wait3A_165 = tpu.memref_slice %arg7[%run_scoped3A_58, %dma_wait3A_164] : memref<52x100xi32, #tpu.memory_space<vmem>> -> memref<1x100xi32, #tpu.memory_space<vmem>>
      %dma_wait3A_166 = tpu.memref_squeeze %dma_wait3A_165 : memref<1x100xi32, #tpu.memory_space<vmem>> -> memref<100xi32, #tpu.memory_space<vmem>>
      %dma_wait3A_167 = arith.constant 0 : i32
      %dma_wait3A_168 = arith.constant 0 : i32
      %dma_wait3A_169 = tpu.memref_slice %arg9[%dma_wait3A_167, %dma_wait3A_168] : memref<10240x128xf32, #tpu.memory_space<vmem_shared>> -> memref<10240x128xf32, #tpu.memory_space<vmem_shared>>
      tpu.wait_indirect_dma semaphore(%run_scoped3A_149 : memref<!tpu.dma_semaphore, #tpu.memory_space<semaphore_mem>>) src(%dma_wait3A_163 : memref<100x128xf32, #tpu.memory_space<vmem>>) dst(%dma_wait3A_169 : memref<10240x128xf32, #tpu.memory_space<vmem_shared>>)
      tpu.yield
    }) : () -> ()
    %dma_wait3A_59 = arith.constant 0 : i32
    %dma_wait3A_60 = arith.constant 1 : i32
    %dma_wait3A_61 = arith.constant 0 : i32
    %dma_wait3A_62 = arith.constant 0 : i32
    %dma_wait3A_63 = tpu.memref_slice %arg8[%dma_wait3A_60, %dma_wait3A_61, %dma_wait3A_62] : memref<2x100x128xf32, #tpu.memory_space<vmem>> -> memref<1x100x128xf32, #tpu.memory_space<vmem>>
    %dma_wait3A_64 = tpu.memref_squeeze %dma_wait3A_63 : memref<1x100x128xf32, #tpu.memory_space<vmem>> -> memref<100x128xf32, #tpu.memory_space<vmem>>
    %dma_wait3A_65 = arith.constant 0 : i32
    %dma_wait3A_66 = tpu.memref_slice %arg6[%dma_wait3A_59, %dma_wait3A_65] : memref<52x100xi32, #tpu.memory_space<vmem>> -> memref<1x100xi32, #tpu.memory_space<vmem>>
    %dma_wait3A_67 = tpu.memref_squeeze %dma_wait3A_66 : memref<1x100xi32, #tpu.memory_space<vmem>> -> memref<100xi32, #tpu.memory_space<vmem>>
    %dma_wait3A_68 = arith.constant 0 : i32
    %dma_wait3A_69 = arith.constant 0 : i32
    %dma_wait3A_70 = tpu.memref_slice %arg2[%dma_wait3A_68, %dma_wait3A_69] : memref<10240x128xf32, #tpu.memory_space<hbm>> -> memref<10240x128xf32, #tpu.memory_space<hbm>>
    tpu.wait_indirect_dma semaphore(%arg11 : memref<!tpu.dma_semaphore, #tpu.memory_space<semaphore_mem>>) src(%dma_wait3A_70 : memref<10240x128xf32, #tpu.memory_space<hbm>>) dst(%dma_wait3A_64 : memref<100x128xf32, #tpu.memory_space<vmem>>)
    %run_scoped3A_71 = arith.constant 1 : i32
    %run_scoped3A_72 = arith.constant 47 : i32
    "tpu.region"() ({
      %run_scoped3A_149 = tpu.sem_alloc : memref<!tpu.dma_semaphore, #tpu.memory_space<semaphore_mem>>
      %dma_start3A_150 = arith.constant 0 : i32
      %dma_start3A_151 = arith.constant 0 : i32
      %dma_start3A_152 = tpu.memref_slice %arg8[%run_scoped3A_71, %dma_start3A_150, %dma_start3A_151] : memref<2x100x128xf32, #tpu.memory_space<vmem>> -> memref<1x100x128xf32, #tpu.memory_space<vmem>>
      %dma_start3A_153 = tpu.memref_squeeze %dma_start3A_152 : memref<1x100x128xf32, #tpu.memory_space<vmem>> -> memref<100x128xf32, #tpu.memory_space<vmem>>
      %dma_start3A_154 = arith.constant 0 : i32
      %dma_start3A_155 = tpu.memref_slice %arg7[%run_scoped3A_72, %dma_start3A_154] : memref<52x100xi32, #tpu.memory_space<vmem>> -> memref<1x100xi32, #tpu.memory_space<vmem>>
      %dma_start3A_156 = tpu.memref_squeeze %dma_start3A_155 : memref<1x100xi32, #tpu.memory_space<vmem>> -> memref<100xi32, #tpu.memory_space<vmem>>
      %dma_start3A_157 = arith.constant 0 : i32
      %dma_start3A_158 = arith.constant 0 : i32
      %dma_start3A_159 = tpu.memref_slice %arg9[%dma_start3A_157, %dma_start3A_158] : memref<10240x128xf32, #tpu.memory_space<vmem_shared>> -> memref<10240x128xf32, #tpu.memory_space<vmem_shared>>
      tpu.enqueue_indirect_dma source(%dma_start3A_153 : memref<100x128xf32, #tpu.memory_space<vmem>>) target(%dma_start3A_159 : memref<10240x128xf32, #tpu.memory_space<vmem_shared>>) offsets(%dma_start3A_156 : memref<100xi32, #tpu.memory_space<vmem>>) semaphore(%run_scoped3A_149 : memref<!tpu.dma_semaphore, #tpu.memory_space<semaphore_mem>>) {add = true}
      %dma_wait3A_160 = arith.constant 0 : i32
      %dma_wait3A_161 = arith.constant 0 : i32
      %dma_wait3A_162 = tpu.memref_slice %arg8[%run_scoped3A_71, %dma_wait3A_160, %dma_wait3A_161] : memref<2x100x128xf32, #tpu.memory_space<vmem>> -> memref<1x100x128xf32, #tpu.memory_space<vmem>>
      %dma_wait3A_163 = tpu.memref_squeeze %dma_wait3A_162 : memref<1x100x128xf32, #tpu.memory_space<vmem>> -> memref<100x128xf32, #tpu.memory_space<vmem>>
      %dma_wait3A_164 = arith.constant 0 : i32
      %dma_wait3A_165 = tpu.memref_slice %arg7[%run_scoped3A_72, %dma_wait3A_164] : memref<52x100xi32, #tpu.memory_space<vmem>> -> memref<1x100xi32, #tpu.memory_space<vmem>>
      %dma_wait3A_166 = tpu.memref_squeeze %dma_wait3A_165 : memref<1x100xi32, #tpu.memory_space<vmem>> -> memref<100xi32, #tpu.memory_space<vmem>>
      %dma_wait3A_167 = arith.constant 0 : i32
      %dma_wait3A_168 = arith.constant 0 : i32
      %dma_wait3A_169 = tpu.memref_slice %arg9[%dma_wait3A_167, %dma_wait3A_168] : memref<10240x128xf32, #tpu.memory_space<vmem_shared>> -> memref<10240x128xf32, #tpu.memory_space<vmem_shared>>
      tpu.wait_indirect_dma semaphore(%run_scoped3A_149 : memref<!tpu.dma_semaphore, #tpu.memory_space<semaphore_mem>>) src(%dma_wait3A_163 : memref<100x128xf32, #tpu.memory_space<vmem>>) dst(%dma_wait3A_169 : memref<10240x128xf32, #tpu.memory_space<vmem_shared>>)
      tpu.yield
    }) : () -> ()
    "tpu.region"() ({
      %run_scoped3A_149 = tpu.sem_alloc : memref<!tpu.dma_semaphore, #tpu.memory_space<semaphore_mem>>
      %dma_start3A_150 = arith.constant 0 : i32
      %dma_start3A_151 = arith.constant 0 : i32
      %dma_start3A_152 = tpu.memref_slice %arg6[%dma_start3A_150, %dma_start3A_151] : memref<52x100xi32, #tpu.memory_space<vmem>> -> memref<52x100xi32, #tpu.memory_space<vmem>>
      %dma_start3A_153 = arith.constant 48 : i32
      %dma_start3A_154 = arith.constant 0 : i32
      %dma_start3A_155 = tpu.memref_slice %arg3[%arg0, %arg1, %dma_start3A_153, %dma_start3A_154] : memref<2x16x100x100xi32, #tpu.memory_space<hbm>> -> memref<1x1x52x100xi32, #tpu.memory_space<hbm>>
      %dma_start3A_156 = tpu.memref_squeeze %dma_start3A_155 : memref<1x1x52x100xi32, #tpu.memory_space<hbm>> -> memref<52x100xi32, #tpu.memory_space<hbm>>
      %dma_start3A_157 = arith.constant 0 : i32
      %dma_start3A_158 = arith.constant 0 : i32
      %dma_start3A_159 = tpu.memref_slice %arg6[%dma_start3A_157, %dma_start3A_158] : memref<52x100xi32, #tpu.memory_space<vmem>> -> memref<52x100xi32, #tpu.memory_space<vmem>>
      %dma_start3A_160 = arith.constant 48 : i32
      %dma_start3A_161 = arith.constant 0 : i32
      %dma_start3A_162 = tpu.memref_slice %arg3[%arg0, %arg1, %dma_start3A_160, %dma_start3A_161] : memref<2x16x100x100xi32, #tpu.memory_space<hbm>> -> memref<1x1x52x100xi32, #tpu.memory_space<hbm>>
      %dma_start3A_163 = tpu.memref_squeeze %dma_start3A_162 : memref<1x1x52x100xi32, #tpu.memory_space<hbm>> -> memref<52x100xi32, #tpu.memory_space<hbm>>
      tpu.enqueue_dma source(%dma_start3A_163 : memref<52x100xi32, #tpu.memory_space<hbm>>) target(%dma_start3A_159 : memref<52x100xi32, #tpu.memory_space<vmem>>) target_semaphore(%run_scoped3A_149 : memref<!tpu.dma_semaphore, #tpu.memory_space<semaphore_mem>>)
      %dma_wait3A_164 = arith.constant 0 : i32
      %dma_wait3A_165 = arith.constant 0 : i32
      %dma_wait3A_166 = tpu.memref_slice %arg6[%dma_wait3A_164, %dma_wait3A_165] : memref<52x100xi32, #tpu.memory_space<vmem>> -> memref<52x100xi32, #tpu.memory_space<vmem>>
      %dma_wait3A_167 = arith.constant 48 : i32
      %dma_wait3A_168 = arith.constant 0 : i32
      %dma_wait3A_169 = tpu.memref_slice %arg3[%arg0, %arg1, %dma_wait3A_167, %dma_wait3A_168] : memref<2x16x100x100xi32, #tpu.memory_space<hbm>> -> memref<1x1x52x100xi32, #tpu.memory_space<hbm>>
      %dma_wait3A_170 = tpu.memref_squeeze %dma_wait3A_169 : memref<1x1x52x100xi32, #tpu.memory_space<hbm>> -> memref<52x100xi32, #tpu.memory_space<hbm>>
      %dma_wait3A_171 = arith.constant 0 : i32
      %dma_wait3A_172 = arith.constant 0 : i32
      %dma_wait3A_173 = tpu.memref_slice %arg6[%dma_wait3A_171, %dma_wait3A_172] : memref<52x100xi32, #tpu.memory_space<vmem>> -> memref<52x100xi32, #tpu.memory_space<vmem>>
      %dma_wait3A_174 = arith.constant 48 : i32
      %dma_wait3A_175 = arith.constant 0 : i32
      %dma_wait3A_176 = tpu.memref_slice %arg3[%arg0, %arg1, %dma_wait3A_174, %dma_wait3A_175] : memref<2x16x100x100xi32, #tpu.memory_space<hbm>> -> memref<1x1x52x100xi32, #tpu.memory_space<hbm>>
      %dma_wait3A_177 = tpu.memref_squeeze %dma_wait3A_176 : memref<1x1x52x100xi32, #tpu.memory_space<hbm>> -> memref<52x100xi32, #tpu.memory_space<hbm>>
      tpu.wait_dma2 semaphore(%run_scoped3A_149 : memref<!tpu.dma_semaphore, #tpu.memory_space<semaphore_mem>>) src(%dma_wait3A_177 : memref<52x100xi32, #tpu.memory_space<hbm>>) dst(%dma_wait3A_173 : memref<52x100xi32, #tpu.memory_space<vmem>>)
      tpu.yield
    }) : () -> ()
    "tpu.region"() ({
      %run_scoped3A_149 = tpu.sem_alloc : memref<!tpu.dma_semaphore, #tpu.memory_space<semaphore_mem>>
      %dma_start3A_150 = arith.constant 0 : i32
      %dma_start3A_151 = arith.constant 0 : i32
      %dma_start3A_152 = tpu.memref_slice %arg7[%dma_start3A_150, %dma_start3A_151] : memref<52x100xi32, #tpu.memory_space<vmem>> -> memref<52x100xi32, #tpu.memory_space<vmem>>
      %dma_start3A_153 = arith.constant 48 : i32
      %dma_start3A_154 = arith.constant 0 : i32
      %dma_start3A_155 = tpu.memref_slice %arg4[%arg0, %arg1, %dma_start3A_153, %dma_start3A_154] : memref<2x16x100x100xi32, #tpu.memory_space<hbm>> -> memref<1x1x52x100xi32, #tpu.memory_space<hbm>>
      %dma_start3A_156 = tpu.memref_squeeze %dma_start3A_155 : memref<1x1x52x100xi32, #tpu.memory_space<hbm>> -> memref<52x100xi32, #tpu.memory_space<hbm>>
      %dma_start3A_157 = arith.constant 0 : i32
      %dma_start3A_158 = arith.constant 0 : i32
      %dma_start3A_159 = tpu.memref_slice %arg7[%dma_start3A_157, %dma_start3A_158] : memref<52x100xi32, #tpu.memory_space<vmem>> -> memref<52x100xi32, #tpu.memory_space<vmem>>
      %dma_start3A_160 = arith.constant 48 : i32
      %dma_start3A_161 = arith.constant 0 : i32
      %dma_start3A_162 = tpu.memref_slice %arg4[%arg0, %arg1, %dma_start3A_160, %dma_start3A_161] : memref<2x16x100x100xi32, #tpu.memory_space<hbm>> -> memref<1x1x52x100xi32, #tpu.memory_space<hbm>>
      %dma_start3A_163 = tpu.memref_squeeze %dma_start3A_162 : memref<1x1x52x100xi32, #tpu.memory_space<hbm>> -> memref<52x100xi32, #tpu.memory_space<hbm>>
      tpu.enqueue_dma source(%dma_start3A_163 : memref<52x100xi32, #tpu.memory_space<hbm>>) target(%dma_start3A_159 : memref<52x100xi32, #tpu.memory_space<vmem>>) target_semaphore(%run_scoped3A_149 : memref<!tpu.dma_semaphore, #tpu.memory_space<semaphore_mem>>)
      %dma_wait3A_164 = arith.constant 0 : i32
      %dma_wait3A_165 = arith.constant 0 : i32
      %dma_wait3A_166 = tpu.memref_slice %arg7[%dma_wait3A_164, %dma_wait3A_165] : memref<52x100xi32, #tpu.memory_space<vmem>> -> memref<52x100xi32, #tpu.memory_space<vmem>>
      %dma_wait3A_167 = arith.constant 48 : i32
      %dma_wait3A_168 = arith.constant 0 : i32
      %dma_wait3A_169 = tpu.memref_slice %arg4[%arg0, %arg1, %dma_wait3A_167, %dma_wait3A_168] : memref<2x16x100x100xi32, #tpu.memory_space<hbm>> -> memref<1x1x52x100xi32, #tpu.memory_space<hbm>>
      %dma_wait3A_170 = tpu.memref_squeeze %dma_wait3A_169 : memref<1x1x52x100xi32, #tpu.memory_space<hbm>> -> memref<52x100xi32, #tpu.memory_space<hbm>>
      %dma_wait3A_171 = arith.constant 0 : i32
      %dma_wait3A_172 = arith.constant 0 : i32
      %dma_wait3A_173 = tpu.memref_slice %arg7[%dma_wait3A_171, %dma_wait3A_172] : memref<52x100xi32, #tpu.memory_space<vmem>> -> memref<52x100xi32, #tpu.memory_space<vmem>>
      %dma_wait3A_174 = arith.constant 48 : i32
      %dma_wait3A_175 = arith.constant 0 : i32
      %dma_wait3A_176 = tpu.memref_slice %arg4[%arg0, %arg1, %dma_wait3A_174, %dma_wait3A_175] : memref<2x16x100x100xi32, #tpu.memory_space<hbm>> -> memref<1x1x52x100xi32, #tpu.memory_space<hbm>>
      %dma_wait3A_177 = tpu.memref_squeeze %dma_wait3A_176 : memref<1x1x52x100xi32, #tpu.memory_space<hbm>> -> memref<52x100xi32, #tpu.memory_space<hbm>>
      tpu.wait_dma2 semaphore(%run_scoped3A_149 : memref<!tpu.dma_semaphore, #tpu.memory_space<semaphore_mem>>) src(%dma_wait3A_177 : memref<52x100xi32, #tpu.memory_space<hbm>>) dst(%dma_wait3A_173 : memref<52x100xi32, #tpu.memory_space<vmem>>)
      tpu.yield
    }) : () -> ()
    %dma_start3A_73 = arith.constant 0 : i32
    %dma_start3A_74 = arith.constant 0 : i32
    %dma_start3A_75 = arith.constant 0 : i32
    %dma_start3A_76 = arith.constant 0 : i32
    %dma_start3A_77 = tpu.memref_slice %arg8[%dma_start3A_74, %dma_start3A_75, %dma_start3A_76] : memref<2x100x128xf32, #tpu.memory_space<vmem>> -> memref<1x100x128xf32, #tpu.memory_space<vmem>>
    %dma_start3A_78 = tpu.memref_squeeze %dma_start3A_77 : memref<1x100x128xf32, #tpu.memory_space<vmem>> -> memref<100x128xf32, #tpu.memory_space<vmem>>
    %dma_start3A_79 = arith.constant 0 : i32
    %dma_start3A_80 = tpu.memref_slice %arg6[%dma_start3A_73, %dma_start3A_79] : memref<52x100xi32, #tpu.memory_space<vmem>> -> memref<1x100xi32, #tpu.memory_space<vmem>>
    %dma_start3A_81 = tpu.memref_squeeze %dma_start3A_80 : memref<1x100xi32, #tpu.memory_space<vmem>> -> memref<100xi32, #tpu.memory_space<vmem>>
    %dma_start3A_82 = arith.constant 0 : i32
    %dma_start3A_83 = arith.constant 0 : i32
    %dma_start3A_84 = tpu.memref_slice %arg2[%dma_start3A_82, %dma_start3A_83] : memref<10240x128xf32, #tpu.memory_space<hbm>> -> memref<10240x128xf32, #tpu.memory_space<hbm>>
    tpu.enqueue_indirect_dma source(%dma_start3A_84 : memref<10240x128xf32, #tpu.memory_space<hbm>>) target(%dma_start3A_78 : memref<100x128xf32, #tpu.memory_space<vmem>>) offsets(%dma_start3A_81 : memref<100xi32, #tpu.memory_space<vmem>>) semaphore(%arg10 : memref<!tpu.dma_semaphore, #tpu.memory_space<semaphore_mem>>)
    %dma_start3A_85 = arith.constant 1 : i32
    %dma_start3A_86 = arith.constant 1 : i32
    %dma_start3A_87 = arith.constant 0 : i32
    %dma_start3A_88 = arith.constant 0 : i32
    %dma_start3A_89 = tpu.memref_slice %arg8[%dma_start3A_86, %dma_start3A_87, %dma_start3A_88] : memref<2x100x128xf32, #tpu.memory_space<vmem>> -> memref<1x100x128xf32, #tpu.memory_space<vmem>>
    %dma_start3A_90 = tpu.memref_squeeze %dma_start3A_89 : memref<1x100x128xf32, #tpu.memory_space<vmem>> -> memref<100x128xf32, #tpu.memory_space<vmem>>
    %dma_start3A_91 = arith.constant 0 : i32
    %dma_start3A_92 = tpu.memref_slice %arg6[%dma_start3A_85, %dma_start3A_91] : memref<52x100xi32, #tpu.memory_space<vmem>> -> memref<1x100xi32, #tpu.memory_space<vmem>>
    %dma_start3A_93 = tpu.memref_squeeze %dma_start3A_92 : memref<1x100xi32, #tpu.memory_space<vmem>> -> memref<100xi32, #tpu.memory_space<vmem>>
    %dma_start3A_94 = arith.constant 0 : i32
    %dma_start3A_95 = arith.constant 0 : i32
    %dma_start3A_96 = tpu.memref_slice %arg2[%dma_start3A_94, %dma_start3A_95] : memref<10240x128xf32, #tpu.memory_space<hbm>> -> memref<10240x128xf32, #tpu.memory_space<hbm>>
    tpu.enqueue_indirect_dma source(%dma_start3A_96 : memref<10240x128xf32, #tpu.memory_space<hbm>>) target(%dma_start3A_90 : memref<100x128xf32, #tpu.memory_space<vmem>>) offsets(%dma_start3A_93 : memref<100xi32, #tpu.memory_space<vmem>>) semaphore(%arg11 : memref<!tpu.dma_semaphore, #tpu.memory_space<semaphore_mem>>)
    %scan3A_97 = arith.constant 0 : i32
    %scan3A_98 = arith.constant 25 : i32
    %scan3A_99 = arith.addi %scan3A_97, %scan3A_98 : i32
    %scan3A_100 = arith.constant 1 : i32
    scf.for %scan3A_149 = %scan3A_97 to %scan3A_99 step %scan3A_100  : i32 {
      %mul3A = arith.constant 2 : i32
      %mul3A_150 = arith.muli %scan3A_149, %mul3A : i32
      %add3A_151 = arith.constant 0 : i32
      %add3A_152 = arith.addi %add3A_151, %mul3A_150 : i32
      %dma_wait3A_153 = arith.constant 0 : i32
      %dma_wait3A_154 = arith.constant 0 : i32
      %dma_wait3A_155 = arith.constant 0 : i32
      %dma_wait3A_156 = arith.constant 0 : i32
      %dma_wait3A_157 = tpu.memref_slice %arg8[%dma_wait3A_154, %dma_wait3A_155, %dma_wait3A_156] : memref<2x100x128xf32, #tpu.memory_space<vmem>> -> memref<1x100x128xf32, #tpu.memory_space<vmem>>
      %dma_wait3A_158 = tpu.memref_squeeze %dma_wait3A_157 : memref<1x100x128xf32, #tpu.memory_space<vmem>> -> memref<100x128xf32, #tpu.memory_space<vmem>>
      %dma_wait3A_159 = arith.constant 0 : i32
      %dma_wait3A_160 = tpu.memref_slice %arg6[%dma_wait3A_153, %dma_wait3A_159] : memref<52x100xi32, #tpu.memory_space<vmem>> -> memref<1x100xi32, #tpu.memory_space<vmem>>
      %dma_wait3A_161 = tpu.memref_squeeze %dma_wait3A_160 : memref<1x100xi32, #tpu.memory_space<vmem>> -> memref<100xi32, #tpu.memory_space<vmem>>
      %dma_wait3A_162 = arith.constant 0 : i32
      %dma_wait3A_163 = arith.constant 0 : i32
      %dma_wait3A_164 = tpu.memref_slice %arg2[%dma_wait3A_162, %dma_wait3A_163] : memref<10240x128xf32, #tpu.memory_space<hbm>> -> memref<10240x128xf32, #tpu.memory_space<hbm>>
      tpu.wait_indirect_dma semaphore(%arg10 : memref<!tpu.dma_semaphore, #tpu.memory_space<semaphore_mem>>) src(%dma_wait3A_164 : memref<10240x128xf32, #tpu.memory_space<hbm>>) dst(%dma_wait3A_158 : memref<100x128xf32, #tpu.memory_space<vmem>>)
      %add3A_165 = arith.constant 0 : i32
      %add3A_166 = arith.addi %add3A_152, %add3A_165 : i32
      %run_scoped3A_167 = arith.constant 0 : i32
      "tpu.region"() ({
        %run_scoped3A_213 = tpu.sem_alloc : memref<!tpu.dma_semaphore, #tpu.memory_space<semaphore_mem>>
        %dma_start3A_214 = arith.constant 0 : i32
        %dma_start3A_215 = arith.constant 0 : i32
        %dma_start3A_216 = tpu.memref_slice %arg8[%run_scoped3A_167, %dma_start3A_214, %dma_start3A_215] : memref<2x100x128xf32, #tpu.memory_space<vmem>> -> memref<1x100x128xf32, #tpu.memory_space<vmem>>
        %dma_start3A_217 = tpu.memref_squeeze %dma_start3A_216 : memref<1x100x128xf32, #tpu.memory_space<vmem>> -> memref<100x128xf32, #tpu.memory_space<vmem>>
        %dma_start3A_218 = arith.constant 0 : i32
        %dma_start3A_219 = tpu.memref_slice %arg7[%add3A_166, %dma_start3A_218] : memref<52x100xi32, #tpu.memory_space<vmem>> -> memref<1x100xi32, #tpu.memory_space<vmem>>
        %dma_start3A_220 = tpu.memref_squeeze %dma_start3A_219 : memref<1x100xi32, #tpu.memory_space<vmem>> -> memref<100xi32, #tpu.memory_space<vmem>>
        %dma_start3A_221 = arith.constant 0 : i32
        %dma_start3A_222 = arith.constant 0 : i32
        %dma_start3A_223 = tpu.memref_slice %arg9[%dma_start3A_221, %dma_start3A_222] : memref<10240x128xf32, #tpu.memory_space<vmem_shared>> -> memref<10240x128xf32, #tpu.memory_space<vmem_shared>>
        tpu.enqueue_indirect_dma source(%dma_start3A_217 : memref<100x128xf32, #tpu.memory_space<vmem>>) target(%dma_start3A_223 : memref<10240x128xf32, #tpu.memory_space<vmem_shared>>) offsets(%dma_start3A_220 : memref<100xi32, #tpu.memory_space<vmem>>) semaphore(%run_scoped3A_213 : memref<!tpu.dma_semaphore, #tpu.memory_space<semaphore_mem>>) {add = true}
        %dma_wait3A_224 = arith.constant 0 : i32
        %dma_wait3A_225 = arith.constant 0 : i32
        %dma_wait3A_226 = tpu.memref_slice %arg8[%run_scoped3A_167, %dma_wait3A_224, %dma_wait3A_225] : memref<2x100x128xf32, #tpu.memory_space<vmem>> -> memref<1x100x128xf32, #tpu.memory_space<vmem>>
        %dma_wait3A_227 = tpu.memref_squeeze %dma_wait3A_226 : memref<1x100x128xf32, #tpu.memory_space<vmem>> -> memref<100x128xf32, #tpu.memory_space<vmem>>
        %dma_wait3A_228 = arith.constant 0 : i32
        %dma_wait3A_229 = tpu.memref_slice %arg7[%add3A_166, %dma_wait3A_228] : memref<52x100xi32, #tpu.memory_space<vmem>> -> memref<1x100xi32, #tpu.memory_space<vmem>>
        %dma_wait3A_230 = tpu.memref_squeeze %dma_wait3A_229 : memref<1x100xi32, #tpu.memory_space<vmem>> -> memref<100xi32, #tpu.memory_space<vmem>>
        %dma_wait3A_231 = arith.constant 0 : i32
        %dma_wait3A_232 = arith.constant 0 : i32
        %dma_wait3A_233 = tpu.memref_slice %arg9[%dma_wait3A_231, %dma_wait3A_232] : memref<10240x128xf32, #tpu.memory_space<vmem_shared>> -> memref<10240x128xf32, #tpu.memory_space<vmem_shared>>
        tpu.wait_indirect_dma semaphore(%run_scoped3A_213 : memref<!tpu.dma_semaphore, #tpu.memory_space<semaphore_mem>>) src(%dma_wait3A_227 : memref<100x128xf32, #tpu.memory_space<vmem>>) dst(%dma_wait3A_233 : memref<10240x128xf32, #tpu.memory_space<vmem_shared>>)
        tpu.yield
      }) : () -> ()
      %add3A_168 = arith.constant 0 : i32
      %add3A_169 = arith.addi %add3A_152, %add3A_168 : i32
      %add3A_170 = arith.constant 2 : i32
      %add3A_171 = arith.addi %add3A_169, %add3A_170 : i32
      %dma_start3A_172 = arith.constant 0 : i32
      %dma_start3A_173 = arith.constant 0 : i32
      %dma_start3A_174 = arith.constant 0 : i32
      %dma_start3A_175 = tpu.memref_slice %arg8[%dma_start3A_172, %dma_start3A_173, %dma_start3A_174] : memref<2x100x128xf32, #tpu.memory_space<vmem>> -> memref<1x100x128xf32, #tpu.memory_space<vmem>>
      %dma_start3A_176 = tpu.memref_squeeze %dma_start3A_175 : memref<1x100x128xf32, #tpu.memory_space<vmem>> -> memref<100x128xf32, #tpu.memory_space<vmem>>
      %dma_start3A_177 = arith.constant 0 : i32
      %dma_start3A_178 = tpu.memref_slice %arg6[%add3A_171, %dma_start3A_177] : memref<52x100xi32, #tpu.memory_space<vmem>> -> memref<1x100xi32, #tpu.memory_space<vmem>>
      %dma_start3A_179 = tpu.memref_squeeze %dma_start3A_178 : memref<1x100xi32, #tpu.memory_space<vmem>> -> memref<100xi32, #tpu.memory_space<vmem>>
      %dma_start3A_180 = arith.constant 0 : i32
      %dma_start3A_181 = arith.constant 0 : i32
      %dma_start3A_182 = tpu.memref_slice %arg2[%dma_start3A_180, %dma_start3A_181] : memref<10240x128xf32, #tpu.memory_space<hbm>> -> memref<10240x128xf32, #tpu.memory_space<hbm>>
      tpu.enqueue_indirect_dma source(%dma_start3A_182 : memref<10240x128xf32, #tpu.memory_space<hbm>>) target(%dma_start3A_176 : memref<100x128xf32, #tpu.memory_space<vmem>>) offsets(%dma_start3A_179 : memref<100xi32, #tpu.memory_space<vmem>>) semaphore(%arg10 : memref<!tpu.dma_semaphore, #tpu.memory_space<semaphore_mem>>)
      %dma_wait3A_183 = arith.constant 0 : i32
      %dma_wait3A_184 = arith.constant 1 : i32
      %dma_wait3A_185 = arith.constant 0 : i32
      %dma_wait3A_186 = arith.constant 0 : i32
      %dma_wait3A_187 = tpu.memref_slice %arg8[%dma_wait3A_184, %dma_wait3A_185, %dma_wait3A_186] : memref<2x100x128xf32, #tpu.memory_space<vmem>> -> memref<1x100x128xf32, #tpu.memory_space<vmem>>
      %dma_wait3A_188 = tpu.memref_squeeze %dma_wait3A_187 : memref<1x100x128xf32, #tpu.memory_space<vmem>> -> memref<100x128xf32, #tpu.memory_space<vmem>>
      %dma_wait3A_189 = arith.constant 0 : i32
      %dma_wait3A_190 = tpu.memref_slice %arg6[%dma_wait3A_183, %dma_wait3A_189] : memref<52x100xi32, #tpu.memory_space<vmem>> -> memref<1x100xi32, #tpu.memory_space<vmem>>
      %dma_wait3A_191 = tpu.memref_squeeze %dma_wait3A_190 : memref<1x100xi32, #tpu.memory_space<vmem>> -> memref<100xi32, #tpu.memory_space<vmem>>
      %dma_wait3A_192 = arith.constant 0 : i32
      %dma_wait3A_193 = arith.constant 0 : i32
      %dma_wait3A_194 = tpu.memref_slice %arg2[%dma_wait3A_192, %dma_wait3A_193] : memref<10240x128xf32, #tpu.memory_space<hbm>> -> memref<10240x128xf32, #tpu.memory_space<hbm>>
      tpu.wait_indirect_dma semaphore(%arg11 : memref<!tpu.dma_semaphore, #tpu.memory_space<semaphore_mem>>) src(%dma_wait3A_194 : memref<10240x128xf32, #tpu.memory_space<hbm>>) dst(%dma_wait3A_188 : memref<100x128xf32, #tpu.memory_space<vmem>>)
      %add3A_195 = arith.constant 1 : i32
      %add3A_196 = arith.addi %add3A_152, %add3A_195 : i32
      %run_scoped3A_197 = arith.constant 1 : i32
      "tpu.region"() ({
        %run_scoped3A_213 = tpu.sem_alloc : memref<!tpu.dma_semaphore, #tpu.memory_space<semaphore_mem>>
        %dma_start3A_214 = arith.constant 0 : i32
        %dma_start3A_215 = arith.constant 0 : i32
        %dma_start3A_216 = tpu.memref_slice %arg8[%run_scoped3A_197, %dma_start3A_214, %dma_start3A_215] : memref<2x100x128xf32, #tpu.memory_space<vmem>> -> memref<1x100x128xf32, #tpu.memory_space<vmem>>
        %dma_start3A_217 = tpu.memref_squeeze %dma_start3A_216 : memref<1x100x128xf32, #tpu.memory_space<vmem>> -> memref<100x128xf32, #tpu.memory_space<vmem>>
        %dma_start3A_218 = arith.constant 0 : i32
        %dma_start3A_219 = tpu.memref_slice %arg7[%add3A_196, %dma_start3A_218] : memref<52x100xi32, #tpu.memory_space<vmem>> -> memref<1x100xi32, #tpu.memory_space<vmem>>
        %dma_start3A_220 = tpu.memref_squeeze %dma_start3A_219 : memref<1x100xi32, #tpu.memory_space<vmem>> -> memref<100xi32, #tpu.memory_space<vmem>>
        %dma_start3A_221 = arith.constant 0 : i32
        %dma_start3A_222 = arith.constant 0 : i32
        %dma_start3A_223 = tpu.memref_slice %arg9[%dma_start3A_221, %dma_start3A_222] : memref<10240x128xf32, #tpu.memory_space<vmem_shared>> -> memref<10240x128xf32, #tpu.memory_space<vmem_shared>>
        tpu.enqueue_indirect_dma source(%dma_start3A_217 : memref<100x128xf32, #tpu.memory_space<vmem>>) target(%dma_start3A_223 : memref<10240x128xf32, #tpu.memory_space<vmem_shared>>) offsets(%dma_start3A_220 : memref<100xi32, #tpu.memory_space<vmem>>) semaphore(%run_scoped3A_213 : memref<!tpu.dma_semaphore, #tpu.memory_space<semaphore_mem>>) {add = true}
        %dma_wait3A_224 = arith.constant 0 : i32
        %dma_wait3A_225 = arith.constant 0 : i32
        %dma_wait3A_226 = tpu.memref_slice %arg8[%run_scoped3A_197, %dma_wait3A_224, %dma_wait3A_225] : memref<2x100x128xf32, #tpu.memory_space<vmem>> -> memref<1x100x128xf32, #tpu.memory_space<vmem>>
        %dma_wait3A_227 = tpu.memref_squeeze %dma_wait3A_226 : memref<1x100x128xf32, #tpu.memory_space<vmem>> -> memref<100x128xf32, #tpu.memory_space<vmem>>
        %dma_wait3A_228 = arith.constant 0 : i32
        %dma_wait3A_229 = tpu.memref_slice %arg7[%add3A_196, %dma_wait3A_228] : memref<52x100xi32, #tpu.memory_space<vmem>> -> memref<1x100xi32, #tpu.memory_space<vmem>>
        %dma_wait3A_230 = tpu.memref_squeeze %dma_wait3A_229 : memref<1x100xi32, #tpu.memory_space<vmem>> -> memref<100xi32, #tpu.memory_space<vmem>>
        %dma_wait3A_231 = arith.constant 0 : i32
        %dma_wait3A_232 = arith.constant 0 : i32
        %dma_wait3A_233 = tpu.memref_slice %arg9[%dma_wait3A_231, %dma_wait3A_232] : memref<10240x128xf32, #tpu.memory_space<vmem_shared>> -> memref<10240x128xf32, #tpu.memory_space<vmem_shared>>
        tpu.wait_indirect_dma semaphore(%run_scoped3A_213 : memref<!tpu.dma_semaphore, #tpu.memory_space<semaphore_mem>>) src(%dma_wait3A_227 : memref<100x128xf32, #tpu.memory_space<vmem>>) dst(%dma_wait3A_233 : memref<10240x128xf32, #tpu.memory_space<vmem_shared>>)
        tpu.yield
      }) : () -> ()
      %add3A_198 = arith.constant 1 : i32
      %add3A_199 = arith.addi %add3A_152, %add3A_198 : i32
      %add3A_200 = arith.constant 2 : i32
      %add3A_201 = arith.addi %add3A_199, %add3A_200 : i32
      %dma_start3A_202 = arith.constant 1 : i32
      %dma_start3A_203 = arith.constant 0 : i32
      %dma_start3A_204 = arith.constant 0 : i32
      %dma_start3A_205 = tpu.memref_slice %arg8[%dma_start3A_202, %dma_start3A_203, %dma_start3A_204] : memref<2x100x128xf32, #tpu.memory_space<vmem>> -> memref<1x100x128xf32, #tpu.memory_space<vmem>>
      %dma_start3A_206 = tpu.memref_squeeze %dma_start3A_205 : memref<1x100x128xf32, #tpu.memory_space<vmem>> -> memref<100x128xf32, #tpu.memory_space<vmem>>
      %dma_start3A_207 = arith.constant 0 : i32
      %dma_start3A_208 = tpu.memref_slice %arg6[%add3A_201, %dma_start3A_207] : memref<52x100xi32, #tpu.memory_space<vmem>> -> memref<1x100xi32, #tpu.memory_space<vmem>>
      %dma_start3A_209 = tpu.memref_squeeze %dma_start3A_208 : memref<1x100xi32, #tpu.memory_space<vmem>> -> memref<100xi32, #tpu.memory_space<vmem>>
      %dma_start3A_210 = arith.constant 0 : i32
      %dma_start3A_211 = arith.constant 0 : i32
      %dma_start3A_212 = tpu.memref_slice %arg2[%dma_start3A_210, %dma_start3A_211] : memref<10240x128xf32, #tpu.memory_space<hbm>> -> memref<10240x128xf32, #tpu.memory_space<hbm>>
      tpu.enqueue_indirect_dma source(%dma_start3A_212 : memref<10240x128xf32, #tpu.memory_space<hbm>>) target(%dma_start3A_206 : memref<100x128xf32, #tpu.memory_space<vmem>>) offsets(%dma_start3A_209 : memref<100xi32, #tpu.memory_space<vmem>>) semaphore(%arg11 : memref<!tpu.dma_semaphore, #tpu.memory_space<semaphore_mem>>)
    }
    %scan3A_101 = arith.constant 25 : i32
    %dma_wait3A_102 = arith.constant 0 : i32
    %dma_wait3A_103 = arith.constant 0 : i32
    %dma_wait3A_104 = arith.constant 0 : i32
    %dma_wait3A_105 = arith.constant 0 : i32
    %dma_wait3A_106 = tpu.memref_slice %arg8[%dma_wait3A_103, %dma_wait3A_104, %dma_wait3A_105] : memref<2x100x128xf32, #tpu.memory_space<vmem>> -> memref<1x100x128xf32, #tpu.memory_space<vmem>>
    %dma_wait3A_107 = tpu.memref_squeeze %dma_wait3A_106 : memref<1x100x128xf32, #tpu.memory_space<vmem>> -> memref<100x128xf32, #tpu.memory_space<vmem>>
    %dma_wait3A_108 = arith.constant 0 : i32
    %dma_wait3A_109 = tpu.memref_slice %arg6[%dma_wait3A_102, %dma_wait3A_108] : memref<52x100xi32, #tpu.memory_space<vmem>> -> memref<1x100xi32, #tpu.memory_space<vmem>>
    %dma_wait3A_110 = tpu.memref_squeeze %dma_wait3A_109 : memref<1x100xi32, #tpu.memory_space<vmem>> -> memref<100xi32, #tpu.memory_space<vmem>>
    %dma_wait3A_111 = arith.constant 0 : i32
    %dma_wait3A_112 = arith.constant 0 : i32
    %dma_wait3A_113 = tpu.memref_slice %arg2[%dma_wait3A_111, %dma_wait3A_112] : memref<10240x128xf32, #tpu.memory_space<hbm>> -> memref<10240x128xf32, #tpu.memory_space<hbm>>
    tpu.wait_indirect_dma semaphore(%arg10 : memref<!tpu.dma_semaphore, #tpu.memory_space<semaphore_mem>>) src(%dma_wait3A_113 : memref<10240x128xf32, #tpu.memory_space<hbm>>) dst(%dma_wait3A_107 : memref<100x128xf32, #tpu.memory_space<vmem>>)
    %run_scoped3A_114 = arith.constant 0 : i32
    %run_scoped3A_115 = arith.constant 50 : i32
    "tpu.region"() ({
      %run_scoped3A_149 = tpu.sem_alloc : memref<!tpu.dma_semaphore, #tpu.memory_space<semaphore_mem>>
      %dma_start3A_150 = arith.constant 0 : i32
      %dma_start3A_151 = arith.constant 0 : i32
      %dma_start3A_152 = tpu.memref_slice %arg8[%run_scoped3A_114, %dma_start3A_150, %dma_start3A_151] : memref<2x100x128xf32, #tpu.memory_space<vmem>> -> memref<1x100x128xf32, #tpu.memory_space<vmem>>
      %dma_start3A_153 = tpu.memref_squeeze %dma_start3A_152 : memref<1x100x128xf32, #tpu.memory_space<vmem>> -> memref<100x128xf32, #tpu.memory_space<vmem>>
      %dma_start3A_154 = arith.constant 0 : i32
      %dma_start3A_155 = tpu.memref_slice %arg7[%run_scoped3A_115, %dma_start3A_154] : memref<52x100xi32, #tpu.memory_space<vmem>> -> memref<1x100xi32, #tpu.memory_space<vmem>>
      %dma_start3A_156 = tpu.memref_squeeze %dma_start3A_155 : memref<1x100xi32, #tpu.memory_space<vmem>> -> memref<100xi32, #tpu.memory_space<vmem>>
      %dma_start3A_157 = arith.constant 0 : i32
      %dma_start3A_158 = arith.constant 0 : i32
      %dma_start3A_159 = tpu.memref_slice %arg9[%dma_start3A_157, %dma_start3A_158] : memref<10240x128xf32, #tpu.memory_space<vmem_shared>> -> memref<10240x128xf32, #tpu.memory_space<vmem_shared>>
      tpu.enqueue_indirect_dma source(%dma_start3A_153 : memref<100x128xf32, #tpu.memory_space<vmem>>) target(%dma_start3A_159 : memref<10240x128xf32, #tpu.memory_space<vmem_shared>>) offsets(%dma_start3A_156 : memref<100xi32, #tpu.memory_space<vmem>>) semaphore(%run_scoped3A_149 : memref<!tpu.dma_semaphore, #tpu.memory_space<semaphore_mem>>) {add = true}
      %dma_wait3A_160 = arith.constant 0 : i32
      %dma_wait3A_161 = arith.constant 0 : i32
      %dma_wait3A_162 = tpu.memref_slice %arg8[%run_scoped3A_114, %dma_wait3A_160, %dma_wait3A_161] : memref<2x100x128xf32, #tpu.memory_space<vmem>> -> memref<1x100x128xf32, #tpu.memory_space<vmem>>
      %dma_wait3A_163 = tpu.memref_squeeze %dma_wait3A_162 : memref<1x100x128xf32, #tpu.memory_space<vmem>> -> memref<100x128xf32, #tpu.memory_space<vmem>>
      %dma_wait3A_164 = arith.constant 0 : i32
      %dma_wait3A_165 = tpu.memref_slice %arg7[%run_scoped3A_115, %dma_wait3A_164] : memref<52x100xi32, #tpu.memory_space<vmem>> -> memref<1x100xi32, #tpu.memory_space<vmem>>
      %dma_wait3A_166 = tpu.memref_squeeze %dma_wait3A_165 : memref<1x100xi32, #tpu.memory_space<vmem>> -> memref<100xi32, #tpu.memory_space<vmem>>
      %dma_wait3A_167 = arith.constant 0 : i32
      %dma_wait3A_168 = arith.constant 0 : i32
      %dma_wait3A_169 = tpu.memref_slice %arg9[%dma_wait3A_167, %dma_wait3A_168] : memref<10240x128xf32, #tpu.memory_space<vmem_shared>> -> memref<10240x128xf32, #tpu.memory_space<vmem_shared>>
      tpu.wait_indirect_dma semaphore(%run_scoped3A_149 : memref<!tpu.dma_semaphore, #tpu.memory_space<semaphore_mem>>) src(%dma_wait3A_163 : memref<100x128xf32, #tpu.memory_space<vmem>>) dst(%dma_wait3A_169 : memref<10240x128xf32, #tpu.memory_space<vmem_shared>>)
      tpu.yield
    }) : () -> ()
    %dma_wait3A_116 = arith.constant 0 : i32
    %dma_wait3A_117 = arith.constant 1 : i32
    %dma_wait3A_118 = arith.constant 0 : i32
    %dma_wait3A_119 = arith.constant 0 : i32
    %dma_wait3A_120 = tpu.memref_slice %arg8[%dma_wait3A_117, %dma_wait3A_118, %dma_wait3A_119] : memref<2x100x128xf32, #tpu.memory_space<vmem>> -> memref<1x100x128xf32, #tpu.memory_space<vmem>>
    %dma_wait3A_121 = tpu.memref_squeeze %dma_wait3A_120 : memref<1x100x128xf32, #tpu.memory_space<vmem>> -> memref<100x128xf32, #tpu.memory_space<vmem>>
    %dma_wait3A_122 = arith.constant 0 : i32
    %dma_wait3A_123 = tpu.memref_slice %arg6[%dma_wait3A_116, %dma_wait3A_122] : memref<52x100xi32, #tpu.memory_space<vmem>> -> memref<1x100xi32, #tpu.memory_space<vmem>>
    %dma_wait3A_124 = tpu.memref_squeeze %dma_wait3A_123 : memref<1x100xi32, #tpu.memory_space<vmem>> -> memref<100xi32, #tpu.memory_space<vmem>>
    %dma_wait3A_125 = arith.constant 0 : i32
    %dma_wait3A_126 = arith.constant 0 : i32
    %dma_wait3A_127 = tpu.memref_slice %arg2[%dma_wait3A_125, %dma_wait3A_126] : memref<10240x128xf32, #tpu.memory_space<hbm>> -> memref<10240x128xf32, #tpu.memory_space<hbm>>
    tpu.wait_indirect_dma semaphore(%arg11 : memref<!tpu.dma_semaphore, #tpu.memory_space<semaphore_mem>>) src(%dma_wait3A_127 : memref<10240x128xf32, #tpu.memory_space<hbm>>) dst(%dma_wait3A_121 : memref<100x128xf32, #tpu.memory_space<vmem>>)
    %run_scoped3A_128 = arith.constant 1 : i32
    %run_scoped3A_129 = arith.constant 51 : i32
    "tpu.region"() ({
      %run_scoped3A_149 = tpu.sem_alloc : memref<!tpu.dma_semaphore, #tpu.memory_space<semaphore_mem>>
      %dma_start3A_150 = arith.constant 0 : i32
      %dma_start3A_151 = arith.constant 0 : i32
      %dma_start3A_152 = tpu.memref_slice %arg8[%run_scoped3A_128, %dma_start3A_150, %dma_start3A_151] : memref<2x100x128xf32, #tpu.memory_space<vmem>> -> memref<1x100x128xf32, #tpu.memory_space<vmem>>
      %dma_start3A_153 = tpu.memref_squeeze %dma_start3A_152 : memref<1x100x128xf32, #tpu.memory_space<vmem>> -> memref<100x128xf32, #tpu.memory_space<vmem>>
      %dma_start3A_154 = arith.constant 0 : i32
      %dma_start3A_155 = tpu.memref_slice %arg7[%run_scoped3A_129, %dma_start3A_154] : memref<52x100xi32, #tpu.memory_space<vmem>> -> memref<1x100xi32, #tpu.memory_space<vmem>>
      %dma_start3A_156 = tpu.memref_squeeze %dma_start3A_155 : memref<1x100xi32, #tpu.memory_space<vmem>> -> memref<100xi32, #tpu.memory_space<vmem>>
      %dma_start3A_157 = arith.constant 0 : i32
      %dma_start3A_158 = arith.constant 0 : i32
      %dma_start3A_159 = tpu.memref_slice %arg9[%dma_start3A_157, %dma_start3A_158] : memref<10240x128xf32, #tpu.memory_space<vmem_shared>> -> memref<10240x128xf32, #tpu.memory_space<vmem_shared>>
      tpu.enqueue_indirect_dma source(%dma_start3A_153 : memref<100x128xf32, #tpu.memory_space<vmem>>) target(%dma_start3A_159 : memref<10240x128xf32, #tpu.memory_space<vmem_shared>>) offsets(%dma_start3A_156 : memref<100xi32, #tpu.memory_space<vmem>>) semaphore(%run_scoped3A_149 : memref<!tpu.dma_semaphore, #tpu.memory_space<semaphore_mem>>) {add = true}
      %dma_wait3A_160 = arith.constant 0 : i32
      %dma_wait3A_161 = arith.constant 0 : i32
      %dma_wait3A_162 = tpu.memref_slice %arg8[%run_scoped3A_128, %dma_wait3A_160, %dma_wait3A_161] : memref<2x100x128xf32, #tpu.memory_space<vmem>> -> memref<1x100x128xf32, #tpu.memory_space<vmem>>
      %dma_wait3A_163 = tpu.memref_squeeze %dma_wait3A_162 : memref<1x100x128xf32, #tpu.memory_space<vmem>> -> memref<100x128xf32, #tpu.memory_space<vmem>>
      %dma_wait3A_164 = arith.constant 0 : i32
      %dma_wait3A_165 = tpu.memref_slice %arg7[%run_scoped3A_129, %dma_wait3A_164] : memref<52x100xi32, #tpu.memory_space<vmem>> -> memref<1x100xi32, #tpu.memory_space<vmem>>
      %dma_wait3A_166 = tpu.memref_squeeze %dma_wait3A_165 : memref<1x100xi32, #tpu.memory_space<vmem>> -> memref<100xi32, #tpu.memory_space<vmem>>
      %dma_wait3A_167 = arith.constant 0 : i32
      %dma_wait3A_168 = arith.constant 0 : i32
      %dma_wait3A_169 = tpu.memref_slice %arg9[%dma_wait3A_167, %dma_wait3A_168] : memref<10240x128xf32, #tpu.memory_space<vmem_shared>> -> memref<10240x128xf32, #tpu.memory_space<vmem_shared>>
      tpu.wait_indirect_dma semaphore(%run_scoped3A_149 : memref<!tpu.dma_semaphore, #tpu.memory_space<semaphore_mem>>) src(%dma_wait3A_163 : memref<100x128xf32, #tpu.memory_space<vmem>>) dst(%dma_wait3A_169 : memref<10240x128xf32, #tpu.memory_space<vmem_shared>>)
      tpu.yield
    }) : () -> ()
    %barrier3A_130 = arith.constant 0 : index
    tpu.barrier barrier_id(%barrier3A_130)
    %sub3A_131 = arith.constant 640 : i32
    %sub3A_132 = arith.subi %sub3A_131, %arg1 : i32
    %sub3A_133 = arith.constant 16 : i32
    %sub3A_134 = arith.constant 1 : i32
    %sub3A_135 = arith.subi %sub3A_133, %sub3A_134 : i32
    %add3A_136 = arith.addi %sub3A_132, %sub3A_135 : i32
    %div3A_137 = arith.constant 16 : i32
    %div3A_138 = arith.divsi %add3A_136, %div3A_137 : i32
    %while3A_139 = arith.constant 16 : i32
    %while3A_140 = arith.constant 0 : i32
    %while3A_141 = arith.subi %div3A_138, %while3A_140 : i32
    %while3A_142 = arith.addi %while3A_140, %while3A_141 : i32
    %while3A_143 = arith.constant 1 : i32
    %while3A_144 = arith.divsi %while3A_141, %while3A_143 : i32
    %while3A_145 = arith.muli %while3A_144, %while3A_143 : i32
    %while3A_146 = arith.addi %while3A_140, %while3A_145 : i32
    %while3A_147 = arith.constant 1 : i32
    scf.for %while3A_149 = %while3A_140 to %while3A_146 step %while3A_147  : i32 {
      %mul3A = arith.muli %while3A_149, %while3A_139 : i32
      %add3A_150 = arith.addi %arg1, %mul3A : i32
      %mul3A_151 = arith.constant 16 : i32
      %mul3A_152 = arith.muli %add3A_150, %mul3A_151 : i32
      %mul3A_153 = arith.constant 16 : i32
      %mul3A_154 = arith.muli %add3A_150, %mul3A_153 : i32
      "tpu.region"() ({
        %run_scoped3A_155 = tpu.sem_alloc : memref<!tpu.dma_semaphore, #tpu.memory_space<semaphore_mem>>
        %dma_start3A_156 = arith.constant 0 : i32
        %dma_start3A_157 = tpu.memref_slice %arg5[%arg0, %mul3A_154, %dma_start3A_156] : memref<2x10240x128xf32, #tpu.memory_space<hbm>> -> memref<1x16x128xf32, #tpu.memory_space<hbm>>
        %dma_start3A_158 = tpu.memref_squeeze %dma_start3A_157 : memref<1x16x128xf32, #tpu.memory_space<hbm>> -> memref<16x128xf32, #tpu.memory_space<hbm>>
        %dma_start3A_159 = arith.constant 0 : i32
        %dma_start3A_160 = tpu.memref_slice %arg9[%mul3A_152, %dma_start3A_159] : memref<10240x128xf32, #tpu.memory_space<vmem_shared>> -> memref<16x128xf32, #tpu.memory_space<vmem_shared>>
        tpu.enqueue_dma source(%dma_start3A_160 : memref<16x128xf32, #tpu.memory_space<vmem_shared>>) target(%dma_start3A_158 : memref<16x128xf32, #tpu.memory_space<hbm>>) target_semaphore(%run_scoped3A_155 : memref<!tpu.dma_semaphore, #tpu.memory_space<semaphore_mem>>)
        %dma_wait3A_161 = arith.constant 0 : i32
        %dma_wait3A_162 = tpu.memref_slice %arg5[%arg0, %mul3A_154, %dma_wait3A_161] : memref<2x10240x128xf32, #tpu.memory_space<hbm>> -> memref<1x16x128xf32, #tpu.memory_space<hbm>>
        %dma_wait3A_163 = tpu.memref_squeeze %dma_wait3A_162 : memref<1x16x128xf32, #tpu.memory_space<hbm>> -> memref<16x128xf32, #tpu.memory_space<hbm>>
        %dma_wait3A_164 = arith.constant 0 : i32
        %dma_wait3A_165 = tpu.memref_slice %arg9[%mul3A_152, %dma_wait3A_164] : memref<10240x128xf32, #tpu.memory_space<vmem_shared>> -> memref<16x128xf32, #tpu.memory_space<vmem_shared>>
        tpu.wait_dma2 semaphore(%run_scoped3A_155 : memref<!tpu.dma_semaphore, #tpu.memory_space<semaphore_mem>>) src(%dma_wait3A_165 : memref<16x128xf32, #tpu.memory_space<vmem_shared>>) dst(%dma_wait3A_163 : memref<16x128xf32, #tpu.memory_space<hbm>>)
        tpu.yield
      }) : () -> ()
    }
    %while3A_148 = arith.constant 1 : i32
    scf.for %while3A_149 = %while3A_146 to %while3A_142 step %while3A_148  : i32 {
      %mul3A = arith.muli %while3A_149, %while3A_139 : i32
      %add3A_150 = arith.addi %arg1, %mul3A : i32
      %mul3A_151 = arith.constant 16 : i32
      %mul3A_152 = arith.muli %add3A_150, %mul3A_151 : i32
      %mul3A_153 = arith.constant 16 : i32
      %mul3A_154 = arith.muli %add3A_150, %mul3A_153 : i32
      "tpu.region"() ({
        %run_scoped3A_155 = tpu.sem_alloc : memref<!tpu.dma_semaphore, #tpu.memory_space<semaphore_mem>>
        %dma_start3A_156 = arith.constant 0 : i32
        %dma_start3A_157 = tpu.memref_slice %arg5[%arg0, %mul3A_154, %dma_start3A_156] : memref<2x10240x128xf32, #tpu.memory_space<hbm>> -> memref<1x16x128xf32, #tpu.memory_space<hbm>>
        %dma_start3A_158 = tpu.memref_squeeze %dma_start3A_157 : memref<1x16x128xf32, #tpu.memory_space<hbm>> -> memref<16x128xf32, #tpu.memory_space<hbm>>
        %dma_start3A_159 = arith.constant 0 : i32
        %dma_start3A_160 = tpu.memref_slice %arg9[%mul3A_152, %dma_start3A_159] : memref<10240x128xf32, #tpu.memory_space<vmem_shared>> -> memref<16x128xf32, #tpu.memory_space<vmem_shared>>
        tpu.enqueue_dma source(%dma_start3A_160 : memref<16x128xf32, #tpu.memory_space<vmem_shared>>) target(%dma_start3A_158 : memref<16x128xf32, #tpu.memory_space<hbm>>) target_semaphore(%run_scoped3A_155 : memref<!tpu.dma_semaphore, #tpu.memory_space<semaphore_mem>>)
        %dma_wait3A_161 = arith.constant 0 : i32
        %dma_wait3A_162 = tpu.memref_slice %arg5[%arg0, %mul3A_154, %dma_wait3A_161] : memref<2x10240x128xf32, #tpu.memory_space<hbm>> -> memref<1x16x128xf32, #tpu.memory_space<hbm>>
        %dma_wait3A_163 = tpu.memref_squeeze %dma_wait3A_162 : memref<1x16x128xf32, #tpu.memory_space<hbm>> -> memref<16x128xf32, #tpu.memory_space<hbm>>
        %dma_wait3A_164 = arith.constant 0 : i32
        %dma_wait3A_165 = tpu.memref_slice %arg9[%mul3A_152, %dma_wait3A_164] : memref<10240x128xf32, #tpu.memory_space<vmem_shared>> -> memref<16x128xf32, #tpu.memory_space<vmem_shared>>
        tpu.wait_dma2 semaphore(%run_scoped3A_155 : memref<!tpu.dma_semaphore, #tpu.memory_space<semaphore_mem>>) src(%dma_wait3A_165 : memref<16x128xf32, #tpu.memory_space<vmem_shared>>) dst(%dma_wait3A_163 : memref<16x128xf32, #tpu.memory_space<hbm>>)
        tpu.yield
      }) : () -> ()
    }
    return
  }
}

#map = affine_map<(d0, d1) -> (0, 0)>
#map1 = affine_map<(d0, d1) -> (0, 0, 0, 0)>
#map2 = affine_map<(d0, d1) -> (0, 0, 0)>
module attributes {stable_mosaic.version = 14 : i64} {
  func.func @_edge2_kernel(%arg0: i32, %arg1: i32, %arg2: memref<10240x128xf32, #tpu.memory_space<hbm>>, %arg3: memref<2x16x100x100xi32, #tpu.memory_space<hbm>>, %arg4: memref<2x16x100x100xi32, #tpu.memory_space<hbm>>, %arg5: memref<2x16x8x128xi32, #tpu.memory_space<hbm>>, %arg6: memref<2x1024x128xf32, #tpu.memory_space<hbm>>, %arg7: memref<100x100xi32, #tpu.memory_space<vmem>>, %arg8: memref<100x100xi32, #tpu.memory_space<vmem>>, %arg9: memref<8x128xi32, #tpu.memory_space<vmem>>, %arg10: memref<2x100x128xf32, #tpu.memory_space<vmem>>, %arg11: memref<1024x128xf32, #tpu.memory_space<vmem_shared>>, %arg12: memref<!tpu.dma_semaphore, #tpu.memory_space<semaphore_mem>>, %arg13: memref<!tpu.dma_semaphore, #tpu.memory_space<semaphore_mem>>) attributes {dimension_semantics = [#tpu.dimension_semantics<core_parallel>, #tpu.dimension_semantics<subcore_parallel>], iteration_bounds = array<i64: 2, 16>, scalar_prefetch = 0 : i64, scratch_operands = 7 : i64, tpu.core_type = #tpu.core_type<sc_vector_subcore>, window_params = [{transform_indices = #map}, {transform_indices = #map1}, {transform_indices = #map1}, {transform_indices = #map1}, {transform_indices = #map2}]} {
    "tpu.region"() ({
      %run_scoped3A = tpu.sem_alloc : memref<!tpu.dma_semaphore, #tpu.memory_space<semaphore_mem>>
      %dma_start3A = arith.constant 0 : i32
      %dma_start3A_119 = arith.constant 0 : i32
      %dma_start3A_120 = tpu.memref_slice %arg5[%arg0, %arg1, %dma_start3A, %dma_start3A_119] : memref<2x16x8x128xi32, #tpu.memory_space<hbm>> -> memref<1x1x8x128xi32, #tpu.memory_space<hbm>>
      %dma_start3A_121 = tpu.memref_squeeze %dma_start3A_120 : memref<1x1x8x128xi32, #tpu.memory_space<hbm>> -> memref<8x128xi32, #tpu.memory_space<hbm>>
      %dma_start3A_122 = arith.constant 0 : i32
      %dma_start3A_123 = arith.constant 0 : i32
      %dma_start3A_124 = tpu.memref_slice %arg5[%arg0, %arg1, %dma_start3A_122, %dma_start3A_123] : memref<2x16x8x128xi32, #tpu.memory_space<hbm>> -> memref<1x1x8x128xi32, #tpu.memory_space<hbm>>
      %dma_start3A_125 = tpu.memref_squeeze %dma_start3A_124 : memref<1x1x8x128xi32, #tpu.memory_space<hbm>> -> memref<8x128xi32, #tpu.memory_space<hbm>>
      tpu.enqueue_dma source(%dma_start3A_125 : memref<8x128xi32, #tpu.memory_space<hbm>>) target(%arg9 : memref<8x128xi32, #tpu.memory_space<vmem>>) target_semaphore(%run_scoped3A : memref<!tpu.dma_semaphore, #tpu.memory_space<semaphore_mem>>)
      %dma_wait3A = arith.constant 0 : i32
      %dma_wait3A_126 = arith.constant 0 : i32
      %dma_wait3A_127 = tpu.memref_slice %arg5[%arg0, %arg1, %dma_wait3A, %dma_wait3A_126] : memref<2x16x8x128xi32, #tpu.memory_space<hbm>> -> memref<1x1x8x128xi32, #tpu.memory_space<hbm>>
      %dma_wait3A_128 = tpu.memref_squeeze %dma_wait3A_127 : memref<1x1x8x128xi32, #tpu.memory_space<hbm>> -> memref<8x128xi32, #tpu.memory_space<hbm>>
      %dma_wait3A_129 = arith.constant 0 : i32
      %dma_wait3A_130 = arith.constant 0 : i32
      %dma_wait3A_131 = tpu.memref_slice %arg5[%arg0, %arg1, %dma_wait3A_129, %dma_wait3A_130] : memref<2x16x8x128xi32, #tpu.memory_space<hbm>> -> memref<1x1x8x128xi32, #tpu.memory_space<hbm>>
      %dma_wait3A_132 = tpu.memref_squeeze %dma_wait3A_131 : memref<1x1x8x128xi32, #tpu.memory_space<hbm>> -> memref<8x128xi32, #tpu.memory_space<hbm>>
      tpu.wait_dma2 semaphore(%run_scoped3A : memref<!tpu.dma_semaphore, #tpu.memory_space<semaphore_mem>>) src(%dma_wait3A_132 : memref<8x128xi32, #tpu.memory_space<hbm>>) dst(%arg9 : memref<8x128xi32, #tpu.memory_space<vmem>>)
      tpu.yield
    }) : () -> ()
    %get3A = arith.constant 0 : i32
    %get3A_0 = arith.index_cast %get3A : i32 to index
    %get3A_1 = arith.constant 0 : index
    %get3A_2 = tpu.vector_load %arg9[%get3A_0, %get3A_1] {strides = array<i32>} : memref<8x128xi32, #tpu.memory_space<vmem>>, vector<1x16xi32>,
    %get3A_3 = vector.shape_cast %get3A_2 : vector<1x16xi32> to vector<16xi32>
    %slice3A = vector.extract_strided_slice %get3A_3 {offsets = [0], sizes = [1], strides = [1]} : vector<16xi32> to vector<1xi32>
    %squeeze3A = vector.extract %slice3A[0] : i32 from vector<1xi32>
    %add3A = arith.constant 99 : i32
    %add3A_4 = arith.addi %squeeze3A, %add3A : i32
    %jit3A = arith.constant 100 : i32
    %div3A = arith.divsi %add3A_4, %jit3A : i32
    %sign3A = arith.constant 0 : i32
    %sign3A_5 = arith.cmpi sgt, %add3A_4, %sign3A : i32
    %sign3A_6 = arith.extui %sign3A_5 : i1 to i32
    %sign3A_7 = arith.constant 0 : i32
    %sign3A_8 = arith.cmpi slt, %add3A_4, %sign3A_7 : i32
    %sign3A_9 = arith.extui %sign3A_8 : i1 to i32
    %sign3A_10 = arith.subi %sign3A_6, %sign3A_9 : i32
    %sign3A_11 = arith.constant 0 : i32
    %sign3A_12 = arith.cmpi sgt, %jit3A, %sign3A_11 : i32
    %sign3A_13 = arith.extui %sign3A_12 : i1 to i32
    %sign3A_14 = arith.constant 0 : i32
    %sign3A_15 = arith.cmpi slt, %jit3A, %sign3A_14 : i32
    %sign3A_16 = arith.extui %sign3A_15 : i1 to i32
    %sign3A_17 = arith.subi %sign3A_13, %sign3A_16 : i32
    %ne3A = arith.cmpi ne, %sign3A_10, %sign3A_17 : i32
    %rem3A = arith.remsi %add3A_4, %jit3A : i32
    %ne3A_18 = arith.constant 0 : i32
    %ne3A_19 = arith.cmpi ne, %rem3A, %ne3A_18 : i32
    %and3A = arith.andi %ne3A, %ne3A_19 : i1
    %sub3A = arith.constant 1 : i32
    %sub3A_20 = arith.subi %div3A, %sub3A : i32
    %select_n3A = arith.select %and3A, %sub3A_20, %div3A : i32
    "tpu.region"() ({
      %run_scoped3A = tpu.sem_alloc : memref<!tpu.dma_semaphore, #tpu.memory_space<semaphore_mem>>
      %dma_start3A = arith.constant 0 : i32
      %dma_start3A_119 = arith.constant 0 : i32
      %dma_start3A_120 = tpu.memref_slice %arg7[%dma_start3A, %dma_start3A_119] : memref<100x100xi32, #tpu.memory_space<vmem>> -> memref<16x100xi32, #tpu.memory_space<vmem>>
      %dma_start3A_121 = arith.constant 0 : i32
      %dma_start3A_122 = arith.constant 0 : i32
      %dma_start3A_123 = tpu.memref_slice %arg3[%arg0, %arg1, %dma_start3A_121, %dma_start3A_122] : memref<2x16x100x100xi32, #tpu.memory_space<hbm>> -> memref<1x1x16x100xi32, #tpu.memory_space<hbm>>
      %dma_start3A_124 = tpu.memref_squeeze %dma_start3A_123 : memref<1x1x16x100xi32, #tpu.memory_space<hbm>> -> memref<16x100xi32, #tpu.memory_space<hbm>>
      %dma_start3A_125 = arith.constant 0 : i32
      %dma_start3A_126 = arith.constant 0 : i32
      %dma_start3A_127 = tpu.memref_slice %arg7[%dma_start3A_125, %dma_start3A_126] : memref<100x100xi32, #tpu.memory_space<vmem>> -> memref<16x100xi32, #tpu.memory_space<vmem>>
      %dma_start3A_128 = arith.constant 0 : i32
      %dma_start3A_129 = arith.constant 0 : i32
      %dma_start3A_130 = tpu.memref_slice %arg3[%arg0, %arg1, %dma_start3A_128, %dma_start3A_129] : memref<2x16x100x100xi32, #tpu.memory_space<hbm>> -> memref<1x1x16x100xi32, #tpu.memory_space<hbm>>
      %dma_start3A_131 = tpu.memref_squeeze %dma_start3A_130 : memref<1x1x16x100xi32, #tpu.memory_space<hbm>> -> memref<16x100xi32, #tpu.memory_space<hbm>>
      tpu.enqueue_dma source(%dma_start3A_131 : memref<16x100xi32, #tpu.memory_space<hbm>>) target(%dma_start3A_127 : memref<16x100xi32, #tpu.memory_space<vmem>>) target_semaphore(%run_scoped3A : memref<!tpu.dma_semaphore, #tpu.memory_space<semaphore_mem>>)
      %dma_wait3A = arith.constant 0 : i32
      %dma_wait3A_132 = arith.constant 0 : i32
      %dma_wait3A_133 = tpu.memref_slice %arg7[%dma_wait3A, %dma_wait3A_132] : memref<100x100xi32, #tpu.memory_space<vmem>> -> memref<16x100xi32, #tpu.memory_space<vmem>>
      %dma_wait3A_134 = arith.constant 0 : i32
      %dma_wait3A_135 = arith.constant 0 : i32
      %dma_wait3A_136 = tpu.memref_slice %arg3[%arg0, %arg1, %dma_wait3A_134, %dma_wait3A_135] : memref<2x16x100x100xi32, #tpu.memory_space<hbm>> -> memref<1x1x16x100xi32, #tpu.memory_space<hbm>>
      %dma_wait3A_137 = tpu.memref_squeeze %dma_wait3A_136 : memref<1x1x16x100xi32, #tpu.memory_space<hbm>> -> memref<16x100xi32, #tpu.memory_space<hbm>>
      %dma_wait3A_138 = arith.constant 0 : i32
      %dma_wait3A_139 = arith.constant 0 : i32
      %dma_wait3A_140 = tpu.memref_slice %arg7[%dma_wait3A_138, %dma_wait3A_139] : memref<100x100xi32, #tpu.memory_space<vmem>> -> memref<16x100xi32, #tpu.memory_space<vmem>>
      %dma_wait3A_141 = arith.constant 0 : i32
      %dma_wait3A_142 = arith.constant 0 : i32
      %dma_wait3A_143 = tpu.memref_slice %arg3[%arg0, %arg1, %dma_wait3A_141, %dma_wait3A_142] : memref<2x16x100x100xi32, #tpu.memory_space<hbm>> -> memref<1x1x16x100xi32, #tpu.memory_space<hbm>>
      %dma_wait3A_144 = tpu.memref_squeeze %dma_wait3A_143 : memref<1x1x16x100xi32, #tpu.memory_space<hbm>> -> memref<16x100xi32, #tpu.memory_space<hbm>>
      tpu.wait_dma2 semaphore(%run_scoped3A : memref<!tpu.dma_semaphore, #tpu.memory_space<semaphore_mem>>) src(%dma_wait3A_144 : memref<16x100xi32, #tpu.memory_space<hbm>>) dst(%dma_wait3A_140 : memref<16x100xi32, #tpu.memory_space<vmem>>)
      tpu.yield
    }) : () -> ()
    "tpu.region"() ({
      %run_scoped3A = tpu.sem_alloc : memref<!tpu.dma_semaphore, #tpu.memory_space<semaphore_mem>>
      %dma_start3A = arith.constant 0 : i32
      %dma_start3A_119 = arith.constant 0 : i32
      %dma_start3A_120 = tpu.memref_slice %arg8[%dma_start3A, %dma_start3A_119] : memref<100x100xi32, #tpu.memory_space<vmem>> -> memref<16x100xi32, #tpu.memory_space<vmem>>
      %dma_start3A_121 = arith.constant 0 : i32
      %dma_start3A_122 = arith.constant 0 : i32
      %dma_start3A_123 = tpu.memref_slice %arg4[%arg0, %arg1, %dma_start3A_121, %dma_start3A_122] : memref<2x16x100x100xi32, #tpu.memory_space<hbm>> -> memref<1x1x16x100xi32, #tpu.memory_space<hbm>>
      %dma_start3A_124 = tpu.memref_squeeze %dma_start3A_123 : memref<1x1x16x100xi32, #tpu.memory_space<hbm>> -> memref<16x100xi32, #tpu.memory_space<hbm>>
      %dma_start3A_125 = arith.constant 0 : i32
      %dma_start3A_126 = arith.constant 0 : i32
      %dma_start3A_127 = tpu.memref_slice %arg8[%dma_start3A_125, %dma_start3A_126] : memref<100x100xi32, #tpu.memory_space<vmem>> -> memref<16x100xi32, #tpu.memory_space<vmem>>
      %dma_start3A_128 = arith.constant 0 : i32
      %dma_start3A_129 = arith.constant 0 : i32
      %dma_start3A_130 = tpu.memref_slice %arg4[%arg0, %arg1, %dma_start3A_128, %dma_start3A_129] : memref<2x16x100x100xi32, #tpu.memory_space<hbm>> -> memref<1x1x16x100xi32, #tpu.memory_space<hbm>>
      %dma_start3A_131 = tpu.memref_squeeze %dma_start3A_130 : memref<1x1x16x100xi32, #tpu.memory_space<hbm>> -> memref<16x100xi32, #tpu.memory_space<hbm>>
      tpu.enqueue_dma source(%dma_start3A_131 : memref<16x100xi32, #tpu.memory_space<hbm>>) target(%dma_start3A_127 : memref<16x100xi32, #tpu.memory_space<vmem>>) target_semaphore(%run_scoped3A : memref<!tpu.dma_semaphore, #tpu.memory_space<semaphore_mem>>)
      %dma_wait3A = arith.constant 0 : i32
      %dma_wait3A_132 = arith.constant 0 : i32
      %dma_wait3A_133 = tpu.memref_slice %arg8[%dma_wait3A, %dma_wait3A_132] : memref<100x100xi32, #tpu.memory_space<vmem>> -> memref<16x100xi32, #tpu.memory_space<vmem>>
      %dma_wait3A_134 = arith.constant 0 : i32
      %dma_wait3A_135 = arith.constant 0 : i32
      %dma_wait3A_136 = tpu.memref_slice %arg4[%arg0, %arg1, %dma_wait3A_134, %dma_wait3A_135] : memref<2x16x100x100xi32, #tpu.memory_space<hbm>> -> memref<1x1x16x100xi32, #tpu.memory_space<hbm>>
      %dma_wait3A_137 = tpu.memref_squeeze %dma_wait3A_136 : memref<1x1x16x100xi32, #tpu.memory_space<hbm>> -> memref<16x100xi32, #tpu.memory_space<hbm>>
      %dma_wait3A_138 = arith.constant 0 : i32
      %dma_wait3A_139 = arith.constant 0 : i32
      %dma_wait3A_140 = tpu.memref_slice %arg8[%dma_wait3A_138, %dma_wait3A_139] : memref<100x100xi32, #tpu.memory_space<vmem>> -> memref<16x100xi32, #tpu.memory_space<vmem>>
      %dma_wait3A_141 = arith.constant 0 : i32
      %dma_wait3A_142 = arith.constant 0 : i32
      %dma_wait3A_143 = tpu.memref_slice %arg4[%arg0, %arg1, %dma_wait3A_141, %dma_wait3A_142] : memref<2x16x100x100xi32, #tpu.memory_space<hbm>> -> memref<1x1x16x100xi32, #tpu.memory_space<hbm>>
      %dma_wait3A_144 = tpu.memref_squeeze %dma_wait3A_143 : memref<1x1x16x100xi32, #tpu.memory_space<hbm>> -> memref<16x100xi32, #tpu.memory_space<hbm>>
      tpu.wait_dma2 semaphore(%run_scoped3A : memref<!tpu.dma_semaphore, #tpu.memory_space<semaphore_mem>>) src(%dma_wait3A_144 : memref<16x100xi32, #tpu.memory_space<hbm>>) dst(%dma_wait3A_140 : memref<16x100xi32, #tpu.memory_space<vmem>>)
      tpu.yield
    }) : () -> ()
    %gt3A = arith.constant 16 : i32
    %gt3A_21 = arith.cmpi sgt, %select_n3A, %gt3A : i32
    %convert_element_type3A = arith.extui %gt3A_21 : i1 to i32
    %cond3A = arith.constant 0 : i32
    %cond3A_22 = arith.cmpi ne, %convert_element_type3A, %cond3A : i32
    scf.if %cond3A_22 {
      "tpu.region"() ({
        %run_scoped3A = tpu.sem_alloc : memref<!tpu.dma_semaphore, #tpu.memory_space<semaphore_mem>>
        %dma_start3A = arith.constant 16 : i32
        %dma_start3A_119 = arith.constant 0 : i32
        %dma_start3A_120 = tpu.memref_slice %arg7[%dma_start3A, %dma_start3A_119] : memref<100x100xi32, #tpu.memory_space<vmem>> -> memref<84x100xi32, #tpu.memory_space<vmem>>
        %dma_start3A_121 = arith.constant 16 : i32
        %dma_start3A_122 = arith.constant 0 : i32
        %dma_start3A_123 = tpu.memref_slice %arg3[%arg0, %arg1, %dma_start3A_121, %dma_start3A_122] : memref<2x16x100x100xi32, #tpu.memory_space<hbm>> -> memref<1x1x84x100xi32, #tpu.memory_space<hbm>>
        %dma_start3A_124 = tpu.memref_squeeze %dma_start3A_123 : memref<1x1x84x100xi32, #tpu.memory_space<hbm>> -> memref<84x100xi32, #tpu.memory_space<hbm>>
        %dma_start3A_125 = arith.constant 16 : i32
        %dma_start3A_126 = arith.constant 0 : i32
        %dma_start3A_127 = tpu.memref_slice %arg7[%dma_start3A_125, %dma_start3A_126] : memref<100x100xi32, #tpu.memory_space<vmem>> -> memref<84x100xi32, #tpu.memory_space<vmem>>
        %dma_start3A_128 = arith.constant 16 : i32
        %dma_start3A_129 = arith.constant 0 : i32
        %dma_start3A_130 = tpu.memref_slice %arg3[%arg0, %arg1, %dma_start3A_128, %dma_start3A_129] : memref<2x16x100x100xi32, #tpu.memory_space<hbm>> -> memref<1x1x84x100xi32, #tpu.memory_space<hbm>>
        %dma_start3A_131 = tpu.memref_squeeze %dma_start3A_130 : memref<1x1x84x100xi32, #tpu.memory_space<hbm>> -> memref<84x100xi32, #tpu.memory_space<hbm>>
        tpu.enqueue_dma source(%dma_start3A_131 : memref<84x100xi32, #tpu.memory_space<hbm>>) target(%dma_start3A_127 : memref<84x100xi32, #tpu.memory_space<vmem>>) target_semaphore(%run_scoped3A : memref<!tpu.dma_semaphore, #tpu.memory_space<semaphore_mem>>)
        %dma_wait3A = arith.constant 16 : i32
        %dma_wait3A_132 = arith.constant 0 : i32
        %dma_wait3A_133 = tpu.memref_slice %arg7[%dma_wait3A, %dma_wait3A_132] : memref<100x100xi32, #tpu.memory_space<vmem>> -> memref<84x100xi32, #tpu.memory_space<vmem>>
        %dma_wait3A_134 = arith.constant 16 : i32
        %dma_wait3A_135 = arith.constant 0 : i32
        %dma_wait3A_136 = tpu.memref_slice %arg3[%arg0, %arg1, %dma_wait3A_134, %dma_wait3A_135] : memref<2x16x100x100xi32, #tpu.memory_space<hbm>> -> memref<1x1x84x100xi32, #tpu.memory_space<hbm>>
        %dma_wait3A_137 = tpu.memref_squeeze %dma_wait3A_136 : memref<1x1x84x100xi32, #tpu.memory_space<hbm>> -> memref<84x100xi32, #tpu.memory_space<hbm>>
        %dma_wait3A_138 = arith.constant 16 : i32
        %dma_wait3A_139 = arith.constant 0 : i32
        %dma_wait3A_140 = tpu.memref_slice %arg7[%dma_wait3A_138, %dma_wait3A_139] : memref<100x100xi32, #tpu.memory_space<vmem>> -> memref<84x100xi32, #tpu.memory_space<vmem>>
        %dma_wait3A_141 = arith.constant 16 : i32
        %dma_wait3A_142 = arith.constant 0 : i32
        %dma_wait3A_143 = tpu.memref_slice %arg3[%arg0, %arg1, %dma_wait3A_141, %dma_wait3A_142] : memref<2x16x100x100xi32, #tpu.memory_space<hbm>> -> memref<1x1x84x100xi32, #tpu.memory_space<hbm>>
        %dma_wait3A_144 = tpu.memref_squeeze %dma_wait3A_143 : memref<1x1x84x100xi32, #tpu.memory_space<hbm>> -> memref<84x100xi32, #tpu.memory_space<hbm>>
        tpu.wait_dma2 semaphore(%run_scoped3A : memref<!tpu.dma_semaphore, #tpu.memory_space<semaphore_mem>>) src(%dma_wait3A_144 : memref<84x100xi32, #tpu.memory_space<hbm>>) dst(%dma_wait3A_140 : memref<84x100xi32, #tpu.memory_space<vmem>>)
        tpu.yield
      }) : () -> ()
      "tpu.region"() ({
        %run_scoped3A = tpu.sem_alloc : memref<!tpu.dma_semaphore, #tpu.memory_space<semaphore_mem>>
        %dma_start3A = arith.constant 16 : i32
        %dma_start3A_119 = arith.constant 0 : i32
        %dma_start3A_120 = tpu.memref_slice %arg8[%dma_start3A, %dma_start3A_119] : memref<100x100xi32, #tpu.memory_space<vmem>> -> memref<84x100xi32, #tpu.memory_space<vmem>>
        %dma_start3A_121 = arith.constant 16 : i32
        %dma_start3A_122 = arith.constant 0 : i32
        %dma_start3A_123 = tpu.memref_slice %arg4[%arg0, %arg1, %dma_start3A_121, %dma_start3A_122] : memref<2x16x100x100xi32, #tpu.memory_space<hbm>> -> memref<1x1x84x100xi32, #tpu.memory_space<hbm>>
        %dma_start3A_124 = tpu.memref_squeeze %dma_start3A_123 : memref<1x1x84x100xi32, #tpu.memory_space<hbm>> -> memref<84x100xi32, #tpu.memory_space<hbm>>
        %dma_start3A_125 = arith.constant 16 : i32
        %dma_start3A_126 = arith.constant 0 : i32
        %dma_start3A_127 = tpu.memref_slice %arg8[%dma_start3A_125, %dma_start3A_126] : memref<100x100xi32, #tpu.memory_space<vmem>> -> memref<84x100xi32, #tpu.memory_space<vmem>>
        %dma_start3A_128 = arith.constant 16 : i32
        %dma_start3A_129 = arith.constant 0 : i32
        %dma_start3A_130 = tpu.memref_slice %arg4[%arg0, %arg1, %dma_start3A_128, %dma_start3A_129] : memref<2x16x100x100xi32, #tpu.memory_space<hbm>> -> memref<1x1x84x100xi32, #tpu.memory_space<hbm>>
        %dma_start3A_131 = tpu.memref_squeeze %dma_start3A_130 : memref<1x1x84x100xi32, #tpu.memory_space<hbm>> -> memref<84x100xi32, #tpu.memory_space<hbm>>
        tpu.enqueue_dma source(%dma_start3A_131 : memref<84x100xi32, #tpu.memory_space<hbm>>) target(%dma_start3A_127 : memref<84x100xi32, #tpu.memory_space<vmem>>) target_semaphore(%run_scoped3A : memref<!tpu.dma_semaphore, #tpu.memory_space<semaphore_mem>>)
        %dma_wait3A = arith.constant 16 : i32
        %dma_wait3A_132 = arith.constant 0 : i32
        %dma_wait3A_133 = tpu.memref_slice %arg8[%dma_wait3A, %dma_wait3A_132] : memref<100x100xi32, #tpu.memory_space<vmem>> -> memref<84x100xi32, #tpu.memory_space<vmem>>
        %dma_wait3A_134 = arith.constant 16 : i32
        %dma_wait3A_135 = arith.constant 0 : i32
        %dma_wait3A_136 = tpu.memref_slice %arg4[%arg0, %arg1, %dma_wait3A_134, %dma_wait3A_135] : memref<2x16x100x100xi32, #tpu.memory_space<hbm>> -> memref<1x1x84x100xi32, #tpu.memory_space<hbm>>
        %dma_wait3A_137 = tpu.memref_squeeze %dma_wait3A_136 : memref<1x1x84x100xi32, #tpu.memory_space<hbm>> -> memref<84x100xi32, #tpu.memory_space<hbm>>
        %dma_wait3A_138 = arith.constant 16 : i32
        %dma_wait3A_139 = arith.constant 0 : i32
        %dma_wait3A_140 = tpu.memref_slice %arg8[%dma_wait3A_138, %dma_wait3A_139] : memref<100x100xi32, #tpu.memory_space<vmem>> -> memref<84x100xi32, #tpu.memory_space<vmem>>
        %dma_wait3A_141 = arith.constant 16 : i32
        %dma_wait3A_142 = arith.constant 0 : i32
        %dma_wait3A_143 = tpu.memref_slice %arg4[%arg0, %arg1, %dma_wait3A_141, %dma_wait3A_142] : memref<2x16x100x100xi32, #tpu.memory_space<hbm>> -> memref<1x1x84x100xi32, #tpu.memory_space<hbm>>
        %dma_wait3A_144 = tpu.memref_squeeze %dma_wait3A_143 : memref<1x1x84x100xi32, #tpu.memory_space<hbm>> -> memref<84x100xi32, #tpu.memory_space<hbm>>
        tpu.wait_dma2 semaphore(%run_scoped3A : memref<!tpu.dma_semaphore, #tpu.memory_space<semaphore_mem>>) src(%dma_wait3A_144 : memref<84x100xi32, #tpu.memory_space<hbm>>) dst(%dma_wait3A_140 : memref<84x100xi32, #tpu.memory_space<vmem>>)
        tpu.yield
      }) : () -> ()
    } else {
    }
    %broadcast_in_dim3A = arith.constant 0.000000e+00 : f32
    %broadcast_in_dim3A_23 = vector.broadcast %broadcast_in_dim3A : f32 to vector<16xf32>
    %scan3A = arith.constant 0 : i32
    %scan3A_24 = arith.constant 16 : i32
    %scan3A_25 = arith.addi %scan3A, %scan3A_24 : i32
    %scan3A_26 = arith.constant 1 : i32
    scf.for %scan3A_119 = %scan3A to %scan3A_25 step %scan3A_26  : i32 {
      %mul3A = arith.constant 1 : i32
      %mul3A_120 = arith.muli %scan3A_119, %mul3A : i32
      %add3A_121 = arith.constant 0 : i32
      %add3A_122 = arith.addi %add3A_121, %mul3A_120 : i32
      %swap3A = arith.constant 0 : i32
      %swap3A_123 = arith.index_cast %swap3A : i32 to index
      %swap3A_124 = arith.index_cast %add3A_122 : i32 to index
      %swap3A_125 = arith.constant 0 : index
      %swap3A_126 = tpu.vector_load %arg10[%swap3A_123, %swap3A_124, %swap3A_125] {strides = array<i32>} : memref<2x100x128xf32, #tpu.memory_space<vmem>>, vector<1x1x16xf32>,
      %swap3A_127 = vector.shape_cast %swap3A_126 : vector<1x1x16xf32> to vector<16xf32>
      %swap3A_128 = vector.shape_cast %broadcast_in_dim3A_23 : vector<16xf32> to vector<1x1x16xf32>
      tpu.vector_store %arg10[%swap3A_123, %swap3A_124, %swap3A_125], %swap3A_128 {strides = array<i32>} : memref<2x100x128xf32, #tpu.memory_space<vmem>>, vector<1x1x16xf32>,
      %swap3A_129 = arith.constant 0 : i32
      %swap3A_130 = arith.index_cast %swap3A_129 : i32 to index
      %swap3A_131 = arith.index_cast %add3A_122 : i32 to index
      %swap3A_132 = arith.constant 16 : index
      %swap3A_133 = tpu.vector_load %arg10[%swap3A_130, %swap3A_131, %swap3A_132] {strides = array<i32>} : memref<2x100x128xf32, #tpu.memory_space<vmem>>, vector<1x1x16xf32>,
      %swap3A_134 = vector.shape_cast %swap3A_133 : vector<1x1x16xf32> to vector<16xf32>
      %swap3A_135 = vector.shape_cast %broadcast_in_dim3A_23 : vector<16xf32> to vector<1x1x16xf32>
      tpu.vector_store %arg10[%swap3A_130, %swap3A_131, %swap3A_132], %swap3A_135 {strides = array<i32>} : memref<2x100x128xf32, #tpu.memory_space<vmem>>, vector<1x1x16xf32>,
      %swap3A_136 = arith.constant 0 : i32
      %swap3A_137 = arith.index_cast %swap3A_136 : i32 to index
      %swap3A_138 = arith.index_cast %add3A_122 : i32 to index
      %swap3A_139 = arith.constant 32 : index
      %swap3A_140 = tpu.vector_load %arg10[%swap3A_137, %swap3A_138, %swap3A_139] {strides = array<i32>} : memref<2x100x128xf32, #tpu.memory_space<vmem>>, vector<1x1x16xf32>,
      %swap3A_141 = vector.shape_cast %swap3A_140 : vector<1x1x16xf32> to vector<16xf32>
      %swap3A_142 = vector.shape_cast %broadcast_in_dim3A_23 : vector<16xf32> to vector<1x1x16xf32>
      tpu.vector_store %arg10[%swap3A_137, %swap3A_138, %swap3A_139], %swap3A_142 {strides = array<i32>} : memref<2x100x128xf32, #tpu.memory_space<vmem>>, vector<1x1x16xf32>,
      %swap3A_143 = arith.constant 0 : i32
      %swap3A_144 = arith.index_cast %swap3A_143 : i32 to index
      %swap3A_145 = arith.index_cast %add3A_122 : i32 to index
      %swap3A_146 = arith.constant 48 : index
      %swap3A_147 = tpu.vector_load %arg10[%swap3A_144, %swap3A_145, %swap3A_146] {strides = array<i32>} : memref<2x100x128xf32, #tpu.memory_space<vmem>>, vector<1x1x16xf32>,
      %swap3A_148 = vector.shape_cast %swap3A_147 : vector<1x1x16xf32> to vector<16xf32>
      %swap3A_149 = vector.shape_cast %broadcast_in_dim3A_23 : vector<16xf32> to vector<1x1x16xf32>
      tpu.vector_store %arg10[%swap3A_144, %swap3A_145, %swap3A_146], %swap3A_149 {strides = array<i32>} : memref<2x100x128xf32, #tpu.memory_space<vmem>>, vector<1x1x16xf32>,
      %swap3A_150 = arith.constant 0 : i32
      %swap3A_151 = arith.index_cast %swap3A_150 : i32 to index
      %swap3A_152 = arith.index_cast %add3A_122 : i32 to index
      %swap3A_153 = arith.constant 64 : index
      %swap3A_154 = tpu.vector_load %arg10[%swap3A_151, %swap3A_152, %swap3A_153] {strides = array<i32>} : memref<2x100x128xf32, #tpu.memory_space<vmem>>, vector<1x1x16xf32>,
      %swap3A_155 = vector.shape_cast %swap3A_154 : vector<1x1x16xf32> to vector<16xf32>
      %swap3A_156 = vector.shape_cast %broadcast_in_dim3A_23 : vector<16xf32> to vector<1x1x16xf32>
      tpu.vector_store %arg10[%swap3A_151, %swap3A_152, %swap3A_153], %swap3A_156 {strides = array<i32>} : memref<2x100x128xf32, #tpu.memory_space<vmem>>, vector<1x1x16xf32>,
      %swap3A_157 = arith.constant 0 : i32
      %swap3A_158 = arith.index_cast %swap3A_157 : i32 to index
      %swap3A_159 = arith.index_cast %add3A_122 : i32 to index
      %swap3A_160 = arith.constant 80 : index
      %swap3A_161 = tpu.vector_load %arg10[%swap3A_158, %swap3A_159, %swap3A_160] {strides = array<i32>} : memref<2x100x128xf32, #tpu.memory_space<vmem>>, vector<1x1x16xf32>,
      %swap3A_162 = vector.shape_cast %swap3A_161 : vector<1x1x16xf32> to vector<16xf32>
      %swap3A_163 = vector.shape_cast %broadcast_in_dim3A_23 : vector<16xf32> to vector<1x1x16xf32>
      tpu.vector_store %arg10[%swap3A_158, %swap3A_159, %swap3A_160], %swap3A_163 {strides = array<i32>} : memref<2x100x128xf32, #tpu.memory_space<vmem>>, vector<1x1x16xf32>,
      %swap3A_164 = arith.constant 0 : i32
      %swap3A_165 = arith.index_cast %swap3A_164 : i32 to index
      %swap3A_166 = arith.index_cast %add3A_122 : i32 to index
      %swap3A_167 = arith.constant 96 : index
      %swap3A_168 = tpu.vector_load %arg10[%swap3A_165, %swap3A_166, %swap3A_167] {strides = array<i32>} : memref<2x100x128xf32, #tpu.memory_space<vmem>>, vector<1x1x16xf32>,
      %swap3A_169 = vector.shape_cast %swap3A_168 : vector<1x1x16xf32> to vector<16xf32>
      %swap3A_170 = vector.shape_cast %broadcast_in_dim3A_23 : vector<16xf32> to vector<1x1x16xf32>
      tpu.vector_store %arg10[%swap3A_165, %swap3A_166, %swap3A_167], %swap3A_170 {strides = array<i32>} : memref<2x100x128xf32, #tpu.memory_space<vmem>>, vector<1x1x16xf32>,
      %swap3A_171 = arith.constant 0 : i32
      %swap3A_172 = arith.index_cast %swap3A_171 : i32 to index
      %swap3A_173 = arith.index_cast %add3A_122 : i32 to index
      %swap3A_174 = arith.constant 112 : index
      %swap3A_175 = tpu.vector_load %arg10[%swap3A_172, %swap3A_173, %swap3A_174] {strides = array<i32>} : memref<2x100x128xf32, #tpu.memory_space<vmem>>, vector<1x1x16xf32>,
      %swap3A_176 = vector.shape_cast %swap3A_175 : vector<1x1x16xf32> to vector<16xf32>
      %swap3A_177 = vector.shape_cast %broadcast_in_dim3A_23 : vector<16xf32> to vector<1x1x16xf32>
      tpu.vector_store %arg10[%swap3A_172, %swap3A_173, %swap3A_174], %swap3A_177 {strides = array<i32>} : memref<2x100x128xf32, #tpu.memory_space<vmem>>, vector<1x1x16xf32>,
    }
    %scan3A_27 = arith.constant 16 : i32
    %sub3A_28 = arith.constant 64 : i32
    %sub3A_29 = arith.subi %sub3A_28, %arg1 : i32
    %sub3A_30 = arith.constant 16 : i32
    %sub3A_31 = arith.constant 1 : i32
    %sub3A_32 = arith.subi %sub3A_30, %sub3A_31 : i32
    %add3A_33 = arith.addi %sub3A_29, %sub3A_32 : i32
    %div3A_34 = arith.constant 16 : i32
    %div3A_35 = arith.divsi %add3A_33, %div3A_34 : i32
    %while3A = arith.constant 16 : i32
    %while3A_36 = arith.constant 0 : i32
    %while3A_37 = arith.subi %div3A_35, %while3A_36 : i32
    %while3A_38 = arith.addi %while3A_36, %while3A_37 : i32
    %while3A_39 = arith.constant 1 : i32
    %while3A_40 = arith.divsi %while3A_37, %while3A_39 : i32
    %while3A_41 = arith.muli %while3A_40, %while3A_39 : i32
    %while3A_42 = arith.addi %while3A_36, %while3A_41 : i32
    %while3A_43 = arith.constant 1 : i32
    scf.for %while3A_119 = %while3A_36 to %while3A_42 step %while3A_43  : i32 {
      %mul3A = arith.muli %while3A_119, %while3A : i32
      %add3A_120 = arith.addi %arg1, %mul3A : i32
      %mul3A_121 = arith.constant 16 : i32
      %mul3A_122 = arith.muli %add3A_120, %mul3A_121 : i32
      %run_scoped3A = arith.constant 0 : i32
      "tpu.region"() ({
        %run_scoped3A_123 = tpu.sem_alloc : memref<!tpu.dma_semaphore, #tpu.memory_space<semaphore_mem>>
        %dma_start3A = arith.constant 0 : i32
        %dma_start3A_124 = arith.constant 0 : i32
        %dma_start3A_125 = tpu.memref_slice %arg10[%run_scoped3A, %dma_start3A, %dma_start3A_124] : memref<2x100x128xf32, #tpu.memory_space<vmem>> -> memref<1x16x128xf32, #tpu.memory_space<vmem>>
        %dma_start3A_126 = tpu.memref_squeeze %dma_start3A_125 : memref<1x16x128xf32, #tpu.memory_space<vmem>> -> memref<16x128xf32, #tpu.memory_space<vmem>>
        %dma_start3A_127 = arith.constant 0 : i32
        %dma_start3A_128 = tpu.memref_slice %arg11[%mul3A_122, %dma_start3A_127] : memref<1024x128xf32, #tpu.memory_space<vmem_shared>> -> memref<16x128xf32, #tpu.memory_space<vmem_shared>>
        %dma_start3A_129 = arith.constant 0 : i32
        %dma_start3A_130 = tpu.memref_slice %arg11[%mul3A_122, %dma_start3A_129] : memref<1024x128xf32, #tpu.memory_space<vmem_shared>> -> memref<16x128xf32, #tpu.memory_space<vmem_shared>>
        %dma_start3A_131 = arith.constant 0 : i32
        %dma_start3A_132 = arith.constant 0 : i32
        %dma_start3A_133 = tpu.memref_slice %arg10[%run_scoped3A, %dma_start3A_131, %dma_start3A_132] : memref<2x100x128xf32, #tpu.memory_space<vmem>> -> memref<1x16x128xf32, #tpu.memory_space<vmem>>
        %dma_start3A_134 = tpu.memref_squeeze %dma_start3A_133 : memref<1x16x128xf32, #tpu.memory_space<vmem>> -> memref<16x128xf32, #tpu.memory_space<vmem>>
        tpu.enqueue_dma source(%dma_start3A_134 : memref<16x128xf32, #tpu.memory_space<vmem>>) target(%dma_start3A_130 : memref<16x128xf32, #tpu.memory_space<vmem_shared>>) target_semaphore(%run_scoped3A_123 : memref<!tpu.dma_semaphore, #tpu.memory_space<semaphore_mem>>)
        %dma_wait3A = arith.constant 0 : i32
        %dma_wait3A_135 = arith.constant 0 : i32
        %dma_wait3A_136 = tpu.memref_slice %arg10[%run_scoped3A, %dma_wait3A, %dma_wait3A_135] : memref<2x100x128xf32, #tpu.memory_space<vmem>> -> memref<1x16x128xf32, #tpu.memory_space<vmem>>
        %dma_wait3A_137 = tpu.memref_squeeze %dma_wait3A_136 : memref<1x16x128xf32, #tpu.memory_space<vmem>> -> memref<16x128xf32, #tpu.memory_space<vmem>>
        %dma_wait3A_138 = arith.constant 0 : i32
        %dma_wait3A_139 = tpu.memref_slice %arg11[%mul3A_122, %dma_wait3A_138] : memref<1024x128xf32, #tpu.memory_space<vmem_shared>> -> memref<16x128xf32, #tpu.memory_space<vmem_shared>>
        %dma_wait3A_140 = arith.constant 0 : i32
        %dma_wait3A_141 = tpu.memref_slice %arg11[%mul3A_122, %dma_wait3A_140] : memref<1024x128xf32, #tpu.memory_space<vmem_shared>> -> memref<16x128xf32, #tpu.memory_space<vmem_shared>>
        %dma_wait3A_142 = arith.constant 0 : i32
        %dma_wait3A_143 = arith.constant 0 : i32
        %dma_wait3A_144 = tpu.memref_slice %arg10[%run_scoped3A, %dma_wait3A_142, %dma_wait3A_143] : memref<2x100x128xf32, #tpu.memory_space<vmem>> -> memref<1x16x128xf32, #tpu.memory_space<vmem>>
        %dma_wait3A_145 = tpu.memref_squeeze %dma_wait3A_144 : memref<1x16x128xf32, #tpu.memory_space<vmem>> -> memref<16x128xf32, #tpu.memory_space<vmem>>
        tpu.wait_dma2 semaphore(%run_scoped3A_123 : memref<!tpu.dma_semaphore, #tpu.memory_space<semaphore_mem>>) src(%dma_wait3A_145 : memref<16x128xf32, #tpu.memory_space<vmem>>) dst(%dma_wait3A_141 : memref<16x128xf32, #tpu.memory_space<vmem_shared>>)
        tpu.yield
      }) : () -> ()
    }
    %while3A_44 = arith.constant 1 : i32
    scf.for %while3A_119 = %while3A_42 to %while3A_38 step %while3A_44  : i32 {
      %mul3A = arith.muli %while3A_119, %while3A : i32
      %add3A_120 = arith.addi %arg1, %mul3A : i32
      %mul3A_121 = arith.constant 16 : i32
      %mul3A_122 = arith.muli %add3A_120, %mul3A_121 : i32
      %run_scoped3A = arith.constant 0 : i32
      "tpu.region"() ({
        %run_scoped3A_123 = tpu.sem_alloc : memref<!tpu.dma_semaphore, #tpu.memory_space<semaphore_mem>>
        %dma_start3A = arith.constant 0 : i32
        %dma_start3A_124 = arith.constant 0 : i32
        %dma_start3A_125 = tpu.memref_slice %arg10[%run_scoped3A, %dma_start3A, %dma_start3A_124] : memref<2x100x128xf32, #tpu.memory_space<vmem>> -> memref<1x16x128xf32, #tpu.memory_space<vmem>>
        %dma_start3A_126 = tpu.memref_squeeze %dma_start3A_125 : memref<1x16x128xf32, #tpu.memory_space<vmem>> -> memref<16x128xf32, #tpu.memory_space<vmem>>
        %dma_start3A_127 = arith.constant 0 : i32
        %dma_start3A_128 = tpu.memref_slice %arg11[%mul3A_122, %dma_start3A_127] : memref<1024x128xf32, #tpu.memory_space<vmem_shared>> -> memref<16x128xf32, #tpu.memory_space<vmem_shared>>
        %dma_start3A_129 = arith.constant 0 : i32
        %dma_start3A_130 = tpu.memref_slice %arg11[%mul3A_122, %dma_start3A_129] : memref<1024x128xf32, #tpu.memory_space<vmem_shared>> -> memref<16x128xf32, #tpu.memory_space<vmem_shared>>
        %dma_start3A_131 = arith.constant 0 : i32
        %dma_start3A_132 = arith.constant 0 : i32
        %dma_start3A_133 = tpu.memref_slice %arg10[%run_scoped3A, %dma_start3A_131, %dma_start3A_132] : memref<2x100x128xf32, #tpu.memory_space<vmem>> -> memref<1x16x128xf32, #tpu.memory_space<vmem>>
        %dma_start3A_134 = tpu.memref_squeeze %dma_start3A_133 : memref<1x16x128xf32, #tpu.memory_space<vmem>> -> memref<16x128xf32, #tpu.memory_space<vmem>>
        tpu.enqueue_dma source(%dma_start3A_134 : memref<16x128xf32, #tpu.memory_space<vmem>>) target(%dma_start3A_130 : memref<16x128xf32, #tpu.memory_space<vmem_shared>>) target_semaphore(%run_scoped3A_123 : memref<!tpu.dma_semaphore, #tpu.memory_space<semaphore_mem>>)
        %dma_wait3A = arith.constant 0 : i32
        %dma_wait3A_135 = arith.constant 0 : i32
        %dma_wait3A_136 = tpu.memref_slice %arg10[%run_scoped3A, %dma_wait3A, %dma_wait3A_135] : memref<2x100x128xf32, #tpu.memory_space<vmem>> -> memref<1x16x128xf32, #tpu.memory_space<vmem>>
        %dma_wait3A_137 = tpu.memref_squeeze %dma_wait3A_136 : memref<1x16x128xf32, #tpu.memory_space<vmem>> -> memref<16x128xf32, #tpu.memory_space<vmem>>
        %dma_wait3A_138 = arith.constant 0 : i32
        %dma_wait3A_139 = tpu.memref_slice %arg11[%mul3A_122, %dma_wait3A_138] : memref<1024x128xf32, #tpu.memory_space<vmem_shared>> -> memref<16x128xf32, #tpu.memory_space<vmem_shared>>
        %dma_wait3A_140 = arith.constant 0 : i32
        %dma_wait3A_141 = tpu.memref_slice %arg11[%mul3A_122, %dma_wait3A_140] : memref<1024x128xf32, #tpu.memory_space<vmem_shared>> -> memref<16x128xf32, #tpu.memory_space<vmem_shared>>
        %dma_wait3A_142 = arith.constant 0 : i32
        %dma_wait3A_143 = arith.constant 0 : i32
        %dma_wait3A_144 = tpu.memref_slice %arg10[%run_scoped3A, %dma_wait3A_142, %dma_wait3A_143] : memref<2x100x128xf32, #tpu.memory_space<vmem>> -> memref<1x16x128xf32, #tpu.memory_space<vmem>>
        %dma_wait3A_145 = tpu.memref_squeeze %dma_wait3A_144 : memref<1x16x128xf32, #tpu.memory_space<vmem>> -> memref<16x128xf32, #tpu.memory_space<vmem>>
        tpu.wait_dma2 semaphore(%run_scoped3A_123 : memref<!tpu.dma_semaphore, #tpu.memory_space<semaphore_mem>>) src(%dma_wait3A_145 : memref<16x128xf32, #tpu.memory_space<vmem>>) dst(%dma_wait3A_141 : memref<16x128xf32, #tpu.memory_space<vmem_shared>>)
        tpu.yield
      }) : () -> ()
    }
    %barrier3A = arith.constant 0 : index
    tpu.barrier barrier_id(%barrier3A)
    %gt3A_45 = arith.constant 0 : i32
    %gt3A_46 = arith.cmpi sgt, %select_n3A, %gt3A_45 : i32
    %convert_element_type3A_47 = arith.extui %gt3A_46 : i1 to i32
    %cond3A_48 = arith.constant 0 : i32
    %cond3A_49 = arith.cmpi ne, %convert_element_type3A_47, %cond3A_48 : i32
    scf.if %cond3A_49 {
      %dma_start3A = arith.constant 0 : i32
      %dma_start3A_119 = arith.constant 0 : i32
      %dma_start3A_120 = arith.constant 0 : i32
      %dma_start3A_121 = arith.constant 0 : i32
      %dma_start3A_122 = tpu.memref_slice %arg10[%dma_start3A_119, %dma_start3A_120, %dma_start3A_121] : memref<2x100x128xf32, #tpu.memory_space<vmem>> -> memref<1x100x128xf32, #tpu.memory_space<vmem>>
      %dma_start3A_123 = tpu.memref_squeeze %dma_start3A_122 : memref<1x100x128xf32, #tpu.memory_space<vmem>> -> memref<100x128xf32, #tpu.memory_space<vmem>>
      %dma_start3A_124 = arith.constant 0 : i32
      %dma_start3A_125 = tpu.memref_slice %arg7[%dma_start3A, %dma_start3A_124] : memref<100x100xi32, #tpu.memory_space<vmem>> -> memref<1x100xi32, #tpu.memory_space<vmem>>
      %dma_start3A_126 = tpu.memref_squeeze %dma_start3A_125 : memref<1x100xi32, #tpu.memory_space<vmem>> -> memref<100xi32, #tpu.memory_space<vmem>>
      %dma_start3A_127 = arith.constant 0 : i32
      %dma_start3A_128 = arith.constant 0 : i32
      %dma_start3A_129 = tpu.memref_slice %arg2[%dma_start3A_127, %dma_start3A_128] : memref<10240x128xf32, #tpu.memory_space<hbm>> -> memref<10240x128xf32, #tpu.memory_space<hbm>>
      tpu.enqueue_indirect_dma source(%dma_start3A_129 : memref<10240x128xf32, #tpu.memory_space<hbm>>) target(%dma_start3A_123 : memref<100x128xf32, #tpu.memory_space<vmem>>) offsets(%dma_start3A_126 : memref<100xi32, #tpu.memory_space<vmem>>) semaphore(%arg12 : memref<!tpu.dma_semaphore, #tpu.memory_space<semaphore_mem>>)
    } else {
    }
    %gt3A_50 = arith.constant 1 : i32
    %gt3A_51 = arith.cmpi sgt, %select_n3A, %gt3A_50 : i32
    %convert_element_type3A_52 = arith.extui %gt3A_51 : i1 to i32
    %cond3A_53 = arith.constant 0 : i32
    %cond3A_54 = arith.cmpi ne, %convert_element_type3A_52, %cond3A_53 : i32
    scf.if %cond3A_54 {
      %dma_start3A = arith.constant 1 : i32
      %dma_start3A_119 = arith.constant 1 : i32
      %dma_start3A_120 = arith.constant 0 : i32
      %dma_start3A_121 = arith.constant 0 : i32
      %dma_start3A_122 = tpu.memref_slice %arg10[%dma_start3A_119, %dma_start3A_120, %dma_start3A_121] : memref<2x100x128xf32, #tpu.memory_space<vmem>> -> memref<1x100x128xf32, #tpu.memory_space<vmem>>
      %dma_start3A_123 = tpu.memref_squeeze %dma_start3A_122 : memref<1x100x128xf32, #tpu.memory_space<vmem>> -> memref<100x128xf32, #tpu.memory_space<vmem>>
      %dma_start3A_124 = arith.constant 0 : i32
      %dma_start3A_125 = tpu.memref_slice %arg7[%dma_start3A, %dma_start3A_124] : memref<100x100xi32, #tpu.memory_space<vmem>> -> memref<1x100xi32, #tpu.memory_space<vmem>>
      %dma_start3A_126 = tpu.memref_squeeze %dma_start3A_125 : memref<1x100xi32, #tpu.memory_space<vmem>> -> memref<100xi32, #tpu.memory_space<vmem>>
      %dma_start3A_127 = arith.constant 0 : i32
      %dma_start3A_128 = arith.constant 0 : i32
      %dma_start3A_129 = tpu.memref_slice %arg2[%dma_start3A_127, %dma_start3A_128] : memref<10240x128xf32, #tpu.memory_space<hbm>> -> memref<10240x128xf32, #tpu.memory_space<hbm>>
      tpu.enqueue_indirect_dma source(%dma_start3A_129 : memref<10240x128xf32, #tpu.memory_space<hbm>>) target(%dma_start3A_123 : memref<100x128xf32, #tpu.memory_space<vmem>>) offsets(%dma_start3A_126 : memref<100xi32, #tpu.memory_space<vmem>>) semaphore(%arg13 : memref<!tpu.dma_semaphore, #tpu.memory_space<semaphore_mem>>)
    } else {
    }
    %add3A_55 = arith.constant 1 : i32
    %add3A_56 = arith.addi %select_n3A, %add3A_55 : i32
    %jit3A_57 = arith.constant 2 : i32
    %div3A_58 = arith.divsi %add3A_56, %jit3A_57 : i32
    %sign3A_59 = arith.constant 0 : i32
    %sign3A_60 = arith.cmpi sgt, %add3A_56, %sign3A_59 : i32
    %sign3A_61 = arith.extui %sign3A_60 : i1 to i32
    %sign3A_62 = arith.constant 0 : i32
    %sign3A_63 = arith.cmpi slt, %add3A_56, %sign3A_62 : i32
    %sign3A_64 = arith.extui %sign3A_63 : i1 to i32
    %sign3A_65 = arith.subi %sign3A_61, %sign3A_64 : i32
    %sign3A_66 = arith.constant 0 : i32
    %sign3A_67 = arith.cmpi sgt, %jit3A_57, %sign3A_66 : i32
    %sign3A_68 = arith.extui %sign3A_67 : i1 to i32
    %sign3A_69 = arith.constant 0 : i32
    %sign3A_70 = arith.cmpi slt, %jit3A_57, %sign3A_69 : i32
    %sign3A_71 = arith.extui %sign3A_70 : i1 to i32
    %sign3A_72 = arith.subi %sign3A_68, %sign3A_71 : i32
    %ne3A_73 = arith.cmpi ne, %sign3A_65, %sign3A_72 : i32
    %rem3A_74 = arith.remsi %add3A_56, %jit3A_57 : i32
    %ne3A_75 = arith.constant 0 : i32
    %ne3A_76 = arith.cmpi ne, %rem3A_74, %ne3A_75 : i32
    %and3A_77 = arith.andi %ne3A_73, %ne3A_76 : i1
    %sub3A_78 = arith.constant 1 : i32
    %sub3A_79 = arith.subi %div3A_58, %sub3A_78 : i32
    %select_n3A_80 = arith.select %and3A_77, %sub3A_79, %div3A_58 : i32
    %sub3A_81 = arith.constant 0 : i32
    %sub3A_82 = arith.subi %select_n3A_80, %sub3A_81 : i32
    %sub3A_83 = arith.constant 1 : i32
    %sub3A_84 = arith.constant 1 : i32
    %sub3A_85 = arith.subi %sub3A_83, %sub3A_84 : i32
    %add3A_86 = arith.addi %sub3A_82, %sub3A_85 : i32
    %div3A_87 = arith.constant 1 : i32
    %div3A_88 = arith.divsi %add3A_86, %div3A_87 : i32
    %while3A_89 = arith.constant 1 : i32
    %while3A_90 = arith.constant 0 : i32
    %while3A_91 = arith.constant 0 : i32
    %while3A_92 = arith.subi %div3A_88, %while3A_91 : i32
    %while3A_93 = arith.addi %while3A_91, %while3A_92 : i32
    %while3A_94 = arith.constant 1 : i32
    %while3A_95 = arith.divsi %while3A_92, %while3A_94 : i32
    %while3A_96 = arith.muli %while3A_95, %while3A_94 : i32
    %while3A_97 = arith.addi %while3A_91, %while3A_96 : i32
    %while3A_98 = arith.constant 1 : i32
    scf.for %while3A_119 = %while3A_91 to %while3A_97 step %while3A_98  : i32 {
      %mul3A = arith.muli %while3A_119, %while3A_89 : i32
      %add3A_120 = arith.addi %while3A_90, %mul3A : i32
      %mul3A_121 = arith.constant 2 : i32
      %mul3A_122 = arith.muli %mul3A_121, %add3A_120 : i32
      %add3A_123 = arith.constant 0 : i32
      %add3A_124 = arith.addi %mul3A_122, %add3A_123 : i32
      %lt3A = arith.cmpi slt, %add3A_124, %select_n3A : i32
      %convert_element_type3A_125 = arith.extui %lt3A : i1 to i32
      %cond3A_126 = arith.constant 0 : i32
      %cond3A_127 = arith.cmpi ne, %convert_element_type3A_125, %cond3A_126 : i32
      scf.if %cond3A_127 {
        %dma_wait3A = arith.constant 0 : i32
        %dma_wait3A_134 = arith.constant 0 : i32
        %dma_wait3A_135 = arith.constant 0 : i32
        %dma_wait3A_136 = arith.constant 0 : i32
        %dma_wait3A_137 = tpu.memref_slice %arg10[%dma_wait3A_134, %dma_wait3A_135, %dma_wait3A_136] : memref<2x100x128xf32, #tpu.memory_space<vmem>> -> memref<1x100x128xf32, #tpu.memory_space<vmem>>
        %dma_wait3A_138 = tpu.memref_squeeze %dma_wait3A_137 : memref<1x100x128xf32, #tpu.memory_space<vmem>> -> memref<100x128xf32, #tpu.memory_space<vmem>>
        %dma_wait3A_139 = arith.constant 0 : i32
        %dma_wait3A_140 = tpu.memref_slice %arg7[%dma_wait3A, %dma_wait3A_139] : memref<100x100xi32, #tpu.memory_space<vmem>> -> memref<1x100xi32, #tpu.memory_space<vmem>>
        %dma_wait3A_141 = tpu.memref_squeeze %dma_wait3A_140 : memref<1x100xi32, #tpu.memory_space<vmem>> -> memref<100xi32, #tpu.memory_space<vmem>>
        %dma_wait3A_142 = arith.constant 0 : i32
        %dma_wait3A_143 = arith.constant 0 : i32
        %dma_wait3A_144 = tpu.memref_slice %arg2[%dma_wait3A_142, %dma_wait3A_143] : memref<10240x128xf32, #tpu.memory_space<hbm>> -> memref<10240x128xf32, #tpu.memory_space<hbm>>
        tpu.wait_indirect_dma semaphore(%arg12 : memref<!tpu.dma_semaphore, #tpu.memory_space<semaphore_mem>>) src(%dma_wait3A_144 : memref<10240x128xf32, #tpu.memory_space<hbm>>) dst(%dma_wait3A_138 : memref<100x128xf32, #tpu.memory_space<vmem>>)
        %run_scoped3A = arith.constant 0 : i32
        "tpu.region"() ({
          %run_scoped3A_151 = tpu.sem_alloc : memref<!tpu.dma_semaphore, #tpu.memory_space<semaphore_mem>>
          %dma_start3A = arith.constant 0 : i32
          %dma_start3A_152 = arith.constant 0 : i32
          %dma_start3A_153 = tpu.memref_slice %arg10[%run_scoped3A, %dma_start3A, %dma_start3A_152] : memref<2x100x128xf32, #tpu.memory_space<vmem>> -> memref<1x100x128xf32, #tpu.memory_space<vmem>>
          %dma_start3A_154 = tpu.memref_squeeze %dma_start3A_153 : memref<1x100x128xf32, #tpu.memory_space<vmem>> -> memref<100x128xf32, #tpu.memory_space<vmem>>
          %dma_start3A_155 = arith.constant 0 : i32
          %dma_start3A_156 = tpu.memref_slice %arg8[%add3A_124, %dma_start3A_155] : memref<100x100xi32, #tpu.memory_space<vmem>> -> memref<1x100xi32, #tpu.memory_space<vmem>>
          %dma_start3A_157 = tpu.memref_squeeze %dma_start3A_156 : memref<1x100xi32, #tpu.memory_space<vmem>> -> memref<100xi32, #tpu.memory_space<vmem>>
          %dma_start3A_158 = arith.constant 0 : i32
          %dma_start3A_159 = arith.constant 0 : i32
          %dma_start3A_160 = tpu.memref_slice %arg11[%dma_start3A_158, %dma_start3A_159] : memref<1024x128xf32, #tpu.memory_space<vmem_shared>> -> memref<1024x128xf32, #tpu.memory_space<vmem_shared>>
          tpu.enqueue_indirect_dma source(%dma_start3A_154 : memref<100x128xf32, #tpu.memory_space<vmem>>) target(%dma_start3A_160 : memref<1024x128xf32, #tpu.memory_space<vmem_shared>>) offsets(%dma_start3A_157 : memref<100xi32, #tpu.memory_space<vmem>>) semaphore(%run_scoped3A_151 : memref<!tpu.dma_semaphore, #tpu.memory_space<semaphore_mem>>) {add = true}
          %dma_wait3A_161 = arith.constant 0 : i32
          %dma_wait3A_162 = arith.constant 0 : i32
          %dma_wait3A_163 = tpu.memref_slice %arg10[%run_scoped3A, %dma_wait3A_161, %dma_wait3A_162] : memref<2x100x128xf32, #tpu.memory_space<vmem>> -> memref<1x100x128xf32, #tpu.memory_space<vmem>>
          %dma_wait3A_164 = tpu.memref_squeeze %dma_wait3A_163 : memref<1x100x128xf32, #tpu.memory_space<vmem>> -> memref<100x128xf32, #tpu.memory_space<vmem>>
          %dma_wait3A_165 = arith.constant 0 : i32
          %dma_wait3A_166 = tpu.memref_slice %arg8[%add3A_124, %dma_wait3A_165] : memref<100x100xi32, #tpu.memory_space<vmem>> -> memref<1x100xi32, #tpu.memory_space<vmem>>
          %dma_wait3A_167 = tpu.memref_squeeze %dma_wait3A_166 : memref<1x100xi32, #tpu.memory_space<vmem>> -> memref<100xi32, #tpu.memory_space<vmem>>
          %dma_wait3A_168 = arith.constant 0 : i32
          %dma_wait3A_169 = arith.constant 0 : i32
          %dma_wait3A_170 = tpu.memref_slice %arg11[%dma_wait3A_168, %dma_wait3A_169] : memref<1024x128xf32, #tpu.memory_space<vmem_shared>> -> memref<1024x128xf32, #tpu.memory_space<vmem_shared>>
          tpu.wait_indirect_dma semaphore(%run_scoped3A_151 : memref<!tpu.dma_semaphore, #tpu.memory_space<semaphore_mem>>) src(%dma_wait3A_164 : memref<100x128xf32, #tpu.memory_space<vmem>>) dst(%dma_wait3A_170 : memref<1024x128xf32, #tpu.memory_space<vmem_shared>>)
          tpu.yield
        }) : () -> ()
        %add3A_145 = arith.constant 2 : i32
        %add3A_146 = arith.addi %add3A_124, %add3A_145 : i32
        %lt3A_147 = arith.cmpi slt, %add3A_146, %select_n3A : i32
        %convert_element_type3A_148 = arith.extui %lt3A_147 : i1 to i32
        %cond3A_149 = arith.constant 0 : i32
        %cond3A_150 = arith.cmpi ne, %convert_element_type3A_148, %cond3A_149 : i32
        scf.if %cond3A_150 {
          %add3A_151 = arith.constant 2 : i32
          %add3A_152 = arith.addi %add3A_124, %add3A_151 : i32
          %dma_start3A = arith.constant 0 : i32
          %dma_start3A_153 = arith.constant 0 : i32
          %dma_start3A_154 = arith.constant 0 : i32
          %dma_start3A_155 = tpu.memref_slice %arg10[%dma_start3A, %dma_start3A_153, %dma_start3A_154] : memref<2x100x128xf32, #tpu.memory_space<vmem>> -> memref<1x100x128xf32, #tpu.memory_space<vmem>>
          %dma_start3A_156 = tpu.memref_squeeze %dma_start3A_155 : memref<1x100x128xf32, #tpu.memory_space<vmem>> -> memref<100x128xf32, #tpu.memory_space<vmem>>
          %dma_start3A_157 = arith.constant 0 : i32
          %dma_start3A_158 = tpu.memref_slice %arg7[%add3A_152, %dma_start3A_157] : memref<100x100xi32, #tpu.memory_space<vmem>> -> memref<1x100xi32, #tpu.memory_space<vmem>>
          %dma_start3A_159 = tpu.memref_squeeze %dma_start3A_158 : memref<1x100xi32, #tpu.memory_space<vmem>> -> memref<100xi32, #tpu.memory_space<vmem>>
          %dma_start3A_160 = arith.constant 0 : i32
          %dma_start3A_161 = arith.constant 0 : i32
          %dma_start3A_162 = tpu.memref_slice %arg2[%dma_start3A_160, %dma_start3A_161] : memref<10240x128xf32, #tpu.memory_space<hbm>> -> memref<10240x128xf32, #tpu.memory_space<hbm>>
          tpu.enqueue_indirect_dma source(%dma_start3A_162 : memref<10240x128xf32, #tpu.memory_space<hbm>>) target(%dma_start3A_156 : memref<100x128xf32, #tpu.memory_space<vmem>>) offsets(%dma_start3A_159 : memref<100xi32, #tpu.memory_space<vmem>>) semaphore(%arg12 : memref<!tpu.dma_semaphore, #tpu.memory_space<semaphore_mem>>)
        } else {
        }
      } else {
      }
      %add3A_128 = arith.constant 1 : i32
      %add3A_129 = arith.addi %mul3A_122, %add3A_128 : i32
      %lt3A_130 = arith.cmpi slt, %add3A_129, %select_n3A : i32
      %convert_element_type3A_131 = arith.extui %lt3A_130 : i1 to i32
      %cond3A_132 = arith.constant 0 : i32
      %cond3A_133 = arith.cmpi ne, %convert_element_type3A_131, %cond3A_132 : i32
      scf.if %cond3A_133 {
        %dma_wait3A = arith.constant 0 : i32
        %dma_wait3A_134 = arith.constant 1 : i32
        %dma_wait3A_135 = arith.constant 0 : i32
        %dma_wait3A_136 = arith.constant 0 : i32
        %dma_wait3A_137 = tpu.memref_slice %arg10[%dma_wait3A_134, %dma_wait3A_135, %dma_wait3A_136] : memref<2x100x128xf32, #tpu.memory_space<vmem>> -> memref<1x100x128xf32, #tpu.memory_space<vmem>>
        %dma_wait3A_138 = tpu.memref_squeeze %dma_wait3A_137 : memref<1x100x128xf32, #tpu.memory_space<vmem>> -> memref<100x128xf32, #tpu.memory_space<vmem>>
        %dma_wait3A_139 = arith.constant 0 : i32
        %dma_wait3A_140 = tpu.memref_slice %arg7[%dma_wait3A, %dma_wait3A_139] : memref<100x100xi32, #tpu.memory_space<vmem>> -> memref<1x100xi32, #tpu.memory_space<vmem>>
        %dma_wait3A_141 = tpu.memref_squeeze %dma_wait3A_140 : memref<1x100xi32, #tpu.memory_space<vmem>> -> memref<100xi32, #tpu.memory_space<vmem>>
        %dma_wait3A_142 = arith.constant 0 : i32
        %dma_wait3A_143 = arith.constant 0 : i32
        %dma_wait3A_144 = tpu.memref_slice %arg2[%dma_wait3A_142, %dma_wait3A_143] : memref<10240x128xf32, #tpu.memory_space<hbm>> -> memref<10240x128xf32, #tpu.memory_space<hbm>>
        tpu.wait_indirect_dma semaphore(%arg13 : memref<!tpu.dma_semaphore, #tpu.memory_space<semaphore_mem>>) src(%dma_wait3A_144 : memref<10240x128xf32, #tpu.memory_space<hbm>>) dst(%dma_wait3A_138 : memref<100x128xf32, #tpu.memory_space<vmem>>)
        %run_scoped3A = arith.constant 1 : i32
        "tpu.region"() ({
          %run_scoped3A_151 = tpu.sem_alloc : memref<!tpu.dma_semaphore, #tpu.memory_space<semaphore_mem>>
          %dma_start3A = arith.constant 0 : i32
          %dma_start3A_152 = arith.constant 0 : i32
          %dma_start3A_153 = tpu.memref_slice %arg10[%run_scoped3A, %dma_start3A, %dma_start3A_152] : memref<2x100x128xf32, #tpu.memory_space<vmem>> -> memref<1x100x128xf32, #tpu.memory_space<vmem>>
          %dma_start3A_154 = tpu.memref_squeeze %dma_start3A_153 : memref<1x100x128xf32, #tpu.memory_space<vmem>> -> memref<100x128xf32, #tpu.memory_space<vmem>>
          %dma_start3A_155 = arith.constant 0 : i32
          %dma_start3A_156 = tpu.memref_slice %arg8[%add3A_129, %dma_start3A_155] : memref<100x100xi32, #tpu.memory_space<vmem>> -> memref<1x100xi32, #tpu.memory_space<vmem>>
          %dma_start3A_157 = tpu.memref_squeeze %dma_start3A_156 : memref<1x100xi32, #tpu.memory_space<vmem>> -> memref<100xi32, #tpu.memory_space<vmem>>
          %dma_start3A_158 = arith.constant 0 : i32
          %dma_start3A_159 = arith.constant 0 : i32
          %dma_start3A_160 = tpu.memref_slice %arg11[%dma_start3A_158, %dma_start3A_159] : memref<1024x128xf32, #tpu.memory_space<vmem_shared>> -> memref<1024x128xf32, #tpu.memory_space<vmem_shared>>
          tpu.enqueue_indirect_dma source(%dma_start3A_154 : memref<100x128xf32, #tpu.memory_space<vmem>>) target(%dma_start3A_160 : memref<1024x128xf32, #tpu.memory_space<vmem_shared>>) offsets(%dma_start3A_157 : memref<100xi32, #tpu.memory_space<vmem>>) semaphore(%run_scoped3A_151 : memref<!tpu.dma_semaphore, #tpu.memory_space<semaphore_mem>>) {add = true}
          %dma_wait3A_161 = arith.constant 0 : i32
          %dma_wait3A_162 = arith.constant 0 : i32
          %dma_wait3A_163 = tpu.memref_slice %arg10[%run_scoped3A, %dma_wait3A_161, %dma_wait3A_162] : memref<2x100x128xf32, #tpu.memory_space<vmem>> -> memref<1x100x128xf32, #tpu.memory_space<vmem>>
          %dma_wait3A_164 = tpu.memref_squeeze %dma_wait3A_163 : memref<1x100x128xf32, #tpu.memory_space<vmem>> -> memref<100x128xf32, #tpu.memory_space<vmem>>
          %dma_wait3A_165 = arith.constant 0 : i32
          %dma_wait3A_166 = tpu.memref_slice %arg8[%add3A_129, %dma_wait3A_165] : memref<100x100xi32, #tpu.memory_space<vmem>> -> memref<1x100xi32, #tpu.memory_space<vmem>>
          %dma_wait3A_167 = tpu.memref_squeeze %dma_wait3A_166 : memref<1x100xi32, #tpu.memory_space<vmem>> -> memref<100xi32, #tpu.memory_space<vmem>>
          %dma_wait3A_168 = arith.constant 0 : i32
          %dma_wait3A_169 = arith.constant 0 : i32
          %dma_wait3A_170 = tpu.memref_slice %arg11[%dma_wait3A_168, %dma_wait3A_169] : memref<1024x128xf32, #tpu.memory_space<vmem_shared>> -> memref<1024x128xf32, #tpu.memory_space<vmem_shared>>
          tpu.wait_indirect_dma semaphore(%run_scoped3A_151 : memref<!tpu.dma_semaphore, #tpu.memory_space<semaphore_mem>>) src(%dma_wait3A_164 : memref<100x128xf32, #tpu.memory_space<vmem>>) dst(%dma_wait3A_170 : memref<1024x128xf32, #tpu.memory_space<vmem_shared>>)
          tpu.yield
        }) : () -> ()
        %add3A_145 = arith.constant 2 : i32
        %add3A_146 = arith.addi %add3A_129, %add3A_145 : i32
        %lt3A_147 = arith.cmpi slt, %add3A_146, %select_n3A : i32
        %convert_element_type3A_148 = arith.extui %lt3A_147 : i1 to i32
        %cond3A_149 = arith.constant 0 : i32
        %cond3A_150 = arith.cmpi ne, %convert_element_type3A_148, %cond3A_149 : i32
        scf.if %cond3A_150 {
          %add3A_151 = arith.constant 2 : i32
          %add3A_152 = arith.addi %add3A_129, %add3A_151 : i32
          %dma_start3A = arith.constant 1 : i32
          %dma_start3A_153 = arith.constant 0 : i32
          %dma_start3A_154 = arith.constant 0 : i32
          %dma_start3A_155 = tpu.memref_slice %arg10[%dma_start3A, %dma_start3A_153, %dma_start3A_154] : memref<2x100x128xf32, #tpu.memory_space<vmem>> -> memref<1x100x128xf32, #tpu.memory_space<vmem>>
          %dma_start3A_156 = tpu.memref_squeeze %dma_start3A_155 : memref<1x100x128xf32, #tpu.memory_space<vmem>> -> memref<100x128xf32, #tpu.memory_space<vmem>>
          %dma_start3A_157 = arith.constant 0 : i32
          %dma_start3A_158 = tpu.memref_slice %arg7[%add3A_152, %dma_start3A_157] : memref<100x100xi32, #tpu.memory_space<vmem>> -> memref<1x100xi32, #tpu.memory_space<vmem>>
          %dma_start3A_159 = tpu.memref_squeeze %dma_start3A_158 : memref<1x100xi32, #tpu.memory_space<vmem>> -> memref<100xi32, #tpu.memory_space<vmem>>
          %dma_start3A_160 = arith.constant 0 : i32
          %dma_start3A_161 = arith.constant 0 : i32
          %dma_start3A_162 = tpu.memref_slice %arg2[%dma_start3A_160, %dma_start3A_161] : memref<10240x128xf32, #tpu.memory_space<hbm>> -> memref<10240x128xf32, #tpu.memory_space<hbm>>
          tpu.enqueue_indirect_dma source(%dma_start3A_162 : memref<10240x128xf32, #tpu.memory_space<hbm>>) target(%dma_start3A_156 : memref<100x128xf32, #tpu.memory_space<vmem>>) offsets(%dma_start3A_159 : memref<100xi32, #tpu.memory_space<vmem>>) semaphore(%arg13 : memref<!tpu.dma_semaphore, #tpu.memory_space<semaphore_mem>>)
        } else {
        }
      } else {
      }
    }
    %while3A_99 = arith.constant 1 : i32
    scf.for %while3A_119 = %while3A_97 to %while3A_93 step %while3A_99  : i32 {
      %mul3A = arith.muli %while3A_119, %while3A_89 : i32
      %add3A_120 = arith.addi %while3A_90, %mul3A : i32
      %mul3A_121 = arith.constant 2 : i32
      %mul3A_122 = arith.muli %mul3A_121, %add3A_120 : i32
      %add3A_123 = arith.constant 0 : i32
      %add3A_124 = arith.addi %mul3A_122, %add3A_123 : i32
      %lt3A = arith.cmpi slt, %add3A_124, %select_n3A : i32
      %convert_element_type3A_125 = arith.extui %lt3A : i1 to i32
      %cond3A_126 = arith.constant 0 : i32
      %cond3A_127 = arith.cmpi ne, %convert_element_type3A_125, %cond3A_126 : i32
      scf.if %cond3A_127 {
        %dma_wait3A = arith.constant 0 : i32
        %dma_wait3A_134 = arith.constant 0 : i32
        %dma_wait3A_135 = arith.constant 0 : i32
        %dma_wait3A_136 = arith.constant 0 : i32
        %dma_wait3A_137 = tpu.memref_slice %arg10[%dma_wait3A_134, %dma_wait3A_135, %dma_wait3A_136] : memref<2x100x128xf32, #tpu.memory_space<vmem>> -> memref<1x100x128xf32, #tpu.memory_space<vmem>>
        %dma_wait3A_138 = tpu.memref_squeeze %dma_wait3A_137 : memref<1x100x128xf32, #tpu.memory_space<vmem>> -> memref<100x128xf32, #tpu.memory_space<vmem>>
        %dma_wait3A_139 = arith.constant 0 : i32
        %dma_wait3A_140 = tpu.memref_slice %arg7[%dma_wait3A, %dma_wait3A_139] : memref<100x100xi32, #tpu.memory_space<vmem>> -> memref<1x100xi32, #tpu.memory_space<vmem>>
        %dma_wait3A_141 = tpu.memref_squeeze %dma_wait3A_140 : memref<1x100xi32, #tpu.memory_space<vmem>> -> memref<100xi32, #tpu.memory_space<vmem>>
        %dma_wait3A_142 = arith.constant 0 : i32
        %dma_wait3A_143 = arith.constant 0 : i32
        %dma_wait3A_144 = tpu.memref_slice %arg2[%dma_wait3A_142, %dma_wait3A_143] : memref<10240x128xf32, #tpu.memory_space<hbm>> -> memref<10240x128xf32, #tpu.memory_space<hbm>>
        tpu.wait_indirect_dma semaphore(%arg12 : memref<!tpu.dma_semaphore, #tpu.memory_space<semaphore_mem>>) src(%dma_wait3A_144 : memref<10240x128xf32, #tpu.memory_space<hbm>>) dst(%dma_wait3A_138 : memref<100x128xf32, #tpu.memory_space<vmem>>)
        %run_scoped3A = arith.constant 0 : i32
        "tpu.region"() ({
          %run_scoped3A_151 = tpu.sem_alloc : memref<!tpu.dma_semaphore, #tpu.memory_space<semaphore_mem>>
          %dma_start3A = arith.constant 0 : i32
          %dma_start3A_152 = arith.constant 0 : i32
          %dma_start3A_153 = tpu.memref_slice %arg10[%run_scoped3A, %dma_start3A, %dma_start3A_152] : memref<2x100x128xf32, #tpu.memory_space<vmem>> -> memref<1x100x128xf32, #tpu.memory_space<vmem>>
          %dma_start3A_154 = tpu.memref_squeeze %dma_start3A_153 : memref<1x100x128xf32, #tpu.memory_space<vmem>> -> memref<100x128xf32, #tpu.memory_space<vmem>>
          %dma_start3A_155 = arith.constant 0 : i32
          %dma_start3A_156 = tpu.memref_slice %arg8[%add3A_124, %dma_start3A_155] : memref<100x100xi32, #tpu.memory_space<vmem>> -> memref<1x100xi32, #tpu.memory_space<vmem>>
          %dma_start3A_157 = tpu.memref_squeeze %dma_start3A_156 : memref<1x100xi32, #tpu.memory_space<vmem>> -> memref<100xi32, #tpu.memory_space<vmem>>
          %dma_start3A_158 = arith.constant 0 : i32
          %dma_start3A_159 = arith.constant 0 : i32
          %dma_start3A_160 = tpu.memref_slice %arg11[%dma_start3A_158, %dma_start3A_159] : memref<1024x128xf32, #tpu.memory_space<vmem_shared>> -> memref<1024x128xf32, #tpu.memory_space<vmem_shared>>
          tpu.enqueue_indirect_dma source(%dma_start3A_154 : memref<100x128xf32, #tpu.memory_space<vmem>>) target(%dma_start3A_160 : memref<1024x128xf32, #tpu.memory_space<vmem_shared>>) offsets(%dma_start3A_157 : memref<100xi32, #tpu.memory_space<vmem>>) semaphore(%run_scoped3A_151 : memref<!tpu.dma_semaphore, #tpu.memory_space<semaphore_mem>>) {add = true}
          %dma_wait3A_161 = arith.constant 0 : i32
          %dma_wait3A_162 = arith.constant 0 : i32
          %dma_wait3A_163 = tpu.memref_slice %arg10[%run_scoped3A, %dma_wait3A_161, %dma_wait3A_162] : memref<2x100x128xf32, #tpu.memory_space<vmem>> -> memref<1x100x128xf32, #tpu.memory_space<vmem>>
          %dma_wait3A_164 = tpu.memref_squeeze %dma_wait3A_163 : memref<1x100x128xf32, #tpu.memory_space<vmem>> -> memref<100x128xf32, #tpu.memory_space<vmem>>
          %dma_wait3A_165 = arith.constant 0 : i32
          %dma_wait3A_166 = tpu.memref_slice %arg8[%add3A_124, %dma_wait3A_165] : memref<100x100xi32, #tpu.memory_space<vmem>> -> memref<1x100xi32, #tpu.memory_space<vmem>>
          %dma_wait3A_167 = tpu.memref_squeeze %dma_wait3A_166 : memref<1x100xi32, #tpu.memory_space<vmem>> -> memref<100xi32, #tpu.memory_space<vmem>>
          %dma_wait3A_168 = arith.constant 0 : i32
          %dma_wait3A_169 = arith.constant 0 : i32
          %dma_wait3A_170 = tpu.memref_slice %arg11[%dma_wait3A_168, %dma_wait3A_169] : memref<1024x128xf32, #tpu.memory_space<vmem_shared>> -> memref<1024x128xf32, #tpu.memory_space<vmem_shared>>
          tpu.wait_indirect_dma semaphore(%run_scoped3A_151 : memref<!tpu.dma_semaphore, #tpu.memory_space<semaphore_mem>>) src(%dma_wait3A_164 : memref<100x128xf32, #tpu.memory_space<vmem>>) dst(%dma_wait3A_170 : memref<1024x128xf32, #tpu.memory_space<vmem_shared>>)
          tpu.yield
        }) : () -> ()
        %add3A_145 = arith.constant 2 : i32
        %add3A_146 = arith.addi %add3A_124, %add3A_145 : i32
        %lt3A_147 = arith.cmpi slt, %add3A_146, %select_n3A : i32
        %convert_element_type3A_148 = arith.extui %lt3A_147 : i1 to i32
        %cond3A_149 = arith.constant 0 : i32
        %cond3A_150 = arith.cmpi ne, %convert_element_type3A_148, %cond3A_149 : i32
        scf.if %cond3A_150 {
          %add3A_151 = arith.constant 2 : i32
          %add3A_152 = arith.addi %add3A_124, %add3A_151 : i32
          %dma_start3A = arith.constant 0 : i32
          %dma_start3A_153 = arith.constant 0 : i32
          %dma_start3A_154 = arith.constant 0 : i32
          %dma_start3A_155 = tpu.memref_slice %arg10[%dma_start3A, %dma_start3A_153, %dma_start3A_154] : memref<2x100x128xf32, #tpu.memory_space<vmem>> -> memref<1x100x128xf32, #tpu.memory_space<vmem>>
          %dma_start3A_156 = tpu.memref_squeeze %dma_start3A_155 : memref<1x100x128xf32, #tpu.memory_space<vmem>> -> memref<100x128xf32, #tpu.memory_space<vmem>>
          %dma_start3A_157 = arith.constant 0 : i32
          %dma_start3A_158 = tpu.memref_slice %arg7[%add3A_152, %dma_start3A_157] : memref<100x100xi32, #tpu.memory_space<vmem>> -> memref<1x100xi32, #tpu.memory_space<vmem>>
          %dma_start3A_159 = tpu.memref_squeeze %dma_start3A_158 : memref<1x100xi32, #tpu.memory_space<vmem>> -> memref<100xi32, #tpu.memory_space<vmem>>
          %dma_start3A_160 = arith.constant 0 : i32
          %dma_start3A_161 = arith.constant 0 : i32
          %dma_start3A_162 = tpu.memref_slice %arg2[%dma_start3A_160, %dma_start3A_161] : memref<10240x128xf32, #tpu.memory_space<hbm>> -> memref<10240x128xf32, #tpu.memory_space<hbm>>
          tpu.enqueue_indirect_dma source(%dma_start3A_162 : memref<10240x128xf32, #tpu.memory_space<hbm>>) target(%dma_start3A_156 : memref<100x128xf32, #tpu.memory_space<vmem>>) offsets(%dma_start3A_159 : memref<100xi32, #tpu.memory_space<vmem>>) semaphore(%arg12 : memref<!tpu.dma_semaphore, #tpu.memory_space<semaphore_mem>>)
        } else {
        }
      } else {
      }
      %add3A_128 = arith.constant 1 : i32
      %add3A_129 = arith.addi %mul3A_122, %add3A_128 : i32
      %lt3A_130 = arith.cmpi slt, %add3A_129, %select_n3A : i32
      %convert_element_type3A_131 = arith.extui %lt3A_130 : i1 to i32
      %cond3A_132 = arith.constant 0 : i32
      %cond3A_133 = arith.cmpi ne, %convert_element_type3A_131, %cond3A_132 : i32
      scf.if %cond3A_133 {
        %dma_wait3A = arith.constant 0 : i32
        %dma_wait3A_134 = arith.constant 1 : i32
        %dma_wait3A_135 = arith.constant 0 : i32
        %dma_wait3A_136 = arith.constant 0 : i32
        %dma_wait3A_137 = tpu.memref_slice %arg10[%dma_wait3A_134, %dma_wait3A_135, %dma_wait3A_136] : memref<2x100x128xf32, #tpu.memory_space<vmem>> -> memref<1x100x128xf32, #tpu.memory_space<vmem>>
        %dma_wait3A_138 = tpu.memref_squeeze %dma_wait3A_137 : memref<1x100x128xf32, #tpu.memory_space<vmem>> -> memref<100x128xf32, #tpu.memory_space<vmem>>
        %dma_wait3A_139 = arith.constant 0 : i32
        %dma_wait3A_140 = tpu.memref_slice %arg7[%dma_wait3A, %dma_wait3A_139] : memref<100x100xi32, #tpu.memory_space<vmem>> -> memref<1x100xi32, #tpu.memory_space<vmem>>
        %dma_wait3A_141 = tpu.memref_squeeze %dma_wait3A_140 : memref<1x100xi32, #tpu.memory_space<vmem>> -> memref<100xi32, #tpu.memory_space<vmem>>
        %dma_wait3A_142 = arith.constant 0 : i32
        %dma_wait3A_143 = arith.constant 0 : i32
        %dma_wait3A_144 = tpu.memref_slice %arg2[%dma_wait3A_142, %dma_wait3A_143] : memref<10240x128xf32, #tpu.memory_space<hbm>> -> memref<10240x128xf32, #tpu.memory_space<hbm>>
        tpu.wait_indirect_dma semaphore(%arg13 : memref<!tpu.dma_semaphore, #tpu.memory_space<semaphore_mem>>) src(%dma_wait3A_144 : memref<10240x128xf32, #tpu.memory_space<hbm>>) dst(%dma_wait3A_138 : memref<100x128xf32, #tpu.memory_space<vmem>>)
        %run_scoped3A = arith.constant 1 : i32
        "tpu.region"() ({
          %run_scoped3A_151 = tpu.sem_alloc : memref<!tpu.dma_semaphore, #tpu.memory_space<semaphore_mem>>
          %dma_start3A = arith.constant 0 : i32
          %dma_start3A_152 = arith.constant 0 : i32
          %dma_start3A_153 = tpu.memref_slice %arg10[%run_scoped3A, %dma_start3A, %dma_start3A_152] : memref<2x100x128xf32, #tpu.memory_space<vmem>> -> memref<1x100x128xf32, #tpu.memory_space<vmem>>
          %dma_start3A_154 = tpu.memref_squeeze %dma_start3A_153 : memref<1x100x128xf32, #tpu.memory_space<vmem>> -> memref<100x128xf32, #tpu.memory_space<vmem>>
          %dma_start3A_155 = arith.constant 0 : i32
          %dma_start3A_156 = tpu.memref_slice %arg8[%add3A_129, %dma_start3A_155] : memref<100x100xi32, #tpu.memory_space<vmem>> -> memref<1x100xi32, #tpu.memory_space<vmem>>
          %dma_start3A_157 = tpu.memref_squeeze %dma_start3A_156 : memref<1x100xi32, #tpu.memory_space<vmem>> -> memref<100xi32, #tpu.memory_space<vmem>>
          %dma_start3A_158 = arith.constant 0 : i32
          %dma_start3A_159 = arith.constant 0 : i32
          %dma_start3A_160 = tpu.memref_slice %arg11[%dma_start3A_158, %dma_start3A_159] : memref<1024x128xf32, #tpu.memory_space<vmem_shared>> -> memref<1024x128xf32, #tpu.memory_space<vmem_shared>>
          tpu.enqueue_indirect_dma source(%dma_start3A_154 : memref<100x128xf32, #tpu.memory_space<vmem>>) target(%dma_start3A_160 : memref<1024x128xf32, #tpu.memory_space<vmem_shared>>) offsets(%dma_start3A_157 : memref<100xi32, #tpu.memory_space<vmem>>) semaphore(%run_scoped3A_151 : memref<!tpu.dma_semaphore, #tpu.memory_space<semaphore_mem>>) {add = true}
          %dma_wait3A_161 = arith.constant 0 : i32
          %dma_wait3A_162 = arith.constant 0 : i32
          %dma_wait3A_163 = tpu.memref_slice %arg10[%run_scoped3A, %dma_wait3A_161, %dma_wait3A_162] : memref<2x100x128xf32, #tpu.memory_space<vmem>> -> memref<1x100x128xf32, #tpu.memory_space<vmem>>
          %dma_wait3A_164 = tpu.memref_squeeze %dma_wait3A_163 : memref<1x100x128xf32, #tpu.memory_space<vmem>> -> memref<100x128xf32, #tpu.memory_space<vmem>>
          %dma_wait3A_165 = arith.constant 0 : i32
          %dma_wait3A_166 = tpu.memref_slice %arg8[%add3A_129, %dma_wait3A_165] : memref<100x100xi32, #tpu.memory_space<vmem>> -> memref<1x100xi32, #tpu.memory_space<vmem>>
          %dma_wait3A_167 = tpu.memref_squeeze %dma_wait3A_166 : memref<1x100xi32, #tpu.memory_space<vmem>> -> memref<100xi32, #tpu.memory_space<vmem>>
          %dma_wait3A_168 = arith.constant 0 : i32
          %dma_wait3A_169 = arith.constant 0 : i32
          %dma_wait3A_170 = tpu.memref_slice %arg11[%dma_wait3A_168, %dma_wait3A_169] : memref<1024x128xf32, #tpu.memory_space<vmem_shared>> -> memref<1024x128xf32, #tpu.memory_space<vmem_shared>>
          tpu.wait_indirect_dma semaphore(%run_scoped3A_151 : memref<!tpu.dma_semaphore, #tpu.memory_space<semaphore_mem>>) src(%dma_wait3A_164 : memref<100x128xf32, #tpu.memory_space<vmem>>) dst(%dma_wait3A_170 : memref<1024x128xf32, #tpu.memory_space<vmem_shared>>)
          tpu.yield
        }) : () -> ()
        %add3A_145 = arith.constant 2 : i32
        %add3A_146 = arith.addi %add3A_129, %add3A_145 : i32
        %lt3A_147 = arith.cmpi slt, %add3A_146, %select_n3A : i32
        %convert_element_type3A_148 = arith.extui %lt3A_147 : i1 to i32
        %cond3A_149 = arith.constant 0 : i32
        %cond3A_150 = arith.cmpi ne, %convert_element_type3A_148, %cond3A_149 : i32
        scf.if %cond3A_150 {
          %add3A_151 = arith.constant 2 : i32
          %add3A_152 = arith.addi %add3A_129, %add3A_151 : i32
          %dma_start3A = arith.constant 1 : i32
          %dma_start3A_153 = arith.constant 0 : i32
          %dma_start3A_154 = arith.constant 0 : i32
          %dma_start3A_155 = tpu.memref_slice %arg10[%dma_start3A, %dma_start3A_153, %dma_start3A_154] : memref<2x100x128xf32, #tpu.memory_space<vmem>> -> memref<1x100x128xf32, #tpu.memory_space<vmem>>
          %dma_start3A_156 = tpu.memref_squeeze %dma_start3A_155 : memref<1x100x128xf32, #tpu.memory_space<vmem>> -> memref<100x128xf32, #tpu.memory_space<vmem>>
          %dma_start3A_157 = arith.constant 0 : i32
          %dma_start3A_158 = tpu.memref_slice %arg7[%add3A_152, %dma_start3A_157] : memref<100x100xi32, #tpu.memory_space<vmem>> -> memref<1x100xi32, #tpu.memory_space<vmem>>
          %dma_start3A_159 = tpu.memref_squeeze %dma_start3A_158 : memref<1x100xi32, #tpu.memory_space<vmem>> -> memref<100xi32, #tpu.memory_space<vmem>>
          %dma_start3A_160 = arith.constant 0 : i32
          %dma_start3A_161 = arith.constant 0 : i32
          %dma_start3A_162 = tpu.memref_slice %arg2[%dma_start3A_160, %dma_start3A_161] : memref<10240x128xf32, #tpu.memory_space<hbm>> -> memref<10240x128xf32, #tpu.memory_space<hbm>>
          tpu.enqueue_indirect_dma source(%dma_start3A_162 : memref<10240x128xf32, #tpu.memory_space<hbm>>) target(%dma_start3A_156 : memref<100x128xf32, #tpu.memory_space<vmem>>) offsets(%dma_start3A_159 : memref<100xi32, #tpu.memory_space<vmem>>) semaphore(%arg13 : memref<!tpu.dma_semaphore, #tpu.memory_space<semaphore_mem>>)
        } else {
        }
      } else {
      }
    }
    %barrier3A_100 = arith.constant 0 : index
    tpu.barrier barrier_id(%barrier3A_100)
    %sub3A_101 = arith.constant 64 : i32
    %sub3A_102 = arith.subi %sub3A_101, %arg1 : i32
    %sub3A_103 = arith.constant 16 : i32
    %sub3A_104 = arith.constant 1 : i32
    %sub3A_105 = arith.subi %sub3A_103, %sub3A_104 : i32
    %add3A_106 = arith.addi %sub3A_102, %sub3A_105 : i32
    %div3A_107 = arith.constant 16 : i32
    %div3A_108 = arith.divsi %add3A_106, %div3A_107 : i32
    %while3A_109 = arith.constant 16 : i32
    %while3A_110 = arith.constant 0 : i32
    %while3A_111 = arith.subi %div3A_108, %while3A_110 : i32
    %while3A_112 = arith.addi %while3A_110, %while3A_111 : i32
    %while3A_113 = arith.constant 1 : i32
    %while3A_114 = arith.divsi %while3A_111, %while3A_113 : i32
    %while3A_115 = arith.muli %while3A_114, %while3A_113 : i32
    %while3A_116 = arith.addi %while3A_110, %while3A_115 : i32
    %while3A_117 = arith.constant 1 : i32
    scf.for %while3A_119 = %while3A_110 to %while3A_116 step %while3A_117  : i32 {
      %mul3A = arith.muli %while3A_119, %while3A_109 : i32
      %add3A_120 = arith.addi %arg1, %mul3A : i32
      %mul3A_121 = arith.constant 16 : i32
      %mul3A_122 = arith.muli %add3A_120, %mul3A_121 : i32
      %mul3A_123 = arith.constant 16 : i32
      %mul3A_124 = arith.muli %add3A_120, %mul3A_123 : i32
      "tpu.region"() ({
        %run_scoped3A = tpu.sem_alloc : memref<!tpu.dma_semaphore, #tpu.memory_space<semaphore_mem>>
        %dma_start3A = arith.constant 0 : i32
        %dma_start3A_125 = tpu.memref_slice %arg6[%arg0, %mul3A_124, %dma_start3A] : memref<2x1024x128xf32, #tpu.memory_space<hbm>> -> memref<1x16x128xf32, #tpu.memory_space<hbm>>
        %dma_start3A_126 = tpu.memref_squeeze %dma_start3A_125 : memref<1x16x128xf32, #tpu.memory_space<hbm>> -> memref<16x128xf32, #tpu.memory_space<hbm>>
        %dma_start3A_127 = arith.constant 0 : i32
        %dma_start3A_128 = tpu.memref_slice %arg11[%mul3A_122, %dma_start3A_127] : memref<1024x128xf32, #tpu.memory_space<vmem_shared>> -> memref<16x128xf32, #tpu.memory_space<vmem_shared>>
        tpu.enqueue_dma source(%dma_start3A_128 : memref<16x128xf32, #tpu.memory_space<vmem_shared>>) target(%dma_start3A_126 : memref<16x128xf32, #tpu.memory_space<hbm>>) target_semaphore(%run_scoped3A : memref<!tpu.dma_semaphore, #tpu.memory_space<semaphore_mem>>)
        %dma_wait3A = arith.constant 0 : i32
        %dma_wait3A_129 = tpu.memref_slice %arg6[%arg0, %mul3A_124, %dma_wait3A] : memref<2x1024x128xf32, #tpu.memory_space<hbm>> -> memref<1x16x128xf32, #tpu.memory_space<hbm>>
        %dma_wait3A_130 = tpu.memref_squeeze %dma_wait3A_129 : memref<1x16x128xf32, #tpu.memory_space<hbm>> -> memref<16x128xf32, #tpu.memory_space<hbm>>
        %dma_wait3A_131 = arith.constant 0 : i32
        %dma_wait3A_132 = tpu.memref_slice %arg11[%mul3A_122, %dma_wait3A_131] : memref<1024x128xf32, #tpu.memory_space<vmem_shared>> -> memref<16x128xf32, #tpu.memory_space<vmem_shared>>
        tpu.wait_dma2 semaphore(%run_scoped3A : memref<!tpu.dma_semaphore, #tpu.memory_space<semaphore_mem>>) src(%dma_wait3A_132 : memref<16x128xf32, #tpu.memory_space<vmem_shared>>) dst(%dma_wait3A_130 : memref<16x128xf32, #tpu.memory_space<hbm>>)
        tpu.yield
      }) : () -> ()
    }
    %while3A_118 = arith.constant 1 : i32
    scf.for %while3A_119 = %while3A_116 to %while3A_112 step %while3A_118  : i32 {
      %mul3A = arith.muli %while3A_119, %while3A_109 : i32
      %add3A_120 = arith.addi %arg1, %mul3A : i32
      %mul3A_121 = arith.constant 16 : i32
      %mul3A_122 = arith.muli %add3A_120, %mul3A_121 : i32
      %mul3A_123 = arith.constant 16 : i32
      %mul3A_124 = arith.muli %add3A_120, %mul3A_123 : i32
      "tpu.region"() ({
        %run_scoped3A = tpu.sem_alloc : memref<!tpu.dma_semaphore, #tpu.memory_space<semaphore_mem>>
        %dma_start3A = arith.constant 0 : i32
        %dma_start3A_125 = tpu.memref_slice %arg6[%arg0, %mul3A_124, %dma_start3A] : memref<2x1024x128xf32, #tpu.memory_space<hbm>> -> memref<1x16x128xf32, #tpu.memory_space<hbm>>
        %dma_start3A_126 = tpu.memref_squeeze %dma_start3A_125 : memref<1x16x128xf32, #tpu.memory_space<hbm>> -> memref<16x128xf32, #tpu.memory_space<hbm>>
        %dma_start3A_127 = arith.constant 0 : i32
        %dma_start3A_128 = tpu.memref_slice %arg11[%mul3A_122, %dma_start3A_127] : memref<1024x128xf32, #tpu.memory_space<vmem_shared>> -> memref<16x128xf32, #tpu.memory_space<vmem_shared>>
        tpu.enqueue_dma source(%dma_start3A_128 : memref<16x128xf32, #tpu.memory_space<vmem_shared>>) target(%dma_start3A_126 : memref<16x128xf32, #tpu.memory_space<hbm>>) target_semaphore(%run_scoped3A : memref<!tpu.dma_semaphore, #tpu.memory_space<semaphore_mem>>)
        %dma_wait3A = arith.constant 0 : i32
        %dma_wait3A_129 = tpu.memref_slice %arg6[%arg0, %mul3A_124, %dma_wait3A] : memref<2x1024x128xf32, #tpu.memory_space<hbm>> -> memref<1x16x128xf32, #tpu.memory_space<hbm>>
        %dma_wait3A_130 = tpu.memref_squeeze %dma_wait3A_129 : memref<1x16x128xf32, #tpu.memory_space<hbm>> -> memref<16x128xf32, #tpu.memory_space<hbm>>
        %dma_wait3A_131 = arith.constant 0 : i32
        %dma_wait3A_132 = tpu.memref_slice %arg11[%mul3A_122, %dma_wait3A_131] : memref<1024x128xf32, #tpu.memory_space<vmem_shared>> -> memref<16x128xf32, #tpu.memory_space<vmem_shared>>
        tpu.wait_dma2 semaphore(%run_scoped3A : memref<!tpu.dma_semaphore, #tpu.memory_space<semaphore_mem>>) src(%dma_wait3A_132 : memref<16x128xf32, #tpu.memory_space<vmem_shared>>) dst(%dma_wait3A_130 : memref<16x128xf32, #tpu.memory_space<hbm>>)
        tpu.yield
      }) : () -> ()
    }
    return
  }
}

module attributes {stable_mosaic.version = 14 : i64} {
  func.func @_pos_body(%arg0: i32, %arg1: memref<1x80x128xi32, #tpu.memory_space<vmem>>, %arg2: memref<1x80x128xi32, #tpu.memory_space<vmem>>, %arg3: memref<1x8x128xi32, #tpu.memory_space<vmem>>) attributes {dimension_semantics = [#tpu.dimension_semantics<arbitrary>], iteration_bounds = array<i64: 32>, scalar_prefetch = 0 : i64, scratch_operands = 0 : i64, tpu.core_type = #tpu.core_type<tc>, window_params = [{transform_indices = @transform_0, window_bounds = array<i64: 1, 80, 128>}, {transform_indices = @transform_1, window_bounds = array<i64: 1, 80, 128>}, {transform_indices = @transform_2, window_bounds = array<i64: 1, 8, 128>}]} {
    %rem3A = arith.constant 16 : i32
    %rem3A_0 = arith.remsi %arg0, %rem3A : i32
    %get3A = arith.constant 0 : index
    %get3A_1 = arith.constant 0 : index
    %get3A_2 = arith.constant 0 : index
    %get3A_3 = vector.load %arg1[%get3A, %get3A_1, %get3A_2] : memref<1x80x128xi32, #tpu.memory_space<vmem>>, vector<1x80x128xi32>
    %get3A_4 = vector.shape_cast %get3A_3 : vector<1x80x128xi32> to vector<80x128xi32>
    %lt3A = arith.constant 1000 : i32
    %lt3A_5 = vector.broadcast %lt3A : i32 to vector<80x128xi32>
    %lt3A_6 = arith.cmpi slt, %get3A_4, %lt3A_5 : vector<80x128xi32>
    %convert_element_type3A = arith.extui %lt3A_6 : vector<80x128xi1> to vector<80x128xi32>
    %convert_element_type3A_7 = arith.sitofp %convert_element_type3A : vector<80x128xi32> to vector<80x128xf32>
    %iota3A = tpu.iota {dimensions = array<i32: 0>} : vector<128x128xi32>
    %iota3A_8 = tpu.iota {dimensions = array<i32: 1>} : vector<128x128xi32>
    %le3A = arith.cmpi sle, %iota3A, %iota3A_8 : vector<128x128xi32>
    %convert_element_type3A_9 = arith.extui %le3A : vector<128x128xi1> to vector<128x128xi32>
    %convert_element_type3A_10 = arith.sitofp %convert_element_type3A_9 : vector<128x128xi32> to vector<128x128xf32>
    %dot_general3A = arith.constant dense<0.000000e+00> : vector<80x128xf32>
    %dot_general3A_11 = tpu.matmul %convert_element_type3A_7, %convert_element_type3A_10, %dot_general3A {dimension_numbers = #tpu.dot_dimension_numbers<[1], [0], [0], [1], [0, 0, 1, 1], [], []>, transpose_lhs_hint = false} : vector<80x128xf32>, vector<128x128xf32>, vector<80x128xf32> -> vector<80x128xf32>
    %slice3A = vector.extract_strided_slice %dot_general3A_11 {offsets = [0, 127], sizes = [80, 1], strides = [1, 1]} : vector<80x128xf32> to vector<80x1xf32>
    %iota3A_12 = tpu.iota {dimensions = array<i32: 0>} : vector<80x80xi32>
    %iota3A_13 = tpu.iota {dimensions = array<i32: 1>} : vector<80x80xi32>
    %lt3A_14 = arith.cmpi slt, %iota3A_13, %iota3A_12 : vector<80x80xi32>
    %convert_element_type3A_15 = arith.extui %lt3A_14 : vector<80x80xi1> to vector<80x80xi32>
    %convert_element_type3A_16 = arith.sitofp %convert_element_type3A_15 : vector<80x80xi32> to vector<80x80xf32>
    %dot_general3A_17 = arith.constant dense<0.000000e+00> : vector<80x1xf32>
    %dot_general3A_18 = tpu.matmul %convert_element_type3A_16, %slice3A, %dot_general3A_17 {dimension_numbers = #tpu.dot_dimension_numbers<[1], [0], [0], [1], [0, 0, 1, 1], [], []>, transpose_lhs_hint = false} : vector<80x80xf32>, vector<80x1xf32>, vector<80x1xf32> -> vector<80x1xf32>
    %add3A = vector.broadcast %dot_general3A_18 : vector<80x1xf32> to vector<80x128xf32>
    %add3A_19 = arith.addf %add3A, %dot_general3A_11 : vector<80x128xf32>
    %sub3A = arith.subf %add3A_19, %convert_element_type3A_7 : vector<80x128xf32>
    %mul3A = arith.constant 10256 : i32
    %mul3A_20 = arith.muli %rem3A_0, %mul3A : i32
    %convert_element_type3A_21 = arith.sitofp %mul3A_20 : i32 to f32
    %add3A_22 = arith.constant 1.024000e+04 : f32
    %add3A_23 = arith.addf %convert_element_type3A_21, %add3A_22 : f32
    %gt3A = arith.constant 0.000000e+00 : f32
    %gt3A_24 = vector.broadcast %gt3A : f32 to vector<80x128xf32>
    %gt3A_25 = arith.cmpf ogt, %convert_element_type3A_7, %gt3A_24 : vector<80x128xf32>
    %add3A_26 = vector.broadcast %convert_element_type3A_21 : f32 to vector<80x128xf32>
    %add3A_27 = arith.addf %sub3A, %add3A_26 : vector<80x128xf32>
    %broadcast_in_dim3A = vector.broadcast %add3A_23 : f32 to vector<80x128xf32>
    %select_n3A = arith.select %gt3A_25, %add3A_27, %broadcast_in_dim3A : vector<80x128xi1>, vector<80x128xf32>
    %convert_element_type3A_28 = arith.fptosi %select_n3A : vector<80x128xf32> to vector<80x128xi32>
    %swap3A = arith.constant 0 : index
    %swap3A_29 = arith.constant 0 : index
    %swap3A_30 = arith.constant 0 : index
    %swap3A_31 = vector.load %arg2[%swap3A, %swap3A_29, %swap3A_30] : memref<1x80x128xi32, #tpu.memory_space<vmem>>, vector<1x80x128xi32>
    %swap3A_32 = vector.shape_cast %swap3A_31 : vector<1x80x128xi32> to vector<80x128xi32>
    %swap3A_33 = vector.shape_cast %convert_element_type3A_28 : vector<80x128xi32> to vector<1x80x128xi32>
    tpu.vector_store %arg2[%swap3A, %swap3A_29, %swap3A_30], %swap3A_33 {strides = array<i32>} : memref<1x80x128xi32, #tpu.memory_space<vmem>>, vector<1x80x128xi32>,
    %reduce_sum3A = vector.shape_cast %convert_element_type3A_7 : vector<80x128xf32> to vector<1x80x128xf32>
    %reduce_sum3A_34 = arith.constant dense<0.000000e+00> : vector<1xf32>
    %reduce_sum3A_35 = vector.multi_reduction <add>, %reduce_sum3A, %reduce_sum3A_34 [1, 2] : vector<1x80x128xf32> to vector<1xf32>
    %reduce_sum3A_36 = vector.shape_cast %reduce_sum3A_35 : vector<1xf32> to vector<1x1x1xf32>
    %reduce_sum3A_37 = vector.extract %reduce_sum3A_36[0, 0, 0] : f32 from vector<1x1x1xf32>
    %broadcast_in_dim3A_38 = vector.broadcast %reduce_sum3A_37 : f32 to vector<1x8x128xf32>
    %convert_element_type3A_39 = arith.fptosi %broadcast_in_dim3A_38 : vector<1x8x128xf32> to vector<1x8x128xi32>
    %swap3A_40 = arith.constant 0 : index
    %swap3A_41 = arith.constant 0 : index
    %swap3A_42 = arith.constant 0 : index
    %swap3A_43 = vector.load %arg3[%swap3A_40, %swap3A_41, %swap3A_42] : memref<1x8x128xi32, #tpu.memory_space<vmem>>, vector<1x8x128xi32>
    tpu.vector_store %arg3[%swap3A_40, %swap3A_41, %swap3A_42], %convert_element_type3A_39 {strides = array<i32>} : memref<1x8x128xi32, #tpu.memory_space<vmem>>, vector<1x8x128xi32>,
    return
  }
  func.func @transform_0(%arg0: i32) -> (i32, i32, i32) {
    %c0_i32 = arith.constant 0 : i32
    %c0_i32_0 = arith.constant 0 : i32
    %c0_i32_1 = arith.constant 0 : i32
    return %arg0, %c0_i32, %c0_i32_0 : i32, i32, i32
  }
  func.func @transform_1(%arg0: i32) -> (i32, i32, i32) {
    %c0_i32 = arith.constant 0 : i32
    %c0_i32_0 = arith.constant 0 : i32
    %c0_i32_1 = arith.constant 0 : i32
    return %arg0, %c0_i32, %c0_i32_0 : i32, i32, i32
  }
  func.func @transform_2(%arg0: i32) -> (i32, i32, i32) {
    %c0_i32 = arith.constant 0 : i32
    %c0_i32_0 = arith.constant 0 : i32
    %c0_i32_1 = arith.constant 0 : i32
    return %arg0, %c0_i32, %c0_i32_0 : i32, i32, i32
  }
}

module attributes {stable_mosaic.version = 14 : i64} {
  func.func @_mm_body(%arg0: i32, %arg1: memref<320x128xf32, #tpu.memory_space<vmem>>, %arg2: memref<128x128xf32, #tpu.memory_space<vmem>>, %arg3: memref<320x128xf32, #tpu.memory_space<vmem>>) attributes {dimension_semantics = [#tpu.dimension_semantics<arbitrary>], iteration_bounds = array<i64: 32>, scalar_prefetch = 0 : i64, scratch_operands = 0 : i64, tpu.core_type = #tpu.core_type<tc>, window_params = [{transform_indices = @transform_0, window_bounds = array<i64: 320, 128>}, {pipeline_mode = #tpu.pipeline_mode<synchronous>, transform_indices = @transform_1, window_bounds = array<i64: 128, 128>}, {transform_indices = @transform_2, window_bounds = array<i64: 320, 128>}]} {
    %get3A = arith.constant 0 : index
    %get3A_0 = arith.constant 0 : index
    %get3A_1 = vector.load %arg1[%get3A, %get3A_0] : memref<320x128xf32, #tpu.memory_space<vmem>>, vector<320x128xf32>
    %get3A_2 = arith.constant 0 : index
    %get3A_3 = arith.constant 0 : index
    %get3A_4 = vector.load %arg2[%get3A_2, %get3A_3] : memref<128x128xf32, #tpu.memory_space<vmem>>, vector<128x128xf32>
    %dot_general3A = arith.constant dense<0.000000e+00> : vector<320x128xf32>
    %dot_general3A_5 = tpu.matmul %get3A_1, %get3A_4, %dot_general3A {dimension_numbers = #tpu.dot_dimension_numbers<[1], [0], [0], [1], [0, 0, 1, 1], [], []>, transpose_lhs_hint = false} : vector<320x128xf32>, vector<128x128xf32>, vector<320x128xf32> -> vector<320x128xf32>
    %swap3A = arith.constant 0 : index
    %swap3A_6 = arith.constant 0 : index
    %swap3A_7 = vector.load %arg3[%swap3A, %swap3A_6] : memref<320x128xf32, #tpu.memory_space<vmem>>, vector<320x128xf32>
    tpu.vector_store %arg3[%swap3A, %swap3A_6], %dot_general3A_5 {strides = array<i32>} : memref<320x128xf32, #tpu.memory_space<vmem>>, vector<320x128xf32>,
    return
  }
  func.func @transform_0(%arg0: i32) -> (i32, i32) {
    %c0_i32 = arith.constant 0 : i32
    %c0_i32_0 = arith.constant 0 : i32
    return %arg0, %c0_i32 : i32, i32
  }
  func.func @transform_1(%arg0: i32) -> (i32, i32) {
    %c0_i32 = arith.constant 0 : i32
    %c0_i32_0 = arith.constant 0 : i32
    %c0_i32_1 = arith.constant 0 : i32
    return %c0_i32, %c0_i32_0 : i32, i32
  }
  func.func @transform_2(%arg0: i32) -> (i32, i32) {
    %c0_i32 = arith.constant 0 : i32
    %c0_i32_0 = arith.constant 0 : i32
    return %arg0, %c0_i32 : i32, i32
  }
}

module attributes {stable_mosaic.version = 14 : i64} {
  func.func @_scale_body(%arg0: i32, %arg1: memref<320x128xf32, #tpu.memory_space<vmem>>, %arg2: memref<320x1xf32, #tpu.memory_space<vmem>>, %arg3: memref<320x1xf32, #tpu.memory_space<vmem>>, %arg4: memref<320x128xf32, #tpu.memory_space<vmem>>) attributes {dimension_semantics = [#tpu.dimension_semantics<arbitrary>], iteration_bounds = array<i64: 32>, scalar_prefetch = 0 : i64, scratch_operands = 0 : i64, tpu.core_type = #tpu.core_type<tc>, window_params = [{transform_indices = @transform_0, window_bounds = array<i64: 320, 128>}, {transform_indices = @transform_1, window_bounds = array<i64: 320, 1>}, {transform_indices = @transform_2, window_bounds = array<i64: 320, 1>}, {transform_indices = @transform_3, window_bounds = array<i64: 320, 128>}]} {
    %get3A = arith.constant 0 : index
    %get3A_0 = arith.constant 0 : index
    %get3A_1 = vector.load %arg2[%get3A, %get3A_0] : memref<320x1xf32, #tpu.memory_space<vmem>>, vector<320x1xf32>
    %get3A_2 = arith.constant 0 : index
    %get3A_3 = arith.constant 0 : index
    %get3A_4 = vector.load %arg3[%get3A_2, %get3A_3] : memref<320x1xf32, #tpu.memory_space<vmem>>, vector<320x1xf32>
    %add3A = arith.addf %get3A_1, %get3A_4 : vector<320x1xf32>
    %add3A_5 = arith.constant 1.000000e+00 : f32
    %add3A_6 = vector.broadcast %add3A_5 : f32 to vector<320x1xf32>
    %add3A_7 = arith.addf %add3A, %add3A_6 : vector<320x1xf32>
    %rsqrt3A = math.rsqrt %add3A_7 : vector<320x1xf32>
    %get3A_8 = arith.constant 0 : index
    %get3A_9 = arith.constant 0 : index
    %get3A_10 = vector.load %arg1[%get3A_8, %get3A_9] : memref<320x128xf32, #tpu.memory_space<vmem>>, vector<320x128xf32>
    %mul3A = vector.broadcast %rsqrt3A : vector<320x1xf32> to vector<320x128xf32>
    %mul3A_11 = arith.mulf %get3A_10, %mul3A : vector<320x128xf32>
    %swap3A = arith.constant 0 : index
    %swap3A_12 = arith.constant 0 : index
    %swap3A_13 = vector.load %arg4[%swap3A, %swap3A_12] : memref<320x128xf32, #tpu.memory_space<vmem>>, vector<320x128xf32>
    tpu.vector_store %arg4[%swap3A, %swap3A_12], %mul3A_11 {strides = array<i32>} : memref<320x128xf32, #tpu.memory_space<vmem>>, vector<320x128xf32>,
    return
  }
  func.func @transform_0(%arg0: i32) -> (i32, i32) {
    %c0_i32 = arith.constant 0 : i32
    %c0_i32_0 = arith.constant 0 : i32
    return %arg0, %c0_i32 : i32, i32
  }
  func.func @transform_1(%arg0: i32) -> (i32, i32) {
    %c0_i32 = arith.constant 0 : i32
    %c0_i32_0 = arith.constant 0 : i32
    return %arg0, %c0_i32 : i32, i32
  }
  func.func @transform_2(%arg0: i32) -> (i32, i32) {
    %c0_i32 = arith.constant 0 : i32
    %c0_i32_0 = arith.constant 0 : i32
    return %arg0, %c0_i32 : i32, i32
  }
  func.func @transform_3(%arg0: i32) -> (i32, i32) {
    %c0_i32 = arith.constant 0 : i32
    %c0_i32_0 = arith.constant 0 : i32
    return %arg0, %c0_i32 : i32, i32
  }
}

module attributes {stable_mosaic.version = 14 : i64} {
  func.func @_mid_body(%arg0: i32, %arg1: memref<320x128xf32, #tpu.memory_space<vmem>>, %arg2: memref<320x128xf32, #tpu.memory_space<vmem>>, %arg3: memref<320x128xf32, #tpu.memory_space<vmem>>, %arg4: memref<320x1xf32, #tpu.memory_space<vmem>>, %arg5: memref<320x1xf32, #tpu.memory_space<vmem>>, %arg6: memref<1x128xf32, #tpu.memory_space<vmem>>, %arg7: memref<128x128xf32, #tpu.memory_space<vmem>>, %arg8: memref<320x128xf32, #tpu.memory_space<vmem>>) attributes {dimension_semantics = [#tpu.dimension_semantics<arbitrary>], iteration_bounds = array<i64: 32>, scalar_prefetch = 0 : i64, scratch_operands = 0 : i64, tpu.core_type = #tpu.core_type<tc>, window_params = [{transform_indices = @transform_0, window_bounds = array<i64: 320, 128>}, {transform_indices = @transform_1, window_bounds = array<i64: 320, 128>}, {transform_indices = @transform_2, window_bounds = array<i64: 320, 128>}, {transform_indices = @transform_3, window_bounds = array<i64: 320, 1>}, {transform_indices = @transform_4, window_bounds = array<i64: 320, 1>}, {pipeline_mode = #tpu.pipeline_mode<synchronous>, transform_indices = @transform_5, window_bounds = array<i64: 1, 128>}, {pipeline_mode = #tpu.pipeline_mode<synchronous>, transform_indices = @transform_6, window_bounds = array<i64: 128, 128>}, {transform_indices = @transform_7, window_bounds = array<i64: 320, 128>}]} {
    %get3A = arith.constant 0 : index
    %get3A_0 = arith.constant 0 : index
    %get3A_1 = vector.load %arg4[%get3A, %get3A_0] : memref<320x1xf32, #tpu.memory_space<vmem>>, vector<320x1xf32>
    %get3A_2 = arith.constant 0 : index
    %get3A_3 = arith.constant 0 : index
    %get3A_4 = vector.load %arg5[%get3A_2, %get3A_3] : memref<320x1xf32, #tpu.memory_space<vmem>>, vector<320x1xf32>
    %add3A = arith.addf %get3A_1, %get3A_4 : vector<320x1xf32>
    %add3A_5 = arith.constant 1.000000e+00 : f32
    %add3A_6 = vector.broadcast %add3A_5 : f32 to vector<320x1xf32>
    %add3A_7 = arith.addf %add3A, %add3A_6 : vector<320x1xf32>
    %rsqrt3A = math.rsqrt %add3A_7 : vector<320x1xf32>
    %get3A_8 = arith.constant 0 : index
    %get3A_9 = arith.constant 0 : index
    %get3A_10 = vector.load %arg1[%get3A_8, %get3A_9] : memref<320x128xf32, #tpu.memory_space<vmem>>, vector<320x128xf32>
    %get3A_11 = arith.constant 0 : index
    %get3A_12 = arith.constant 0 : index
    %get3A_13 = vector.load %arg2[%get3A_11, %get3A_12] : memref<320x128xf32, #tpu.memory_space<vmem>>, vector<320x128xf32>
    %add3A_14 = arith.addf %get3A_10, %get3A_13 : vector<320x128xf32>
    %get3A_15 = arith.constant 0 : index
    %get3A_16 = arith.constant 0 : index
    %get3A_17 = vector.load %arg3[%get3A_15, %get3A_16] : memref<320x128xf32, #tpu.memory_space<vmem>>, vector<320x128xf32>
    %add3A_18 = arith.addf %add3A_14, %get3A_17 : vector<320x128xf32>
    %mul3A = vector.broadcast %rsqrt3A : vector<320x1xf32> to vector<320x128xf32>
    %mul3A_19 = arith.mulf %mul3A, %add3A_18 : vector<320x128xf32>
    %get3A_20 = arith.constant 0 : index
    %get3A_21 = arith.constant 0 : index
    %get3A_22 = vector.load %arg6[%get3A_20, %get3A_21] : memref<1x128xf32, #tpu.memory_space<vmem>>, vector<1x128xf32>
    %add3A_23 = vector.broadcast %get3A_22 : vector<1x128xf32> to vector<320x128xf32>
    %add3A_24 = arith.addf %mul3A_19, %add3A_23 : vector<320x128xf32>
    %gt3A = arith.constant 0.000000e+00 : f32
    %gt3A_25 = vector.broadcast %gt3A : f32 to vector<320x128xf32>
    %gt3A_26 = arith.cmpf ogt, %add3A_24, %gt3A_25 : vector<320x128xf32>
    %exp3A = math.exp %add3A_24 : vector<320x128xf32>
    %sub3A = arith.constant 1.000000e+00 : f32
    %sub3A_27 = vector.broadcast %sub3A : f32 to vector<320x128xf32>
    %sub3A_28 = arith.subf %exp3A, %sub3A_27 : vector<320x128xf32>
    %select_n3A = arith.select %gt3A_26, %add3A_24, %sub3A_28 : vector<320x128xi1>, vector<320x128xf32>
    %get3A_29 = arith.constant 0 : index
    %get3A_30 = arith.constant 0 : index
    %get3A_31 = vector.load %arg7[%get3A_29, %get3A_30] : memref<128x128xf32, #tpu.memory_space<vmem>>, vector<128x128xf32>
    %dot_general3A = arith.constant dense<0.000000e+00> : vector<320x128xf32>
    %dot_general3A_32 = tpu.matmul %select_n3A, %get3A_31, %dot_general3A {dimension_numbers = #tpu.dot_dimension_numbers<[1], [0], [0], [1], [0, 0, 1, 1], [], []>, transpose_lhs_hint = false} : vector<320x128xf32>, vector<128x128xf32>, vector<320x128xf32> -> vector<320x128xf32>
    %mul3A_33 = vector.broadcast %rsqrt3A : vector<320x1xf32> to vector<320x128xf32>
    %mul3A_34 = arith.mulf %dot_general3A_32, %mul3A_33 : vector<320x128xf32>
    %swap3A = arith.constant 0 : index
    %swap3A_35 = arith.constant 0 : index
    %swap3A_36 = vector.load %arg8[%swap3A, %swap3A_35] : memref<320x128xf32, #tpu.memory_space<vmem>>, vector<320x128xf32>
    tpu.vector_store %arg8[%swap3A, %swap3A_35], %mul3A_34 {strides = array<i32>} : memref<320x128xf32, #tpu.memory_space<vmem>>, vector<320x128xf32>,
    return
  }
  func.func @transform_0(%arg0: i32) -> (i32, i32) {
    %c0_i32 = arith.constant 0 : i32
    %c0_i32_0 = arith.constant 0 : i32
    return %arg0, %c0_i32 : i32, i32
  }
  func.func @transform_1(%arg0: i32) -> (i32, i32) {
    %c0_i32 = arith.constant 0 : i32
    %c0_i32_0 = arith.constant 0 : i32
    return %arg0, %c0_i32 : i32, i32
  }
  func.func @transform_2(%arg0: i32) -> (i32, i32) {
    %c0_i32 = arith.constant 0 : i32
    %c0_i32_0 = arith.constant 0 : i32
    return %arg0, %c0_i32 : i32, i32
  }
  func.func @transform_3(%arg0: i32) -> (i32, i32) {
    %c0_i32 = arith.constant 0 : i32
    %c0_i32_0 = arith.constant 0 : i32
    return %arg0, %c0_i32 : i32, i32
  }
  func.func @transform_4(%arg0: i32) -> (i32, i32) {
    %c0_i32 = arith.constant 0 : i32
    %c0_i32_0 = arith.constant 0 : i32
    return %arg0, %c0_i32 : i32, i32
  }
  func.func @transform_5(%arg0: i32) -> (i32, i32) {
    %c0_i32 = arith.constant 0 : i32
    %c0_i32_0 = arith.constant 0 : i32
    %c0_i32_1 = arith.constant 0 : i32
    return %c0_i32, %c0_i32_0 : i32, i32
  }
  func.func @transform_6(%arg0: i32) -> (i32, i32) {
    %c0_i32 = arith.constant 0 : i32
    %c0_i32_0 = arith.constant 0 : i32
    %c0_i32_1 = arith.constant 0 : i32
    return %c0_i32, %c0_i32_0 : i32, i32
  }
  func.func @transform_7(%arg0: i32) -> (i32, i32) {
    %c0_i32 = arith.constant 0 : i32
    %c0_i32_0 = arith.constant 0 : i32
    return %arg0, %c0_i32 : i32, i32
  }
}

module attributes {stable_mosaic.version = 14 : i64} {
  func.func @_final_body(%arg0: i32, %arg1: memref<128x128xf32, #tpu.memory_space<vmem>>, %arg2: memref<128x128xf32, #tpu.memory_space<vmem>>, %arg3: memref<128x128xf32, #tpu.memory_space<vmem>>, %arg4: memref<128x1xf32, #tpu.memory_space<vmem>>, %arg5: memref<128x1xf32, #tpu.memory_space<vmem>>, %arg6: memref<1x128xf32, #tpu.memory_space<vmem>>, %arg7: memref<128x128xf32, #tpu.memory_space<vmem>>) attributes {dimension_semantics = [#tpu.dimension_semantics<arbitrary>], iteration_bounds = array<i64: 8>, scalar_prefetch = 0 : i64, scratch_operands = 0 : i64, tpu.core_type = #tpu.core_type<tc>, window_params = [{transform_indices = @transform_0, window_bounds = array<i64: 128, 128>}, {transform_indices = @transform_1, window_bounds = array<i64: 128, 128>}, {transform_indices = @transform_2, window_bounds = array<i64: 128, 128>}, {transform_indices = @transform_3, window_bounds = array<i64: 128, 1>}, {transform_indices = @transform_4, window_bounds = array<i64: 128, 1>}, {pipeline_mode = #tpu.pipeline_mode<synchronous>, transform_indices = @transform_5, window_bounds = array<i64: 1, 128>}, {transform_indices = @transform_6, window_bounds = array<i64: 128, 128>}]} {
    %get3A = arith.constant 0 : index
    %get3A_0 = arith.constant 0 : index
    %get3A_1 = vector.load %arg4[%get3A, %get3A_0] : memref<128x1xf32, #tpu.memory_space<vmem>>, vector<128x1xf32>
    %get3A_2 = arith.constant 0 : index
    %get3A_3 = arith.constant 0 : index
    %get3A_4 = vector.load %arg5[%get3A_2, %get3A_3] : memref<128x1xf32, #tpu.memory_space<vmem>>, vector<128x1xf32>
    %add3A = arith.addf %get3A_1, %get3A_4 : vector<128x1xf32>
    %add3A_5 = arith.constant 1.000000e+00 : f32
    %add3A_6 = vector.broadcast %add3A_5 : f32 to vector<128x1xf32>
    %add3A_7 = arith.addf %add3A, %add3A_6 : vector<128x1xf32>
    %rsqrt3A = math.rsqrt %add3A_7 : vector<128x1xf32>
    %get3A_8 = arith.constant 0 : index
    %get3A_9 = arith.constant 0 : index
    %get3A_10 = vector.load %arg1[%get3A_8, %get3A_9] : memref<128x128xf32, #tpu.memory_space<vmem>>, vector<128x128xf32>
    %get3A_11 = arith.constant 0 : index
    %get3A_12 = arith.constant 0 : index
    %get3A_13 = vector.load %arg2[%get3A_11, %get3A_12] : memref<128x128xf32, #tpu.memory_space<vmem>>, vector<128x128xf32>
    %add3A_14 = arith.addf %get3A_10, %get3A_13 : vector<128x128xf32>
    %get3A_15 = arith.constant 0 : index
    %get3A_16 = arith.constant 0 : index
    %get3A_17 = vector.load %arg3[%get3A_15, %get3A_16] : memref<128x128xf32, #tpu.memory_space<vmem>>, vector<128x128xf32>
    %add3A_18 = arith.addf %add3A_14, %get3A_17 : vector<128x128xf32>
    %mul3A = vector.broadcast %rsqrt3A : vector<128x1xf32> to vector<128x128xf32>
    %mul3A_19 = arith.mulf %mul3A, %add3A_18 : vector<128x128xf32>
    %get3A_20 = arith.constant 0 : index
    %get3A_21 = arith.constant 0 : index
    %get3A_22 = vector.load %arg6[%get3A_20, %get3A_21] : memref<1x128xf32, #tpu.memory_space<vmem>>, vector<1x128xf32>
    %add3A_23 = vector.broadcast %get3A_22 : vector<1x128xf32> to vector<128x128xf32>
    %add3A_24 = arith.addf %mul3A_19, %add3A_23 : vector<128x128xf32>
    %gt3A = arith.constant 0.000000e+00 : f32
    %gt3A_25 = vector.broadcast %gt3A : f32 to vector<128x128xf32>
    %gt3A_26 = arith.cmpf ogt, %add3A_24, %gt3A_25 : vector<128x128xf32>
    %exp3A = math.exp %add3A_24 : vector<128x128xf32>
    %sub3A = arith.constant 1.000000e+00 : f32
    %sub3A_27 = vector.broadcast %sub3A : f32 to vector<128x128xf32>
    %sub3A_28 = arith.subf %exp3A, %sub3A_27 : vector<128x128xf32>
    %select_n3A = arith.select %gt3A_26, %add3A_24, %sub3A_28 : vector<128x128xi1>, vector<128x128xf32>
    %swap3A = arith.constant 0 : index
    %swap3A_29 = arith.constant 0 : index
    %swap3A_30 = vector.load %arg7[%swap3A, %swap3A_29] : memref<128x128xf32, #tpu.memory_space<vmem>>, vector<128x128xf32>
    tpu.vector_store %arg7[%swap3A, %swap3A_29], %select_n3A {strides = array<i32>} : memref<128x128xf32, #tpu.memory_space<vmem>>, vector<128x128xf32>,
    return
  }
  func.func @transform_0(%arg0: i32) -> (i32, i32) {
    %c0_i32 = arith.constant 0 : i32
    %c0_i32_0 = arith.constant 0 : i32
    return %arg0, %c0_i32 : i32, i32
  }
  func.func @transform_1(%arg0: i32) -> (i32, i32) {
    %c0_i32 = arith.constant 0 : i32
    %c0_i32_0 = arith.constant 0 : i32
    return %arg0, %c0_i32 : i32, i32
  }
  func.func @transform_2(%arg0: i32) -> (i32, i32) {
    %c0_i32 = arith.constant 0 : i32
    %c0_i32_0 = arith.constant 0 : i32
    return %arg0, %c0_i32 : i32, i32
  }
  func.func @transform_3(%arg0: i32) -> (i32, i32) {
    %c0_i32 = arith.constant 0 : i32
    %c0_i32_0 = arith.constant 0 : i32
    return %arg0, %c0_i32 : i32, i32
  }
  func.func @transform_4(%arg0: i32) -> (i32, i32) {
    %c0_i32 = arith.constant 0 : i32
    %c0_i32_0 = arith.constant 0 : i32
    return %arg0, %c0_i32 : i32, i32
  }
  func.func @transform_5(%arg0: i32) -> (i32, i32) {
    %c0_i32 = arith.constant 0 : i32
    %c0_i32_0 = arith.constant 0 : i32
    %c0_i32_1 = arith.constant 0 : i32
    return %c0_i32, %c0_i32_0 : i32, i32
  }
  func.func @transform_6(%arg0: i32) -> (i32, i32) {
    %c0_i32 = arith.constant 0 : i32
    %c0_i32_0 = arith.constant 0 : i32
    return %arg0, %c0_i32 : i32, i32
  }
}

</mosaic_0001>

<sc_bundles>
// kernel: kernel.10.cloned.1.call-start
scs
__scs_entry_jumppad:
0x0: {  	(pc) =	sbr.rel $0x88, $3  }
0x1: {  	(tag) =	ssettag $0x0;
	lr =	simm.s32 $0x1  }
0x2: {  	[smem:$0x3F9B] =	sst lr;
	_ =	strace $0xD0000000  }
0x3: {  	_ = 	snop  }
0x4: {  	_ = 	snop  }
0x5: {  	_ = 	snop  }
0x6: {  	_ = 	snop  }
0x7: {  	_ = 	snop  }
__scs_overlays_trampoline_lowered:
0x8: {  	[smem:$0x3FAA] =	sst s0  }
0x9: {  	[smem:$0x3FAB] =	sst s1  }
0xa: {  	[smem:$0x3FAC] =	sst s2  }
0xb: {  	[smem:$0x3FAD] =	sst s3  }
0xc: {  	[smem:$0x3FAE] =	sst s4  }
0xd: {  	[smem:$0x3FAF] =	sst s5  }
0xe: {  	[smem:$0x3FB0] =	sst s6  }
0xf: {  	[smem:$0x3FB1] =	sst s7  }
0x10: {  	[smem:$0x3FB2] =	sst s8  }
0x11: {  	[smem:$0x3FB3] =	sst s9;
	s0 =	simm.s32 @!p0 $0x0  }
0x12: {  	s1 =	sld [smem:$0x3F99];
	s0 =	simm.s32 @p0 $0x1  }
0x13: {  	[smem:$0x3FB4] =	sst s0;
	s0 =	simm.s32 @!p1 $0x0  }
0x14: {  	s2 =	sld [smem:$0x3F98];
	s0 =	simm.s32 @p1 $0x1  }
0x15: {  	[smem:$0x3FB5] =	sst s0;
	s0 =	simm.s32 @!p2 $0x0  }
0x16: {  	s3 =	sld [smem:$0x3FDB];
	s0 =	simm.s32 @p2 $0x1  }
0x17: {  	s4 =	simm.s32 $0x1BF5;
	[smem:$0x3FB7] =	sst s0  }
0x18: {  	s0 =	sld [smem:$0x3F9A];
	_ =	swait.ge [sflag:s4], $0x0  }
0x19: {  	s7 =	sld [smem:$0x3F9B]  }
0x1a: {  	s8 =	sadd.s32 $0xFFFFE003, lr  }
0x1b: {  	s9 =	sadd.s32 $0xFFFFFEF7, lr;
	s5 =	simm.s32 $0xFFFFFFFF;
	p2 =	slt.u32 s8, $0xFFFFF086  }
0x1c: {  	p1 =	slt.u32 s9, $0xF7A;
	s5 =	simm.s32 @!p2 $0x0  }
0x1d: {  	s5 =	simm.s32 @p1 $0x1;
	p0 =	seq.s32 s7, s2  }
0x1e: {  	s7 =	smul.u32 @!p0 $0xF7A, s2;
	p2 =	seq.s32 @!p0 s5, $0x0  }
0x1f: {  	s9 =	smul.u32 $0xF7A, s1;
	s8 =	simm.s32 @!p0 $0x1BF5;
	p2 =	por !p2, p0  }
0x20: {  	[sflag:s8] =	ssyncset.s32 @!p0 $0xFFFFF086;
	s6 =	sadd.s32 @!p0 s3, s7;
	s7 =	simm.s32 @!p0 $0x108  }
0x21: {  	s3 =	sadd.s32 s3, s9;
	s6 =	sadd.s32 @!p0 $0x88, s6;
	s7 =	simm.s32 @p2 $0x1082  }
0x22: {  	[simem:s7], [sflag:s8] =	dma.local @!p0 [hbm:s6], $0xF7A  }
0x23: {  	s9 =	sor.u32 $0xD0000000, s2;
	s6 =	simm.s32 $0x108;
	_ =	swait.ge @!p0 [sflag:s8], $0x0  }
0x24: {  	s3 =	sadd.s32 $0x88, s3;
	s6 =	simm.s32 @!p1 $0x1082;
	[sflag:s4] =	ssyncset.s32 $0xFFFFF086  }
0x25: {  	[simem:s6], [sflag:s4] =	dma.local [hbm:s3], $0xF7A  }
0x26: {  	[smem:$0x3F9B] =	sst s1;
	(tag) =	ssettag s2;
	_ =	strace s9  }
0x27: {  	s1 =	sld [smem:$0x3FAB]  }
0x28: {  	s2 =	sld [smem:$0x3FAC]  }
0x29: {  	s4 =	sld [smem:$0x3FAE]  }
0x2a: {  	p0 =	seq.s32 s5, $0x0;
	s5 =	sld [smem:$0x3FAF]  }
0x2b: {  	s6 =	sld [smem:$0x3FB0]  }
0x2c: {  	s7 =	sld [smem:$0x3FB1]  }
0x2d: {  	s3 =	simm.s32 $0x108;
	s8 =	sld [smem:$0x3FB2]  }
0x2e: {  	s3 =	simm.s32 @!p0 $0x1082;
	s9 =	sld [smem:$0x3FB3]  }
0x2f: {  	lr =	sadd.s32 s0, s3;
	s0 =	sld [smem:$0x3FAA]  }
0x30: {  	s3 =	sld [smem:$0x3FAD]  }
0x31: {  	[smem:$0x3FB6] =	sst s10  }
0x32: {  	s10 =	sld [smem:$0x3FB4];
	_ =	sdelay $0x3  }
0x33: {  	p0 =	seq.s32 s10, $0x1;
	s10 =	sld [smem:$0x3FB6];
	_ =	sdelay $0x3  }
0x34: {  	[smem:$0x3FB6] =	sst s10  }
0x35: {  	s10 =	sld [smem:$0x3FB5];
	_ =	sdelay $0x3  }
0x36: {  	p1 =	seq.s32 s10, $0x1;
	s10 =	sld [smem:$0x3FB6];
	_ =	sdelay $0x3  }
0x37: {  	[smem:$0x3FB6] =	sst s10  }
0x38: {  	s10 =	sld [smem:$0x3FB7]  }
0x39: {  	_ = 	snop;
	(pc) =	sbr.ind lr, $3  }
0x3a: {  	_ = 	snop  }
0x3b: {  	_ = 	snop  }
0x3c: {  	p2 =	seq.s32 s10, $0x1;
	s10 =	sld [smem:$0x3FB6]  }
0x3d: {  	_ =	shalt  }
0x3e: {  	_ =	shalt  }
0x3f: {  	_ =	shalt  }
0x40: {  	_ =	shalt  }
0x41: {  	_ =	shalt  }
0x42: {  	_ =	shalt  }
0x43: {  	_ =	shalt  }
0x44: {  	_ =	shalt  }
0x45: {  	_ =	shalt  }
0x46: {  	_ =	shalt  }
0x47: {  	_ =	shalt  }
0x48: {  	_ =	shalt  }
0x49: {  	_ =	shalt  }
0x4a: {  	_ =	shalt  }
0x4b: {  	_ =	shalt  }
0x4c: {  	_ =	shalt  }
0x4d: {  	_ =	shalt  }
0x4e: {  	_ =	shalt  }
0x4f: {  	_ =	shalt  }
0x50: {  	_ =	shalt  }
0x51: {  	_ =	shalt  }
0x52: {  	_ =	shalt  }
0x53: {  	_ =	shalt  }
0x54: {  	_ =	shalt  }
0x55: {  	_ =	shalt  }
0x56: {  	_ =	shalt  }
0x57: {  	_ =	shalt  }
0x58: {  	_ =	shalt  }
0x59: {  	_ =	shalt  }
0x5a: {  	_ =	shalt  }
0x5b: {  	_ =	shalt  }
0x5c: {  	_ =	shalt  }
0x5d: {  	_ =	shalt  }
0x5e: {  	_ =	shalt  }
0x5f: {  	_ =	shalt  }
0x60: {  	_ =	shalt  }
0x61: {  	_ =	shalt  }
0x62: {  	_ =	shalt  }
0x63: {  	_ =	shalt  }
0x64: {  	_ =	shalt  }
0x65: {  	_ =	shalt  }
0x66: {  	_ =	shalt  }
0x67: {  	_ =	shalt  }
0x68: {  	_ =	shalt  }
0x69: {  	_ =	shalt  }
0x6a: {  	_ =	shalt  }
0x6b: {  	_ =	shalt  }
0x6c: {  	_ =	shalt  }
0x6d: {  	_ =	shalt  }
0x6e: {  	_ =	shalt  }
0x6f: {  	_ =	shalt  }
0x70: {  	_ =	shalt  }
0x71: {  	_ =	shalt  }
0x72: {  	_ =	shalt  }
0x73: {  	_ =	shalt  }
0x74: {  	_ =	shalt  }
0x75: {  	_ =	shalt  }
0x76: {  	_ =	shalt  }
0x77: {  	_ =	shalt  }
0x78: {  	_ =	shalt  }
0x79: {  	_ =	shalt  }
0x7a: {  	_ =	shalt  }
0x7b: {  	_ =	shalt  }
0x7c: {  	_ =	shalt  }
0x7d: {  	_ =	shalt  }
0x7e: {  	_ =	shalt  }
0x7f: {  	_ =	shalt  }
0x80: {  	_ =	shalt  }
0x81: {  	_ =	shalt  }
0x82: {  	_ =	shalt  }
0x83: {  	_ =	shalt  }
0x84: {  	_ =	shalt  }
0x85: {  	_ =	shalt  }
0x86: {  	_ =	shalt  }
0x87: {  	_ =	shalt  }
.Lfunc_end0:
.L_simem_size_0:
called_computation_lowered:
.L_overlay_start_0:
0x88: {  	s2 =	sld [smem:$0x3FD9]  }
0x89: {  	s3 =	sld [smem:$0x3FFE];
	_ =	sdelay $0x1  }
0x8a: {  	s1 =	srdreg.scid  }
0x8b: {  	s0 =	sand.u32 $0x1, s1  }
0x8c: {  	s17 =	sshll.u32 s0, $0xA;
	s2 =	sadd.s32 s3, s2  }
0x8d: {  	s2 =	sadd.s32 s2, s17  }
0x8e: {  	[smem:$0x3FC2] =	sst s2  }
0x8f: {  	_ = 	snop  }
0x90: {  	s2 =	sld [smem:$0x3FD0];
	(tm) =	ssettm $0x1  }
0x91: {  	s18 =	sld [smem:$0x3FFB];
	_ =	sdelay $0x3  }
0x92: {  	_ =	strace s18  }
0x93: {  	s3 =	sld [smem:$0x3FFC];
	_ =	sdelay $0x3  }
0x94: {  	_ =	strace s3  }
0x95: {  	s3 =	sld [smem:$0x3FFD];
	_ =	sdelay $0x3  }
0x96: {  	_ =	strace s3  }
0x97: {  	_ =	strace $0x8FFFFFFF  }
0x98: {  	s19 =	sld [smem:$0x3FDB];
	_ =	sdelay $0x1  }
0x99: {  	s4 =	simm.s32 $_scs_section_size  }
0x9a: {  	s5 =	simm.s32 $_size__tile_overlayer_lowered;
	s6 =	simm.s32 $_tile_overlayer_lowered  }
0x9b: {  	s22 =	simm.s32 $0x1BFF;
	s21 =	sshll.u32 s6, $0x1;
	s3 =	sadd.s32 s4, s19  }
0x9c: {  	s7 =	simm.s32 $0x0;
	s20 =	sshll.u32 s5, $0x1;
	s5 =	sadd.s32 s21, s3  }
0x9d: {  	[timem:s7], [sflag:s22] =	dma.local [hbm:s5], s20  }
0x9e: {  	_ =	swait.ge [sflag:s22], s20  }
0x9f: {  	s4 =	ssub.s32 $0x0, s20;
	[sflag:s22] =	ssyncset.done $0x0  }
0xa0: {  	[sflag:s22] =	ssyncadd.s32 s4;
	_ =	sdelay $0x1  }
0xa1: {  	s23 =	simm.s32 $0x1B8B  }
0xa2: {  	_ =	swait.ge [sflag:s23], $0x1  }
0xa3: {  	[sflag:s23] =	ssyncset.done $0x0  }
0xa4: {  	s25 =	simm.s32 $0x1B8E;
	s24 =	sld [smem:$0x3FFE];
	[sflag:s23] =	ssyncadd.s32 $0xFFFFFFFF  }
0xa5: {  	s26 =	simm.s32 $execute0_lowered;
	[smem:$0x3FD2] =	sst s25  }
0xa6: {  	s5 =	sshll.u32 s26, $0x1;
	_ =	strace $0x80000046;
	[dreg:$0x1] =	wrdreg $0xFFFFFFFF  }
0xa7: {  	s28 =	simm.s32 $_size_execute0_lowered;
	s3 =	sadd.s32 s3, s5;
	[dreg:$0x0] =	wrdreg $0x0  }
0xa8: {  	s5 =	sshll.u32 s28, $0x1;
	[dreg:$0x2] =	wrdreg s3  }
0xa9: {  	[dreg:$0x3] =	wrdreg s5  }
0xaa: {  	[dreg:$0x4] =	wrdreg $0xC0  }
0xab: {  	_ =	task [dreg:s7], $0x5FFFF  }
0xac: {  	[dreg:$0x1] =	wrdreg $0xFFFFFFFF  }
0xad: {  	[dreg:$0x0] =	wrdreg $0x60  }
0xae: {  	[dreg:$0x2] =	wrdreg s2  }
0xaf: {  	[dreg:$0x3] =	wrdreg s24  }
0xb0: {  	[dreg:$0x4] =	wrdreg $0xBA000  }
0xb1: {  	[dreg:$0x5] =	wrdreg $0xBC780  }
0xb2: {  	[dreg:$0x6] =	wrdreg $0xE4880  }
0xb3: {  	[dreg:$0x7] =	wrdreg $0x9  }
0xb4: {  	_ =	task.clear_ibuf [dreg:s7], $0x8FFFF;
	_ =	strace $0x90000046  }
0xb5: {  	s29 =	simm.s32 $0x9;
	_ =	strace $0x80000048  }
0xb6: {  	_ =	swait.ge [sflag:s29], $0x1  }
0xb7: {  	[sflag:s29] =	ssyncadd.s32 $0xFFFFFFFF  }
0xb8: {  	_ =	strace $0x90000048  }
0xb9: {  	_ =	sfence  }
0xba: {  	s30 =	sld [smem:$0x0];
	_ =	sdelay $0x2  }
0xbb: {  	s31 =	sshll.u32 s1, $0xD;
	s1 =	sshrl.u32 s1, $0x2  }
0xbc: {  	s3 =	sand.u32 $0x4000, s31;
	s1 =	sadd.s32 s1, s30  }
0xbd: {  	s0 =	sor.u32 s3, s0;
	s1 =	sshll.u32 s1, $0x11  }
0xbe: {  	s0 =	sor.u32 s1, s0  }
0xbf: {  	s0 =	sadd.s32 $0x8F2B, s0  }
0xc0: {  	[sflag:s0] =	ssyncadd.remote.s32 $0x1  }
0xc1: {  	_ =	sfence.sel $0xFFFF  }
0xc2: {  	[dreg:$0x0] =	wrdreg $0xFFFFFFFF;
	(pc) =	sbr.abs _section_cstart, $3  }
0xc3: {  	[dreg:$0x1] =	wrdreg $0xFFFFFFFF  }
0xc4: {  	_ =	task.clear_ibuf [dreg:s7], $0x2FFFF;
	_ =	strace $0x9FFFFFFF  }
0xc5: {  	(tm) =	ssettm $0x7FFFFFFF  }
tec
execute0_lowered:
.L_overlay_start_1:
0x0: {  	(tag) =	ssettag $0x1  }
0x1: {  	s2 =	rddreg [dreg:$0x0]  }
0x2: {  	s5 =	rddreg [dreg:$0x1]  }
0x3: {  	s0 =	rddreg [dreg:$0x2]  }
0x4: {  	s1 =	rddreg [dreg:$0x3];
	s4 =	srdreg.scid  }
0x5: {  	s3 =	rddreg [dreg:$0x4];
	s15 =	stileid.u32  }
0x6: {  	s19 =	simm.s32 $0x1;
	s28 =	simm.s32 $0xB080;
	s29 =	simm.s32 $0xB100  }
0x7: {  	s7 =	sand.u32 $0x1, s4;
	s4 =	simm.s32 $0x0;
	s8 =	smul.u32 $0x2800, s15  }
0x8: {  	s9 =	sshll.u32 s15, $0x7;
	s10 =	smul.u32 $0x3400, s15;
	s24 =	sadd.s32 $0x7D0, s0  }
0x9: {  	s25 =	sadd.s32 $0xFA0, s0;
	s26 =	sadd.s32 $0x1770, s0;
	s14 =	smul.u32 $0x2810, s15  }
0xa: {  	p0 =	sne.s32 s15, $0x0;
	p1 =	seq.s32 s15, $0x2;
	p2 =	sne.s32 s15, $0x1  }
0xb: {  	s15 =	simm.s32 $0xB180;
	s6 =	smul.u32 $0x28000, s7;
	[smem:$0x7FF] =	sst s4  }
0xc: {  	s20 =	smul.u32 $0x34000, s7;
	s9 =	sadd.s32 s9, s5;
	s21 =	ssub.s32 $0x2, s7  }
0xd: {  	s12 =	sshll.u32 s7, $0x4;
	_ =	strace $0x80000047;
	[dreg:$0x6] =	wrdreg s24  }
0xe: {  	s23 =	sshll.u32 s7, $0xB;
	s13 =	sshrl.u32 s21, $0x1;
	[dreg:$0x7] =	wrdreg s25  }
0xf: {  	s16 =	sadd.s32 s12, s5;
	[dreg:$0x8] =	wrdreg s26;
	s24 =	simm.s32 $0xB200  }
0x10: {  	s25 =	simm.s32 $0x80;
	s26 =	simm.s32 $0xB000;
	s6 =	sadd.s32 s8, s6  }
0x11: {  	s8 =	sadd.s32 s10, s20;
	s18 =	ssub.s32 s21, s13;
	s13 =	sadd.s32 $0x1F40, s0  }
0x12: {  	s30 =	sadd.s32 $0x2D200, s16;
	s31 =	sadd.s32 $0x23000, s16;
	s17 =	sadd.s32 $0x37400, s16  }
0x13: {  	s20 =	simm.s32 $0x3400;
	s21 =	simm.s32 $0x5C00;
	s16 =	simm.s32 $0x0  }
0x14: {  	s6 =	sshrl.u32 s6, $0x3;
	s22 =	sshrl.u32 s8, $0x3;
	[dreg:$0x9] =	wrdreg s30  }
0x15: {  	[dreg:$0xa] =	wrdreg s31;
	s18 =	smax.u32 s18, $0x1;
	s11 =	sadd.s32 s6, s5  }
0x16: {  	s5 =	sadd.s32 s2, s22;
	s2 =	sadd.s32 s23, s9;
	s22 =	simm.s32 $0x8400  }
0x17: {  	v0 =	vimm.f32 $1.000000000e+00;
	v1 =	vimm.s32 $0x2710;
	s23 =	simm.s32 $0xAC00;
	s6 =	sadd.s32 $0x19000, s11;
	s7 =	sadd.s32 $0x4000, s11  }
0x18: {  	v2 =	vimm.s32 $0x3E8;
	v3 =	vimm.f32 $0.0e+00;
	v4 =	vlaneseq.u32;
	s8 =	sadd.s32 $0xE000, s11;
	s9 =	sadd.s32 $0x18000, s2;
	s2 =	simm.s32 $0x64  }
.LBB2_1:
0x19: {  	[tilespmem:s4], [sflag:$0x1] =	stream.linear.gather [hbm4b:s5+s4], $0x3200, $0x38;
	[tilespmem:$0x10C98] =	vst v63  }
0x1a: {  	_ =	swait.ge [sflag:s19], $0x3200  }
0x1b: {  	[sflag:s19] =	ssyncset.done $0x0  }
0x1c: {  	[sflag:s19] =	ssyncadd.s32 $0xFFFFCE00  }
0x1d: {  	[tilespmem:s20], [sflag:$0x1] =	stream.linear.gather [hbm4b:s6+s4], $0x2800, $0x38;
	[tilespmem:$0x10C98] =	vst v63  }
0x1e: {  	_ =	swait.ge [sflag:s19], $0x2800  }
0x1f: {  	[sflag:s19] =	ssyncset.done $0x0  }
0x20: {  	[sflag:s19] =	ssyncadd.s32 $0xFFFFD800  }
0x21: {  	[tilespmem:s21], [sflag:$0x1] =	stream.linear.gather [hbm4b:s7+s4], $0x2800, $0x38;
	[tilespmem:$0x10C98] =	vst v63  }
0x22: {  	_ =	swait.ge [sflag:s19], $0x2800  }
0x23: {  	[sflag:s19] =	ssyncset.done $0x0  }
0x24: {  	[sflag:s19] =	ssyncadd.s32 $0xFFFFD800  }
0x25: {  	[tilespmem:s22], [sflag:$0x1] =	stream.linear.gather [hbm4b:s8+s4], $0x2800, $0x38;
	[tilespmem:$0x10C98] =	vst v63  }
0x26: {  	_ =	swait.ge [sflag:s19], $0x2800  }
0x27: {  	[sflag:s19] =	ssyncset.done $0x0  }
0x28: {  	[sflag:s19] =	ssyncadd.s32 $0xFFFFD800  }
0x29: {  	[tilespmem:s23], [sflag:$0x1] =	stream.linear.gather [hbm4b:s9+s4], $0x400, $0x38;
	[tilespmem:$0x10C98] =	vst v63  }
0x2a: {  	_ =	swait.ge [sflag:s19], $0x400  }
0x2b: {  	[sflag:s19] =	ssyncset.done $0x0  }
0x2c: {  	[sflag:s19] =	ssyncadd.s32 $0xFFFFFC00  }
0x2d: {  	[tilespmem:$0xB180] =	vst v0  }
0x2e: {  	[tilespmem:$0xB190] =	vst v0  }
0x2f: {  	[tilespmem:$0xB1A0] =	vst v0  }
0x30: {  	[tilespmem:$0xB1B0] =	vst v0  }
0x31: {  	[tilespmem:$0xB1C0] =	vst v0  }
0x32: {  	[tilespmem:$0xB1D0] =	vst v0  }
0x33: {  	[tilespmem:$0xB1E0] =	vst v0  }
0x34: {  	[tilespmem:$0xB080] =	vst v1  }
0x35: {  	[tilespmem:$0xB100] =	vst v2  }
0x36: {  	[tilespmem:$0xB090] =	vst v1  }
0x37: {  	[tilespmem:$0xB110] =	vst v2  }
0x38: {  	[tilespmem:$0xB0A0] =	vst v1  }
0x39: {  	[tilespmem:$0xB120] =	vst v2  }
0x3a: {  	[tilespmem:$0xB0B0] =	vst v1  }
0x3b: {  	[tilespmem:$0xB130] =	vst v2  }
0x3c: {  	[tilespmem:$0xB0C0] =	vst v1  }
0x3d: {  	[tilespmem:$0xB140] =	vst v2  }
0x3e: {  	[tilespmem:$0xB0D0] =	vst v1  }
.Ltmp0:
0x3f: {  	[tilespmem:$0xB150] =	vst v2;
	(pc) =	sbr.rel @p0 .LBB2_5-.Ltmp0, $4  }
0x40: {  	[tilespmem:$0xB0E0] =	vst v1  }
0x41: {  	[tilespmem:$0xB160] =	vst v2  }
0x42: {  	[tilespmem:$0xB0F0] =	vst v1  }
0x43: {  	[tilespmem:$0xB170] =	vst v2  }
0x44: {  	s30 =	simm.s32 $0x40;
	s31 =	simm.s32 $0x0  }
.LBB2_3:
0x45: {  	p3 =	sne.s32 s30, $0x1F00;
	[tilespmem:s31+$0xB200] =	vst v3;
	s31 =	smov.u32 s30;
	s30 =	sadd.s32 $0x40, s30  }
.Ltmp1:
0x46: {  	(pc) =	sbr.rel @p3 .LBB2_3-.Ltmp1, $2  }
0x47: {  	_ =	sdelay $0x2  }
0x48: {  	s31 =	sshra.s32 s31, $0x2  }
0x49: {  	[tilespmem:s31+$0xB200] =	vst v3  }
0x4a: {  	[spmem:s0] =	stream.linear.scatter [tilespmem:s24], [sflag:$0x1], $0x7D0, $0x38;
	[tilespmem:$0x10C98] =	vst v63  }
0x4b: {  	_ =	swait.ge [sflag:s19], $0x7D0  }
0x4c: {  	[sflag:s19] =	ssyncset.done $0x0  }
0x4d: {  	s10 =	rddreg [dreg:$0x6];
	[sflag:s19] =	ssyncadd.s32 $0xFFFFF830  }
0x4e: {  	[spmem:s10] =	stream.linear.scatter [tilespmem:s24], [sflag:$0x1], $0x7D0, $0x38;
	[tilespmem:$0x10C98] =	vst v63  }
0x4f: {  	_ =	swait.ge [sflag:s19], $0x7D0  }
0x50: {  	[sflag:s19] =	ssyncset.done $0x0  }
0x51: {  	s30 =	rddreg [dreg:$0x7];
	[sflag:s19] =	ssyncadd.s32 $0xFFFFF830  }
0x52: {  	[spmem:s30] =	stream.linear.scatter [tilespmem:s24], [sflag:$0x1], $0x7D0, $0x38;
	[tilespmem:$0x10C98] =	vst v63  }
0x53: {  	_ =	swait.ge [sflag:s19], $0x7D0  }
0x54: {  	[sflag:s19] =	ssyncset.done $0x0  }
0x55: {  	s31 =	rddreg [dreg:$0x8];
	[sflag:s19] =	ssyncadd.s32 $0xFFFFF830  }
0x56: {  	[spmem:s31] =	stream.linear.scatter [tilespmem:s24], [sflag:$0x1], $0x7D0, $0x38;
	[tilespmem:$0x10C98] =	vst v63  }
0x57: {  	_ =	swait.ge [sflag:s19], $0x7D0  }
0x58: {  	[sflag:s19] =	ssyncset.done $0x0  }
0x59: {  	[sflag:s19] =	ssyncadd.s32 $0xFFFFF830  }
0x5a: {  	[spmem:s13] =	stream.linear.scatter [tilespmem:s24], [sflag:$0x1], $0x7D0, $0x38;
	[tilespmem:$0x10C98] =	vst v63  }
0x5b: {  	_ =	swait.ge [sflag:s19], $0x7D0  }
0x5c: {  	[sflag:s19] =	ssyncset.done $0x0  }
0x5d: {  	[sflag:s19] =	ssyncadd.s32 $0xFFFFF830  }
.LBB2_5:
0x5e: {  	s30 =	simm.s32 $0x3400;
	s31 =	simm.s32 $0x8400  }
0x5f: {  	[spmem:s1] =	stream.indirect.scatter [tilespmem:s30], [sflag:$0x1], $0x1, s31, s25, $0xb8;
	[tilespmem:$0x10C98] =	vst v63  }
0x60: {  	_ =	swait.ge [sflag:s19], $0x80  }
0x61: {  	[sflag:s19] =	ssyncset.done $0x0  }
0x62: {  	s30 =	simm.s32 $0x5C00;
	[sflag:s19] =	ssyncadd.s32 $0xFFFFFF80  }
0x63: {  	[spmem:s3] =	stream.indirect.scatter [tilespmem:s30], [sflag:$0x1], $0x1, s31, s25, $0xb8;
	[tilespmem:$0x10C98] =	vst v63  }
0x64: {  	_ =	swait.ge [sflag:s19], $0x80  }
0x65: {  	s31 =	simm.s32 $0x400;
	s30 =	simm.s32 $0x80;
	[sflag:s19] =	ssyncset.done $0x0  }
.LBB2_6:
0x66: {  	s10 =	sadd.s32 $0x3400, s30  }
0x67: {  	s11 =	sadd.s32 $0x8400, s30;
	[sflag:s19] =	ssyncadd.s32 $0xFFFFFF80;
	s12 =	smov.u32 s31  }
0x68: {  	[spmem:s1] =	stream.indirect.scatter [tilespmem:s10], [sflag:$0x1], $0x1, s11, s25, $0xb8;
	[tilespmem:$0x10C98] =	vst v63  }
0x69: {  	p3 =	sne.s32 s31, $0x9E00;
	s31 =	sadd.s32 $0x200, s31;
	_ =	swait.ge [sflag:s19], $0x80  }
.Ltmp2:
0x6a: {  	[sflag:s19] =	ssyncset.done $0x0;
	(pc) =	sbr.rel @p3 .LBB2_6-.Ltmp2, $4  }
0x6b: {  	s10 =	sadd.s32 $0x5C00, s30;
	[sflag:s19] =	ssyncadd.s32 $0xFFFFFF80  }
0x6c: {  	[spmem:s3] =	stream.indirect.scatter [tilespmem:s10], [sflag:$0x1], $0x1, s11, s25, $0xb8;
	[tilespmem:$0x10C98] =	vst v63  }
0x6d: {  	_ =	swait.ge [sflag:s19], $0x80  }
0x6e: {  	s30 =	sshra.s32 s12, $0x2;
	[sflag:s19] =	ssyncset.done $0x0  }
0x6f: {  	s10 =	sadd.s32 $0x3400, s30;
	s11 =	sadd.s32 $0x8400, s30;
	[sflag:s19] =	ssyncadd.s32 $0xFFFFFF80  }
0x70: {  	[spmem:s1] =	stream.indirect.scatter [tilespmem:s10], [sflag:$0x1], $0x1, s11, s25, $0xb8;
	[tilespmem:$0x10C98] =	vst v63  }
0x71: {  	_ =	swait.ge [sflag:s19], $0x80  }
0x72: {  	[sflag:s19] =	ssyncset.done $0x0  }
0x73: {  	s31 =	sadd.s32 $0x5C00, s30;
	[sflag:s19] =	ssyncadd.s32 $0xFFFFFF80  }
0x74: {  	[spmem:s3] =	stream.indirect.scatter [tilespmem:s31], [sflag:$0x1], $0x1, s11, s25, $0xb8;
	[tilespmem:$0x10C98] =	vst v63  }
0x75: {  	_ =	swait.ge [sflag:s19], $0x80  }
0x76: {  	[sflag:s19] =	ssyncset.done $0x0  }
0x77: {  	[sflag:s19] =	ssyncadd.s32 $0xFFFFFF80  }
0x78: {  	v5 =	vld [tilespmem:$0xAC00];
	_ =	sdelay $0x4  }
0x79: {  	(v2sf) =	vpush v5, $0x0;
	_ =	sdelay $0xe  }
0x7a: {  	s11 =	spop (v2sf)  }
0x7b: {  	s10 =	sadd.s32 s14, s11  }
0x7c: {  	v5 =	vadd.s32 s10, v4;
	s12 =	sadd.s32 $0x10, s10  }
0x7d: {  	s30 =	sadd.s32 $0x20, s10;
	[tilespmem:$0xB000] =	vst v5;
	v5 =	vadd.s32 s12, v4  }
0x7e: {  	s31 =	sadd.s32 $0x30, s10;
	[tilespmem:$0xB010] =	vst v5;
	v5 =	vadd.s32 s30, v4  }
0x7f: {  	s12 =	sadd.s32 $0x40, s10;
	[tilespmem:$0xB020] =	vst v5;
	v5 =	vadd.s32 s31, v4  }
0x80: {  	s30 =	sadd.s32 $0x50, s10;
	[tilespmem:$0xB030] =	vst v5;
	v5 =	vadd.s32 s12, v4  }
0x81: {  	s31 =	sadd.s32 $0x60, s10;
	[tilespmem:$0xB040] =	vst v5;
	v5 =	vadd.s32 s30, v4  }
0x82: {  	s10 =	sadd.s32 $0x70, s10;
	[tilespmem:$0xB050] =	vst v5;
	v5 =	vadd.s32 s31, v4  }
0x83: {  	[tilespmem:$0xB060] =	vst v5;
	v5 =	vadd.s32 s10, v4  }
0x84: {  	[tilespmem:$0xB070] =	vst v5  }
0x85: {  	[spmem:s1] =	stream.indirect.scatter [tilespmem:s28], [sflag:$0x1], $0x1, s26, s25, $0xb8;
	[tilespmem:$0x10C98] =	vst v63  }
0x86: {  	_ =	swait.ge [sflag:s19], $0x80  }
0x87: {  	[sflag:s19] =	ssyncset.done $0x0  }
0x88: {  	[sflag:s19] =	ssyncadd.s32 $0xFFFFFF80  }
0x89: {  	[spmem:s3] =	stream.indirect.scatter [tilespmem:s29], [sflag:$0x1], $0x1, s26, s25, $0xb8;
	[tilespmem:$0x10C98] =	vst v63  }
.Ltmp3:
0x8a: {  	_ =	swait.ge [sflag:s19], $0x80;
	(pc) =	sbr.rel @p1 .LBB2_10-.Ltmp3, $3  }
0x8b: {  	[sflag:s19] =	ssyncset.done $0x0  }
0x8c: {  	[sflag:s19] =	ssyncadd.s32 $0xFFFFFF80  }
0x8d: {  	[bflag:$0x0] =	sbarrier.arrive $0xFFFF;
	_ =	sdelay $0x1  }
.Ltmp4:
0x8e: {  	(pc) =	sbr.rel @p2 .LBB2_12-.Ltmp4, $1  }
0x8f: {  	_ =	sdelay $0x3  }
.Ltmp5:
0x90: {  	(pc) =	sbr.rel .LBB2_11-.Ltmp5, $4  }
0x91: {  	_ = 	snop  }
0x92: {  	s10 =	sshrl.u32 s1, $0x3;
	s11 =	rddreg [dreg:$0xa]  }
0x93: {  	s12 =	simm.s32 $0x20;
	s30 =	simm.s32 $0x10;
	s31 =	simm.s32 $0x1C41  }
0x94: {  	[hbm:s11@s12], [sflag:s31] =	dma.strided [spmem:s10@s30], $0x5020, s19, $0x10   }
.LBB2_10:
0x95: {  	s10 =	sshrl.u32 s3, $0x3;
	s11 =	rddreg [dreg:$0x9]  }
0x96: {  	s12 =	simm.s32 $0x20;
	s30 =	simm.s32 $0x10;
	s31 =	simm.s32 $0x1C81  }
0x97: {  	[hbm:s11@s12], [sflag:s31] =	dma.strided [spmem:s10@s30], $0x5020, s19, $0x10   }
.LBB2_11:
0x98: {  	_ =	swait.ge [sflag:s19], $0x5020  }
0x99: {  	[sflag:s19] =	ssyncset.done $0x0  }
0x9a: {  	[sflag:s19] =	ssyncadd.s32 $0xFFFFAFE0  }
.LBB2_12:
0x9b: {  	s10 =	simm.s32 $0x0  }
0x9c: {  	[spmem:s0] =	stream.indirect.scatter.add.f32 [tilespmem:s15], [sflag:$0x1], $0x1, s10, s2, $0xb8;
	[tilespmem:$0x10C98] =	vst v63  }
0x9d: {  	_ =	swait.ge [sflag:s19], $0x64  }
0x9e: {  	s30 =	simm.s32 $0x200;
	[sflag:s19] =	ssyncset.done $0x0  }
.LBB2_13:
0x9f: {  	s10 =	sshra.s32 s30, $0x2;
	[sflag:s19] =	ssyncadd.s32 $0xFFFFFF9C;
	p3 =	sne.s32 s30, $0xC600  }
0xa0: {  	[spmem:s0] =	stream.indirect.scatter.add.f32 [tilespmem:s15], [sflag:$0x1], $0x1, s10, s2, $0xb8;
	[tilespmem:$0x10C98] =	vst v63  }
.Ltmp6:
0xa1: {  	_ = 	snop;
	(pc) =	sbr.rel @p3 .LBB2_13-.Ltmp6, $4  }
0xa2: {  	_ = 	snop  }
0xa3: {  	s30 =	sadd.s32 $0x200, s30  }
0xa4: {  	_ =	swait.ge [sflag:s19], $0x64  }
0xa5: {  	[sflag:s19] =	ssyncset.done $0x0  }
0xa6: {  	[sflag:s19] =	ssyncadd.s32 $0xFFFFFF9C  }
0xa7: {  	s10 =	sshrl.u32 @!p0 s0, $0x3;
	s11 =	simm.s32 @!p0 $0x1;
	s16 =	sadd.s32 $0x1, s16  }
0xa8: {  	s12 =	simm.s32 @!p0 $0x20;
	s30 =	simm.s32 @!p0 $0x10;
	p3 =	sne.s32 s16, s18  }
.Ltmp7:
0xa9: {  	s31 =	simm.s32 @!p0 $0x1C01;
	[bflag:$0x0] =	sbarrier.arrive $0xFFFF;
	(pc) =	sbr.rel @p3 .LBB2_1-.Ltmp7, $4  }
0xaa: {  	[hbm:s17@s12], [sflag:s31] =	dma.strided @!p0 [spmem:s10@s30], $0x4F0, s11, $0x10   }
0xab: {  	_ =	swait.ge @!p0 [sflag:s11], $0x4F0  }
0xac: {  	[sflag:s11] =	ssyncset.done @!p0 $0x0  }
0xad: {  	[sflag:s11] =	ssyncadd.s32 @!p0 $0xFFFFFB10  }
0xae: {  	_ =	sfence.sel $0x180000  }
0xaf: {  	[bflag:$0x0] =	sbarrier.arrive $0xFFFF  }
0xb0: {  	_ =	strace $0x90000047  }
0xb1: {  	[bflag:$0x2] =	sbarrier.arrive $0xFFFF  }
0xb2: {  	s0 =	rddreg [dreg:$0x5]  }
0xb3: {  	s0 =	sadd.s32 @!p0 $0x100000, s0  }
0xb4: {  	[sflag:s0] =	ssyncadd.tile.s32 @!p0 $0x1;
	_ =	shalt  }
.Lfunc_end2:
_tile_overlayer_lowered:
.L_overlay_start_2:
0xb5: {  	(tag) =	ssettag $0x2  }
0xb6: {  	s0 =	rddreg [dreg:$0x0];
	s2 =	stileid.u32  }
0xb7: {  	s1 =	rddreg [dreg:$0x1];
	p0 =	sne.s32 s2, $0x0  }
0xb8: {  	s3 =	rddreg [dreg:$0x2];
	[bflag:$0x3] =	sbarrier.arrive $0xFFFF;
	s2 =	simm.s32 @!p0 $0x1C01  }
0xb9: {  	[timem:s3], [sflag:s2] =	dma.local @!p0 [hbm:s0], s1  }
0xba: {  	s0 =	simm.s32 @!p0 $0x1  }
0xbb: {  	_ =	swait.ge @!p0 [sflag:s0], s1  }
0xbc: {  	s1 =	ssub.s32 @!p0 $0x0, s1;
	[sflag:s0] =	ssyncset.done @!p0 $0x0  }
0xbd: {  	[sflag:s0] =	ssyncadd.s32 @!p0 s1  }
0xbe: {  	[bflag:$0x3] =	sbarrier.arrive $0xFFFF  }
0xbf: {  	_ =	shalt  }

// kernel: kernel.13.cloned.1.call-start
scs
__scs_entry_jumppad:
0x0: {  	(pc) =	sbr.rel $0x88, $3  }
0x1: {  	(tag) =	ssettag $0x0;
	lr =	simm.s32 $0x1  }
0x2: {  	[smem:$0x3F9B] =	sst lr;
	_ =	strace $0xD0000000  }
0x3: {  	_ = 	snop  }
0x4: {  	_ = 	snop  }
0x5: {  	_ = 	snop  }
0x6: {  	_ = 	snop  }
0x7: {  	_ = 	snop  }
__scs_overlays_trampoline_lowered:
0x8: {  	[smem:$0x3FAA] =	sst s0  }
0x9: {  	[smem:$0x3FAB] =	sst s1  }
0xa: {  	[smem:$0x3FAC] =	sst s2  }
0xb: {  	[smem:$0x3FAD] =	sst s3  }
0xc: {  	[smem:$0x3FAE] =	sst s4  }
0xd: {  	[smem:$0x3FAF] =	sst s5  }
0xe: {  	[smem:$0x3FB0] =	sst s6  }
0xf: {  	[smem:$0x3FB1] =	sst s7  }
0x10: {  	[smem:$0x3FB2] =	sst s8  }
0x11: {  	[smem:$0x3FB3] =	sst s9;
	s0 =	simm.s32 @!p0 $0x0  }
0x12: {  	s1 =	sld [smem:$0x3F99];
	s0 =	simm.s32 @p0 $0x1  }
0x13: {  	[smem:$0x3FB4] =	sst s0;
	s0 =	simm.s32 @!p1 $0x0  }
0x14: {  	s2 =	sld [smem:$0x3F98];
	s0 =	simm.s32 @p1 $0x1  }
0x15: {  	[smem:$0x3FB5] =	sst s0;
	s0 =	simm.s32 @!p2 $0x0  }
0x16: {  	s3 =	sld [smem:$0x3FDB];
	s0 =	simm.s32 @p2 $0x1  }
0x17: {  	s4 =	simm.s32 $0x1BF5;
	[smem:$0x3FB7] =	sst s0  }
0x18: {  	s0 =	sld [smem:$0x3F9A];
	_ =	swait.ge [sflag:s4], $0x0  }
0x19: {  	s7 =	sld [smem:$0x3F9B]  }
0x1a: {  	s8 =	sadd.s32 $0xFFFFE003, lr  }
0x1b: {  	s9 =	sadd.s32 $0xFFFFFEF7, lr;
	s5 =	simm.s32 $0xFFFFFFFF;
	p2 =	slt.u32 s8, $0xFFFFF086  }
0x1c: {  	p1 =	slt.u32 s9, $0xF7A;
	s5 =	simm.s32 @!p2 $0x0  }
0x1d: {  	s5 =	simm.s32 @p1 $0x1;
	p0 =	seq.s32 s7, s2  }
0x1e: {  	s7 =	smul.u32 @!p0 $0xF7A, s2;
	p2 =	seq.s32 @!p0 s5, $0x0  }
0x1f: {  	s9 =	smul.u32 $0xF7A, s1;
	s8 =	simm.s32 @!p0 $0x1BF5;
	p2 =	por !p2, p0  }
0x20: {  	[sflag:s8] =	ssyncset.s32 @!p0 $0xFFFFF086;
	s6 =	sadd.s32 @!p0 s3, s7;
	s7 =	simm.s32 @!p0 $0x108  }
0x21: {  	s3 =	sadd.s32 s3, s9;
	s6 =	sadd.s32 @!p0 $0x88, s6;
	s7 =	simm.s32 @p2 $0x1082  }
0x22: {  	[simem:s7], [sflag:s8] =	dma.local @!p0 [hbm:s6], $0xF7A  }
0x23: {  	s9 =	sor.u32 $0xD0000000, s2;
	s6 =	simm.s32 $0x108;
	_ =	swait.ge @!p0 [sflag:s8], $0x0  }
0x24: {  	s3 =	sadd.s32 $0x88, s3;
	s6 =	simm.s32 @!p1 $0x1082;
	[sflag:s4] =	ssyncset.s32 $0xFFFFF086  }
0x25: {  	[simem:s6], [sflag:s4] =	dma.local [hbm:s3], $0xF7A  }
0x26: {  	[smem:$0x3F9B] =	sst s1;
	(tag) =	ssettag s2;
	_ =	strace s9  }
0x27: {  	s1 =	sld [smem:$0x3FAB]  }
0x28: {  	s2 =	sld [smem:$0x3FAC]  }
0x29: {  	s4 =	sld [smem:$0x3FAE]  }
0x2a: {  	p0 =	seq.s32 s5, $0x0;
	s5 =	sld [smem:$0x3FAF]  }
0x2b: {  	s6 =	sld [smem:$0x3FB0]  }
0x2c: {  	s7 =	sld [smem:$0x3FB1]  }
0x2d: {  	s3 =	simm.s32 $0x108;
	s8 =	sld [smem:$0x3FB2]  }
0x2e: {  	s3 =	simm.s32 @!p0 $0x1082;
	s9 =	sld [smem:$0x3FB3]  }
0x2f: {  	lr =	sadd.s32 s0, s3;
	s0 =	sld [smem:$0x3FAA]  }
0x30: {  	s3 =	sld [smem:$0x3FAD]  }
0x31: {  	[smem:$0x3FB6] =	sst s10  }
0x32: {  	s10 =	sld [smem:$0x3FB4];
	_ =	sdelay $0x3  }
0x33: {  	p0 =	seq.s32 s10, $0x1;
	s10 =	sld [smem:$0x3FB6];
	_ =	sdelay $0x3  }
0x34: {  	[smem:$0x3FB6] =	sst s10  }
0x35: {  	s10 =	sld [smem:$0x3FB5];
	_ =	sdelay $0x3  }
0x36: {  	p1 =	seq.s32 s10, $0x1;
	s10 =	sld [smem:$0x3FB6];
	_ =	sdelay $0x3  }
0x37: {  	[smem:$0x3FB6] =	sst s10  }
0x38: {  	s10 =	sld [smem:$0x3FB7]  }
0x39: {  	_ = 	snop;
	(pc) =	sbr.ind lr, $3  }
0x3a: {  	_ = 	snop  }
0x3b: {  	_ = 	snop  }
0x3c: {  	p2 =	seq.s32 s10, $0x1;
	s10 =	sld [smem:$0x3FB6]  }
0x3d: {  	_ =	shalt  }
0x3e: {  	_ =	shalt  }
0x3f: {  	_ =	shalt  }
0x40: {  	_ =	shalt  }
0x41: {  	_ =	shalt  }
0x42: {  	_ =	shalt  }
0x43: {  	_ =	shalt  }
0x44: {  	_ =	shalt  }
0x45: {  	_ =	shalt  }
0x46: {  	_ =	shalt  }
0x47: {  	_ =	shalt  }
0x48: {  	_ =	shalt  }
0x49: {  	_ =	shalt  }
0x4a: {  	_ =	shalt  }
0x4b: {  	_ =	shalt  }
0x4c: {  	_ =	shalt  }
0x4d: {  	_ =	shalt  }
0x4e: {  	_ =	shalt  }
0x4f: {  	_ =	shalt  }
0x50: {  	_ =	shalt  }
0x51: {  	_ =	shalt  }
0x52: {  	_ =	shalt  }
0x53: {  	_ =	shalt  }
0x54: {  	_ =	shalt  }
0x55: {  	_ =	shalt  }
0x56: {  	_ =	shalt  }
0x57: {  	_ =	shalt  }
0x58: {  	_ =	shalt  }
0x59: {  	_ =	shalt  }
0x5a: {  	_ =	shalt  }
0x5b: {  	_ =	shalt  }
0x5c: {  	_ =	shalt  }
0x5d: {  	_ =	shalt  }
0x5e: {  	_ =	shalt  }
0x5f: {  	_ =	shalt  }
0x60: {  	_ =	shalt  }
0x61: {  	_ =	shalt  }
0x62: {  	_ =	shalt  }
0x63: {  	_ =	shalt  }
0x64: {  	_ =	shalt  }
0x65: {  	_ =	shalt  }
0x66: {  	_ =	shalt  }
0x67: {  	_ =	shalt  }
0x68: {  	_ =	shalt  }
0x69: {  	_ =	shalt  }
0x6a: {  	_ =	shalt  }
0x6b: {  	_ =	shalt  }
0x6c: {  	_ =	shalt  }
0x6d: {  	_ =	shalt  }
0x6e: {  	_ =	shalt  }
0x6f: {  	_ =	shalt  }
0x70: {  	_ =	shalt  }
0x71: {  	_ =	shalt  }
0x72: {  	_ =	shalt  }
0x73: {  	_ =	shalt  }
0x74: {  	_ =	shalt  }
0x75: {  	_ =	shalt  }
0x76: {  	_ =	shalt  }
0x77: {  	_ =	shalt  }
0x78: {  	_ =	shalt  }
0x79: {  	_ =	shalt  }
0x7a: {  	_ =	shalt  }
0x7b: {  	_ =	shalt  }
0x7c: {  	_ =	shalt  }
0x7d: {  	_ =	shalt  }
0x7e: {  	_ =	shalt  }
0x7f: {  	_ =	shalt  }
0x80: {  	_ =	shalt  }
0x81: {  	_ =	shalt  }
0x82: {  	_ =	shalt  }
0x83: {  	_ =	shalt  }
0x84: {  	_ =	shalt  }
0x85: {  	_ =	shalt  }
0x86: {  	_ =	shalt  }
0x87: {  	_ =	shalt  }
.Lfunc_end0:
.L_simem_size_0:
called_computation.1_lowered:
.L_overlay_start_0:
0x88: {  	s2 =	sld [smem:$0x3FD9]  }
0x89: {  	s3 =	sld [smem:$0x3FFE];
	_ =	sdelay $0x1  }
0x8a: {  	s1 =	srdreg.scid  }
0x8b: {  	s0 =	sand.u32 $0x1, s1  }
0x8c: {  	s17 =	sshll.u32 s0, $0xA;
	s2 =	sadd.s32 s3, s2  }
0x8d: {  	s2 =	sadd.s32 s2, s17  }
0x8e: {  	[smem:$0x3FC2] =	sst s2  }
0x8f: {  	_ = 	snop  }
0x90: {  	s2 =	sld [smem:$0x3FD0];
	(tm) =	ssettm $0x1  }
0x91: {  	s18 =	sld [smem:$0x3FFB];
	_ =	sdelay $0x3  }
0x92: {  	_ =	strace s18  }
0x93: {  	s3 =	sld [smem:$0x3FFC];
	_ =	sdelay $0x3  }
0x94: {  	_ =	strace s3  }
0x95: {  	s3 =	sld [smem:$0x3FFD];
	_ =	sdelay $0x3  }
0x96: {  	_ =	strace s3  }
0x97: {  	_ =	strace $0x8FFFFFFF  }
0x98: {  	s19 =	sld [smem:$0x3FDB];
	_ =	sdelay $0x1  }
0x99: {  	s4 =	simm.s32 $_scs_section_size  }
0x9a: {  	s5 =	simm.s32 $_size__tile_overlayer_lowered;
	s6 =	simm.s32 $_tile_overlayer_lowered  }
0x9b: {  	s22 =	simm.s32 $0x1BFF;
	s21 =	sshll.u32 s6, $0x1;
	s3 =	sadd.s32 s4, s19  }
0x9c: {  	s7 =	simm.s32 $0x0;
	s20 =	sshll.u32 s5, $0x1;
	s5 =	sadd.s32 s21, s3  }
0x9d: {  	[timem:s7], [sflag:s22] =	dma.local [hbm:s5], s20  }
0x9e: {  	_ =	swait.ge [sflag:s22], s20  }
0x9f: {  	s4 =	ssub.s32 $0x0, s20;
	[sflag:s22] =	ssyncset.done $0x0  }
0xa0: {  	[sflag:s22] =	ssyncadd.s32 s4;
	_ =	sdelay $0x1  }
0xa1: {  	s23 =	simm.s32 $0x1B8B  }
0xa2: {  	_ =	swait.ge [sflag:s23], $0x1  }
0xa3: {  	[sflag:s23] =	ssyncset.done $0x0  }
0xa4: {  	s25 =	simm.s32 $0x1B8E;
	s24 =	sld [smem:$0x3FFE];
	[sflag:s23] =	ssyncadd.s32 $0xFFFFFFFF  }
0xa5: {  	s26 =	simm.s32 $execute0_lowered;
	[smem:$0x3FD2] =	sst s25  }
0xa6: {  	s5 =	sshll.u32 s26, $0x1;
	_ =	strace $0x80000049;
	[dreg:$0x1] =	wrdreg $0xFFFFFFFF  }
0xa7: {  	s28 =	simm.s32 $_size_execute0_lowered;
	s3 =	sadd.s32 s3, s5;
	[dreg:$0x0] =	wrdreg $0x0  }
0xa8: {  	s5 =	sshll.u32 s28, $0x1;
	[dreg:$0x2] =	wrdreg s3  }
0xa9: {  	[dreg:$0x3] =	wrdreg s5  }
0xaa: {  	[dreg:$0x4] =	wrdreg $0xC0  }
0xab: {  	_ =	task [dreg:s7], $0x5FFFF  }
0xac: {  	[dreg:$0x1] =	wrdreg $0xFFFFFFFF  }
0xad: {  	[dreg:$0x0] =	wrdreg $0x60  }
0xae: {  	[dreg:$0x2] =	wrdreg s24  }
0xaf: {  	[dreg:$0x3] =	wrdreg s2  }
0xb0: {  	[dreg:$0x4] =	wrdreg $0xA0000  }
0xb1: {  	[dreg:$0x5] =	wrdreg $0x9  }
0xb2: {  	_ =	task.clear_ibuf [dreg:s7], $0x6FFFF;
	_ =	strace $0x90000049  }
0xb3: {  	s29 =	simm.s32 $0x9;
	_ =	strace $0x8000004B  }
0xb4: {  	_ =	swait.ge [sflag:s29], $0x1  }
0xb5: {  	[sflag:s29] =	ssyncadd.s32 $0xFFFFFFFF  }
0xb6: {  	_ =	strace $0x9000004B  }
0xb7: {  	_ =	sfence  }
0xb8: {  	s30 =	sld [smem:$0x0];
	_ =	sdelay $0x2  }
0xb9: {  	s31 =	sshll.u32 s1, $0xD;
	s1 =	sshrl.u32 s1, $0x2  }
0xba: {  	s3 =	sand.u32 $0x4000, s31;
	s1 =	sadd.s32 s1, s30  }
0xbb: {  	s0 =	sor.u32 s3, s0;
	s1 =	sshll.u32 s1, $0x11  }
0xbc: {  	s0 =	sor.u32 s1, s0  }
0xbd: {  	s0 =	sadd.s32 $0x8F2B, s0  }
0xbe: {  	[sflag:s0] =	ssyncadd.remote.s32 $0x1  }
0xbf: {  	_ =	sfence.sel $0xFFFF  }
0xc0: {  	[dreg:$0x0] =	wrdreg $0xFFFFFFFF;
	(pc) =	sbr.abs _section_cstart, $3  }
0xc1: {  	[dreg:$0x1] =	wrdreg $0xFFFFFFFF  }
0xc2: {  	_ =	task.clear_ibuf [dreg:s7], $0x2FFFF;
	_ =	strace $0x9FFFFFFF  }
0xc3: {  	(tm) =	ssettm $0x7FFFFFFF  }
tec
execute0_lowered:
.L_overlay_start_1:
0x0: {  	(tag) =	ssettag $0x1  }
0x1: {  	s5 =	rddreg [dreg:$0x0]  }
0x2: {  	s9 =	rddreg [dreg:$0x1]  }
0x3: {  	s1 =	rddreg [dreg:$0x2]  }
0x4: {  	s2 =	srdreg.scid;
	s0 =	rddreg [dreg:$0x3]  }
0x5: {  	s3 =	simm.s32 $0x0;
	s14 =	simm.s32 $0x1C00;
	s15 =	simm.s32 $0x64  }
0x6: {  	s16 =	simm.s32 $0x80;
	s17 =	simm.s32 $0x6C00;
	s18 =	simm.s32 $0x1  }
0x7: {  	s19 =	simm.s32 $0x2;
	s20 =	simm.s32 $0x3300;
	s21 =	simm.s32 $0x3380  }
0x8: {  	s22 =	simm.s32 $0x3500;
	s6 =	sand.u32 $0x1, s2;
	[smem:$0x7FF] =	sst s3  }
0x9: {  	s23 =	simm.s32 $0x3580;
	s2 =	stileid.u32;
	s7 =	smul.u32 $0x140000, s6  }
0xa: {  	s4 =	sadd.s32 $0x94E00, s5;
	s12 =	sadd.s32 $0x37E00, s5;
	s8 =	smul.u32 $0x34000, s6  }
0xb: {  	s10 =	sshll.u32 s2, $0xB;
	s11 =	smul.u32 $0x3400, s2;
	s6 =	ssub.s32 $0x2, s6  }
0xc: {  	_ =	strace $0x8000004A;
	s29 =	sshrl.u32 s6, $0x1;
	s7 =	sor.u32 s10, s7  }
0xd: {  	s8 =	sadd.s32 s11, s8;
	s13 =	ssub.s32 s6, s29;
	s7 =	sshrl.u32 s7, $0x3  }
0xe: {  	s30 =	sshrl.u32 s8, $0x3;
	s28 =	sadd.s32 s7, s5;
	s5 =	sadd.s32 s10, s1  }
0xf: {  	s31 =	sadd.s32 $0x300, s30;
	s6 =	sadd.s32 s12, s30;
	s7 =	sadd.s32 s9, s30  }
0x10: {  	s10 =	smax.u32 s13, $0x1;
	s13 =	simm.s32 $0x3;
	s8 =	sadd.s32 s12, s31  }
0x11: {  	v0 =	vimm.f32 $0.0e+00;
	s9 =	sadd.s32 s9, s31;
	s11 =	sadd.s32 $0xBCE00, s28;
	s12 =	simm.s32 $0x3800  }
.LBB2_1:
0x12: {  	s24 =	simm.s32 $0x0;
	s25 =	simm.s32 $0x200  }
.LBB2_2:
0x13: {  	p0 =	sne.s32 s25, $0x1E00;
	[tilespmem:s24+$0x3870] =	vst v0  }
0x14: {  	[tilespmem:s24+$0x3800] =	vst v0  }
0x15: {  	[tilespmem:s24+$0x3810] =	vst v0  }
.Ltmp0:
0x16: {  	[tilespmem:s24+$0x3820] =	vst v0;
	(pc) =	sbr.rel @p0 .LBB2_2-.Ltmp0, $4  }
0x17: {  	[tilespmem:s24+$0x3830] =	vst v0  }
0x18: {  	[tilespmem:s24+$0x3840] =	vst v0  }
0x19: {  	[tilespmem:s24+$0x3850] =	vst v0  }
0x1a: {  	[tilespmem:s24+$0x3860] =	vst v0;
	s24 =	sshra.s32 s25, $0x2;
	s25 =	sadd.s32 $0x200, s25  }
0x1b: {  	[tilespmem:s24+$0x3870] =	vst v0  }
0x1c: {  	[tilespmem:s24+$0x3800] =	vst v0  }
0x1d: {  	[tilespmem:s24+$0x3810] =	vst v0  }
0x1e: {  	[tilespmem:s24+$0x3820] =	vst v0  }
0x1f: {  	[tilespmem:s24+$0x3830] =	vst v0  }
0x20: {  	[tilespmem:s24+$0x3840] =	vst v0  }
0x21: {  	[tilespmem:s24+$0x3850] =	vst v0  }
0x22: {  	[tilespmem:s24+$0x3860] =	vst v0;
	s31 =	sadd.s32 $0x0, s5  }
0x23: {  	[spmem:s31] =	stream.linear.scatter [tilespmem:s12], [sflag:$0x3], $0x800, $0x38;
	[tilespmem:$0x1E000] =	vst v63  }
0x24: {  	s24 =	simm.s32 $0x20000;
	_ =	swait.ge [sflag:s13], $0x800  }
.LBB2_4:
0x25: {  	s25 =	sshra.s32 s24, $0x2;
	[sflag:s13] =	ssyncset.done $0x0;
	p0 =	sne.s32 s24, $0x4E0000  }
.Ltmp1:
0x26: {  	s25 =	sadd.s32 s25, s5;
	[sflag:s13] =	ssyncadd.s32 $0xFFFFF800;
	(pc) =	sbr.rel @p0 .LBB2_4-.Ltmp1, $3  }
0x27: {  	[spmem:s25] =	stream.linear.scatter [tilespmem:s12], [sflag:$0x3], $0x800, $0x38;
	[tilespmem:$0x1E000] =	vst v63  }
0x28: {  	s24 =	sadd.s32 $0x20000, s24;
	_ =	sdelay $0x1  }
0x29: {  	_ =	swait.ge [sflag:s13], $0x800  }
0x2a: {  	[sflag:s13] =	ssyncset.done $0x0  }
0x2b: {  	[sflag:s13] =	ssyncadd.s32 $0xFFFFF800  }
0x2c: {  	s24 =	simm.s32 $0x0;
	[bflag:$0x0] =	sbarrier.arrive $0xFFFF  }
0x2d: {  	[tilespmem:s24], [sflag:$0x3] =	stream.linear.gather [hbm4b:s6+s24], $0x1800, $0x38;
	[tilespmem:$0x1E000] =	vst v63  }
0x2e: {  	_ =	swait.ge [sflag:s13], $0x1800  }
0x2f: {  	[sflag:s13] =	ssyncset.done $0x0  }
0x30: {  	[sflag:s13] =	ssyncadd.s32 $0xFFFFE800  }
0x31: {  	[tilespmem:s14], [sflag:$0x3] =	stream.linear.gather [hbm4b:s7+s24], $0x1800, $0x38;
	[tilespmem:$0x1E000] =	vst v63  }
0x32: {  	_ =	swait.ge [sflag:s13], $0x1800  }
0x33: {  	[sflag:s13] =	ssyncset.done $0x0  }
0x34: {  	[sflag:s13] =	ssyncadd.s32 $0xFFFFE800  }
0x35: {  	[tilespmem:s12], [sflag:$0x1] =	stream.indirect.gather [hbm4b:s4+s15], $0x80, s24, s15, $0xb8;
	[tilespmem:$0x1E000] =	vst v63  }
0x36: {  	_ = 	snop  }
0x37: {  	[tilespmem:s17], [sflag:$0x2] =	stream.indirect.gather [hbm4b:s4+s15], $0x80, s16, s15, $0xb8;
	[tilespmem:$0x1E000] =	vst v63  }
0x38: {  	_ =	swait.ge [sflag:s18], $0x3200  }
0x39: {  	[sflag:s18] =	ssyncset.done $0x0  }
0x3a: {  	s29 =	simm.s32 $0x1C00;
	[sflag:s18] =	ssyncadd.s32 $0xFFFFCE00  }
0x3b: {  	[spmem:s1] =	stream.indirect.scatter.add.f32 [tilespmem:s12], [sflag:$0x3], $0x80, s29, s15, $0xb8;
	[tilespmem:$0x1E000] =	vst v63  }
0x3c: {  	_ =	swait.ge [sflag:s13], $0x3200  }
0x3d: {  	[sflag:s13] =	ssyncset.done $0x0  }
0x3e: {  	s30 =	simm.s32 $0x100;
	[sflag:s13] =	ssyncadd.s32 $0xFFFFCE00  }
0x3f: {  	[tilespmem:s12], [sflag:$0x1] =	stream.indirect.gather [hbm4b:s4+s15], $0x80, s30, s15, $0xb8;
	[tilespmem:$0x1E000] =	vst v63  }
0x40: {  	_ =	swait.ge [sflag:s19], $0x3200  }
0x41: {  	[sflag:s19] =	ssyncset.done $0x0  }
0x42: {  	s31 =	simm.s32 $0x1C80;
	[sflag:s19] =	ssyncadd.s32 $0xFFFFCE00  }
0x43: {  	[spmem:s1] =	stream.indirect.scatter.add.f32 [tilespmem:s17], [sflag:$0x3], $0x80, s31, s15, $0xb8;
	[tilespmem:$0x1E000] =	vst v63  }
0x44: {  	_ =	swait.ge [sflag:s13], $0x3200  }
0x45: {  	[sflag:s13] =	ssyncset.done $0x0  }
0x46: {  	s25 =	simm.s32 $0x180;
	s24 =	simm.s32 $0x400;
	[sflag:s13] =	ssyncadd.s32 $0xFFFFCE00  }
.LBB2_6:
0x47: {  	[tilespmem:s17], [sflag:$0x2] =	stream.indirect.gather [hbm4b:s4+s15], $0x80, s25, s15, $0xb8;
	[tilespmem:$0x1E000] =	vst v63  }
0x48: {  	s25 =	smov.u32 s24  }
0x49: {  	p0 =	sne.s32 s24, $0x5800;
	s24 =	sadd.s32 $0x400, s24;
	_ =	swait.ge [sflag:s18], $0x3200  }
0x4a: {  	s25 =	sshra.s32 s25, $0x2;
	[sflag:s18] =	ssyncset.done $0x0  }
0x4b: {  	s26 =	sadd.s32 $0x1C00, s25;
	[sflag:s18] =	ssyncadd.s32 $0xFFFFCE00  }
0x4c: {  	[spmem:s1] =	stream.indirect.scatter.add.f32 [tilespmem:s12], [sflag:$0x3], $0x80, s26, s15, $0xb8;
	[tilespmem:$0x1E000] =	vst v63  }
0x4d: {  	_ =	swait.ge [sflag:s13], $0x3200  }
0x4e: {  	[sflag:s13] =	ssyncset.done $0x0  }
0x4f: {  	s26 =	sadd.s32 $0x100, s25;
	[sflag:s13] =	ssyncadd.s32 $0xFFFFCE00  }
0x50: {  	[tilespmem:s12], [sflag:$0x1] =	stream.indirect.gather [hbm4b:s4+s15], $0x80, s26, s15, $0xb8;
	[tilespmem:$0x1E000] =	vst v63  }
0x51: {  	_ =	swait.ge [sflag:s19], $0x3200  }
0x52: {  	[sflag:s19] =	ssyncset.done $0x0  }
.Ltmp2:
0x53: {  	s26 =	sadd.s32 $0x1C80, s25;
	[sflag:s19] =	ssyncadd.s32 $0xFFFFCE00;
	(pc) =	sbr.rel @p0 .LBB2_6-.Ltmp2, $4  }
0x54: {  	[spmem:s1] =	stream.indirect.scatter.add.f32 [tilespmem:s17], [sflag:$0x3], $0x80, s26, s15, $0xb8;
	[tilespmem:$0x1E000] =	vst v63  }
0x55: {  	_ =	swait.ge [sflag:s13], $0x3200  }
0x56: {  	[sflag:s13] =	ssyncset.done $0x0  }
0x57: {  	s25 =	sadd.s32 $0x180, s25;
	[sflag:s13] =	ssyncadd.s32 $0xFFFFCE00  }
0x58: {  	[tilespmem:s17], [sflag:$0x2] =	stream.indirect.gather [hbm4b:s4+s15], $0x80, s25, s15, $0xb8;
	[tilespmem:$0x1E000] =	vst v63  }
0x59: {  	_ =	swait.ge [sflag:s18], $0x3200  }
0x5a: {  	[sflag:s18] =	ssyncset.done $0x0  }
0x5b: {  	[sflag:s18] =	ssyncadd.s32 $0xFFFFCE00  }
0x5c: {  	[spmem:s1] =	stream.indirect.scatter.add.f32 [tilespmem:s12], [sflag:$0x3], $0x80, s20, s15, $0xb8;
	[tilespmem:$0x1E000] =	vst v63  }
0x5d: {  	_ =	swait.ge [sflag:s13], $0x3200  }
0x5e: {  	[sflag:s13] =	ssyncset.done $0x0  }
0x5f: {  	[sflag:s13] =	ssyncadd.s32 $0xFFFFCE00  }
0x60: {  	_ =	swait.ge [sflag:s19], $0x3200  }
0x61: {  	[sflag:s19] =	ssyncset.done $0x0  }
0x62: {  	[sflag:s19] =	ssyncadd.s32 $0xFFFFCE00  }
0x63: {  	[spmem:s1] =	stream.indirect.scatter.add.f32 [tilespmem:s17], [sflag:$0x3], $0x80, s21, s15, $0xb8;
	[tilespmem:$0x1E000] =	vst v63  }
0x64: {  	_ =	swait.ge [sflag:s13], $0x3200  }
0x65: {  	[sflag:s13] =	ssyncset.done $0x0  }
0x66: {  	s24 =	simm.s32 $0x0;
	[sflag:s13] =	ssyncadd.s32 $0xFFFFCE00  }
0x67: {  	[tilespmem:s24], [sflag:$0x3] =	stream.linear.gather [hbm4b:s8+s24], $0x1A00, $0x38;
	[tilespmem:$0x1E000] =	vst v63  }
0x68: {  	_ =	swait.ge [sflag:s13], $0x1A00  }
0x69: {  	[sflag:s13] =	ssyncset.done $0x0  }
0x6a: {  	[sflag:s13] =	ssyncadd.s32 $0xFFFFE600  }
0x6b: {  	[tilespmem:s14], [sflag:$0x3] =	stream.linear.gather [hbm4b:s9+s24], $0x1A00, $0x38;
	[tilespmem:$0x1E000] =	vst v63  }
0x6c: {  	_ =	swait.ge [sflag:s13], $0x1A00  }
0x6d: {  	[sflag:s13] =	ssyncset.done $0x0  }
0x6e: {  	[sflag:s13] =	ssyncadd.s32 $0xFFFFE600  }
0x6f: {  	[tilespmem:s12], [sflag:$0x1] =	stream.indirect.gather [hbm4b:s4+s15], $0x80, s24, s15, $0xb8;
	[tilespmem:$0x1E000] =	vst v63  }
0x70: {  	_ = 	snop  }
0x71: {  	[tilespmem:s17], [sflag:$0x2] =	stream.indirect.gather [hbm4b:s4+s15], $0x80, s16, s15, $0xb8;
	[tilespmem:$0x1E000] =	vst v63  }
0x72: {  	_ =	swait.ge [sflag:s18], $0x3200  }
0x73: {  	[sflag:s18] =	ssyncset.done $0x0  }
0x74: {  	s29 =	simm.s32 $0x1C00;
	[sflag:s18] =	ssyncadd.s32 $0xFFFFCE00  }
0x75: {  	[spmem:s1] =	stream.indirect.scatter.add.f32 [tilespmem:s12], [sflag:$0x3], $0x80, s29, s15, $0xb8;
	[tilespmem:$0x1E000] =	vst v63  }
0x76: {  	_ =	swait.ge [sflag:s13], $0x3200  }
0x77: {  	[sflag:s13] =	ssyncset.done $0x0  }
0x78: {  	s30 =	simm.s32 $0x100;
	[sflag:s13] =	ssyncadd.s32 $0xFFFFCE00  }
0x79: {  	[tilespmem:s12], [sflag:$0x1] =	stream.indirect.gather [hbm4b:s4+s15], $0x80, s30, s15, $0xb8;
	[tilespmem:$0x1E000] =	vst v63  }
0x7a: {  	_ =	swait.ge [sflag:s19], $0x3200  }
0x7b: {  	[sflag:s19] =	ssyncset.done $0x0  }
0x7c: {  	s31 =	simm.s32 $0x1C80;
	[sflag:s19] =	ssyncadd.s32 $0xFFFFCE00  }
0x7d: {  	[spmem:s1] =	stream.indirect.scatter.add.f32 [tilespmem:s17], [sflag:$0x3], $0x80, s31, s15, $0xb8;
	[tilespmem:$0x1E000] =	vst v63  }
0x7e: {  	_ =	swait.ge [sflag:s13], $0x3200  }
0x7f: {  	[sflag:s13] =	ssyncset.done $0x0  }
0x80: {  	s25 =	simm.s32 $0x180;
	s24 =	simm.s32 $0x400;
	[sflag:s13] =	ssyncadd.s32 $0xFFFFCE00  }
.LBB2_8:
0x81: {  	[tilespmem:s17], [sflag:$0x2] =	stream.indirect.gather [hbm4b:s4+s15], $0x80, s25, s15, $0xb8;
	[tilespmem:$0x1E000] =	vst v63  }
0x82: {  	s25 =	smov.u32 s24  }
0x83: {  	p0 =	sne.s32 s24, $0x6000;
	s24 =	sadd.s32 $0x400, s24;
	_ =	swait.ge [sflag:s18], $0x3200  }
0x84: {  	s25 =	sshra.s32 s25, $0x2;
	[sflag:s18] =	ssyncset.done $0x0  }
0x85: {  	s26 =	sadd.s32 $0x1C00, s25;
	[sflag:s18] =	ssyncadd.s32 $0xFFFFCE00  }
0x86: {  	[spmem:s1] =	stream.indirect.scatter.add.f32 [tilespmem:s12], [sflag:$0x3], $0x80, s26, s15, $0xb8;
	[tilespmem:$0x1E000] =	vst v63  }
0x87: {  	_ =	swait.ge [sflag:s13], $0x3200  }
0x88: {  	[sflag:s13] =	ssyncset.done $0x0  }
0x89: {  	s26 =	sadd.s32 $0x100, s25;
	[sflag:s13] =	ssyncadd.s32 $0xFFFFCE00  }
0x8a: {  	[tilespmem:s12], [sflag:$0x1] =	stream.indirect.gather [hbm4b:s4+s15], $0x80, s26, s15, $0xb8;
	[tilespmem:$0x1E000] =	vst v63  }
0x8b: {  	_ =	swait.ge [sflag:s19], $0x3200  }
0x8c: {  	[sflag:s19] =	ssyncset.done $0x0  }
.Ltmp3:
0x8d: {  	s26 =	sadd.s32 $0x1C80, s25;
	[sflag:s19] =	ssyncadd.s32 $0xFFFFCE00;
	(pc) =	sbr.rel @p0 .LBB2_8-.Ltmp3, $4  }
0x8e: {  	[spmem:s1] =	stream.indirect.scatter.add.f32 [tilespmem:s17], [sflag:$0x3], $0x80, s26, s15, $0xb8;
	[tilespmem:$0x1E000] =	vst v63  }
0x8f: {  	_ =	swait.ge [sflag:s13], $0x3200  }
0x90: {  	[sflag:s13] =	ssyncset.done $0x0  }
0x91: {  	s25 =	sadd.s32 $0x180, s25;
	[sflag:s13] =	ssyncadd.s32 $0xFFFFCE00  }
0x92: {  	[tilespmem:s17], [sflag:$0x2] =	stream.indirect.gather [hbm4b:s4+s15], $0x80, s25, s15, $0xb8;
	[tilespmem:$0x1E000] =	vst v63  }
0x93: {  	_ =	swait.ge [sflag:s18], $0x3200  }
0x94: {  	[sflag:s18] =	ssyncset.done $0x0  }
0x95: {  	[sflag:s18] =	ssyncadd.s32 $0xFFFFCE00  }
0x96: {  	[spmem:s1] =	stream.indirect.scatter.add.f32 [tilespmem:s12], [sflag:$0x3], $0x80, s22, s15, $0xb8;
	[tilespmem:$0x1E000] =	vst v63  }
0x97: {  	_ =	swait.ge [sflag:s13], $0x3200  }
0x98: {  	[sflag:s13] =	ssyncset.done $0x0  }
0x99: {  	[sflag:s13] =	ssyncadd.s32 $0xFFFFCE00  }
0x9a: {  	_ =	swait.ge [sflag:s19], $0x3200  }
0x9b: {  	[sflag:s19] =	ssyncset.done $0x0  }
0x9c: {  	[sflag:s19] =	ssyncadd.s32 $0xFFFFCE00  }
0x9d: {  	[spmem:s1] =	stream.indirect.scatter.add.f32 [tilespmem:s17], [sflag:$0x3], $0x80, s23, s15, $0xb8;
	[tilespmem:$0x1E000] =	vst v63  }
0x9e: {  	_ =	swait.ge [sflag:s13], $0x3200  }
0x9f: {  	[sflag:s13] =	ssyncset.done $0x0  }
0xa0: {  	s24 =	sshll.u32 s2, $0x6;
	s31 =	sadd.s32 $0x0, s11;
	[sflag:s13] =	ssyncadd.s32 $0xFFFFCE00  }
0xa1: {  	s26 =	sshrl.u32 s5, $0x3;
	s24 =	sor.u32 $0x1C03, s24;
	[bflag:$0x0] =	sbarrier.arrive $0xFFFF  }
0xa2: {  	[hbm:s31], [sflag:s24] =	dma.local [spmem:s26], $0x100  }
0xa3: {  	s25 =	simm.s32 $0x1000;
	s26 =	sadd.s32 $0x8000, s5;
	_ =	swait.ge [sflag:s13], $0x100  }
.LBB2_10:
0xa4: {  	s28 =	sadd.s32 s25, s11;
	[sflag:s13] =	ssyncset.done $0x0;
	p0 =	sne.s32 s25, $0x27000  }
.Ltmp4:
0xa5: {  	s29 =	sshrl.u32 s26, $0x3;
	[sflag:s13] =	ssyncadd.s32 $0xFFFFFF00;
	(pc) =	sbr.rel @p0 .LBB2_10-.Ltmp4, $3  }
0xa6: {  	[hbm:s28], [sflag:s24] =	dma.local [spmem:s29], $0x100  }
0xa7: {  	s25 =	sadd.s32 $0x1000, s25;
	_ =	sdelay $0x1  }
0xa8: {  	s26 =	sadd.s32 $0x8000, s26;
	_ =	swait.ge [sflag:s13], $0x100  }
0xa9: {  	s3 =	sadd.s32 $0x1, s3  }
0xaa: {  	p0 =	sne.s32 s3, s10  }
.Ltmp5:
0xab: {  	_ = 	snop;
	(pc) =	sbr.rel @p0 .LBB2_1-.Ltmp5, $3  }
0xac: {  	_ =	sdelay $0x1  }
0xad: {  	[sflag:s13] =	ssyncset.done $0x0  }
0xae: {  	[sflag:s13] =	ssyncadd.s32 $0xFFFFFF00  }
0xaf: {  	_ =	sfence.sel $0x180000  }
0xb0: {  	[bflag:$0x0] =	sbarrier.arrive $0xFFFF  }
0xb1: {  	p0 =	sne.s32 s2, $0x0;
	_ =	strace $0x9000004A  }
0xb2: {  	s0 =	sadd.s32 @!p0 $0x100000, s0;
	[bflag:$0x2] =	sbarrier.arrive $0xFFFF  }
0xb3: {  	[sflag:s0] =	ssyncadd.tile.s32 @!p0 $0x1;
	_ =	shalt  }
.Lfunc_end2:
_tile_overlayer_lowered:
.L_overlay_start_2:
0xb4: {  	(tag) =	ssettag $0x2  }
0xb5: {  	s0 =	rddreg [dreg:$0x0];
	s2 =	stileid.u32  }
0xb6: {  	s1 =	rddreg [dreg:$0x1];
	p0 =	sne.s32 s2, $0x0  }
0xb7: {  	s3 =	rddreg [dreg:$0x2];
	[bflag:$0x3] =	sbarrier.arrive $0xFFFF;
	s2 =	simm.s32 @!p0 $0x1C03  }
0xb8: {  	[timem:s3], [sflag:s2] =	dma.local @!p0 [hbm:s0], s1  }
0xb9: {  	s0 =	simm.s32 @!p0 $0x3  }
0xba: {  	_ =	swait.ge @!p0 [sflag:s0], s1  }
0xbb: {  	s1 =	ssub.s32 @!p0 $0x0, s1;
	[sflag:s0] =	ssyncset.done @!p0 $0x0  }
0xbc: {  	[sflag:s0] =	ssyncadd.s32 @!p0 s1  }
0xbd: {  	[bflag:$0x3] =	sbarrier.arrive $0xFFFF  }
0xbe: {  	_ =	shalt  }

// kernel: kernel.16.cloned.1.call-start
scs
__scs_entry_jumppad:
0x0: {  	(pc) =	sbr.rel $0x88, $3  }
0x1: {  	(tag) =	ssettag $0x0;
	lr =	simm.s32 $0x1  }
0x2: {  	[smem:$0x3F9B] =	sst lr;
	_ =	strace $0xD0000000  }
0x3: {  	_ = 	snop  }
0x4: {  	_ = 	snop  }
0x5: {  	_ = 	snop  }
0x6: {  	_ = 	snop  }
0x7: {  	_ = 	snop  }
__scs_overlays_trampoline_lowered:
0x8: {  	[smem:$0x3FAA] =	sst s0  }
0x9: {  	[smem:$0x3FAB] =	sst s1  }
0xa: {  	[smem:$0x3FAC] =	sst s2  }
0xb: {  	[smem:$0x3FAD] =	sst s3  }
0xc: {  	[smem:$0x3FAE] =	sst s4  }
0xd: {  	[smem:$0x3FAF] =	sst s5  }
0xe: {  	[smem:$0x3FB0] =	sst s6  }
0xf: {  	[smem:$0x3FB1] =	sst s7  }
0x10: {  	[smem:$0x3FB2] =	sst s8  }
0x11: {  	[smem:$0x3FB3] =	sst s9;
	s0 =	simm.s32 @!p0 $0x0  }
0x12: {  	s1 =	sld [smem:$0x3F99];
	s0 =	simm.s32 @p0 $0x1  }
0x13: {  	[smem:$0x3FB4] =	sst s0;
	s0 =	simm.s32 @!p1 $0x0  }
0x14: {  	s2 =	sld [smem:$0x3F98];
	s0 =	simm.s32 @p1 $0x1  }
0x15: {  	[smem:$0x3FB5] =	sst s0;
	s0 =	simm.s32 @!p2 $0x0  }
0x16: {  	s3 =	sld [smem:$0x3FDB];
	s0 =	simm.s32 @p2 $0x1  }
0x17: {  	s4 =	simm.s32 $0x1BF5;
	[smem:$0x3FB7] =	sst s0  }
0x18: {  	s0 =	sld [smem:$0x3F9A];
	_ =	swait.ge [sflag:s4], $0x0  }
0x19: {  	s7 =	sld [smem:$0x3F9B]  }
0x1a: {  	s8 =	sadd.s32 $0xFFFFE003, lr  }
0x1b: {  	s9 =	sadd.s32 $0xFFFFFEF7, lr;
	s5 =	simm.s32 $0xFFFFFFFF;
	p2 =	slt.u32 s8, $0xFFFFF086  }
0x1c: {  	p1 =	slt.u32 s9, $0xF7A;
	s5 =	simm.s32 @!p2 $0x0  }
0x1d: {  	s5 =	simm.s32 @p1 $0x1;
	p0 =	seq.s32 s7, s2  }
0x1e: {  	s7 =	smul.u32 @!p0 $0xF7A, s2;
	p2 =	seq.s32 @!p0 s5, $0x0  }
0x1f: {  	s9 =	smul.u32 $0xF7A, s1;
	s8 =	simm.s32 @!p0 $0x1BF5;
	p2 =	por !p2, p0  }
0x20: {  	[sflag:s8] =	ssyncset.s32 @!p0 $0xFFFFF086;
	s6 =	sadd.s32 @!p0 s3, s7;
	s7 =	simm.s32 @!p0 $0x108  }
0x21: {  	s3 =	sadd.s32 s3, s9;
	s6 =	sadd.s32 @!p0 $0x88, s6;
	s7 =	simm.s32 @p2 $0x1082  }
0x22: {  	[simem:s7], [sflag:s8] =	dma.local @!p0 [hbm:s6], $0xF7A  }
0x23: {  	s9 =	sor.u32 $0xD0000000, s2;
	s6 =	simm.s32 $0x108;
	_ =	swait.ge @!p0 [sflag:s8], $0x0  }
0x24: {  	s3 =	sadd.s32 $0x88, s3;
	s6 =	simm.s32 @!p1 $0x1082;
	[sflag:s4] =	ssyncset.s32 $0xFFFFF086  }
0x25: {  	[simem:s6], [sflag:s4] =	dma.local [hbm:s3], $0xF7A  }
0x26: {  	[smem:$0x3F9B] =	sst s1;
	(tag) =	ssettag s2;
	_ =	strace s9  }
0x27: {  	s1 =	sld [smem:$0x3FAB]  }
0x28: {  	s2 =	sld [smem:$0x3FAC]  }
0x29: {  	s4 =	sld [smem:$0x3FAE]  }
0x2a: {  	p0 =	seq.s32 s5, $0x0;
	s5 =	sld [smem:$0x3FAF]  }
0x2b: {  	s6 =	sld [smem:$0x3FB0]  }
0x2c: {  	s7 =	sld [smem:$0x3FB1]  }
0x2d: {  	s3 =	simm.s32 $0x108;
	s8 =	sld [smem:$0x3FB2]  }
0x2e: {  	s3 =	simm.s32 @!p0 $0x1082;
	s9 =	sld [smem:$0x3FB3]  }
0x2f: {  	lr =	sadd.s32 s0, s3;
	s0 =	sld [smem:$0x3FAA]  }
0x30: {  	s3 =	sld [smem:$0x3FAD]  }
0x31: {  	[smem:$0x3FB6] =	sst s10  }
0x32: {  	s10 =	sld [smem:$0x3FB4];
	_ =	sdelay $0x3  }
0x33: {  	p0 =	seq.s32 s10, $0x1;
	s10 =	sld [smem:$0x3FB6];
	_ =	sdelay $0x3  }
0x34: {  	[smem:$0x3FB6] =	sst s10  }
0x35: {  	s10 =	sld [smem:$0x3FB5];
	_ =	sdelay $0x3  }
0x36: {  	p1 =	seq.s32 s10, $0x1;
	s10 =	sld [smem:$0x3FB6];
	_ =	sdelay $0x3  }
0x37: {  	[smem:$0x3FB6] =	sst s10  }
0x38: {  	s10 =	sld [smem:$0x3FB7]  }
0x39: {  	_ = 	snop;
	(pc) =	sbr.ind lr, $3  }
0x3a: {  	_ = 	snop  }
0x3b: {  	_ = 	snop  }
0x3c: {  	p2 =	seq.s32 s10, $0x1;
	s10 =	sld [smem:$0x3FB6]  }
0x3d: {  	_ =	shalt  }
0x3e: {  	_ =	shalt  }
0x3f: {  	_ =	shalt  }
0x40: {  	_ =	shalt  }
0x41: {  	_ =	shalt  }
0x42: {  	_ =	shalt  }
0x43: {  	_ =	shalt  }
0x44: {  	_ =	shalt  }
0x45: {  	_ =	shalt  }
0x46: {  	_ =	shalt  }
0x47: {  	_ =	shalt  }
0x48: {  	_ =	shalt  }
0x49: {  	_ =	shalt  }
0x4a: {  	_ =	shalt  }
0x4b: {  	_ =	shalt  }
0x4c: {  	_ =	shalt  }
0x4d: {  	_ =	shalt  }
0x4e: {  	_ =	shalt  }
0x4f: {  	_ =	shalt  }
0x50: {  	_ =	shalt  }
0x51: {  	_ =	shalt  }
0x52: {  	_ =	shalt  }
0x53: {  	_ =	shalt  }
0x54: {  	_ =	shalt  }
0x55: {  	_ =	shalt  }
0x56: {  	_ =	shalt  }
0x57: {  	_ =	shalt  }
0x58: {  	_ =	shalt  }
0x59: {  	_ =	shalt  }
0x5a: {  	_ =	shalt  }
0x5b: {  	_ =	shalt  }
0x5c: {  	_ =	shalt  }
0x5d: {  	_ =	shalt  }
0x5e: {  	_ =	shalt  }
0x5f: {  	_ =	shalt  }
0x60: {  	_ =	shalt  }
0x61: {  	_ =	shalt  }
0x62: {  	_ =	shalt  }
0x63: {  	_ =	shalt  }
0x64: {  	_ =	shalt  }
0x65: {  	_ =	shalt  }
0x66: {  	_ =	shalt  }
0x67: {  	_ =	shalt  }
0x68: {  	_ =	shalt  }
0x69: {  	_ =	shalt  }
0x6a: {  	_ =	shalt  }
0x6b: {  	_ =	shalt  }
0x6c: {  	_ =	shalt  }
0x6d: {  	_ =	shalt  }
0x6e: {  	_ =	shalt  }
0x6f: {  	_ =	shalt  }
0x70: {  	_ =	shalt  }
0x71: {  	_ =	shalt  }
0x72: {  	_ =	shalt  }
0x73: {  	_ =	shalt  }
0x74: {  	_ =	shalt  }
0x75: {  	_ =	shalt  }
0x76: {  	_ =	shalt  }
0x77: {  	_ =	shalt  }
0x78: {  	_ =	shalt  }
0x79: {  	_ =	shalt  }
0x7a: {  	_ =	shalt  }
0x7b: {  	_ =	shalt  }
0x7c: {  	_ =	shalt  }
0x7d: {  	_ =	shalt  }
0x7e: {  	_ =	shalt  }
0x7f: {  	_ =	shalt  }
0x80: {  	_ =	shalt  }
0x81: {  	_ =	shalt  }
0x82: {  	_ =	shalt  }
0x83: {  	_ =	shalt  }
0x84: {  	_ =	shalt  }
0x85: {  	_ =	shalt  }
0x86: {  	_ =	shalt  }
0x87: {  	_ =	shalt  }
.Lfunc_end0:
.L_simem_size_0:
called_computation.2_lowered:
.L_overlay_start_0:
0x88: {  	s2 =	sld [smem:$0x3FD9]  }
0x89: {  	s3 =	sld [smem:$0x3FFE];
	_ =	sdelay $0x1  }
0x8a: {  	s1 =	srdreg.scid  }
0x8b: {  	s0 =	sand.u32 $0x1, s1  }
0x8c: {  	s17 =	sshll.u32 s0, $0xA;
	s2 =	sadd.s32 s3, s2  }
0x8d: {  	s2 =	sadd.s32 s2, s17  }
0x8e: {  	[smem:$0x3FC2] =	sst s2  }
0x8f: {  	_ = 	snop  }
0x90: {  	s2 =	sld [smem:$0x3FD0];
	(tm) =	ssettm $0x1  }
0x91: {  	s18 =	sld [smem:$0x3FFB];
	_ =	sdelay $0x3  }
0x92: {  	_ =	strace s18  }
0x93: {  	s3 =	sld [smem:$0x3FFC];
	_ =	sdelay $0x3  }
0x94: {  	_ =	strace s3  }
0x95: {  	s3 =	sld [smem:$0x3FFD];
	_ =	sdelay $0x3  }
0x96: {  	_ =	strace s3  }
0x97: {  	_ =	strace $0x8FFFFFFF  }
0x98: {  	s19 =	sld [smem:$0x3FDB];
	_ =	sdelay $0x1  }
0x99: {  	s4 =	simm.s32 $_scs_section_size  }
0x9a: {  	s5 =	simm.s32 $_size__tile_overlayer_lowered;
	s6 =	simm.s32 $_tile_overlayer_lowered  }
0x9b: {  	s22 =	simm.s32 $0x1BFF;
	s21 =	sshll.u32 s6, $0x1;
	s3 =	sadd.s32 s4, s19  }
0x9c: {  	s7 =	simm.s32 $0x0;
	s20 =	sshll.u32 s5, $0x1;
	s5 =	sadd.s32 s21, s3  }
0x9d: {  	[timem:s7], [sflag:s22] =	dma.local [hbm:s5], s20  }
0x9e: {  	_ =	swait.ge [sflag:s22], s20  }
0x9f: {  	s4 =	ssub.s32 $0x0, s20;
	[sflag:s22] =	ssyncset.done $0x0  }
0xa0: {  	[sflag:s22] =	ssyncadd.s32 s4;
	_ =	sdelay $0x1  }
0xa1: {  	s23 =	simm.s32 $0x1B8B  }
0xa2: {  	_ =	swait.ge [sflag:s23], $0x1  }
0xa3: {  	[sflag:s23] =	ssyncset.done $0x0  }
0xa4: {  	s25 =	simm.s32 $0x1B8E;
	s24 =	sld [smem:$0x3FFE];
	[sflag:s23] =	ssyncadd.s32 $0xFFFFFFFF  }
0xa5: {  	s26 =	simm.s32 $execute0_lowered;
	[smem:$0x3FD2] =	sst s25  }
0xa6: {  	s5 =	sshll.u32 s26, $0x1;
	_ =	strace $0x8000004C;
	[dreg:$0x1] =	wrdreg $0xFFFFFFFF  }
0xa7: {  	s28 =	simm.s32 $_size_execute0_lowered;
	s3 =	sadd.s32 s3, s5;
	[dreg:$0x0] =	wrdreg $0x0  }
0xa8: {  	s5 =	sshll.u32 s28, $0x1;
	[dreg:$0x2] =	wrdreg s3  }
0xa9: {  	[dreg:$0x3] =	wrdreg s5  }
0xaa: {  	[dreg:$0x4] =	wrdreg $0xC0  }
0xab: {  	_ =	task [dreg:s7], $0x5FFFF  }
0xac: {  	[dreg:$0x1] =	wrdreg $0xFFFFFFFF  }
0xad: {  	[dreg:$0x0] =	wrdreg $0x60  }
0xae: {  	[dreg:$0x2] =	wrdreg s24  }
0xaf: {  	[dreg:$0x3] =	wrdreg s2  }
0xb0: {  	[dreg:$0x4] =	wrdreg $0xD4000  }
0xb1: {  	[dreg:$0x5] =	wrdreg $0x9  }
0xb2: {  	_ =	task.clear_ibuf [dreg:s7], $0x6FFFF;
	_ =	strace $0x9000004C  }
0xb3: {  	s29 =	simm.s32 $0x9;
	_ =	strace $0x8000004E  }
0xb4: {  	_ =	swait.ge [sflag:s29], $0x1  }
0xb5: {  	[sflag:s29] =	ssyncadd.s32 $0xFFFFFFFF  }
0xb6: {  	_ =	strace $0x9000004E  }
0xb7: {  	_ =	sfence  }
0xb8: {  	s30 =	sld [smem:$0x0];
	_ =	sdelay $0x2  }
0xb9: {  	s31 =	sshll.u32 s1, $0xD;
	s1 =	sshrl.u32 s1, $0x2  }
0xba: {  	s3 =	sand.u32 $0x4000, s31;
	s1 =	sadd.s32 s1, s30  }
0xbb: {  	s0 =	sor.u32 s3, s0;
	s1 =	sshll.u32 s1, $0x11  }
0xbc: {  	s0 =	sor.u32 s1, s0  }
0xbd: {  	s0 =	sadd.s32 $0x8F2B, s0  }
0xbe: {  	[sflag:s0] =	ssyncadd.remote.s32 $0x1  }
0xbf: {  	_ =	sfence.sel $0xFFFF  }
0xc0: {  	[dreg:$0x0] =	wrdreg $0xFFFFFFFF;
	(pc) =	sbr.abs _section_cstart, $3  }
0xc1: {  	[dreg:$0x1] =	wrdreg $0xFFFFFFFF  }
0xc2: {  	_ =	task.clear_ibuf [dreg:s7], $0x2FFFF;
	_ =	strace $0x9FFFFFFF  }
0xc3: {  	(tm) =	ssettm $0x7FFFFFFF  }
tec
execute0_lowered:
.L_overlay_start_1:
0x0: {  	(tag) =	ssettag $0x1  }
0x1: {  	s0 =	rddreg [dreg:$0x0]  }
0x2: {  	s3 =	rddreg [dreg:$0x1]  }
0x3: {  	s1 =	rddreg [dreg:$0x2]  }
0x4: {  	s2 =	simm.s32 $0x0;
	s5 =	srdreg.scid;
	s13 =	stileid.u32  }
0x5: {  	[smem:$0x7FF] =	sst s2;
	s4 =	sadd.s32 $0x37E00, s0;
	s5 =	sand.u32 $0x1, s5  }
0x6: {  	s8 =	sadd.s32 $0x4000, s0;
	s7 =	sshll.u32 s13, $0xA;
	s9 =	smul.u32 $0x3400, s13  }
0x7: {  	s11 =	sadd.s32 $0x19000, s0;
	s28 =	sshll.u32 s13, $0xB;
	s29 =	sshll.u32 s13, $0x8  }
0x8: {  	s30 =	sshll.u32 s13, $0x4;
	_ =	strace $0x8000004D;
	s6 =	smul.u32 $0x34000, s5  }
0x9: {  	s10 =	sshll.u32 s5, $0xE;
	s5 =	ssub.s32 $0x2, s5;
	s17 =	sor.u32 $0x100, s30  }
0xa: {  	s18 =	sor.u32 $0x200, s30;
	s7 =	sor.u32 s7, s10;
	s12 =	sshrl.u32 s5, $0x1  }
0xb: {  	s3 =	sadd.s32 s3, s10;
	s10 =	sadd.s32 s28, s1;
	s16 =	sshll.u32 s17, $0x4  }
0xc: {  	s17 =	sshll.u32 s17, $0x7;
	s31 =	sshll.u32 s18, $0x4;
	s18 =	sshll.u32 s18, $0x7  }
0xd: {  	s7 =	sshrl.u32 s7, $0x3;
	s6 =	sadd.s32 s9, s6;
	s12 =	ssub.s32 s5, s12  }
0xe: {  	s13 =	sadd.s32 $0x8000, s10;
	s14 =	sadd.s32 $0x10000, s10;
	s15 =	sadd.s32 $0x18000, s10  }
0xf: {  	s16 =	sadd.s32 s16, s3;
	s19 =	sadd.s32 s17, s1;
	s0 =	sadd.s32 s7, s0  }
0x10: {  	s17 =	sadd.s32 s31, s3;
	s22 =	sshrl.u32 s6, $0x3;
	s0 =	sadd.s32 $0x18000, s0  }
0x11: {  	s21 =	sadd.s32 s18, s1;
	s23 =	sadd.s32 s8, s22;
	[dreg:$0x4] =	wrdreg s0  }
0x12: {  	s12 =	smax.u32 s12, $0x1;
	s25 =	sadd.s32 s11, s22;
	[dreg:$0x5] =	wrdreg s23  }
0x13: {  	s24 =	sadd.s32 $0x100, s22;
	s22 =	simm.s32 $0x6C00;
	[dreg:$0x6] =	wrdreg s25  }
.Ltmp0:
0x14: {  	s26 =	sadd.s32 s8, s24;
	s9 =	sadd.s32 s11, s24;
	(pc) =	sbr.rel .LBB2_1-.Ltmp0, $4  }
0x15: {  	s11 =	sadd.s32 s29, s3;
	s0 =	sor.u32 $0x300, s30;
	s23 =	sshrl.u32 s19, $0x3  }
0x16: {  	s24 =	sshrl.u32 s21, $0x3;
	s20 =	sshll.u32 s0, $0x4;
	s0 =	sshll.u32 s0, $0x7  }
0x17: {  	[dreg:$0x7] =	wrdreg s26;
	s26 =	simm.s32 $0x0;
	s0 =	sadd.s32 s0, s1  }
0x18: {  	v0 =	vimm.f32 $0.0e+00;
	s18 =	sadd.s32 s20, s3;
	s20 =	simm.s32 $0x3;
	s25 =	sshrl.u32 s0, $0x3  }
.LBB2_5:
0x19: {  	_ = 	snop  }
.LBB2_8:
0x1a: {  	p1 =	por p3, !p0  }
0x1b: {  	p0 =	sge.s32 s19, s28;
	s0 =	simm.s32 @!p1 $0xA000  }
0x1c: {  	[tilespmem:s0], [sflag:$0x2] =	stream.indirect.gather @!p1 [hbm4b:s4+s3], $0x80, s21, s3, $0xb8;
	[tilespmem:$0xF400] =	vst v63  }
0x1d: {  	s0 =	simm.s32 @!p0 $0x1  }
0x1e: {  	s3 =	sadd.s32 @!p0 $0x1, s30;
	_ =	swait.ge @!p0 [sflag:s0], $0x3200  }
0x1f: {  	s5 =	simm.s32 @!p0 $0x6C00;
	p1 =	sge.s32 @!p0 s3, s28;
	[sflag:s0] =	ssyncset.done @!p0 $0x0  }
0x20: {  	s3 =	simm.s32 @!p0 $0x3;
	[sflag:s0] =	ssyncadd.s32 @!p0 $0xFFFFCE00;
	s0 =	simm.s32 @!p0 $0x64  }
0x21: {  	[spmem:s1] =	stream.indirect.scatter.add.f32 @!p0 [tilespmem:s5], [sflag:$0x3], $0x80, s31, s0, $0xb8;
	[tilespmem:$0xF400] =	vst v63  }
0x22: {  	p2 =	por p1, p0;
	_ =	swait.ge @!p0 [sflag:s3], $0x3200  }
0x23: {  	p1 =	sge.s32 s30, s28;
	s0 =	simm.s32 @!p2 $0x6C00;
	[sflag:s3] =	ssyncset.done @!p0 $0x0  }
0x24: {  	s5 =	simm.s32 @!p1 $0x2;
	[sflag:s3] =	ssyncadd.s32 @!p0 $0xFFFFCE00;
	s3 =	simm.s32 @!p2 $0x64  }
0x25: {  	[tilespmem:s0], [sflag:$0x1] =	stream.indirect.gather @!p2 [hbm4b:s4+s3], $0x80, s29, s3, $0xb8;
	[tilespmem:$0xF400] =	vst v63  }
0x26: {  	_ =	swait.ge @!p1 [sflag:s5], $0x3200  }
0x27: {  	s6 =	simm.s32 @!p1 $0xA000;
	s0 =	simm.s32 @!p1 $0x3;
	[sflag:s5] =	ssyncset.done @!p1 $0x0  }
0x28: {  	s3 =	simm.s32 @!p1 $0x64;
	[sflag:s5] =	ssyncadd.s32 @!p1 $0xFFFFCE00;
	s5 =	sadd.s32 @!p1 $0x80, s31  }
0x29: {  	[spmem:s1] =	stream.indirect.scatter.add.f32 @!p1 [tilespmem:s6], [sflag:$0x3], $0x80, s5, s3, $0xb8;
	[tilespmem:$0xF400] =	vst v63  }
0x2a: {  	s3 =	sadd.s32 @!p1 $0x2, s30;
	_ =	swait.ge @!p1 [sflag:s0], $0x3200  }
0x2b: {  	p0 =	sge.s32 @!p1 s3, s28;
	[sflag:s0] =	ssyncset.done @!p1 $0x0  }
0x2c: {  	p0 =	por p0, p1;
	[sflag:s0] =	ssyncadd.s32 @!p1 $0xFFFFCE00  }
0x2d: {  	s0 =	sadd.s32 @!p0 $0x80, s29;
	s3 =	simm.s32 @!p0 $0x64;
	s5 =	simm.s32 @!p0 $0xA000  }
0x2e: {  	[tilespmem:s5], [sflag:$0x2] =	stream.indirect.gather @!p0 [hbm4b:s4+s3], $0x80, s0, s3, $0xb8;
	[tilespmem:$0xF400] =	vst v63  }
.LBB2_9:
0x2f: {  	s0 =	stileid.u32  }
0x30: {  	s0 =	sshll.u32 s0, $0x6  }
0x31: {  	[bflag:$0x0] =	sbarrier.arrive $0xFFFF;
	s3 =	sshrl.u32 s10, $0x3;
	s0 =	sor.u32 $0x1C03, s0  }
0x32: {  	[hbm:s11], [sflag:s0] =	dma.local [spmem:s3], $0x100  }
0x33: {  	_ =	swait.ge [sflag:s20], $0x100  }
0x34: {  	[sflag:s20] =	ssyncset.done $0x0  }
0x35: {  	[sflag:s20] =	ssyncadd.s32 $0xFFFFFF00  }
0x36: {  	[hbm:s16], [sflag:s0] =	dma.local [spmem:s23], $0x100  }
0x37: {  	_ =	swait.ge [sflag:s20], $0x100  }
0x38: {  	[sflag:s20] =	ssyncset.done $0x0  }
0x39: {  	[sflag:s20] =	ssyncadd.s32 $0xFFFFFF00  }
0x3a: {  	[hbm:s17], [sflag:s0] =	dma.local [spmem:s24], $0x100  }
0x3b: {  	s26 =	sadd.s32 $0x1, s26;
	_ =	swait.ge [sflag:s20], $0x100  }
0x3c: {  	p0 =	sne.s32 s26, s12;
	[sflag:s20] =	ssyncset.done $0x0  }
.Ltmp1:
0x3d: {  	[sflag:s20] =	ssyncadd.s32 $0xFFFFFF00;
	(pc) =	sbr.rel @!p0 .LBB2_10-.Ltmp1, $4  }
0x3e: {  	[hbm:s18], [sflag:s0] =	dma.local [spmem:s25], $0x100  }
0x3f: {  	_ =	swait.ge [sflag:s20], $0x100  }
0x40: {  	[sflag:s20] =	ssyncset.done $0x0  }
0x41: {  	[sflag:s20] =	ssyncadd.s32 $0xFFFFFF00  }
.LBB2_1:
0x42: {  	s0 =	rddreg [dreg:$0x4];
	s3 =	simm.s32 $0x6800  }
0x43: {  	[tilespmem:s3], [sflag:$0x3] =	stream.linear.gather [hbm4b:s0+s2], $0x400, $0x38;
	[tilespmem:$0xF400] =	vst v63  }
0x44: {  	_ =	swait.ge [sflag:s20], $0x400  }
0x45: {  	[sflag:s20] =	ssyncset.done $0x0  }
0x46: {  	[sflag:s20] =	ssyncadd.s32 $0xFFFFFC00  }
0x47: {  	v1 =	vld [tilespmem:$0x6800];
	_ =	sdelay $0x4  }
0x48: {  	(v2sf) =	vpush v1, $0x0;
	_ =	sdelay $0xe  }
0x49: {  	s8 =	spop (v2sf)  }
0x4a: {  	s29 =	sadd.s32 $0x63, s8  }
0x4b: {  	s19 =	smulhi.u32 $0x51EB851F, s29;
	s21 =	sshra.s32 s29, $0x1F  }
0x4c: {  	s30 =	rddreg [dreg:$0x5];
	s21 =	smul.u32 $0x51EB851F, s21  }
0x4d: {  	[tilespmem:s2], [sflag:$0x3] =	stream.linear.gather [hbm4b:s30+s2], $0x800, $0x38;
	[tilespmem:$0xF400] =	vst v63  }
0x4e: {  	s5 =	simm.s32 $0x3400;
	s19 =	sadd.s32 s21, s19  }
0x4f: {  	_ =	swait.ge [sflag:s20], $0x800;
	s21 =	sshrl.u32 s19, $0x1F;
	s19 =	sshra.s32 s19, $0x5  }
0x50: {  	s0 =	ssub.s32 $0xFFFFFF9D, s8;
	[sflag:s20] =	ssyncset.done $0x0;
	s19 =	sadd.s32 s21, s19  }
0x51: {  	s31 =	rddreg [dreg:$0x6];
	[sflag:s20] =	ssyncadd.s32 $0xFFFFF800;
	s21 =	smul.u32 $0xFFFFFF9C, s19  }
0x52: {  	[tilespmem:s5], [sflag:$0x3] =	stream.linear.gather [hbm4b:s31+s2], $0x800, $0x38;
	[tilespmem:$0xF400] =	vst v63  }
0x53: {  	p0 =	slt.s32 s29, $0x1;
	p1 =	sne.s32 s21, s0  }
0x54: {  	p0 =	por !p0, !p1  }
0x55: {  	s0 =	simm.s32 $0x1;
	p0 =	por !p0, !p0  }
0x56: {  	s0 =	simm.s32 @!p0 $0x0  }
0x57: {  	_ =	swait.ge [sflag:s20], $0x800;
	s28 =	ssub.s32 s19, s0  }
0x58: {  	[sflag:s20] =	ssyncset.done $0x0;
	s5 =	rddreg [dreg:$0x7];
	p0 =	slt.s32 s28, $0x11  }
0x59: {  	[sflag:s20] =	ssyncadd.s32 $0xFFFFF800;
	s0 =	simm.s32 @!p0 $0x0;
	s3 =	simm.s32 @!p0 $0x800  }
0x5a: {  	[tilespmem:s3], [sflag:$0x3] =	stream.linear.gather @!p0 [hbm4b:s5+s0], $0x2A00, $0x38;
	[tilespmem:$0xF400] =	vst v63  }
0x5b: {  	s3 =	simm.s32 @!p0 $0x3  }
0x5c: {  	_ =	swait.ge @!p0 [sflag:s3], $0x2A00  }
0x5d: {  	[sflag:s3] =	ssyncset.done @!p0 $0x0  }
0x5e: {  	s19 =	simm.s32 @!p0 $0x3C00;
	[sflag:s3] =	ssyncadd.s32 @!p0 $0xFFFFD600  }
0x5f: {  	[tilespmem:s19], [sflag:$0x3] =	stream.linear.gather @!p0 [hbm4b:s9+s0], $0x2A00, $0x38;
	[tilespmem:$0xF400] =	vst v63  }
0x60: {  	_ =	swait.ge @!p0 [sflag:s3], $0x2A00  }
0x61: {  	[sflag:s3] =	ssyncset.done @!p0 $0x0  }
0x62: {  	s0 =	simm.s32 $0x0;
	s19 =	simm.s32 $0x200;
	[sflag:s3] =	ssyncadd.s32 @!p0 $0xFFFFD600  }
.LBB2_2:
0x63: {  	p0 =	sne.s32 s19, $0x1E00;
	[tilespmem:s0+$0x6C70] =	vst v0  }
0x64: {  	[tilespmem:s0+$0x6C00] =	vst v0  }
0x65: {  	[tilespmem:s0+$0x6C10] =	vst v0  }
.Ltmp2:
0x66: {  	[tilespmem:s0+$0x6C20] =	vst v0;
	(pc) =	sbr.rel @p0 .LBB2_2-.Ltmp2, $4  }
0x67: {  	[tilespmem:s0+$0x6C30] =	vst v0  }
0x68: {  	[tilespmem:s0+$0x6C40] =	vst v0  }
0x69: {  	[tilespmem:s0+$0x6C50] =	vst v0  }
0x6a: {  	[tilespmem:s0+$0x6C60] =	vst v0;
	s0 =	sshra.s32 s19, $0x2;
	s19 =	sadd.s32 $0x200, s19  }
0x6b: {  	[tilespmem:s0+$0x6C70] =	vst v0  }
0x6c: {  	[tilespmem:s0+$0x6C00] =	vst v0  }
0x6d: {  	[tilespmem:s0+$0x6C10] =	vst v0  }
0x6e: {  	[tilespmem:s0+$0x6C20] =	vst v0  }
0x6f: {  	[tilespmem:s0+$0x6C30] =	vst v0  }
0x70: {  	[tilespmem:s0+$0x6C40] =	vst v0  }
0x71: {  	[tilespmem:s0+$0x6C50] =	vst v0  }
0x72: {  	[tilespmem:s0+$0x6C60] =	vst v0  }
0x73: {  	[spmem:s10] =	stream.linear.scatter [tilespmem:s22], [sflag:$0x3], $0x800, $0x38;
	[tilespmem:$0xF400] =	vst v63  }
0x74: {  	_ =	swait.ge [sflag:s20], $0x800  }
0x75: {  	[sflag:s20] =	ssyncset.done $0x0  }
0x76: {  	[sflag:s20] =	ssyncadd.s32 $0xFFFFF800  }
0x77: {  	[spmem:s13] =	stream.linear.scatter [tilespmem:s22], [sflag:$0x3], $0x800, $0x38;
	[tilespmem:$0xF400] =	vst v63  }
0x78: {  	_ =	swait.ge [sflag:s20], $0x800  }
0x79: {  	[sflag:s20] =	ssyncset.done $0x0  }
0x7a: {  	[sflag:s20] =	ssyncadd.s32 $0xFFFFF800  }
0x7b: {  	[spmem:s14] =	stream.linear.scatter [tilespmem:s22], [sflag:$0x3], $0x800, $0x38;
	[tilespmem:$0xF400] =	vst v63  }
0x7c: {  	_ =	swait.ge [sflag:s20], $0x800  }
0x7d: {  	[sflag:s20] =	ssyncset.done $0x0  }
0x7e: {  	[sflag:s20] =	ssyncadd.s32 $0xFFFFF800  }
0x7f: {  	[spmem:s15] =	stream.linear.scatter [tilespmem:s22], [sflag:$0x3], $0x800, $0x38;
	[tilespmem:$0xF400] =	vst v63  }
0x80: {  	p0 =	slt.s32 s28, $0x1;
	_ =	swait.ge [sflag:s20], $0x800  }
0x81: {  	s29 =	sadd.s32 $0x1, s28;
	s0 =	simm.s32 @!p0 $0x64;
	[sflag:s20] =	ssyncset.done $0x0  }
0x82: {  	s3 =	simm.s32 @!p0 $0x0;
	s19 =	simm.s32 @!p0 $0x6C00;
	[sflag:s20] =	ssyncadd.s32 $0xFFFFF800  }
0x83: {  	p1 =	seq.s32 @!p0 s28, $0x1;
	s30 =	sand.u32 $0x1, s29;
	[bflag:$0x0] =	sbarrier.arrive $0xFFFF  }
0x84: {  	[tilespmem:s19], [sflag:$0x1] =	stream.indirect.gather @!p0 [hbm4b:s4+s0], $0x80, s3, s0, $0xb8;
	[tilespmem:$0xF400] =	vst v63  }
0x85: {  	p5 =	slt.s32 s28, $0x0;
	p6 =	seq.s32 s30, $0x1;
	p0 =	por p1, p0  }
0x86: {  	s0 =	simm.s32 @!p0 $0x64;
	s3 =	simm.s32 @!p0 $0x80;
	s19 =	simm.s32 @!p0 $0xA000  }
0x87: {  	[tilespmem:s19], [sflag:$0x2] =	stream.indirect.gather @!p0 [hbm4b:s4+s0], $0x80, s3, s0, $0xb8;
	[tilespmem:$0xF400] =	vst v63  }
0x88: {  	s31 =	sshrl.u32 s29, $0x1F;
	p0 =	por !p5, !p6  }
0x89: {  	s0 =	sadd.s32 s31, s29;
	s3 =	simm.s32 $0x1;
	p0 =	por !p0, !p0  }
0x8a: {  	s0 =	sshra.s32 s0, $0x1;
	s3 =	simm.s32 @!p0 $0x0  }
0x8b: {  	s0 =	ssub.s32 s0, s3  }
0x8c: {  	p0 =	slt.s32 s0, $0x1  }
.Ltmp3:
0x8d: {  	_ = 	snop;
	(pc) =	sbr.rel @p0 .LBB2_9-.Ltmp3, $1  }
0x8e: {  	_ =	sdelay $0x3  }
0x8f: {  	s0 =	sadd.s32 $0xFFFFFFFF, s0  }
0x90: {  	p1 =	sne.s32 s0, $0x0  }
.Ltmp4:
0x91: {  	_ = 	snop;
	(pc) =	sbr.rel @!p1 .LBB2_5-.Ltmp4, $3  }
0x92: {  	_ =	sdelay $0x1  }
0x93: {  	s31 =	simm.s32 $0x3400;
	s29 =	simm.s32 $0x100  }
0x94: {  	s30 =	simm.s32 $0x1;
	s19 =	simm.s32 $0x0;
	p0 =	por $0x0, $0x0  }
0x95: {  	p1 =	sle.s32 s28, $0x0  }
0x96: {  	s30 =	simm.s32 $0x3;
	s3 =	simm.s32 @!p1 $0x1  }
0x97: {  	s0 =	sadd.s32 $0xFFFFFFFF, s0;
	p0 =	sle.s32 @!p1 s28, $0x2;
	_ =	swait.ge @!p1 [sflag:s3], $0x3200  }
0x98: {  	s19 =	simm.s32 @!p1 $0x3;
	s21 =	simm.s32 @!p1 $0x6C00;
	[sflag:s3] =	ssyncset.done @!p1 $0x0  }
0x99: {  	p2 =	por p0, p1;
	[sflag:s3] =	ssyncadd.s32 @!p1 $0xFFFFCE00;
	s3 =	simm.s32 @!p1 $0x64  }
0x9a: {  	[spmem:s1] =	stream.indirect.scatter.add.f32 @!p1 [tilespmem:s21], [sflag:$0x3], $0x80, s31, s3, $0xb8;
	[tilespmem:$0xF400] =	vst v63  }
0x9b: {  	p0 =	sle.s32 s28, $0x1;
	s3 =	simm.s32 @!p2 $0x6C00;
	_ =	swait.ge @!p1 [sflag:s19], $0x3200  }
0x9c: {  	s21 =	simm.s32 @!p0 $0x2;
	s31 =	simm.s32 $0x3500;
	[sflag:s19] =	ssyncset.done @!p1 $0x0  }
0x9d: {  	[sflag:s19] =	ssyncadd.s32 @!p1 $0xFFFFCE00;
	s19 =	simm.s32 @!p2 $0x64;
	p1 =	sne.s32 s0, $0x0  }
0x9e: {  	[tilespmem:s3], [sflag:$0x1] =	stream.indirect.gather @!p2 [hbm4b:s4+s19], $0x80, s29, s19, $0xb8;
	[tilespmem:$0xF400] =	vst v63  }
0x9f: {  	s3 =	simm.s32 @!p0 $0x3;
	s19 =	simm.s32 @!p0 $0x64;
	_ =	swait.ge @!p0 [sflag:s21], $0x3200  }
0xa0: {  	s29 =	simm.s32 @!p0 $0xA000;
	p2 =	sle.s32 @!p0 s28, $0x3;
	[sflag:s21] =	ssyncset.done @!p0 $0x0  }
.Ltmp5:
0xa1: {  	[sflag:s21] =	ssyncadd.s32 @!p0 $0xFFFFCE00;
	s21 =	simm.s32 @!p0 $0x3480;
	(pc) =	sbr.rel @!p1 .LBB2_8-.Ltmp5, $4  }
0xa2: {  	[spmem:s1] =	stream.indirect.scatter.add.f32 @!p0 [tilespmem:s29], [sflag:$0x3], $0x80, s21, s19, $0xb8;
	[tilespmem:$0xF400] =	vst v63  }
0xa3: {  	p3 =	por p2, p0;
	s19 =	simm.s32 $0x2;
	_ =	swait.ge @!p0 [sflag:s3], $0x3200  }
0xa4: {  	s29 =	simm.s32 $0x200;
	s21 =	simm.s32 @!p3 $0x180;
	[sflag:s3] =	ssyncset.done @!p0 $0x0  }
0xa5: {  	[sflag:s3] =	ssyncadd.s32 @!p0 $0xFFFFCE00;
	s3 =	simm.s32 @!p3 $0x64;
	p0 =	por $0x1, $0x1  }
.LBB2_7:
0xa6: {  	p2 =	sge.s32 s19, s28;
	s19 =	simm.s32 @!p3 $0xA000  }
0xa7: {  	s5 =	smov.u32 s30;
	s30 =	sadd.s32 $0x2, s30;
	s6 =	smov.u32 s29  }
0xa8: {  	[tilespmem:s19], [sflag:$0x2] =	stream.indirect.gather @!p3 [hbm4b:s4+s3], $0x80, s21, s3, $0xb8;
	[tilespmem:$0xF400] =	vst v63  }
0xa9: {  	s19 =	sadd.s32 $0xFFFFFFFF, s30;
	s3 =	simm.s32 @!p2 $0x1;
	s21 =	sadd.s32 @!p2 $0x1, s5  }
0xaa: {  	s0 =	sadd.s32 $0xFFFFFFFF, s0;
	p1 =	sge.s32 @!p2 s21, s28;
	_ =	swait.ge @!p2 [sflag:s3], $0x3200  }
0xab: {  	s21 =	simm.s32 @!p2 $0x3;
	p3 =	por p1, p2;
	[sflag:s3] =	ssyncset.done @!p2 $0x0  }
0xac: {  	s7 =	simm.s32 @!p2 $0x6C00;
	[sflag:s3] =	ssyncadd.s32 @!p2 $0xFFFFCE00;
	s3 =	simm.s32 @!p2 $0x64  }
0xad: {  	[spmem:s1] =	stream.indirect.scatter.add.f32 @!p2 [tilespmem:s7], [sflag:$0x3], $0x80, s31, s3, $0xb8;
	[tilespmem:$0xF400] =	vst v63  }
0xae: {  	p1 =	sne.s32 s0, $0x0;
	_ =	swait.ge @!p2 [sflag:s21], $0x3200  }
0xaf: {  	p4 =	sge.s32 s5, s28;
	s3 =	simm.s32 @!p3 $0x6C00;
	[sflag:s21] =	ssyncset.done @!p2 $0x0  }
0xb0: {  	s7 =	simm.s32 @!p3 $0x64;
	[sflag:s21] =	ssyncadd.s32 @!p2 $0xFFFFCE00;
	s21 =	simm.s32 @!p4 $0x2  }
0xb1: {  	[tilespmem:s3], [sflag:$0x1] =	stream.indirect.gather @!p3 [hbm4b:s4+s7], $0x80, s29, s7, $0xb8;
	[tilespmem:$0xF400] =	vst v63  }
0xb2: {  	s5 =	sadd.s32 @!p4 $0x2, s5;
	s3 =	simm.s32 @!p4 $0x3;
	_ =	swait.ge @!p4 [sflag:s21], $0x3200  }
0xb3: {  	s8 =	simm.s32 @!p4 $0xA000;
	s7 =	simm.s32 @!p4 $0x64;
	[sflag:s21] =	ssyncset.done @!p4 $0x0  }
.Ltmp6:
0xb4: {  	[sflag:s21] =	ssyncadd.s32 @!p4 $0xFFFFCE00;
	s21 =	sadd.s32 @!p4 $0x80, s31;
	(pc) =	sbr.rel @p1 .LBB2_7-.Ltmp6, $4  }
0xb5: {  	[spmem:s1] =	stream.indirect.scatter.add.f32 @!p4 [tilespmem:s8], [sflag:$0x3], $0x80, s21, s7, $0xb8;
	[tilespmem:$0xF400] =	vst v63  }
0xb6: {  	p2 =	sge.s32 @!p4 s5, s28;
	s29 =	sadd.s32 $0x100, s29;
	_ =	swait.ge @!p4 [sflag:s3], $0x3200  }
0xb7: {  	p3 =	por p2, p4;
	s31 =	sadd.s32 $0x100, s31;
	[sflag:s3] =	ssyncset.done @!p4 $0x0  }
0xb8: {  	s21 =	sadd.s32 @!p3 $0x80, s6;
	[sflag:s3] =	ssyncadd.s32 @!p4 $0xFFFFCE00;
	s3 =	simm.s32 @!p3 $0x64  }
.Ltmp7:
0xb9: {  	_ = 	snop;
	(pc) =	sbr.rel .LBB2_8-.Ltmp7, $1  }
0xba: {  	_ =	sdelay $0x3  }
.LBB2_10:
0xbb: {  	_ =	sfence.sel $0x180000  }
0xbc: {  	[bflag:$0x0] =	sbarrier.arrive $0xFFFF  }
0xbd: {  	_ =	strace $0x9000004D  }
0xbe: {  	s0 =	stileid.u32;
	[bflag:$0x2] =	sbarrier.arrive $0xFFFF  }
0xbf: {  	p0 =	sne.s32 s0, $0x0;
	s0 =	rddreg [dreg:$0x3]  }
0xc0: {  	s0 =	sadd.s32 @!p0 $0x100000, s0  }
0xc1: {  	[sflag:s0] =	ssyncadd.tile.s32 @!p0 $0x1;
	_ =	shalt  }
.Lfunc_end2:
_tile_overlayer_lowered:
.L_overlay_start_2:
0xc2: {  	(tag) =	ssettag $0x2  }
0xc3: {  	s0 =	rddreg [dreg:$0x0];
	s2 =	stileid.u32  }
0xc4: {  	s1 =	rddreg [dreg:$0x1];
	p0 =	sne.s32 s2, $0x0  }
0xc5: {  	s3 =	rddreg [dreg:$0x2];
	[bflag:$0x3] =	sbarrier.arrive $0xFFFF;
	s2 =	simm.s32 @!p0 $0x1C03  }
0xc6: {  	[timem:s3], [sflag:s2] =	dma.local @!p0 [hbm:s0], s1  }
0xc7: {  	s0 =	simm.s32 @!p0 $0x3  }
0xc8: {  	_ =	swait.ge @!p0 [sflag:s0], s1  }
0xc9: {  	s1 =	ssub.s32 @!p0 $0x0, s1;
	[sflag:s0] =	ssyncset.done @!p0 $0x0  }
0xca: {  	[sflag:s0] =	ssyncadd.s32 @!p0 s1  }
0xcb: {  	[bflag:$0x3] =	sbarrier.arrive $0xFFFF  }
0xcc: {  	_ =	shalt  }

</sc_bundles>
